<compile_context>
chip_gen: v7x
topology: tpu7x:2x2x1
jax: 0.10.2.dev20260603
libtpu: 0.0.44.dev20260713+nightly
codegen_flags: <defaults>
</compile_context>

<pallas_src>
import functools

import jax
import jax.numpy as jnp
from jax import lax
from jax.experimental import pallas as pl
from jax.experimental.pallas import tpu as pltpu
from jax.experimental.pallas import tpu_sc as plsc

L = 16
NC, NS = 2, 16
NW = NC * NS
CN = 32
TAPS = 9


def _matmul_body(x_ref, w_ref, o_ref):
    res = jnp.dot(x_ref[...], w_ref[...], preferred_element_type=jnp.float32)
    for k in range(TAPS):
        o_ref[k, ...] = res[:, k * 128:(k + 1) * 128]


def _compute_y(all_feats, wbig):
    Vp, C = all_feats.shape
    BM = 1024
    return pl.pallas_call(
        _matmul_body,
        grid=(Vp // BM,),
        in_specs=[
            pl.BlockSpec((BM, C), lambda i: (i, 0)),
            pl.BlockSpec((C, TAPS * C), lambda i: (0, 0)),
        ],
        out_specs=pl.BlockSpec((TAPS, BM, C), lambda i: (0, i, 0)),
        out_shape=jax.ShapeDtypeStruct((TAPS, Vp, C), jnp.float32),
    )(all_feats, wbig)


def _make_sc_gather(Np, rW, pad_v, Vp):
    per_w = Np // NW
    chunks = per_w // CN
    assert chunks % 2 == 0
    mesh = plsc.VectorSubcoreMesh(core_axis_name="c", subcore_axis_name="s")

    buf_t = lambda *s: [pltpu.VMEM(s, jnp.int32), pltpu.VMEM(s, jnp.int32)]

    @functools.partial(
        pl.kernel,
        out_type=jax.ShapeDtypeStruct((Np, 128), jnp.float32),
        mesh=mesh,
        compiler_params=pltpu.CompilerParams(needs_layout_passes=False),
        scratch_types=[
            buf_t(3 * CN),
            buf_t(CN),
            buf_t(2 * CN),
            buf_t(2 * CN, 2 * rW),
            buf_t(3, 3 * CN),
            [pltpu.VMEM((TAPS * CN, 128), jnp.float32) for _ in range(2)],
            pltpu.VMEM((128,), jnp.float32),
            [pltpu.VMEM((CN, 128), jnp.float32) for _ in range(2)],
            [pltpu.SemaphoreType.DMA for _ in range(2)],
            [pltpu.SemaphoreType.DMA for _ in range(2)],
            [pltpu.SemaphoreType.DMA for _ in range(2)],
        ],
    )
    def sc_kernel(idmap_hbm, in_hbm, y_hbm, bias_hbm, out_hbm,
                  in_v, p0_v, rowidx_v, rows_v, yidx_v, ybuf_v, bias_v,
                  outbuf_v, sem_rows, sem_y, sem_out):
        wid = lax.axis_index("s") * NC + lax.axis_index("c")
        w_base = wid * per_w
        pltpu.sync_copy(bias_hbm, bias_v)
        n_pairs = rW // 2

        def stage_a1(g, b):
            chunk_row = wid * chunks + g
            pltpu.sync_copy(in_hbm.at[chunk_row], in_v[b])

            for t in range(CN // L):
                roi = in_v[b][pl.ds(t * L, L)]
                py = in_v[b][pl.ds(2 * CN + t * L, L)]
                ylo = jnp.clip(py - 1, 0, rW - 1)
                p0 = jnp.minimum(ylo >> 1, n_pairs - 2)
                p0_v[b][pl.ds(t * L, L)] = p0
                base_pair = roi * n_pairs + p0
                rowidx_v[b][pl.ds(t * L, L)] = base_pair
                rowidx_v[b][pl.ds(CN + t * L, L)] = base_pair + 1
            pltpu.async_copy(idmap_hbm.at[rowidx_v[b]], rows_v[b],
                             sem_rows[b])

        def stage_a2(g, b):
            pltpu.make_async_copy(idmap_hbm.at[rowidx_v[b]], rows_v[b],
                                  sem_rows[b]).wait()
            for t in range(CN // L):
                px = in_v[b][pl.ds(CN + t * L, L)]
                py = in_v[b][pl.ds(2 * CN + t * L, L)]
                p0 = p0_v[b][pl.ds(t * L, L)]
                lane = lax.iota(jnp.int32, L)
                for k in range(TAPS):
                    j, i = k // 3, k % 3
                    y = py + (j - 1)
                    x = px + (i - 1)
                    oob = (y < 0) | (y >= rW) | (x < 0) | (x >= rW)
                    xc = jnp.clip(x, 0, rW - 1)
                    dr = jnp.clip(y, 0, rW - 1) - 2 * p0
                    lrow = (dr >> 1) * CN + t * L + lane
                    lcol = (dr & 1) * rW + xc
                    cid = plsc.load_gather(rows_v[b], [lrow, lcol])
                    p = k * CN + t * L
                    yidx_v[b][p // 96, pl.ds(p % 96, L)] = (
                        jnp.where(oob, pad_v, cid) + k * Vp)

            for grp in range(3):
                pltpu.async_copy(y_hbm.at[yidx_v[b].at[grp]],
                                 ybuf_v[b].at[pl.ds(grp * 96, 96), :],
                                 sem_y[b])

        def stage_b(g, b):
            base = w_base + g * CN
            for grp in range(3):
                pltpu.make_async_copy(
                    y_hbm.at[yidx_v[b].at[grp]],
                    ybuf_v[b].at[pl.ds(grp * 96, 96), :], sem_y[b]).wait()

            @pl.when(g >= 2)
            def _():
                pltpu.make_async_copy(
                    outbuf_v[b], out_hbm.at[pl.ds(base, CN), :],
                    sem_out[b]).wait()

            bias_regs = [bias_v[pl.ds(c * L, L)] for c in range(8)]

            def acc_body(n, carry2):
                for c in range(8):
                    acc = bias_regs[c]
                    for k in range(TAPS):
                        acc = acc + ybuf_v[b][k * CN + n, pl.ds(c * L, L)]
                    outbuf_v[b][n, pl.ds(c * L, L)] = acc
                return carry2
            lax.fori_loop(0, CN, acc_body, 0)

            pltpu.async_copy(outbuf_v[b], out_hbm.at[pl.ds(base, CN), :],
                             sem_out[b])

        stage_a1(0, 0)

        def pair_body(p, carry):
            g0 = 2 * p
            stage_a1(g0 + 1, 1)
            stage_a2(g0, 0)

            @pl.when(g0 > 0)
            def _():
                stage_b(g0 - 1, 1)

            @pl.when(g0 + 2 < chunks)
            def _():
                stage_a1(g0 + 2, 0)

            stage_a2(g0 + 1, 1)
            stage_b(g0, 0)
            return carry

        lax.fori_loop(0, chunks // 2, pair_body, 0)
        stage_b(chunks - 1, 1)

        for b in range(2):
            g = chunks - 2 + b
            pltpu.make_async_copy(
                outbuf_v[b], out_hbm.at[pl.ds(w_base + g * CN, CN), :],
                sem_out[b]).wait()

    return sc_kernel


def kernel(in_core_feats, aux_feats, id_map, roi_ids, pos_ids, weight, bias):
    N, C = in_core_feats.shape
    A = aux_feats.shape[0]
    O = weight.shape[0]
    R, rH, rW = id_map.shape
    V = N + A + 1
    pad_v = N + A

    BM = 1024
    Vp = (V + BM - 1) // BM * BM
    all_feats = jnp.concatenate(
        [in_core_feats, aux_feats,
         jnp.zeros((Vp - N - A, C), jnp.float32)], axis=0)
    wbig = weight.reshape(O, TAPS, C).transpose(2, 1, 0).reshape(C, TAPS * O)
    y = _compute_y(all_feats, wbig)

    grp = NW * CN * 2
    Np = (N + grp - 1) // grp * grp
    pad_n = Np - N
    in_packed = jnp.stack([
        jnp.pad(roi_ids, (0, pad_n)).reshape(-1, CN),
        jnp.pad(pos_ids[:, 0], (0, pad_n)).reshape(-1, CN),
        jnp.pad(pos_ids[:, 1], (0, pad_n)).reshape(-1, CN),
    ], axis=1).reshape(-1, 3 * CN)
    idmap_pairs = id_map.reshape(R * rH // 2, 2 * rW)

    sc = _make_sc_gather(Np, rW, pad_v, Vp)
    yflat = y.reshape(TAPS * Vp, C)
    out = sc(idmap_pairs, in_packed, yflat, bias)
    return out[:N]

# --- scband reference (transcript-rebuilt; emitter-appended) ---
"""Pipeline reference for scband-id-conv2d-31121333027226 (READ-ONLY COPY).

The authoritative reference and input builder live on the scoring server;
editing this copy changes nothing except your own understanding.
"""

import jax, jax.numpy as jnp
import numpy as np


def setup_inputs(seed: int = 0) -> dict:
    key = jax.random.key(seed)
    ks = jax.random.split(key, 7)
    N, A, C, O = 50000, 10000, 128, 128
    R, rH, rW = 100, 64, 64
    kHkW = 9
    in_core_feats = jax.random.normal(ks[0], (N, C), dtype=jnp.float32)
    aux_feats = jax.random.normal(ks[1], (A, C), dtype=jnp.float32)
    id_map = jax.random.randint(ks[2], (R, rH, rW), 0, N + A, dtype=jnp.int32)
    roi_ids = jax.random.randint(ks[3], (N,), 0, R, dtype=jnp.int32)
    pos_ids = jax.random.randint(ks[4], (N, 2), 0, rH, dtype=jnp.int32)
    weight = jax.random.normal(ks[5], (O, kHkW * C), dtype=jnp.float32) * 0.03
    bias = jax.random.normal(ks[6], (O,), dtype=jnp.float32) * 0.01
    return {
        "in_core_feats": in_core_feats,
        "aux_feats": aux_feats,
        "id_map": id_map,
        "roi_ids": roi_ids,
        "pos_ids": pos_ids,
        "weight": weight,
        "bias": bias,
    }


def reference(in_core_feats, aux_feats, id_map, roi_ids, pos_ids, weight, bias):
    kH, kW = 3, 3
    dH, dW = 1, 1
    off_y = (kH - 1) // 2 * dH
    off_x = (kW - 1) // 2 * dW
    offs_y = jnp.repeat(jnp.arange(-off_y, off_y + 1, dH), kW)
    offs_x = jnp.tile(jnp.arange(-off_x, off_x + 1, dW), kH)
    pos_y = pos_ids[:, 1, None] + offs_y[None, :]
    pos_x = pos_ids[:, 0, None] + offs_x[None, :]
    rH, rW = id_map.shape[1], id_map.shape[2]
    pad_mask = (pos_y < 0) | (pos_y >= rH) | (pos_x < 0) | (pos_x >= rW)
    roi_b = jnp.broadcast_to(roi_ids[:, None], pos_y.shape)
    pos_y = jnp.clip(pos_y, 0, rH - 1)
    pos_x = jnp.clip(pos_x, 0, rW - 1)
    conv_ids = id_map[roi_b, pos_y, pos_x]
    pad_idx = in_core_feats.shape[0] + aux_feats.shape[0]
    conv_ids = jnp.where(pad_mask, pad_idx, conv_ids)
    zero_row = jnp.zeros((1, in_core_feats.shape[1]), dtype=in_core_feats.dtype)
    all_feats = jnp.concatenate([in_core_feats, aux_feats, zero_row], axis=0)
    gathered = jnp.take(all_feats, conv_ids, axis=0)  # [N, kH*kW, C]
    flat = gathered.reshape(gathered.shape[0], -1)     # [N, kH*kW*C]
    out_core_feats = flat @ weight.T + bias
    return out_core_feats

if __name__ == "__main__":
    import jax
    _d = setup_inputs()
    print(jax.jit(kernel)(*tuple(_d.values())))

</pallas_src>

<mosaic_0001>
#map = affine_map<(d0, d1) -> (0, 0)>
#map1 = affine_map<(d0, d1) -> (0)>
module attributes {stable_mosaic.version = 14 : i64} {
  func.func @sc_kernel(%arg0: i32, %arg1: i32, %arg2: memref<3200x128xi32, #tpu.memory_space<hbm>>, %arg3: memref<1600x96xi32, #tpu.memory_space<hbm>>, %arg4: memref<543744x128xf32, #tpu.memory_space<hbm>>, %arg5: memref<128xf32, #tpu.memory_space<hbm>>, %arg6: memref<51200x128xf32, #tpu.memory_space<hbm>>, %arg7: memref<96xi32, #tpu.memory_space<vmem>>, %arg8: memref<96xi32, #tpu.memory_space<vmem>>, %arg9: memref<32xi32, #tpu.memory_space<vmem>>, %arg10: memref<32xi32, #tpu.memory_space<vmem>>, %arg11: memref<64xi32, #tpu.memory_space<vmem>>, %arg12: memref<64xi32, #tpu.memory_space<vmem>>, %arg13: memref<64x128xi32, #tpu.memory_space<vmem>>, %arg14: memref<64x128xi32, #tpu.memory_space<vmem>>, %arg15: memref<3x96xi32, #tpu.memory_space<vmem>>, %arg16: memref<3x96xi32, #tpu.memory_space<vmem>>, %arg17: memref<288x128xf32, #tpu.memory_space<vmem>>, %arg18: memref<288x128xf32, #tpu.memory_space<vmem>>, %arg19: memref<128xf32, #tpu.memory_space<vmem>>, %arg20: memref<32x128xf32, #tpu.memory_space<vmem>>, %arg21: memref<32x128xf32, #tpu.memory_space<vmem>>, %arg22: memref<!tpu.dma_semaphore, #tpu.memory_space<semaphore_mem>>, %arg23: memref<!tpu.dma_semaphore, #tpu.memory_space<semaphore_mem>>, %arg24: memref<!tpu.dma_semaphore, #tpu.memory_space<semaphore_mem>>, %arg25: memref<!tpu.dma_semaphore, #tpu.memory_space<semaphore_mem>>, %arg26: memref<!tpu.dma_semaphore, #tpu.memory_space<semaphore_mem>>, %arg27: memref<!tpu.dma_semaphore, #tpu.memory_space<semaphore_mem>>) attributes {dimension_semantics = [#tpu.dimension_semantics<core_parallel>, #tpu.dimension_semantics<subcore_parallel>], iteration_bounds = array<i64: 2, 16>, scalar_prefetch = 0 : i64, scratch_operands = 21 : i64, tpu.core_type = #tpu.core_type<sc_vector_subcore>, window_params = [{transform_indices = #map}, {transform_indices = #map}, {transform_indices = #map}, {transform_indices = #map1}, {transform_indices = #map}]} {
    %mul3A = arith.constant 2 : i32
    %mul3A_0 = arith.muli %arg1, %mul3A : i32
    %add3A = arith.addi %mul3A_0, %arg0 : i32
    %mul3A_1 = arith.constant 1600 : i32
    %mul3A_2 = arith.muli %add3A, %mul3A_1 : i32
    "tpu.region"() ({
      %run_scoped3A = tpu.sem_alloc : memref<!tpu.dma_semaphore, #tpu.memory_space<semaphore_mem>>
      tpu.enqueue_dma source(%arg5 : memref<128xf32, #tpu.memory_space<hbm>>) target(%arg19 : memref<128xf32, #tpu.memory_space<vmem>>) target_semaphore(%run_scoped3A : memref<!tpu.dma_semaphore, #tpu.memory_space<semaphore_mem>>)
      tpu.wait_dma2 semaphore(%run_scoped3A : memref<!tpu.dma_semaphore, #tpu.memory_space<semaphore_mem>>) src(%arg5 : memref<128xf32, #tpu.memory_space<hbm>>) dst(%arg19 : memref<128xf32, #tpu.memory_space<vmem>>)
      tpu.yield
    }) : () -> ()
    %mul3A_3 = arith.constant 50 : i32
    %mul3A_4 = arith.muli %add3A, %mul3A_3 : i32
    %add3A_5 = arith.constant 0 : i32
    %add3A_6 = arith.addi %mul3A_4, %add3A_5 : i32
    "tpu.region"() ({
      %run_scoped3A = tpu.sem_alloc : memref<!tpu.dma_semaphore, #tpu.memory_space<semaphore_mem>>
      %dma_start3A_144 = arith.constant 0 : i32
      %dma_start3A_145 = tpu.memref_slice %arg3[%add3A_6, %dma_start3A_144] : memref<1600x96xi32, #tpu.memory_space<hbm>> -> memref<1x96xi32, #tpu.memory_space<hbm>>
      %dma_start3A_146 = tpu.memref_squeeze %dma_start3A_145 : memref<1x96xi32, #tpu.memory_space<hbm>> -> memref<96xi32, #tpu.memory_space<hbm>>
      %dma_start3A_147 = arith.constant 0 : i32
      %dma_start3A_148 = tpu.memref_slice %arg3[%add3A_6, %dma_start3A_147] : memref<1600x96xi32, #tpu.memory_space<hbm>> -> memref<1x96xi32, #tpu.memory_space<hbm>>
      %dma_start3A_149 = tpu.memref_squeeze %dma_start3A_148 : memref<1x96xi32, #tpu.memory_space<hbm>> -> memref<96xi32, #tpu.memory_space<hbm>>
      tpu.enqueue_dma source(%dma_start3A_149 : memref<96xi32, #tpu.memory_space<hbm>>) target(%arg7 : memref<96xi32, #tpu.memory_space<vmem>>) target_semaphore(%run_scoped3A : memref<!tpu.dma_semaphore, #tpu.memory_space<semaphore_mem>>)
      %dma_wait3A_150 = arith.constant 0 : i32
      %dma_wait3A_151 = tpu.memref_slice %arg3[%add3A_6, %dma_wait3A_150] : memref<1600x96xi32, #tpu.memory_space<hbm>> -> memref<1x96xi32, #tpu.memory_space<hbm>>
      %dma_wait3A_152 = tpu.memref_squeeze %dma_wait3A_151 : memref<1x96xi32, #tpu.memory_space<hbm>> -> memref<96xi32, #tpu.memory_space<hbm>>
      %dma_wait3A_153 = arith.constant 0 : i32
      %dma_wait3A_154 = tpu.memref_slice %arg3[%add3A_6, %dma_wait3A_153] : memref<1600x96xi32, #tpu.memory_space<hbm>> -> memref<1x96xi32, #tpu.memory_space<hbm>>
      %dma_wait3A_155 = tpu.memref_squeeze %dma_wait3A_154 : memref<1x96xi32, #tpu.memory_space<hbm>> -> memref<96xi32, #tpu.memory_space<hbm>>
      tpu.wait_dma2 semaphore(%run_scoped3A : memref<!tpu.dma_semaphore, #tpu.memory_space<semaphore_mem>>) src(%dma_wait3A_155 : memref<96xi32, #tpu.memory_space<hbm>>) dst(%arg7 : memref<96xi32, #tpu.memory_space<vmem>>)
      tpu.yield
    }) : () -> ()
    %get3A = arith.constant 0 : index
    %get3A_7 = tpu.vector_load %arg7[%get3A] {strides = array<i32>} : memref<96xi32, #tpu.memory_space<vmem>>, vector<16xi32>,
    %get3A_8 = arith.constant 64 : index
    %get3A_9 = tpu.vector_load %arg7[%get3A_8] {strides = array<i32>} : memref<96xi32, #tpu.memory_space<vmem>>, vector<16xi32>,
    %sub3A = arith.constant 1 : i32
    %sub3A_10 = vector.broadcast %sub3A : i32 to vector<16xi32>
    %sub3A_11 = arith.subi %get3A_9, %sub3A_10 : vector<16xi32>
    %jit3A = arith.constant 0 : i32
    %jit3A_12 = arith.constant 63 : i32
    %max3A = vector.broadcast %jit3A : i32 to vector<16xi32>
    %max3A_13 = arith.maxsi %max3A, %sub3A_11 : vector<16xi32>
    %min3A = vector.broadcast %jit3A_12 : i32 to vector<16xi32>
    %min3A_14 = arith.minsi %min3A, %max3A_13 : vector<16xi32>
    %shift_right_arithmetic3A = arith.constant 1 : i32
    %shift_right_arithmetic3A_15 = vector.broadcast %shift_right_arithmetic3A : i32 to vector<16xi32>
    %shift_right_arithmetic3A_16 = arith.shrsi %min3A_14, %shift_right_arithmetic3A_15 : vector<16xi32>
    %min3A_17 = arith.constant 30 : i32
    %min3A_18 = vector.broadcast %min3A_17 : i32 to vector<16xi32>
    %min3A_19 = arith.minsi %shift_right_arithmetic3A_16, %min3A_18 : vector<16xi32>
    %swap3A = arith.constant 0 : index
    %swap3A_20 = tpu.vector_load %arg9[%swap3A] {strides = array<i32>} : memref<32xi32, #tpu.memory_space<vmem>>, vector<16xi32>,
    tpu.vector_store %arg9[%swap3A], %min3A_19 {strides = array<i32>} : memref<32xi32, #tpu.memory_space<vmem>>, vector<16xi32>,
    %mul3A_21 = arith.constant 32 : i32
    %mul3A_22 = vector.broadcast %mul3A_21 : i32 to vector<16xi32>
    %mul3A_23 = arith.muli %get3A_7, %mul3A_22 : vector<16xi32>
    %add3A_24 = arith.addi %mul3A_23, %min3A_19 : vector<16xi32>
    %swap3A_25 = arith.constant 0 : index
    %swap3A_26 = tpu.vector_load %arg11[%swap3A_25] {strides = array<i32>} : memref<64xi32, #tpu.memory_space<vmem>>, vector<16xi32>,
    tpu.vector_store %arg11[%swap3A_25], %add3A_24 {strides = array<i32>} : memref<64xi32, #tpu.memory_space<vmem>>, vector<16xi32>,
    %add3A_27 = arith.constant 1 : i32
    %add3A_28 = vector.broadcast %add3A_27 : i32 to vector<16xi32>
    %add3A_29 = arith.addi %add3A_24, %add3A_28 : vector<16xi32>
    %swap3A_30 = arith.constant 32 : index
    %swap3A_31 = tpu.vector_load %arg11[%swap3A_30] {strides = array<i32>} : memref<64xi32, #tpu.memory_space<vmem>>, vector<16xi32>,
    tpu.vector_store %arg11[%swap3A_30], %add3A_29 {strides = array<i32>} : memref<64xi32, #tpu.memory_space<vmem>>, vector<16xi32>,
    %get3A_32 = arith.constant 16 : index
    %get3A_33 = tpu.vector_load %arg7[%get3A_32] {strides = array<i32>} : memref<96xi32, #tpu.memory_space<vmem>>, vector<16xi32>,
    %get3A_34 = arith.constant 80 : index
    %get3A_35 = tpu.vector_load %arg7[%get3A_34] {strides = array<i32>} : memref<96xi32, #tpu.memory_space<vmem>>, vector<16xi32>,
    %sub3A_36 = arith.constant 1 : i32
    %sub3A_37 = vector.broadcast %sub3A_36 : i32 to vector<16xi32>
    %sub3A_38 = arith.subi %get3A_35, %sub3A_37 : vector<16xi32>
    %jit3A_39 = arith.constant 0 : i32
    %jit3A_40 = arith.constant 63 : i32
    %max3A_41 = vector.broadcast %jit3A_39 : i32 to vector<16xi32>
    %max3A_42 = arith.maxsi %max3A_41, %sub3A_38 : vector<16xi32>
    %min3A_43 = vector.broadcast %jit3A_40 : i32 to vector<16xi32>
    %min3A_44 = arith.minsi %min3A_43, %max3A_42 : vector<16xi32>
    %shift_right_arithmetic3A_45 = arith.constant 1 : i32
    %shift_right_arithmetic3A_46 = vector.broadcast %shift_right_arithmetic3A_45 : i32 to vector<16xi32>
    %shift_right_arithmetic3A_47 = arith.shrsi %min3A_44, %shift_right_arithmetic3A_46 : vector<16xi32>
    %min3A_48 = arith.constant 30 : i32
    %min3A_49 = vector.broadcast %min3A_48 : i32 to vector<16xi32>
    %min3A_50 = arith.minsi %shift_right_arithmetic3A_47, %min3A_49 : vector<16xi32>
    %swap3A_51 = arith.constant 16 : index
    %swap3A_52 = tpu.vector_load %arg9[%swap3A_51] {strides = array<i32>} : memref<32xi32, #tpu.memory_space<vmem>>, vector<16xi32>,
    tpu.vector_store %arg9[%swap3A_51], %min3A_50 {strides = array<i32>} : memref<32xi32, #tpu.memory_space<vmem>>, vector<16xi32>,
    %mul3A_53 = arith.constant 32 : i32
    %mul3A_54 = vector.broadcast %mul3A_53 : i32 to vector<16xi32>
    %mul3A_55 = arith.muli %get3A_33, %mul3A_54 : vector<16xi32>
    %add3A_56 = arith.addi %mul3A_55, %min3A_50 : vector<16xi32>
    %swap3A_57 = arith.constant 16 : index
    %swap3A_58 = tpu.vector_load %arg11[%swap3A_57] {strides = array<i32>} : memref<64xi32, #tpu.memory_space<vmem>>, vector<16xi32>,
    tpu.vector_store %arg11[%swap3A_57], %add3A_56 {strides = array<i32>} : memref<64xi32, #tpu.memory_space<vmem>>, vector<16xi32>,
    %add3A_59 = arith.constant 1 : i32
    %add3A_60 = vector.broadcast %add3A_59 : i32 to vector<16xi32>
    %add3A_61 = arith.addi %add3A_56, %add3A_60 : vector<16xi32>
    %swap3A_62 = arith.constant 48 : index
    %swap3A_63 = tpu.vector_load %arg11[%swap3A_62] {strides = array<i32>} : memref<64xi32, #tpu.memory_space<vmem>>, vector<16xi32>,
    tpu.vector_store %arg11[%swap3A_62], %add3A_61 {strides = array<i32>} : memref<64xi32, #tpu.memory_space<vmem>>, vector<16xi32>,
    %dma_start3A = arith.constant 0 : i32
    %dma_start3A_64 = arith.constant 0 : i32
    %dma_start3A_65 = tpu.memref_slice %arg2[%dma_start3A, %dma_start3A_64] : memref<3200x128xi32, #tpu.memory_space<hbm>> -> memref<3200x128xi32, #tpu.memory_space<hbm>>
    tpu.enqueue_indirect_dma source(%dma_start3A_65 : memref<3200x128xi32, #tpu.memory_space<hbm>>) target(%arg13 : memref<64x128xi32, #tpu.memory_space<vmem>>) offsets(%arg11 : memref<64xi32, #tpu.memory_space<vmem>>) semaphore(%arg22 : memref<!tpu.dma_semaphore, #tpu.memory_space<semaphore_mem>>)
    %scan3A = arith.constant 0 : i32
    %scan3A_66 = arith.constant 0 : i32
    %scan3A_67 = arith.constant 25 : i32
    %scan3A_68 = arith.addi %scan3A_66, %scan3A_67 : i32
    %scan3A_69 = arith.constant 1 : i32
    scf.for %scan3A_144 = %scan3A_66 to %scan3A_68 step %scan3A_69  : i32 {
      %mul3A_145 = arith.constant 2 : i32
      %mul3A_146 = arith.muli %mul3A_145, %scan3A_144 : i32
      %add3A_147 = arith.constant 1 : i32
      %add3A_148 = arith.addi %mul3A_146, %add3A_147 : i32
      %mul3A_149 = arith.constant 50 : i32
      %mul3A_150 = arith.muli %add3A, %mul3A_149 : i32
      %add3A_151 = arith.addi %mul3A_150, %add3A_148 : i32
      "tpu.region"() ({
        %run_scoped3A = tpu.sem_alloc : memref<!tpu.dma_semaphore, #tpu.memory_space<semaphore_mem>>
        %dma_start3A_2720 = arith.constant 0 : i32
        %dma_start3A_2721 = tpu.memref_slice %arg3[%add3A_151, %dma_start3A_2720] : memref<1600x96xi32, #tpu.memory_space<hbm>> -> memref<1x96xi32, #tpu.memory_space<hbm>>
        %dma_start3A_2722 = tpu.memref_squeeze %dma_start3A_2721 : memref<1x96xi32, #tpu.memory_space<hbm>> -> memref<96xi32, #tpu.memory_space<hbm>>
        %dma_start3A_2723 = arith.constant 0 : i32
        %dma_start3A_2724 = tpu.memref_slice %arg3[%add3A_151, %dma_start3A_2723] : memref<1600x96xi32, #tpu.memory_space<hbm>> -> memref<1x96xi32, #tpu.memory_space<hbm>>
        %dma_start3A_2725 = tpu.memref_squeeze %dma_start3A_2724 : memref<1x96xi32, #tpu.memory_space<hbm>> -> memref<96xi32, #tpu.memory_space<hbm>>
        tpu.enqueue_dma source(%dma_start3A_2725 : memref<96xi32, #tpu.memory_space<hbm>>) target(%arg8 : memref<96xi32, #tpu.memory_space<vmem>>) target_semaphore(%run_scoped3A : memref<!tpu.dma_semaphore, #tpu.memory_space<semaphore_mem>>)
        %dma_wait3A_2726 = arith.constant 0 : i32
        %dma_wait3A_2727 = tpu.memref_slice %arg3[%add3A_151, %dma_wait3A_2726] : memref<1600x96xi32, #tpu.memory_space<hbm>> -> memref<1x96xi32, #tpu.memory_space<hbm>>
        %dma_wait3A_2728 = tpu.memref_squeeze %dma_wait3A_2727 : memref<1x96xi32, #tpu.memory_space<hbm>> -> memref<96xi32, #tpu.memory_space<hbm>>
        %dma_wait3A_2729 = arith.constant 0 : i32
        %dma_wait3A_2730 = tpu.memref_slice %arg3[%add3A_151, %dma_wait3A_2729] : memref<1600x96xi32, #tpu.memory_space<hbm>> -> memref<1x96xi32, #tpu.memory_space<hbm>>
        %dma_wait3A_2731 = tpu.memref_squeeze %dma_wait3A_2730 : memref<1x96xi32, #tpu.memory_space<hbm>> -> memref<96xi32, #tpu.memory_space<hbm>>
        tpu.wait_dma2 semaphore(%run_scoped3A : memref<!tpu.dma_semaphore, #tpu.memory_space<semaphore_mem>>) src(%dma_wait3A_2731 : memref<96xi32, #tpu.memory_space<hbm>>) dst(%arg8 : memref<96xi32, #tpu.memory_space<vmem>>)
        tpu.yield
      }) : () -> ()
      %get3A_152 = arith.constant 0 : index
      %get3A_153 = tpu.vector_load %arg8[%get3A_152] {strides = array<i32>} : memref<96xi32, #tpu.memory_space<vmem>>, vector<16xi32>,
      %get3A_154 = arith.constant 64 : index
      %get3A_155 = tpu.vector_load %arg8[%get3A_154] {strides = array<i32>} : memref<96xi32, #tpu.memory_space<vmem>>, vector<16xi32>,
      %sub3A_156 = arith.constant 1 : i32
      %sub3A_157 = vector.broadcast %sub3A_156 : i32 to vector<16xi32>
      %sub3A_158 = arith.subi %get3A_155, %sub3A_157 : vector<16xi32>
      %jit3A_159 = arith.constant 0 : i32
      %jit3A_160 = arith.constant 63 : i32
      %max3A_161 = vector.broadcast %jit3A_159 : i32 to vector<16xi32>
      %max3A_162 = arith.maxsi %max3A_161, %sub3A_158 : vector<16xi32>
      %min3A_163 = vector.broadcast %jit3A_160 : i32 to vector<16xi32>
      %min3A_164 = arith.minsi %min3A_163, %max3A_162 : vector<16xi32>
      %shift_right_arithmetic3A_165 = arith.constant 1 : i32
      %shift_right_arithmetic3A_166 = vector.broadcast %shift_right_arithmetic3A_165 : i32 to vector<16xi32>
      %shift_right_arithmetic3A_167 = arith.shrsi %min3A_164, %shift_right_arithmetic3A_166 : vector<16xi32>
      %min3A_168 = arith.constant 30 : i32
      %min3A_169 = vector.broadcast %min3A_168 : i32 to vector<16xi32>
      %min3A_170 = arith.minsi %shift_right_arithmetic3A_167, %min3A_169 : vector<16xi32>
      %swap3A_171 = arith.constant 0 : index
      %swap3A_172 = tpu.vector_load %arg10[%swap3A_171] {strides = array<i32>} : memref<32xi32, #tpu.memory_space<vmem>>, vector<16xi32>,
      tpu.vector_store %arg10[%swap3A_171], %min3A_170 {strides = array<i32>} : memref<32xi32, #tpu.memory_space<vmem>>, vector<16xi32>,
      %mul3A_173 = arith.constant 32 : i32
      %mul3A_174 = vector.broadcast %mul3A_173 : i32 to vector<16xi32>
      %mul3A_175 = arith.muli %get3A_153, %mul3A_174 : vector<16xi32>
      %add3A_176 = arith.addi %mul3A_175, %min3A_170 : vector<16xi32>
      %swap3A_177 = arith.constant 0 : index
      %swap3A_178 = tpu.vector_load %arg12[%swap3A_177] {strides = array<i32>} : memref<64xi32, #tpu.memory_space<vmem>>, vector<16xi32>,
      tpu.vector_store %arg12[%swap3A_177], %add3A_176 {strides = array<i32>} : memref<64xi32, #tpu.memory_space<vmem>>, vector<16xi32>,
      %add3A_179 = arith.constant 1 : i32
      %add3A_180 = vector.broadcast %add3A_179 : i32 to vector<16xi32>
      %add3A_181 = arith.addi %add3A_176, %add3A_180 : vector<16xi32>
      %swap3A_182 = arith.constant 32 : index
      %swap3A_183 = tpu.vector_load %arg12[%swap3A_182] {strides = array<i32>} : memref<64xi32, #tpu.memory_space<vmem>>, vector<16xi32>,
      tpu.vector_store %arg12[%swap3A_182], %add3A_181 {strides = array<i32>} : memref<64xi32, #tpu.memory_space<vmem>>, vector<16xi32>,
      %get3A_184 = arith.constant 16 : index
      %get3A_185 = tpu.vector_load %arg8[%get3A_184] {strides = array<i32>} : memref<96xi32, #tpu.memory_space<vmem>>, vector<16xi32>,
      %get3A_186 = arith.constant 80 : index
      %get3A_187 = tpu.vector_load %arg8[%get3A_186] {strides = array<i32>} : memref<96xi32, #tpu.memory_space<vmem>>, vector<16xi32>,
      %sub3A_188 = arith.constant 1 : i32
      %sub3A_189 = vector.broadcast %sub3A_188 : i32 to vector<16xi32>
      %sub3A_190 = arith.subi %get3A_187, %sub3A_189 : vector<16xi32>
      %jit3A_191 = arith.constant 0 : i32
      %jit3A_192 = arith.constant 63 : i32
      %max3A_193 = vector.broadcast %jit3A_191 : i32 to vector<16xi32>
      %max3A_194 = arith.maxsi %max3A_193, %sub3A_190 : vector<16xi32>
      %min3A_195 = vector.broadcast %jit3A_192 : i32 to vector<16xi32>
      %min3A_196 = arith.minsi %min3A_195, %max3A_194 : vector<16xi32>
      %shift_right_arithmetic3A_197 = arith.constant 1 : i32
      %shift_right_arithmetic3A_198 = vector.broadcast %shift_right_arithmetic3A_197 : i32 to vector<16xi32>
      %shift_right_arithmetic3A_199 = arith.shrsi %min3A_196, %shift_right_arithmetic3A_198 : vector<16xi32>
      %min3A_200 = arith.constant 30 : i32
      %min3A_201 = vector.broadcast %min3A_200 : i32 to vector<16xi32>
      %min3A_202 = arith.minsi %shift_right_arithmetic3A_199, %min3A_201 : vector<16xi32>
      %swap3A_203 = arith.constant 16 : index
      %swap3A_204 = tpu.vector_load %arg10[%swap3A_203] {strides = array<i32>} : memref<32xi32, #tpu.memory_space<vmem>>, vector<16xi32>,
      tpu.vector_store %arg10[%swap3A_203], %min3A_202 {strides = array<i32>} : memref<32xi32, #tpu.memory_space<vmem>>, vector<16xi32>,
      %mul3A_205 = arith.constant 32 : i32
      %mul3A_206 = vector.broadcast %mul3A_205 : i32 to vector<16xi32>
      %mul3A_207 = arith.muli %get3A_185, %mul3A_206 : vector<16xi32>
      %add3A_208 = arith.addi %mul3A_207, %min3A_202 : vector<16xi32>
      %swap3A_209 = arith.constant 16 : index
      %swap3A_210 = tpu.vector_load %arg12[%swap3A_209] {strides = array<i32>} : memref<64xi32, #tpu.memory_space<vmem>>, vector<16xi32>,
      tpu.vector_store %arg12[%swap3A_209], %add3A_208 {strides = array<i32>} : memref<64xi32, #tpu.memory_space<vmem>>, vector<16xi32>,
      %add3A_211 = arith.constant 1 : i32
      %add3A_212 = vector.broadcast %add3A_211 : i32 to vector<16xi32>
      %add3A_213 = arith.addi %add3A_208, %add3A_212 : vector<16xi32>
      %swap3A_214 = arith.constant 48 : index
      %swap3A_215 = tpu.vector_load %arg12[%swap3A_214] {strides = array<i32>} : memref<64xi32, #tpu.memory_space<vmem>>, vector<16xi32>,
      tpu.vector_store %arg12[%swap3A_214], %add3A_213 {strides = array<i32>} : memref<64xi32, #tpu.memory_space<vmem>>, vector<16xi32>,
      %dma_start3A_216 = arith.constant 0 : i32
      %dma_start3A_217 = arith.constant 0 : i32
      %dma_start3A_218 = tpu.memref_slice %arg2[%dma_start3A_216, %dma_start3A_217] : memref<3200x128xi32, #tpu.memory_space<hbm>> -> memref<3200x128xi32, #tpu.memory_space<hbm>>
      tpu.enqueue_indirect_dma source(%dma_start3A_218 : memref<3200x128xi32, #tpu.memory_space<hbm>>) target(%arg14 : memref<64x128xi32, #tpu.memory_space<vmem>>) offsets(%arg12 : memref<64xi32, #tpu.memory_space<vmem>>) semaphore(%arg23 : memref<!tpu.dma_semaphore, #tpu.memory_space<semaphore_mem>>)
      %dma_wait3A_219 = arith.constant 0 : i32
      %dma_wait3A_220 = arith.constant 0 : i32
      %dma_wait3A_221 = tpu.memref_slice %arg2[%dma_wait3A_219, %dma_wait3A_220] : memref<3200x128xi32, #tpu.memory_space<hbm>> -> memref<3200x128xi32, #tpu.memory_space<hbm>>
      tpu.wait_indirect_dma semaphore(%arg22 : memref<!tpu.dma_semaphore, #tpu.memory_space<semaphore_mem>>) src(%dma_wait3A_221 : memref<3200x128xi32, #tpu.memory_space<hbm>>) dst(%arg13 : memref<64x128xi32, #tpu.memory_space<vmem>>)
      %get3A_222 = arith.constant 32 : index
      %get3A_223 = tpu.vector_load %arg7[%get3A_222] {strides = array<i32>} : memref<96xi32, #tpu.memory_space<vmem>>, vector<16xi32>,
      %get3A_224 = arith.constant 64 : index
      %get3A_225 = tpu.vector_load %arg7[%get3A_224] {strides = array<i32>} : memref<96xi32, #tpu.memory_space<vmem>>, vector<16xi32>,
      %get3A_226 = arith.constant 0 : index
      %get3A_227 = tpu.vector_load %arg9[%get3A_226] {strides = array<i32>} : memref<32xi32, #tpu.memory_space<vmem>>, vector<16xi32>,
      %iota3A = tpu.iota {dimensions = array<i32: 0>} : vector<16xi32>
      %add3A_228 = arith.constant -1 : i32
      %add3A_229 = vector.broadcast %add3A_228 : i32 to vector<16xi32>
      %add3A_230 = arith.addi %get3A_225, %add3A_229 : vector<16xi32>
      %add3A_231 = arith.constant -1 : i32
      %add3A_232 = vector.broadcast %add3A_231 : i32 to vector<16xi32>
      %add3A_233 = arith.addi %get3A_223, %add3A_232 : vector<16xi32>
      %lt3A = arith.constant 0 : i32
      %lt3A_234 = vector.broadcast %lt3A : i32 to vector<16xi32>
      %lt3A_235 = arith.cmpi slt, %add3A_230, %lt3A_234 : vector<16xi32>
      %ge3A = arith.constant 64 : i32
      %ge3A_236 = vector.broadcast %ge3A : i32 to vector<16xi32>
      %ge3A_237 = arith.cmpi sge, %add3A_230, %ge3A_236 : vector<16xi32>
      %or3A = arith.ori %lt3A_235, %ge3A_237 : vector<16xi1>
      %lt3A_238 = arith.constant 0 : i32
      %lt3A_239 = vector.broadcast %lt3A_238 : i32 to vector<16xi32>
      %lt3A_240 = arith.cmpi slt, %add3A_233, %lt3A_239 : vector<16xi32>
      %or3A_241 = arith.ori %or3A, %lt3A_240 : vector<16xi1>
      %ge3A_242 = arith.constant 64 : i32
      %ge3A_243 = vector.broadcast %ge3A_242 : i32 to vector<16xi32>
      %ge3A_244 = arith.cmpi sge, %add3A_233, %ge3A_243 : vector<16xi32>
      %or3A_245 = arith.ori %or3A_241, %ge3A_244 : vector<16xi1>
      %jit3A_246 = arith.constant 0 : i32
      %jit3A_247 = arith.constant 63 : i32
      %max3A_248 = vector.broadcast %jit3A_246 : i32 to vector<16xi32>
      %max3A_249 = arith.maxsi %max3A_248, %add3A_233 : vector<16xi32>
      %min3A_250 = vector.broadcast %jit3A_247 : i32 to vector<16xi32>
      %min3A_251 = arith.minsi %min3A_250, %max3A_249 : vector<16xi32>
      %jit3A_252 = arith.constant 0 : i32
      %jit3A_253 = arith.constant 63 : i32
      %max3A_254 = vector.broadcast %jit3A_252 : i32 to vector<16xi32>
      %max3A_255 = arith.maxsi %max3A_254, %add3A_230 : vector<16xi32>
      %min3A_256 = vector.broadcast %jit3A_253 : i32 to vector<16xi32>
      %min3A_257 = arith.minsi %min3A_256, %max3A_255 : vector<16xi32>
      %mul3A_258 = arith.constant 2 : i32
      %mul3A_259 = vector.broadcast %mul3A_258 : i32 to vector<16xi32>
      %mul3A_260 = arith.muli %mul3A_259, %get3A_227 : vector<16xi32>
      %sub3A_261 = arith.subi %min3A_257, %mul3A_260 : vector<16xi32>
      %shift_right_arithmetic3A_262 = arith.constant 1 : i32
      %shift_right_arithmetic3A_263 = vector.broadcast %shift_right_arithmetic3A_262 : i32 to vector<16xi32>
      %shift_right_arithmetic3A_264 = arith.shrsi %sub3A_261, %shift_right_arithmetic3A_263 : vector<16xi32>
      %mul3A_265 = arith.constant 32 : i32
      %mul3A_266 = vector.broadcast %mul3A_265 : i32 to vector<16xi32>
      %mul3A_267 = arith.muli %shift_right_arithmetic3A_264, %mul3A_266 : vector<16xi32>
      %add3A_268 = arith.constant 0 : i32
      %add3A_269 = vector.broadcast %add3A_268 : i32 to vector<16xi32>
      %add3A_270 = arith.addi %mul3A_267, %add3A_269 : vector<16xi32>
      %add3A_271 = arith.addi %add3A_270, %iota3A : vector<16xi32>
      %and3A = arith.constant 1 : i32
      %and3A_272 = vector.broadcast %and3A : i32 to vector<16xi32>
      %and3A_273 = arith.andi %sub3A_261, %and3A_272 : vector<16xi32>
      %mul3A_274 = arith.constant 64 : i32
      %mul3A_275 = vector.broadcast %mul3A_274 : i32 to vector<16xi32>
      %mul3A_276 = arith.muli %and3A_273, %mul3A_275 : vector<16xi32>
      %add3A_277 = arith.addi %mul3A_276, %min3A_251 : vector<16xi32>
      %gather3A = tpu.vector_load_idx %arg13[%add3A_271, %add3A_277] : memref<64x128xi32, #tpu.memory_space<vmem>>[vector<16xi32>, vector<16xi32>], vector<16xi32>,
      %jit3A_278 = arith.constant 60000 : i32
      %broadcast_in_dim3A = vector.broadcast %jit3A_278 : i32 to vector<16xi32>
      %select_n3A = arith.select %or3A_245, %broadcast_in_dim3A, %gather3A : vector<16xi1>, vector<16xi32>
      %add3A_279 = arith.constant 0 : i32
      %add3A_280 = vector.broadcast %add3A_279 : i32 to vector<16xi32>
      %add3A_281 = arith.addi %select_n3A, %add3A_280 : vector<16xi32>
      %swap3A_282 = arith.constant 0 : i32
      %swap3A_283 = arith.index_cast %swap3A_282 : i32 to index
      %swap3A_284 = arith.constant 0 : index
      %swap3A_285 = tpu.vector_load %arg15[%swap3A_283, %swap3A_284] {strides = array<i32>} : memref<3x96xi32, #tpu.memory_space<vmem>>, vector<16xi32>,
      tpu.vector_store %arg15[%swap3A_283, %swap3A_284], %add3A_281 {strides = array<i32>} : memref<3x96xi32, #tpu.memory_space<vmem>>, vector<16xi32>,
      %add3A_286 = arith.constant -1 : i32
      %add3A_287 = vector.broadcast %add3A_286 : i32 to vector<16xi32>
      %add3A_288 = arith.addi %get3A_225, %add3A_287 : vector<16xi32>
      %add3A_289 = arith.constant 0 : i32
      %add3A_290 = vector.broadcast %add3A_289 : i32 to vector<16xi32>
      %add3A_291 = arith.addi %get3A_223, %add3A_290 : vector<16xi32>
      %lt3A_292 = arith.constant 0 : i32
      %lt3A_293 = vector.broadcast %lt3A_292 : i32 to vector<16xi32>
      %lt3A_294 = arith.cmpi slt, %add3A_288, %lt3A_293 : vector<16xi32>
      %ge3A_295 = arith.constant 64 : i32
      %ge3A_296 = vector.broadcast %ge3A_295 : i32 to vector<16xi32>
      %ge3A_297 = arith.cmpi sge, %add3A_288, %ge3A_296 : vector<16xi32>
      %or3A_298 = arith.ori %lt3A_294, %ge3A_297 : vector<16xi1>
      %lt3A_299 = arith.constant 0 : i32
      %lt3A_300 = vector.broadcast %lt3A_299 : i32 to vector<16xi32>
      %lt3A_301 = arith.cmpi slt, %add3A_291, %lt3A_300 : vector<16xi32>
      %or3A_302 = arith.ori %or3A_298, %lt3A_301 : vector<16xi1>
      %ge3A_303 = arith.constant 64 : i32
      %ge3A_304 = vector.broadcast %ge3A_303 : i32 to vector<16xi32>
      %ge3A_305 = arith.cmpi sge, %add3A_291, %ge3A_304 : vector<16xi32>
      %or3A_306 = arith.ori %or3A_302, %ge3A_305 : vector<16xi1>
      %jit3A_307 = arith.constant 0 : i32
      %jit3A_308 = arith.constant 63 : i32
      %max3A_309 = vector.broadcast %jit3A_307 : i32 to vector<16xi32>
      %max3A_310 = arith.maxsi %max3A_309, %add3A_291 : vector<16xi32>
      %min3A_311 = vector.broadcast %jit3A_308 : i32 to vector<16xi32>
      %min3A_312 = arith.minsi %min3A_311, %max3A_310 : vector<16xi32>
      %jit3A_313 = arith.constant 0 : i32
      %jit3A_314 = arith.constant 63 : i32
      %max3A_315 = vector.broadcast %jit3A_313 : i32 to vector<16xi32>
      %max3A_316 = arith.maxsi %max3A_315, %add3A_288 : vector<16xi32>
      %min3A_317 = vector.broadcast %jit3A_314 : i32 to vector<16xi32>
      %min3A_318 = arith.minsi %min3A_317, %max3A_316 : vector<16xi32>
      %mul3A_319 = arith.constant 2 : i32
      %mul3A_320 = vector.broadcast %mul3A_319 : i32 to vector<16xi32>
      %mul3A_321 = arith.muli %mul3A_320, %get3A_227 : vector<16xi32>
      %sub3A_322 = arith.subi %min3A_318, %mul3A_321 : vector<16xi32>
      %shift_right_arithmetic3A_323 = arith.constant 1 : i32
      %shift_right_arithmetic3A_324 = vector.broadcast %shift_right_arithmetic3A_323 : i32 to vector<16xi32>
      %shift_right_arithmetic3A_325 = arith.shrsi %sub3A_322, %shift_right_arithmetic3A_324 : vector<16xi32>
      %mul3A_326 = arith.constant 32 : i32
      %mul3A_327 = vector.broadcast %mul3A_326 : i32 to vector<16xi32>
      %mul3A_328 = arith.muli %shift_right_arithmetic3A_325, %mul3A_327 : vector<16xi32>
      %add3A_329 = arith.constant 0 : i32
      %add3A_330 = vector.broadcast %add3A_329 : i32 to vector<16xi32>
      %add3A_331 = arith.addi %mul3A_328, %add3A_330 : vector<16xi32>
      %add3A_332 = arith.addi %add3A_331, %iota3A : vector<16xi32>
      %and3A_333 = arith.constant 1 : i32
      %and3A_334 = vector.broadcast %and3A_333 : i32 to vector<16xi32>
      %and3A_335 = arith.andi %sub3A_322, %and3A_334 : vector<16xi32>
      %mul3A_336 = arith.constant 64 : i32
      %mul3A_337 = vector.broadcast %mul3A_336 : i32 to vector<16xi32>
      %mul3A_338 = arith.muli %and3A_335, %mul3A_337 : vector<16xi32>
      %add3A_339 = arith.addi %mul3A_338, %min3A_312 : vector<16xi32>
      %gather3A_340 = tpu.vector_load_idx %arg13[%add3A_332, %add3A_339] : memref<64x128xi32, #tpu.memory_space<vmem>>[vector<16xi32>, vector<16xi32>], vector<16xi32>,
      %jit3A_341 = arith.constant 60000 : i32
      %broadcast_in_dim3A_342 = vector.broadcast %jit3A_341 : i32 to vector<16xi32>
      %select_n3A_343 = arith.select %or3A_306, %broadcast_in_dim3A_342, %gather3A_340 : vector<16xi1>, vector<16xi32>
      %add3A_344 = arith.constant 60416 : i32
      %add3A_345 = vector.broadcast %add3A_344 : i32 to vector<16xi32>
      %add3A_346 = arith.addi %select_n3A_343, %add3A_345 : vector<16xi32>
      %swap3A_347 = arith.constant 0 : i32
      %swap3A_348 = arith.index_cast %swap3A_347 : i32 to index
      %swap3A_349 = arith.constant 32 : index
      %swap3A_350 = tpu.vector_load %arg15[%swap3A_348, %swap3A_349] {strides = array<i32>} : memref<3x96xi32, #tpu.memory_space<vmem>>, vector<16xi32>,
      tpu.vector_store %arg15[%swap3A_348, %swap3A_349], %add3A_346 {strides = array<i32>} : memref<3x96xi32, #tpu.memory_space<vmem>>, vector<16xi32>,
      %add3A_351 = arith.constant -1 : i32
      %add3A_352 = vector.broadcast %add3A_351 : i32 to vector<16xi32>
      %add3A_353 = arith.addi %get3A_225, %add3A_352 : vector<16xi32>
      %add3A_354 = arith.constant 1 : i32
      %add3A_355 = vector.broadcast %add3A_354 : i32 to vector<16xi32>
      %add3A_356 = arith.addi %get3A_223, %add3A_355 : vector<16xi32>
      %lt3A_357 = arith.constant 0 : i32
      %lt3A_358 = vector.broadcast %lt3A_357 : i32 to vector<16xi32>
      %lt3A_359 = arith.cmpi slt, %add3A_353, %lt3A_358 : vector<16xi32>
      %ge3A_360 = arith.constant 64 : i32
      %ge3A_361 = vector.broadcast %ge3A_360 : i32 to vector<16xi32>
      %ge3A_362 = arith.cmpi sge, %add3A_353, %ge3A_361 : vector<16xi32>
      %or3A_363 = arith.ori %lt3A_359, %ge3A_362 : vector<16xi1>
      %lt3A_364 = arith.constant 0 : i32
      %lt3A_365 = vector.broadcast %lt3A_364 : i32 to vector<16xi32>
      %lt3A_366 = arith.cmpi slt, %add3A_356, %lt3A_365 : vector<16xi32>
      %or3A_367 = arith.ori %or3A_363, %lt3A_366 : vector<16xi1>
      %ge3A_368 = arith.constant 64 : i32
      %ge3A_369 = vector.broadcast %ge3A_368 : i32 to vector<16xi32>
      %ge3A_370 = arith.cmpi sge, %add3A_356, %ge3A_369 : vector<16xi32>
      %or3A_371 = arith.ori %or3A_367, %ge3A_370 : vector<16xi1>
      %jit3A_372 = arith.constant 0 : i32
      %jit3A_373 = arith.constant 63 : i32
      %max3A_374 = vector.broadcast %jit3A_372 : i32 to vector<16xi32>
      %max3A_375 = arith.maxsi %max3A_374, %add3A_356 : vector<16xi32>
      %min3A_376 = vector.broadcast %jit3A_373 : i32 to vector<16xi32>
      %min3A_377 = arith.minsi %min3A_376, %max3A_375 : vector<16xi32>
      %jit3A_378 = arith.constant 0 : i32
      %jit3A_379 = arith.constant 63 : i32
      %max3A_380 = vector.broadcast %jit3A_378 : i32 to vector<16xi32>
      %max3A_381 = arith.maxsi %max3A_380, %add3A_353 : vector<16xi32>
      %min3A_382 = vector.broadcast %jit3A_379 : i32 to vector<16xi32>
      %min3A_383 = arith.minsi %min3A_382, %max3A_381 : vector<16xi32>
      %mul3A_384 = arith.constant 2 : i32
      %mul3A_385 = vector.broadcast %mul3A_384 : i32 to vector<16xi32>
      %mul3A_386 = arith.muli %mul3A_385, %get3A_227 : vector<16xi32>
      %sub3A_387 = arith.subi %min3A_383, %mul3A_386 : vector<16xi32>
      %shift_right_arithmetic3A_388 = arith.constant 1 : i32
      %shift_right_arithmetic3A_389 = vector.broadcast %shift_right_arithmetic3A_388 : i32 to vector<16xi32>
      %shift_right_arithmetic3A_390 = arith.shrsi %sub3A_387, %shift_right_arithmetic3A_389 : vector<16xi32>
      %mul3A_391 = arith.constant 32 : i32
      %mul3A_392 = vector.broadcast %mul3A_391 : i32 to vector<16xi32>
      %mul3A_393 = arith.muli %shift_right_arithmetic3A_390, %mul3A_392 : vector<16xi32>
      %add3A_394 = arith.constant 0 : i32
      %add3A_395 = vector.broadcast %add3A_394 : i32 to vector<16xi32>
      %add3A_396 = arith.addi %mul3A_393, %add3A_395 : vector<16xi32>
      %add3A_397 = arith.addi %add3A_396, %iota3A : vector<16xi32>
      %and3A_398 = arith.constant 1 : i32
      %and3A_399 = vector.broadcast %and3A_398 : i32 to vector<16xi32>
      %and3A_400 = arith.andi %sub3A_387, %and3A_399 : vector<16xi32>
      %mul3A_401 = arith.constant 64 : i32
      %mul3A_402 = vector.broadcast %mul3A_401 : i32 to vector<16xi32>
      %mul3A_403 = arith.muli %and3A_400, %mul3A_402 : vector<16xi32>
      %add3A_404 = arith.addi %mul3A_403, %min3A_377 : vector<16xi32>
      %gather3A_405 = tpu.vector_load_idx %arg13[%add3A_397, %add3A_404] : memref<64x128xi32, #tpu.memory_space<vmem>>[vector<16xi32>, vector<16xi32>], vector<16xi32>,
      %jit3A_406 = arith.constant 60000 : i32
      %broadcast_in_dim3A_407 = vector.broadcast %jit3A_406 : i32 to vector<16xi32>
      %select_n3A_408 = arith.select %or3A_371, %broadcast_in_dim3A_407, %gather3A_405 : vector<16xi1>, vector<16xi32>
      %add3A_409 = arith.constant 120832 : i32
      %add3A_410 = vector.broadcast %add3A_409 : i32 to vector<16xi32>
      %add3A_411 = arith.addi %select_n3A_408, %add3A_410 : vector<16xi32>
      %swap3A_412 = arith.constant 0 : i32
      %swap3A_413 = arith.index_cast %swap3A_412 : i32 to index
      %swap3A_414 = arith.constant 64 : index
      %swap3A_415 = tpu.vector_load %arg15[%swap3A_413, %swap3A_414] {strides = array<i32>} : memref<3x96xi32, #tpu.memory_space<vmem>>, vector<16xi32>,
      tpu.vector_store %arg15[%swap3A_413, %swap3A_414], %add3A_411 {strides = array<i32>} : memref<3x96xi32, #tpu.memory_space<vmem>>, vector<16xi32>,
      %add3A_416 = arith.constant 0 : i32
      %add3A_417 = vector.broadcast %add3A_416 : i32 to vector<16xi32>
      %add3A_418 = arith.addi %get3A_225, %add3A_417 : vector<16xi32>
      %add3A_419 = arith.constant -1 : i32
      %add3A_420 = vector.broadcast %add3A_419 : i32 to vector<16xi32>
      %add3A_421 = arith.addi %get3A_223, %add3A_420 : vector<16xi32>
      %lt3A_422 = arith.constant 0 : i32
      %lt3A_423 = vector.broadcast %lt3A_422 : i32 to vector<16xi32>
      %lt3A_424 = arith.cmpi slt, %add3A_418, %lt3A_423 : vector<16xi32>
      %ge3A_425 = arith.constant 64 : i32
      %ge3A_426 = vector.broadcast %ge3A_425 : i32 to vector<16xi32>
      %ge3A_427 = arith.cmpi sge, %add3A_418, %ge3A_426 : vector<16xi32>
      %or3A_428 = arith.ori %lt3A_424, %ge3A_427 : vector<16xi1>
      %lt3A_429 = arith.constant 0 : i32
      %lt3A_430 = vector.broadcast %lt3A_429 : i32 to vector<16xi32>
      %lt3A_431 = arith.cmpi slt, %add3A_421, %lt3A_430 : vector<16xi32>
      %or3A_432 = arith.ori %or3A_428, %lt3A_431 : vector<16xi1>
      %ge3A_433 = arith.constant 64 : i32
      %ge3A_434 = vector.broadcast %ge3A_433 : i32 to vector<16xi32>
      %ge3A_435 = arith.cmpi sge, %add3A_421, %ge3A_434 : vector<16xi32>
      %or3A_436 = arith.ori %or3A_432, %ge3A_435 : vector<16xi1>
      %jit3A_437 = arith.constant 0 : i32
      %jit3A_438 = arith.constant 63 : i32
      %max3A_439 = vector.broadcast %jit3A_437 : i32 to vector<16xi32>
      %max3A_440 = arith.maxsi %max3A_439, %add3A_421 : vector<16xi32>
      %min3A_441 = vector.broadcast %jit3A_438 : i32 to vector<16xi32>
      %min3A_442 = arith.minsi %min3A_441, %max3A_440 : vector<16xi32>
      %jit3A_443 = arith.constant 0 : i32
      %jit3A_444 = arith.constant 63 : i32
      %max3A_445 = vector.broadcast %jit3A_443 : i32 to vector<16xi32>
      %max3A_446 = arith.maxsi %max3A_445, %add3A_418 : vector<16xi32>
      %min3A_447 = vector.broadcast %jit3A_444 : i32 to vector<16xi32>
      %min3A_448 = arith.minsi %min3A_447, %max3A_446 : vector<16xi32>
      %mul3A_449 = arith.constant 2 : i32
      %mul3A_450 = vector.broadcast %mul3A_449 : i32 to vector<16xi32>
      %mul3A_451 = arith.muli %mul3A_450, %get3A_227 : vector<16xi32>
      %sub3A_452 = arith.subi %min3A_448, %mul3A_451 : vector<16xi32>
      %shift_right_arithmetic3A_453 = arith.constant 1 : i32
      %shift_right_arithmetic3A_454 = vector.broadcast %shift_right_arithmetic3A_453 : i32 to vector<16xi32>
      %shift_right_arithmetic3A_455 = arith.shrsi %sub3A_452, %shift_right_arithmetic3A_454 : vector<16xi32>
      %mul3A_456 = arith.constant 32 : i32
      %mul3A_457 = vector.broadcast %mul3A_456 : i32 to vector<16xi32>
      %mul3A_458 = arith.muli %shift_right_arithmetic3A_455, %mul3A_457 : vector<16xi32>
      %add3A_459 = arith.constant 0 : i32
      %add3A_460 = vector.broadcast %add3A_459 : i32 to vector<16xi32>
      %add3A_461 = arith.addi %mul3A_458, %add3A_460 : vector<16xi32>
      %add3A_462 = arith.addi %add3A_461, %iota3A : vector<16xi32>
      %and3A_463 = arith.constant 1 : i32
      %and3A_464 = vector.broadcast %and3A_463 : i32 to vector<16xi32>
      %and3A_465 = arith.andi %sub3A_452, %and3A_464 : vector<16xi32>
      %mul3A_466 = arith.constant 64 : i32
      %mul3A_467 = vector.broadcast %mul3A_466 : i32 to vector<16xi32>
      %mul3A_468 = arith.muli %and3A_465, %mul3A_467 : vector<16xi32>
      %add3A_469 = arith.addi %mul3A_468, %min3A_442 : vector<16xi32>
      %gather3A_470 = tpu.vector_load_idx %arg13[%add3A_462, %add3A_469] : memref<64x128xi32, #tpu.memory_space<vmem>>[vector<16xi32>, vector<16xi32>], vector<16xi32>,
      %jit3A_471 = arith.constant 60000 : i32
      %broadcast_in_dim3A_472 = vector.broadcast %jit3A_471 : i32 to vector<16xi32>
      %select_n3A_473 = arith.select %or3A_436, %broadcast_in_dim3A_472, %gather3A_470 : vector<16xi1>, vector<16xi32>
      %add3A_474 = arith.constant 181248 : i32
      %add3A_475 = vector.broadcast %add3A_474 : i32 to vector<16xi32>
      %add3A_476 = arith.addi %select_n3A_473, %add3A_475 : vector<16xi32>
      %swap3A_477 = arith.constant 1 : i32
      %swap3A_478 = arith.index_cast %swap3A_477 : i32 to index
      %swap3A_479 = arith.constant 0 : index
      %swap3A_480 = tpu.vector_load %arg15[%swap3A_478, %swap3A_479] {strides = array<i32>} : memref<3x96xi32, #tpu.memory_space<vmem>>, vector<16xi32>,
      tpu.vector_store %arg15[%swap3A_478, %swap3A_479], %add3A_476 {strides = array<i32>} : memref<3x96xi32, #tpu.memory_space<vmem>>, vector<16xi32>,
      %add3A_481 = arith.constant 0 : i32
      %add3A_482 = vector.broadcast %add3A_481 : i32 to vector<16xi32>
      %add3A_483 = arith.addi %get3A_225, %add3A_482 : vector<16xi32>
      %add3A_484 = arith.constant 0 : i32
      %add3A_485 = vector.broadcast %add3A_484 : i32 to vector<16xi32>
      %add3A_486 = arith.addi %get3A_223, %add3A_485 : vector<16xi32>
      %lt3A_487 = arith.constant 0 : i32
      %lt3A_488 = vector.broadcast %lt3A_487 : i32 to vector<16xi32>
      %lt3A_489 = arith.cmpi slt, %add3A_483, %lt3A_488 : vector<16xi32>
      %ge3A_490 = arith.constant 64 : i32
      %ge3A_491 = vector.broadcast %ge3A_490 : i32 to vector<16xi32>
      %ge3A_492 = arith.cmpi sge, %add3A_483, %ge3A_491 : vector<16xi32>
      %or3A_493 = arith.ori %lt3A_489, %ge3A_492 : vector<16xi1>
      %lt3A_494 = arith.constant 0 : i32
      %lt3A_495 = vector.broadcast %lt3A_494 : i32 to vector<16xi32>
      %lt3A_496 = arith.cmpi slt, %add3A_486, %lt3A_495 : vector<16xi32>
      %or3A_497 = arith.ori %or3A_493, %lt3A_496 : vector<16xi1>
      %ge3A_498 = arith.constant 64 : i32
      %ge3A_499 = vector.broadcast %ge3A_498 : i32 to vector<16xi32>
      %ge3A_500 = arith.cmpi sge, %add3A_486, %ge3A_499 : vector<16xi32>
      %or3A_501 = arith.ori %or3A_497, %ge3A_500 : vector<16xi1>
      %jit3A_502 = arith.constant 0 : i32
      %jit3A_503 = arith.constant 63 : i32
      %max3A_504 = vector.broadcast %jit3A_502 : i32 to vector<16xi32>
      %max3A_505 = arith.maxsi %max3A_504, %add3A_486 : vector<16xi32>
      %min3A_506 = vector.broadcast %jit3A_503 : i32 to vector<16xi32>
      %min3A_507 = arith.minsi %min3A_506, %max3A_505 : vector<16xi32>
      %jit3A_508 = arith.constant 0 : i32
      %jit3A_509 = arith.constant 63 : i32
      %max3A_510 = vector.broadcast %jit3A_508 : i32 to vector<16xi32>
      %max3A_511 = arith.maxsi %max3A_510, %add3A_483 : vector<16xi32>
      %min3A_512 = vector.broadcast %jit3A_509 : i32 to vector<16xi32>
      %min3A_513 = arith.minsi %min3A_512, %max3A_511 : vector<16xi32>
      %mul3A_514 = arith.constant 2 : i32
      %mul3A_515 = vector.broadcast %mul3A_514 : i32 to vector<16xi32>
      %mul3A_516 = arith.muli %mul3A_515, %get3A_227 : vector<16xi32>
      %sub3A_517 = arith.subi %min3A_513, %mul3A_516 : vector<16xi32>
      %shift_right_arithmetic3A_518 = arith.constant 1 : i32
      %shift_right_arithmetic3A_519 = vector.broadcast %shift_right_arithmetic3A_518 : i32 to vector<16xi32>
      %shift_right_arithmetic3A_520 = arith.shrsi %sub3A_517, %shift_right_arithmetic3A_519 : vector<16xi32>
      %mul3A_521 = arith.constant 32 : i32
      %mul3A_522 = vector.broadcast %mul3A_521 : i32 to vector<16xi32>
      %mul3A_523 = arith.muli %shift_right_arithmetic3A_520, %mul3A_522 : vector<16xi32>
      %add3A_524 = arith.constant 0 : i32
      %add3A_525 = vector.broadcast %add3A_524 : i32 to vector<16xi32>
      %add3A_526 = arith.addi %mul3A_523, %add3A_525 : vector<16xi32>
      %add3A_527 = arith.addi %add3A_526, %iota3A : vector<16xi32>
      %and3A_528 = arith.constant 1 : i32
      %and3A_529 = vector.broadcast %and3A_528 : i32 to vector<16xi32>
      %and3A_530 = arith.andi %sub3A_517, %and3A_529 : vector<16xi32>
      %mul3A_531 = arith.constant 64 : i32
      %mul3A_532 = vector.broadcast %mul3A_531 : i32 to vector<16xi32>
      %mul3A_533 = arith.muli %and3A_530, %mul3A_532 : vector<16xi32>
      %add3A_534 = arith.addi %mul3A_533, %min3A_507 : vector<16xi32>
      %gather3A_535 = tpu.vector_load_idx %arg13[%add3A_527, %add3A_534] : memref<64x128xi32, #tpu.memory_space<vmem>>[vector<16xi32>, vector<16xi32>], vector<16xi32>,
      %jit3A_536 = arith.constant 60000 : i32
      %broadcast_in_dim3A_537 = vector.broadcast %jit3A_536 : i32 to vector<16xi32>
      %select_n3A_538 = arith.select %or3A_501, %broadcast_in_dim3A_537, %gather3A_535 : vector<16xi1>, vector<16xi32>
      %add3A_539 = arith.constant 241664 : i32
      %add3A_540 = vector.broadcast %add3A_539 : i32 to vector<16xi32>
      %add3A_541 = arith.addi %select_n3A_538, %add3A_540 : vector<16xi32>
      %swap3A_542 = arith.constant 1 : i32
      %swap3A_543 = arith.index_cast %swap3A_542 : i32 to index
      %swap3A_544 = arith.constant 32 : index
      %swap3A_545 = tpu.vector_load %arg15[%swap3A_543, %swap3A_544] {strides = array<i32>} : memref<3x96xi32, #tpu.memory_space<vmem>>, vector<16xi32>,
      tpu.vector_store %arg15[%swap3A_543, %swap3A_544], %add3A_541 {strides = array<i32>} : memref<3x96xi32, #tpu.memory_space<vmem>>, vector<16xi32>,
      %add3A_546 = arith.constant 0 : i32
      %add3A_547 = vector.broadcast %add3A_546 : i32 to vector<16xi32>
      %add3A_548 = arith.addi %get3A_225, %add3A_547 : vector<16xi32>
      %add3A_549 = arith.constant 1 : i32
      %add3A_550 = vector.broadcast %add3A_549 : i32 to vector<16xi32>
      %add3A_551 = arith.addi %get3A_223, %add3A_550 : vector<16xi32>
      %lt3A_552 = arith.constant 0 : i32
      %lt3A_553 = vector.broadcast %lt3A_552 : i32 to vector<16xi32>
      %lt3A_554 = arith.cmpi slt, %add3A_548, %lt3A_553 : vector<16xi32>
      %ge3A_555 = arith.constant 64 : i32
      %ge3A_556 = vector.broadcast %ge3A_555 : i32 to vector<16xi32>
      %ge3A_557 = arith.cmpi sge, %add3A_548, %ge3A_556 : vector<16xi32>
      %or3A_558 = arith.ori %lt3A_554, %ge3A_557 : vector<16xi1>
      %lt3A_559 = arith.constant 0 : i32
      %lt3A_560 = vector.broadcast %lt3A_559 : i32 to vector<16xi32>
      %lt3A_561 = arith.cmpi slt, %add3A_551, %lt3A_560 : vector<16xi32>
      %or3A_562 = arith.ori %or3A_558, %lt3A_561 : vector<16xi1>
      %ge3A_563 = arith.constant 64 : i32
      %ge3A_564 = vector.broadcast %ge3A_563 : i32 to vector<16xi32>
      %ge3A_565 = arith.cmpi sge, %add3A_551, %ge3A_564 : vector<16xi32>
      %or3A_566 = arith.ori %or3A_562, %ge3A_565 : vector<16xi1>
      %jit3A_567 = arith.constant 0 : i32
      %jit3A_568 = arith.constant 63 : i32
      %max3A_569 = vector.broadcast %jit3A_567 : i32 to vector<16xi32>
      %max3A_570 = arith.maxsi %max3A_569, %add3A_551 : vector<16xi32>
      %min3A_571 = vector.broadcast %jit3A_568 : i32 to vector<16xi32>
      %min3A_572 = arith.minsi %min3A_571, %max3A_570 : vector<16xi32>
      %jit3A_573 = arith.constant 0 : i32
      %jit3A_574 = arith.constant 63 : i32
      %max3A_575 = vector.broadcast %jit3A_573 : i32 to vector<16xi32>
      %max3A_576 = arith.maxsi %max3A_575, %add3A_548 : vector<16xi32>
      %min3A_577 = vector.broadcast %jit3A_574 : i32 to vector<16xi32>
      %min3A_578 = arith.minsi %min3A_577, %max3A_576 : vector<16xi32>
      %mul3A_579 = arith.constant 2 : i32
      %mul3A_580 = vector.broadcast %mul3A_579 : i32 to vector<16xi32>
      %mul3A_581 = arith.muli %mul3A_580, %get3A_227 : vector<16xi32>
      %sub3A_582 = arith.subi %min3A_578, %mul3A_581 : vector<16xi32>
      %shift_right_arithmetic3A_583 = arith.constant 1 : i32
      %shift_right_arithmetic3A_584 = vector.broadcast %shift_right_arithmetic3A_583 : i32 to vector<16xi32>
      %shift_right_arithmetic3A_585 = arith.shrsi %sub3A_582, %shift_right_arithmetic3A_584 : vector<16xi32>
      %mul3A_586 = arith.constant 32 : i32
      %mul3A_587 = vector.broadcast %mul3A_586 : i32 to vector<16xi32>
      %mul3A_588 = arith.muli %shift_right_arithmetic3A_585, %mul3A_587 : vector<16xi32>
      %add3A_589 = arith.constant 0 : i32
      %add3A_590 = vector.broadcast %add3A_589 : i32 to vector<16xi32>
      %add3A_591 = arith.addi %mul3A_588, %add3A_590 : vector<16xi32>
      %add3A_592 = arith.addi %add3A_591, %iota3A : vector<16xi32>
      %and3A_593 = arith.constant 1 : i32
      %and3A_594 = vector.broadcast %and3A_593 : i32 to vector<16xi32>
      %and3A_595 = arith.andi %sub3A_582, %and3A_594 : vector<16xi32>
      %mul3A_596 = arith.constant 64 : i32
      %mul3A_597 = vector.broadcast %mul3A_596 : i32 to vector<16xi32>
      %mul3A_598 = arith.muli %and3A_595, %mul3A_597 : vector<16xi32>
      %add3A_599 = arith.addi %mul3A_598, %min3A_572 : vector<16xi32>
      %gather3A_600 = tpu.vector_load_idx %arg13[%add3A_592, %add3A_599] : memref<64x128xi32, #tpu.memory_space<vmem>>[vector<16xi32>, vector<16xi32>], vector<16xi32>,
      %jit3A_601 = arith.constant 60000 : i32
      %broadcast_in_dim3A_602 = vector.broadcast %jit3A_601 : i32 to vector<16xi32>
      %select_n3A_603 = arith.select %or3A_566, %broadcast_in_dim3A_602, %gather3A_600 : vector<16xi1>, vector<16xi32>
      %add3A_604 = arith.constant 302080 : i32
      %add3A_605 = vector.broadcast %add3A_604 : i32 to vector<16xi32>
      %add3A_606 = arith.addi %select_n3A_603, %add3A_605 : vector<16xi32>
      %swap3A_607 = arith.constant 1 : i32
      %swap3A_608 = arith.index_cast %swap3A_607 : i32 to index
      %swap3A_609 = arith.constant 64 : index
      %swap3A_610 = tpu.vector_load %arg15[%swap3A_608, %swap3A_609] {strides = array<i32>} : memref<3x96xi32, #tpu.memory_space<vmem>>, vector<16xi32>,
      tpu.vector_store %arg15[%swap3A_608, %swap3A_609], %add3A_606 {strides = array<i32>} : memref<3x96xi32, #tpu.memory_space<vmem>>, vector<16xi32>,
      %add3A_611 = arith.constant 1 : i32
      %add3A_612 = vector.broadcast %add3A_611 : i32 to vector<16xi32>
      %add3A_613 = arith.addi %get3A_225, %add3A_612 : vector<16xi32>
      %add3A_614 = arith.constant -1 : i32
      %add3A_615 = vector.broadcast %add3A_614 : i32 to vector<16xi32>
      %add3A_616 = arith.addi %get3A_223, %add3A_615 : vector<16xi32>
      %lt3A_617 = arith.constant 0 : i32
      %lt3A_618 = vector.broadcast %lt3A_617 : i32 to vector<16xi32>
      %lt3A_619 = arith.cmpi slt, %add3A_613, %lt3A_618 : vector<16xi32>
      %ge3A_620 = arith.constant 64 : i32
      %ge3A_621 = vector.broadcast %ge3A_620 : i32 to vector<16xi32>
      %ge3A_622 = arith.cmpi sge, %add3A_613, %ge3A_621 : vector<16xi32>
      %or3A_623 = arith.ori %lt3A_619, %ge3A_622 : vector<16xi1>
      %lt3A_624 = arith.constant 0 : i32
      %lt3A_625 = vector.broadcast %lt3A_624 : i32 to vector<16xi32>
      %lt3A_626 = arith.cmpi slt, %add3A_616, %lt3A_625 : vector<16xi32>
      %or3A_627 = arith.ori %or3A_623, %lt3A_626 : vector<16xi1>
      %ge3A_628 = arith.constant 64 : i32
      %ge3A_629 = vector.broadcast %ge3A_628 : i32 to vector<16xi32>
      %ge3A_630 = arith.cmpi sge, %add3A_616, %ge3A_629 : vector<16xi32>
      %or3A_631 = arith.ori %or3A_627, %ge3A_630 : vector<16xi1>
      %jit3A_632 = arith.constant 0 : i32
      %jit3A_633 = arith.constant 63 : i32
      %max3A_634 = vector.broadcast %jit3A_632 : i32 to vector<16xi32>
      %max3A_635 = arith.maxsi %max3A_634, %add3A_616 : vector<16xi32>
      %min3A_636 = vector.broadcast %jit3A_633 : i32 to vector<16xi32>
      %min3A_637 = arith.minsi %min3A_636, %max3A_635 : vector<16xi32>
      %jit3A_638 = arith.constant 0 : i32
      %jit3A_639 = arith.constant 63 : i32
      %max3A_640 = vector.broadcast %jit3A_638 : i32 to vector<16xi32>
      %max3A_641 = arith.maxsi %max3A_640, %add3A_613 : vector<16xi32>
      %min3A_642 = vector.broadcast %jit3A_639 : i32 to vector<16xi32>
      %min3A_643 = arith.minsi %min3A_642, %max3A_641 : vector<16xi32>
      %mul3A_644 = arith.constant 2 : i32
      %mul3A_645 = vector.broadcast %mul3A_644 : i32 to vector<16xi32>
      %mul3A_646 = arith.muli %mul3A_645, %get3A_227 : vector<16xi32>
      %sub3A_647 = arith.subi %min3A_643, %mul3A_646 : vector<16xi32>
      %shift_right_arithmetic3A_648 = arith.constant 1 : i32
      %shift_right_arithmetic3A_649 = vector.broadcast %shift_right_arithmetic3A_648 : i32 to vector<16xi32>
      %shift_right_arithmetic3A_650 = arith.shrsi %sub3A_647, %shift_right_arithmetic3A_649 : vector<16xi32>
      %mul3A_651 = arith.constant 32 : i32
      %mul3A_652 = vector.broadcast %mul3A_651 : i32 to vector<16xi32>
      %mul3A_653 = arith.muli %shift_right_arithmetic3A_650, %mul3A_652 : vector<16xi32>
      %add3A_654 = arith.constant 0 : i32
      %add3A_655 = vector.broadcast %add3A_654 : i32 to vector<16xi32>
      %add3A_656 = arith.addi %mul3A_653, %add3A_655 : vector<16xi32>
      %add3A_657 = arith.addi %add3A_656, %iota3A : vector<16xi32>
      %and3A_658 = arith.constant 1 : i32
      %and3A_659 = vector.broadcast %and3A_658 : i32 to vector<16xi32>
      %and3A_660 = arith.andi %sub3A_647, %and3A_659 : vector<16xi32>
      %mul3A_661 = arith.constant 64 : i32
      %mul3A_662 = vector.broadcast %mul3A_661 : i32 to vector<16xi32>
      %mul3A_663 = arith.muli %and3A_660, %mul3A_662 : vector<16xi32>
      %add3A_664 = arith.addi %mul3A_663, %min3A_637 : vector<16xi32>
      %gather3A_665 = tpu.vector_load_idx %arg13[%add3A_657, %add3A_664] : memref<64x128xi32, #tpu.memory_space<vmem>>[vector<16xi32>, vector<16xi32>], vector<16xi32>,
      %jit3A_666 = arith.constant 60000 : i32
      %broadcast_in_dim3A_667 = vector.broadcast %jit3A_666 : i32 to vector<16xi32>
      %select_n3A_668 = arith.select %or3A_631, %broadcast_in_dim3A_667, %gather3A_665 : vector<16xi1>, vector<16xi32>
      %add3A_669 = arith.constant 362496 : i32
      %add3A_670 = vector.broadcast %add3A_669 : i32 to vector<16xi32>
      %add3A_671 = arith.addi %select_n3A_668, %add3A_670 : vector<16xi32>
      %swap3A_672 = arith.constant 2 : i32
      %swap3A_673 = arith.index_cast %swap3A_672 : i32 to index
      %swap3A_674 = arith.constant 0 : index
      %swap3A_675 = tpu.vector_load %arg15[%swap3A_673, %swap3A_674] {strides = array<i32>} : memref<3x96xi32, #tpu.memory_space<vmem>>, vector<16xi32>,
      tpu.vector_store %arg15[%swap3A_673, %swap3A_674], %add3A_671 {strides = array<i32>} : memref<3x96xi32, #tpu.memory_space<vmem>>, vector<16xi32>,
      %add3A_676 = arith.constant 1 : i32
      %add3A_677 = vector.broadcast %add3A_676 : i32 to vector<16xi32>
      %add3A_678 = arith.addi %get3A_225, %add3A_677 : vector<16xi32>
      %add3A_679 = arith.constant 0 : i32
      %add3A_680 = vector.broadcast %add3A_679 : i32 to vector<16xi32>
      %add3A_681 = arith.addi %get3A_223, %add3A_680 : vector<16xi32>
      %lt3A_682 = arith.constant 0 : i32
      %lt3A_683 = vector.broadcast %lt3A_682 : i32 to vector<16xi32>
      %lt3A_684 = arith.cmpi slt, %add3A_678, %lt3A_683 : vector<16xi32>
      %ge3A_685 = arith.constant 64 : i32
      %ge3A_686 = vector.broadcast %ge3A_685 : i32 to vector<16xi32>
      %ge3A_687 = arith.cmpi sge, %add3A_678, %ge3A_686 : vector<16xi32>
      %or3A_688 = arith.ori %lt3A_684, %ge3A_687 : vector<16xi1>
      %lt3A_689 = arith.constant 0 : i32
      %lt3A_690 = vector.broadcast %lt3A_689 : i32 to vector<16xi32>
      %lt3A_691 = arith.cmpi slt, %add3A_681, %lt3A_690 : vector<16xi32>
      %or3A_692 = arith.ori %or3A_688, %lt3A_691 : vector<16xi1>
      %ge3A_693 = arith.constant 64 : i32
      %ge3A_694 = vector.broadcast %ge3A_693 : i32 to vector<16xi32>
      %ge3A_695 = arith.cmpi sge, %add3A_681, %ge3A_694 : vector<16xi32>
      %or3A_696 = arith.ori %or3A_692, %ge3A_695 : vector<16xi1>
      %jit3A_697 = arith.constant 0 : i32
      %jit3A_698 = arith.constant 63 : i32
      %max3A_699 = vector.broadcast %jit3A_697 : i32 to vector<16xi32>
      %max3A_700 = arith.maxsi %max3A_699, %add3A_681 : vector<16xi32>
      %min3A_701 = vector.broadcast %jit3A_698 : i32 to vector<16xi32>
      %min3A_702 = arith.minsi %min3A_701, %max3A_700 : vector<16xi32>
      %jit3A_703 = arith.constant 0 : i32
      %jit3A_704 = arith.constant 63 : i32
      %max3A_705 = vector.broadcast %jit3A_703 : i32 to vector<16xi32>
      %max3A_706 = arith.maxsi %max3A_705, %add3A_678 : vector<16xi32>
      %min3A_707 = vector.broadcast %jit3A_704 : i32 to vector<16xi32>
      %min3A_708 = arith.minsi %min3A_707, %max3A_706 : vector<16xi32>
      %mul3A_709 = arith.constant 2 : i32
      %mul3A_710 = vector.broadcast %mul3A_709 : i32 to vector<16xi32>
      %mul3A_711 = arith.muli %mul3A_710, %get3A_227 : vector<16xi32>
      %sub3A_712 = arith.subi %min3A_708, %mul3A_711 : vector<16xi32>
      %shift_right_arithmetic3A_713 = arith.constant 1 : i32
      %shift_right_arithmetic3A_714 = vector.broadcast %shift_right_arithmetic3A_713 : i32 to vector<16xi32>
      %shift_right_arithmetic3A_715 = arith.shrsi %sub3A_712, %shift_right_arithmetic3A_714 : vector<16xi32>
      %mul3A_716 = arith.constant 32 : i32
      %mul3A_717 = vector.broadcast %mul3A_716 : i32 to vector<16xi32>
      %mul3A_718 = arith.muli %shift_right_arithmetic3A_715, %mul3A_717 : vector<16xi32>
      %add3A_719 = arith.constant 0 : i32
      %add3A_720 = vector.broadcast %add3A_719 : i32 to vector<16xi32>
      %add3A_721 = arith.addi %mul3A_718, %add3A_720 : vector<16xi32>
      %add3A_722 = arith.addi %add3A_721, %iota3A : vector<16xi32>
      %and3A_723 = arith.constant 1 : i32
      %and3A_724 = vector.broadcast %and3A_723 : i32 to vector<16xi32>
      %and3A_725 = arith.andi %sub3A_712, %and3A_724 : vector<16xi32>
      %mul3A_726 = arith.constant 64 : i32
      %mul3A_727 = vector.broadcast %mul3A_726 : i32 to vector<16xi32>
      %mul3A_728 = arith.muli %and3A_725, %mul3A_727 : vector<16xi32>
      %add3A_729 = arith.addi %mul3A_728, %min3A_702 : vector<16xi32>
      %gather3A_730 = tpu.vector_load_idx %arg13[%add3A_722, %add3A_729] : memref<64x128xi32, #tpu.memory_space<vmem>>[vector<16xi32>, vector<16xi32>], vector<16xi32>,
      %jit3A_731 = arith.constant 60000 : i32
      %broadcast_in_dim3A_732 = vector.broadcast %jit3A_731 : i32 to vector<16xi32>
      %select_n3A_733 = arith.select %or3A_696, %broadcast_in_dim3A_732, %gather3A_730 : vector<16xi1>, vector<16xi32>
      %add3A_734 = arith.constant 422912 : i32
      %add3A_735 = vector.broadcast %add3A_734 : i32 to vector<16xi32>
      %add3A_736 = arith.addi %select_n3A_733, %add3A_735 : vector<16xi32>
      %swap3A_737 = arith.constant 2 : i32
      %swap3A_738 = arith.index_cast %swap3A_737 : i32 to index
      %swap3A_739 = arith.constant 32 : index
      %swap3A_740 = tpu.vector_load %arg15[%swap3A_738, %swap3A_739] {strides = array<i32>} : memref<3x96xi32, #tpu.memory_space<vmem>>, vector<16xi32>,
      tpu.vector_store %arg15[%swap3A_738, %swap3A_739], %add3A_736 {strides = array<i32>} : memref<3x96xi32, #tpu.memory_space<vmem>>, vector<16xi32>,
      %add3A_741 = arith.constant 1 : i32
      %add3A_742 = vector.broadcast %add3A_741 : i32 to vector<16xi32>
      %add3A_743 = arith.addi %get3A_225, %add3A_742 : vector<16xi32>
      %add3A_744 = arith.constant 1 : i32
      %add3A_745 = vector.broadcast %add3A_744 : i32 to vector<16xi32>
      %add3A_746 = arith.addi %get3A_223, %add3A_745 : vector<16xi32>
      %lt3A_747 = arith.constant 0 : i32
      %lt3A_748 = vector.broadcast %lt3A_747 : i32 to vector<16xi32>
      %lt3A_749 = arith.cmpi slt, %add3A_743, %lt3A_748 : vector<16xi32>
      %ge3A_750 = arith.constant 64 : i32
      %ge3A_751 = vector.broadcast %ge3A_750 : i32 to vector<16xi32>
      %ge3A_752 = arith.cmpi sge, %add3A_743, %ge3A_751 : vector<16xi32>
      %or3A_753 = arith.ori %lt3A_749, %ge3A_752 : vector<16xi1>
      %lt3A_754 = arith.constant 0 : i32
      %lt3A_755 = vector.broadcast %lt3A_754 : i32 to vector<16xi32>
      %lt3A_756 = arith.cmpi slt, %add3A_746, %lt3A_755 : vector<16xi32>
      %or3A_757 = arith.ori %or3A_753, %lt3A_756 : vector<16xi1>
      %ge3A_758 = arith.constant 64 : i32
      %ge3A_759 = vector.broadcast %ge3A_758 : i32 to vector<16xi32>
      %ge3A_760 = arith.cmpi sge, %add3A_746, %ge3A_759 : vector<16xi32>
      %or3A_761 = arith.ori %or3A_757, %ge3A_760 : vector<16xi1>
      %jit3A_762 = arith.constant 0 : i32
      %jit3A_763 = arith.constant 63 : i32
      %max3A_764 = vector.broadcast %jit3A_762 : i32 to vector<16xi32>
      %max3A_765 = arith.maxsi %max3A_764, %add3A_746 : vector<16xi32>
      %min3A_766 = vector.broadcast %jit3A_763 : i32 to vector<16xi32>
      %min3A_767 = arith.minsi %min3A_766, %max3A_765 : vector<16xi32>
      %jit3A_768 = arith.constant 0 : i32
      %jit3A_769 = arith.constant 63 : i32
      %max3A_770 = vector.broadcast %jit3A_768 : i32 to vector<16xi32>
      %max3A_771 = arith.maxsi %max3A_770, %add3A_743 : vector<16xi32>
      %min3A_772 = vector.broadcast %jit3A_769 : i32 to vector<16xi32>
      %min3A_773 = arith.minsi %min3A_772, %max3A_771 : vector<16xi32>
      %mul3A_774 = arith.constant 2 : i32
      %mul3A_775 = vector.broadcast %mul3A_774 : i32 to vector<16xi32>
      %mul3A_776 = arith.muli %mul3A_775, %get3A_227 : vector<16xi32>
      %sub3A_777 = arith.subi %min3A_773, %mul3A_776 : vector<16xi32>
      %shift_right_arithmetic3A_778 = arith.constant 1 : i32
      %shift_right_arithmetic3A_779 = vector.broadcast %shift_right_arithmetic3A_778 : i32 to vector<16xi32>
      %shift_right_arithmetic3A_780 = arith.shrsi %sub3A_777, %shift_right_arithmetic3A_779 : vector<16xi32>
      %mul3A_781 = arith.constant 32 : i32
      %mul3A_782 = vector.broadcast %mul3A_781 : i32 to vector<16xi32>
      %mul3A_783 = arith.muli %shift_right_arithmetic3A_780, %mul3A_782 : vector<16xi32>
      %add3A_784 = arith.constant 0 : i32
      %add3A_785 = vector.broadcast %add3A_784 : i32 to vector<16xi32>
      %add3A_786 = arith.addi %mul3A_783, %add3A_785 : vector<16xi32>
      %add3A_787 = arith.addi %add3A_786, %iota3A : vector<16xi32>
      %and3A_788 = arith.constant 1 : i32
      %and3A_789 = vector.broadcast %and3A_788 : i32 to vector<16xi32>
      %and3A_790 = arith.andi %sub3A_777, %and3A_789 : vector<16xi32>
      %mul3A_791 = arith.constant 64 : i32
      %mul3A_792 = vector.broadcast %mul3A_791 : i32 to vector<16xi32>
      %mul3A_793 = arith.muli %and3A_790, %mul3A_792 : vector<16xi32>
      %add3A_794 = arith.addi %mul3A_793, %min3A_767 : vector<16xi32>
      %gather3A_795 = tpu.vector_load_idx %arg13[%add3A_787, %add3A_794] : memref<64x128xi32, #tpu.memory_space<vmem>>[vector<16xi32>, vector<16xi32>], vector<16xi32>,
      %jit3A_796 = arith.constant 60000 : i32
      %broadcast_in_dim3A_797 = vector.broadcast %jit3A_796 : i32 to vector<16xi32>
      %select_n3A_798 = arith.select %or3A_761, %broadcast_in_dim3A_797, %gather3A_795 : vector<16xi1>, vector<16xi32>
      %add3A_799 = arith.constant 483328 : i32
      %add3A_800 = vector.broadcast %add3A_799 : i32 to vector<16xi32>
      %add3A_801 = arith.addi %select_n3A_798, %add3A_800 : vector<16xi32>
      %swap3A_802 = arith.constant 2 : i32
      %swap3A_803 = arith.index_cast %swap3A_802 : i32 to index
      %swap3A_804 = arith.constant 64 : index
      %swap3A_805 = tpu.vector_load %arg15[%swap3A_803, %swap3A_804] {strides = array<i32>} : memref<3x96xi32, #tpu.memory_space<vmem>>, vector<16xi32>,
      tpu.vector_store %arg15[%swap3A_803, %swap3A_804], %add3A_801 {strides = array<i32>} : memref<3x96xi32, #tpu.memory_space<vmem>>, vector<16xi32>,
      %get3A_806 = arith.constant 48 : index
      %get3A_807 = tpu.vector_load %arg7[%get3A_806] {strides = array<i32>} : memref<96xi32, #tpu.memory_space<vmem>>, vector<16xi32>,
      %get3A_808 = arith.constant 80 : index
      %get3A_809 = tpu.vector_load %arg7[%get3A_808] {strides = array<i32>} : memref<96xi32, #tpu.memory_space<vmem>>, vector<16xi32>,
      %get3A_810 = arith.constant 16 : index
      %get3A_811 = tpu.vector_load %arg9[%get3A_810] {strides = array<i32>} : memref<32xi32, #tpu.memory_space<vmem>>, vector<16xi32>,
      %iota3A_812 = tpu.iota {dimensions = array<i32: 0>} : vector<16xi32>
      %add3A_813 = arith.constant -1 : i32
      %add3A_814 = vector.broadcast %add3A_813 : i32 to vector<16xi32>
      %add3A_815 = arith.addi %get3A_809, %add3A_814 : vector<16xi32>
      %add3A_816 = arith.constant -1 : i32
      %add3A_817 = vector.broadcast %add3A_816 : i32 to vector<16xi32>
      %add3A_818 = arith.addi %get3A_807, %add3A_817 : vector<16xi32>
      %lt3A_819 = arith.constant 0 : i32
      %lt3A_820 = vector.broadcast %lt3A_819 : i32 to vector<16xi32>
      %lt3A_821 = arith.cmpi slt, %add3A_815, %lt3A_820 : vector<16xi32>
      %ge3A_822 = arith.constant 64 : i32
      %ge3A_823 = vector.broadcast %ge3A_822 : i32 to vector<16xi32>
      %ge3A_824 = arith.cmpi sge, %add3A_815, %ge3A_823 : vector<16xi32>
      %or3A_825 = arith.ori %lt3A_821, %ge3A_824 : vector<16xi1>
      %lt3A_826 = arith.constant 0 : i32
      %lt3A_827 = vector.broadcast %lt3A_826 : i32 to vector<16xi32>
      %lt3A_828 = arith.cmpi slt, %add3A_818, %lt3A_827 : vector<16xi32>
      %or3A_829 = arith.ori %or3A_825, %lt3A_828 : vector<16xi1>
      %ge3A_830 = arith.constant 64 : i32
      %ge3A_831 = vector.broadcast %ge3A_830 : i32 to vector<16xi32>
      %ge3A_832 = arith.cmpi sge, %add3A_818, %ge3A_831 : vector<16xi32>
      %or3A_833 = arith.ori %or3A_829, %ge3A_832 : vector<16xi1>
      %jit3A_834 = arith.constant 0 : i32
      %jit3A_835 = arith.constant 63 : i32
      %max3A_836 = vector.broadcast %jit3A_834 : i32 to vector<16xi32>
      %max3A_837 = arith.maxsi %max3A_836, %add3A_818 : vector<16xi32>
      %min3A_838 = vector.broadcast %jit3A_835 : i32 to vector<16xi32>
      %min3A_839 = arith.minsi %min3A_838, %max3A_837 : vector<16xi32>
      %jit3A_840 = arith.constant 0 : i32
      %jit3A_841 = arith.constant 63 : i32
      %max3A_842 = vector.broadcast %jit3A_840 : i32 to vector<16xi32>
      %max3A_843 = arith.maxsi %max3A_842, %add3A_815 : vector<16xi32>
      %min3A_844 = vector.broadcast %jit3A_841 : i32 to vector<16xi32>
      %min3A_845 = arith.minsi %min3A_844, %max3A_843 : vector<16xi32>
      %mul3A_846 = arith.constant 2 : i32
      %mul3A_847 = vector.broadcast %mul3A_846 : i32 to vector<16xi32>
      %mul3A_848 = arith.muli %mul3A_847, %get3A_811 : vector<16xi32>
      %sub3A_849 = arith.subi %min3A_845, %mul3A_848 : vector<16xi32>
      %shift_right_arithmetic3A_850 = arith.constant 1 : i32
      %shift_right_arithmetic3A_851 = vector.broadcast %shift_right_arithmetic3A_850 : i32 to vector<16xi32>
      %shift_right_arithmetic3A_852 = arith.shrsi %sub3A_849, %shift_right_arithmetic3A_851 : vector<16xi32>
      %mul3A_853 = arith.constant 32 : i32
      %mul3A_854 = vector.broadcast %mul3A_853 : i32 to vector<16xi32>
      %mul3A_855 = arith.muli %shift_right_arithmetic3A_852, %mul3A_854 : vector<16xi32>
      %add3A_856 = arith.constant 16 : i32
      %add3A_857 = vector.broadcast %add3A_856 : i32 to vector<16xi32>
      %add3A_858 = arith.addi %mul3A_855, %add3A_857 : vector<16xi32>
      %add3A_859 = arith.addi %add3A_858, %iota3A_812 : vector<16xi32>
      %and3A_860 = arith.constant 1 : i32
      %and3A_861 = vector.broadcast %and3A_860 : i32 to vector<16xi32>
      %and3A_862 = arith.andi %sub3A_849, %and3A_861 : vector<16xi32>
      %mul3A_863 = arith.constant 64 : i32
      %mul3A_864 = vector.broadcast %mul3A_863 : i32 to vector<16xi32>
      %mul3A_865 = arith.muli %and3A_862, %mul3A_864 : vector<16xi32>
      %add3A_866 = arith.addi %mul3A_865, %min3A_839 : vector<16xi32>
      %gather3A_867 = tpu.vector_load_idx %arg13[%add3A_859, %add3A_866] : memref<64x128xi32, #tpu.memory_space<vmem>>[vector<16xi32>, vector<16xi32>], vector<16xi32>,
      %jit3A_868 = arith.constant 60000 : i32
      %broadcast_in_dim3A_869 = vector.broadcast %jit3A_868 : i32 to vector<16xi32>
      %select_n3A_870 = arith.select %or3A_833, %broadcast_in_dim3A_869, %gather3A_867 : vector<16xi1>, vector<16xi32>
      %add3A_871 = arith.constant 0 : i32
      %add3A_872 = vector.broadcast %add3A_871 : i32 to vector<16xi32>
      %add3A_873 = arith.addi %select_n3A_870, %add3A_872 : vector<16xi32>
      %swap3A_874 = arith.constant 0 : i32
      %swap3A_875 = arith.index_cast %swap3A_874 : i32 to index
      %swap3A_876 = arith.constant 16 : index
      %swap3A_877 = tpu.vector_load %arg15[%swap3A_875, %swap3A_876] {strides = array<i32>} : memref<3x96xi32, #tpu.memory_space<vmem>>, vector<16xi32>,
      tpu.vector_store %arg15[%swap3A_875, %swap3A_876], %add3A_873 {strides = array<i32>} : memref<3x96xi32, #tpu.memory_space<vmem>>, vector<16xi32>,
      %add3A_878 = arith.constant -1 : i32
      %add3A_879 = vector.broadcast %add3A_878 : i32 to vector<16xi32>
      %add3A_880 = arith.addi %get3A_809, %add3A_879 : vector<16xi32>
      %add3A_881 = arith.constant 0 : i32
      %add3A_882 = vector.broadcast %add3A_881 : i32 to vector<16xi32>
      %add3A_883 = arith.addi %get3A_807, %add3A_882 : vector<16xi32>
      %lt3A_884 = arith.constant 0 : i32
      %lt3A_885 = vector.broadcast %lt3A_884 : i32 to vector<16xi32>
      %lt3A_886 = arith.cmpi slt, %add3A_880, %lt3A_885 : vector<16xi32>
      %ge3A_887 = arith.constant 64 : i32
      %ge3A_888 = vector.broadcast %ge3A_887 : i32 to vector<16xi32>
      %ge3A_889 = arith.cmpi sge, %add3A_880, %ge3A_888 : vector<16xi32>
      %or3A_890 = arith.ori %lt3A_886, %ge3A_889 : vector<16xi1>
      %lt3A_891 = arith.constant 0 : i32
      %lt3A_892 = vector.broadcast %lt3A_891 : i32 to vector<16xi32>
      %lt3A_893 = arith.cmpi slt, %add3A_883, %lt3A_892 : vector<16xi32>
      %or3A_894 = arith.ori %or3A_890, %lt3A_893 : vector<16xi1>
      %ge3A_895 = arith.constant 64 : i32
      %ge3A_896 = vector.broadcast %ge3A_895 : i32 to vector<16xi32>
      %ge3A_897 = arith.cmpi sge, %add3A_883, %ge3A_896 : vector<16xi32>
      %or3A_898 = arith.ori %or3A_894, %ge3A_897 : vector<16xi1>
      %jit3A_899 = arith.constant 0 : i32
      %jit3A_900 = arith.constant 63 : i32
      %max3A_901 = vector.broadcast %jit3A_899 : i32 to vector<16xi32>
      %max3A_902 = arith.maxsi %max3A_901, %add3A_883 : vector<16xi32>
      %min3A_903 = vector.broadcast %jit3A_900 : i32 to vector<16xi32>
      %min3A_904 = arith.minsi %min3A_903, %max3A_902 : vector<16xi32>
      %jit3A_905 = arith.constant 0 : i32
      %jit3A_906 = arith.constant 63 : i32
      %max3A_907 = vector.broadcast %jit3A_905 : i32 to vector<16xi32>
      %max3A_908 = arith.maxsi %max3A_907, %add3A_880 : vector<16xi32>
      %min3A_909 = vector.broadcast %jit3A_906 : i32 to vector<16xi32>
      %min3A_910 = arith.minsi %min3A_909, %max3A_908 : vector<16xi32>
      %mul3A_911 = arith.constant 2 : i32
      %mul3A_912 = vector.broadcast %mul3A_911 : i32 to vector<16xi32>
      %mul3A_913 = arith.muli %mul3A_912, %get3A_811 : vector<16xi32>
      %sub3A_914 = arith.subi %min3A_910, %mul3A_913 : vector<16xi32>
      %shift_right_arithmetic3A_915 = arith.constant 1 : i32
      %shift_right_arithmetic3A_916 = vector.broadcast %shift_right_arithmetic3A_915 : i32 to vector<16xi32>
      %shift_right_arithmetic3A_917 = arith.shrsi %sub3A_914, %shift_right_arithmetic3A_916 : vector<16xi32>
      %mul3A_918 = arith.constant 32 : i32
      %mul3A_919 = vector.broadcast %mul3A_918 : i32 to vector<16xi32>
      %mul3A_920 = arith.muli %shift_right_arithmetic3A_917, %mul3A_919 : vector<16xi32>
      %add3A_921 = arith.constant 16 : i32
      %add3A_922 = vector.broadcast %add3A_921 : i32 to vector<16xi32>
      %add3A_923 = arith.addi %mul3A_920, %add3A_922 : vector<16xi32>
      %add3A_924 = arith.addi %add3A_923, %iota3A_812 : vector<16xi32>
      %and3A_925 = arith.constant 1 : i32
      %and3A_926 = vector.broadcast %and3A_925 : i32 to vector<16xi32>
      %and3A_927 = arith.andi %sub3A_914, %and3A_926 : vector<16xi32>
      %mul3A_928 = arith.constant 64 : i32
      %mul3A_929 = vector.broadcast %mul3A_928 : i32 to vector<16xi32>
      %mul3A_930 = arith.muli %and3A_927, %mul3A_929 : vector<16xi32>
      %add3A_931 = arith.addi %mul3A_930, %min3A_904 : vector<16xi32>
      %gather3A_932 = tpu.vector_load_idx %arg13[%add3A_924, %add3A_931] : memref<64x128xi32, #tpu.memory_space<vmem>>[vector<16xi32>, vector<16xi32>], vector<16xi32>,
      %jit3A_933 = arith.constant 60000 : i32
      %broadcast_in_dim3A_934 = vector.broadcast %jit3A_933 : i32 to vector<16xi32>
      %select_n3A_935 = arith.select %or3A_898, %broadcast_in_dim3A_934, %gather3A_932 : vector<16xi1>, vector<16xi32>
      %add3A_936 = arith.constant 60416 : i32
      %add3A_937 = vector.broadcast %add3A_936 : i32 to vector<16xi32>
      %add3A_938 = arith.addi %select_n3A_935, %add3A_937 : vector<16xi32>
      %swap3A_939 = arith.constant 0 : i32
      %swap3A_940 = arith.index_cast %swap3A_939 : i32 to index
      %swap3A_941 = arith.constant 48 : index
      %swap3A_942 = tpu.vector_load %arg15[%swap3A_940, %swap3A_941] {strides = array<i32>} : memref<3x96xi32, #tpu.memory_space<vmem>>, vector<16xi32>,
      tpu.vector_store %arg15[%swap3A_940, %swap3A_941], %add3A_938 {strides = array<i32>} : memref<3x96xi32, #tpu.memory_space<vmem>>, vector<16xi32>,
      %add3A_943 = arith.constant -1 : i32
      %add3A_944 = vector.broadcast %add3A_943 : i32 to vector<16xi32>
      %add3A_945 = arith.addi %get3A_809, %add3A_944 : vector<16xi32>
      %add3A_946 = arith.constant 1 : i32
      %add3A_947 = vector.broadcast %add3A_946 : i32 to vector<16xi32>
      %add3A_948 = arith.addi %get3A_807, %add3A_947 : vector<16xi32>
      %lt3A_949 = arith.constant 0 : i32
      %lt3A_950 = vector.broadcast %lt3A_949 : i32 to vector<16xi32>
      %lt3A_951 = arith.cmpi slt, %add3A_945, %lt3A_950 : vector<16xi32>
      %ge3A_952 = arith.constant 64 : i32
      %ge3A_953 = vector.broadcast %ge3A_952 : i32 to vector<16xi32>
      %ge3A_954 = arith.cmpi sge, %add3A_945, %ge3A_953 : vector<16xi32>
      %or3A_955 = arith.ori %lt3A_951, %ge3A_954 : vector<16xi1>
      %lt3A_956 = arith.constant 0 : i32
      %lt3A_957 = vector.broadcast %lt3A_956 : i32 to vector<16xi32>
      %lt3A_958 = arith.cmpi slt, %add3A_948, %lt3A_957 : vector<16xi32>
      %or3A_959 = arith.ori %or3A_955, %lt3A_958 : vector<16xi1>
      %ge3A_960 = arith.constant 64 : i32
      %ge3A_961 = vector.broadcast %ge3A_960 : i32 to vector<16xi32>
      %ge3A_962 = arith.cmpi sge, %add3A_948, %ge3A_961 : vector<16xi32>
      %or3A_963 = arith.ori %or3A_959, %ge3A_962 : vector<16xi1>
      %jit3A_964 = arith.constant 0 : i32
      %jit3A_965 = arith.constant 63 : i32
      %max3A_966 = vector.broadcast %jit3A_964 : i32 to vector<16xi32>
      %max3A_967 = arith.maxsi %max3A_966, %add3A_948 : vector<16xi32>
      %min3A_968 = vector.broadcast %jit3A_965 : i32 to vector<16xi32>
      %min3A_969 = arith.minsi %min3A_968, %max3A_967 : vector<16xi32>
      %jit3A_970 = arith.constant 0 : i32
      %jit3A_971 = arith.constant 63 : i32
      %max3A_972 = vector.broadcast %jit3A_970 : i32 to vector<16xi32>
      %max3A_973 = arith.maxsi %max3A_972, %add3A_945 : vector<16xi32>
      %min3A_974 = vector.broadcast %jit3A_971 : i32 to vector<16xi32>
      %min3A_975 = arith.minsi %min3A_974, %max3A_973 : vector<16xi32>
      %mul3A_976 = arith.constant 2 : i32
      %mul3A_977 = vector.broadcast %mul3A_976 : i32 to vector<16xi32>
      %mul3A_978 = arith.muli %mul3A_977, %get3A_811 : vector<16xi32>
      %sub3A_979 = arith.subi %min3A_975, %mul3A_978 : vector<16xi32>
      %shift_right_arithmetic3A_980 = arith.constant 1 : i32
      %shift_right_arithmetic3A_981 = vector.broadcast %shift_right_arithmetic3A_980 : i32 to vector<16xi32>
      %shift_right_arithmetic3A_982 = arith.shrsi %sub3A_979, %shift_right_arithmetic3A_981 : vector<16xi32>
      %mul3A_983 = arith.constant 32 : i32
      %mul3A_984 = vector.broadcast %mul3A_983 : i32 to vector<16xi32>
      %mul3A_985 = arith.muli %shift_right_arithmetic3A_982, %mul3A_984 : vector<16xi32>
      %add3A_986 = arith.constant 16 : i32
      %add3A_987 = vector.broadcast %add3A_986 : i32 to vector<16xi32>
      %add3A_988 = arith.addi %mul3A_985, %add3A_987 : vector<16xi32>
      %add3A_989 = arith.addi %add3A_988, %iota3A_812 : vector<16xi32>
      %and3A_990 = arith.constant 1 : i32
      %and3A_991 = vector.broadcast %and3A_990 : i32 to vector<16xi32>
      %and3A_992 = arith.andi %sub3A_979, %and3A_991 : vector<16xi32>
      %mul3A_993 = arith.constant 64 : i32
      %mul3A_994 = vector.broadcast %mul3A_993 : i32 to vector<16xi32>
      %mul3A_995 = arith.muli %and3A_992, %mul3A_994 : vector<16xi32>
      %add3A_996 = arith.addi %mul3A_995, %min3A_969 : vector<16xi32>
      %gather3A_997 = tpu.vector_load_idx %arg13[%add3A_989, %add3A_996] : memref<64x128xi32, #tpu.memory_space<vmem>>[vector<16xi32>, vector<16xi32>], vector<16xi32>,
      %jit3A_998 = arith.constant 60000 : i32
      %broadcast_in_dim3A_999 = vector.broadcast %jit3A_998 : i32 to vector<16xi32>
      %select_n3A_1000 = arith.select %or3A_963, %broadcast_in_dim3A_999, %gather3A_997 : vector<16xi1>, vector<16xi32>
      %add3A_1001 = arith.constant 120832 : i32
      %add3A_1002 = vector.broadcast %add3A_1001 : i32 to vector<16xi32>
      %add3A_1003 = arith.addi %select_n3A_1000, %add3A_1002 : vector<16xi32>
      %swap3A_1004 = arith.constant 0 : i32
      %swap3A_1005 = arith.index_cast %swap3A_1004 : i32 to index
      %swap3A_1006 = arith.constant 80 : index
      %swap3A_1007 = tpu.vector_load %arg15[%swap3A_1005, %swap3A_1006] {strides = array<i32>} : memref<3x96xi32, #tpu.memory_space<vmem>>, vector<16xi32>,
      tpu.vector_store %arg15[%swap3A_1005, %swap3A_1006], %add3A_1003 {strides = array<i32>} : memref<3x96xi32, #tpu.memory_space<vmem>>, vector<16xi32>,
      %add3A_1008 = arith.constant 0 : i32
      %add3A_1009 = vector.broadcast %add3A_1008 : i32 to vector<16xi32>
      %add3A_1010 = arith.addi %get3A_809, %add3A_1009 : vector<16xi32>
      %add3A_1011 = arith.constant -1 : i32
      %add3A_1012 = vector.broadcast %add3A_1011 : i32 to vector<16xi32>
      %add3A_1013 = arith.addi %get3A_807, %add3A_1012 : vector<16xi32>
      %lt3A_1014 = arith.constant 0 : i32
      %lt3A_1015 = vector.broadcast %lt3A_1014 : i32 to vector<16xi32>
      %lt3A_1016 = arith.cmpi slt, %add3A_1010, %lt3A_1015 : vector<16xi32>
      %ge3A_1017 = arith.constant 64 : i32
      %ge3A_1018 = vector.broadcast %ge3A_1017 : i32 to vector<16xi32>
      %ge3A_1019 = arith.cmpi sge, %add3A_1010, %ge3A_1018 : vector<16xi32>
      %or3A_1020 = arith.ori %lt3A_1016, %ge3A_1019 : vector<16xi1>
      %lt3A_1021 = arith.constant 0 : i32
      %lt3A_1022 = vector.broadcast %lt3A_1021 : i32 to vector<16xi32>
      %lt3A_1023 = arith.cmpi slt, %add3A_1013, %lt3A_1022 : vector<16xi32>
      %or3A_1024 = arith.ori %or3A_1020, %lt3A_1023 : vector<16xi1>
      %ge3A_1025 = arith.constant 64 : i32
      %ge3A_1026 = vector.broadcast %ge3A_1025 : i32 to vector<16xi32>
      %ge3A_1027 = arith.cmpi sge, %add3A_1013, %ge3A_1026 : vector<16xi32>
      %or3A_1028 = arith.ori %or3A_1024, %ge3A_1027 : vector<16xi1>
      %jit3A_1029 = arith.constant 0 : i32
      %jit3A_1030 = arith.constant 63 : i32
      %max3A_1031 = vector.broadcast %jit3A_1029 : i32 to vector<16xi32>
      %max3A_1032 = arith.maxsi %max3A_1031, %add3A_1013 : vector<16xi32>
      %min3A_1033 = vector.broadcast %jit3A_1030 : i32 to vector<16xi32>
      %min3A_1034 = arith.minsi %min3A_1033, %max3A_1032 : vector<16xi32>
      %jit3A_1035 = arith.constant 0 : i32
      %jit3A_1036 = arith.constant 63 : i32
      %max3A_1037 = vector.broadcast %jit3A_1035 : i32 to vector<16xi32>
      %max3A_1038 = arith.maxsi %max3A_1037, %add3A_1010 : vector<16xi32>
      %min3A_1039 = vector.broadcast %jit3A_1036 : i32 to vector<16xi32>
      %min3A_1040 = arith.minsi %min3A_1039, %max3A_1038 : vector<16xi32>
      %mul3A_1041 = arith.constant 2 : i32
      %mul3A_1042 = vector.broadcast %mul3A_1041 : i32 to vector<16xi32>
      %mul3A_1043 = arith.muli %mul3A_1042, %get3A_811 : vector<16xi32>
      %sub3A_1044 = arith.subi %min3A_1040, %mul3A_1043 : vector<16xi32>
      %shift_right_arithmetic3A_1045 = arith.constant 1 : i32
      %shift_right_arithmetic3A_1046 = vector.broadcast %shift_right_arithmetic3A_1045 : i32 to vector<16xi32>
      %shift_right_arithmetic3A_1047 = arith.shrsi %sub3A_1044, %shift_right_arithmetic3A_1046 : vector<16xi32>
      %mul3A_1048 = arith.constant 32 : i32
      %mul3A_1049 = vector.broadcast %mul3A_1048 : i32 to vector<16xi32>
      %mul3A_1050 = arith.muli %shift_right_arithmetic3A_1047, %mul3A_1049 : vector<16xi32>
      %add3A_1051 = arith.constant 16 : i32
      %add3A_1052 = vector.broadcast %add3A_1051 : i32 to vector<16xi32>
      %add3A_1053 = arith.addi %mul3A_1050, %add3A_1052 : vector<16xi32>
      %add3A_1054 = arith.addi %add3A_1053, %iota3A_812 : vector<16xi32>
      %and3A_1055 = arith.constant 1 : i32
      %and3A_1056 = vector.broadcast %and3A_1055 : i32 to vector<16xi32>
      %and3A_1057 = arith.andi %sub3A_1044, %and3A_1056 : vector<16xi32>
      %mul3A_1058 = arith.constant 64 : i32
      %mul3A_1059 = vector.broadcast %mul3A_1058 : i32 to vector<16xi32>
      %mul3A_1060 = arith.muli %and3A_1057, %mul3A_1059 : vector<16xi32>
      %add3A_1061 = arith.addi %mul3A_1060, %min3A_1034 : vector<16xi32>
      %gather3A_1062 = tpu.vector_load_idx %arg13[%add3A_1054, %add3A_1061] : memref<64x128xi32, #tpu.memory_space<vmem>>[vector<16xi32>, vector<16xi32>], vector<16xi32>,
      %jit3A_1063 = arith.constant 60000 : i32
      %broadcast_in_dim3A_1064 = vector.broadcast %jit3A_1063 : i32 to vector<16xi32>
      %select_n3A_1065 = arith.select %or3A_1028, %broadcast_in_dim3A_1064, %gather3A_1062 : vector<16xi1>, vector<16xi32>
      %add3A_1066 = arith.constant 181248 : i32
      %add3A_1067 = vector.broadcast %add3A_1066 : i32 to vector<16xi32>
      %add3A_1068 = arith.addi %select_n3A_1065, %add3A_1067 : vector<16xi32>
      %swap3A_1069 = arith.constant 1 : i32
      %swap3A_1070 = arith.index_cast %swap3A_1069 : i32 to index
      %swap3A_1071 = arith.constant 16 : index
      %swap3A_1072 = tpu.vector_load %arg15[%swap3A_1070, %swap3A_1071] {strides = array<i32>} : memref<3x96xi32, #tpu.memory_space<vmem>>, vector<16xi32>,
      tpu.vector_store %arg15[%swap3A_1070, %swap3A_1071], %add3A_1068 {strides = array<i32>} : memref<3x96xi32, #tpu.memory_space<vmem>>, vector<16xi32>,
      %add3A_1073 = arith.constant 0 : i32
      %add3A_1074 = vector.broadcast %add3A_1073 : i32 to vector<16xi32>
      %add3A_1075 = arith.addi %get3A_809, %add3A_1074 : vector<16xi32>
      %add3A_1076 = arith.constant 0 : i32
      %add3A_1077 = vector.broadcast %add3A_1076 : i32 to vector<16xi32>
      %add3A_1078 = arith.addi %get3A_807, %add3A_1077 : vector<16xi32>
      %lt3A_1079 = arith.constant 0 : i32
      %lt3A_1080 = vector.broadcast %lt3A_1079 : i32 to vector<16xi32>
      %lt3A_1081 = arith.cmpi slt, %add3A_1075, %lt3A_1080 : vector<16xi32>
      %ge3A_1082 = arith.constant 64 : i32
      %ge3A_1083 = vector.broadcast %ge3A_1082 : i32 to vector<16xi32>
      %ge3A_1084 = arith.cmpi sge, %add3A_1075, %ge3A_1083 : vector<16xi32>
      %or3A_1085 = arith.ori %lt3A_1081, %ge3A_1084 : vector<16xi1>
      %lt3A_1086 = arith.constant 0 : i32
      %lt3A_1087 = vector.broadcast %lt3A_1086 : i32 to vector<16xi32>
      %lt3A_1088 = arith.cmpi slt, %add3A_1078, %lt3A_1087 : vector<16xi32>
      %or3A_1089 = arith.ori %or3A_1085, %lt3A_1088 : vector<16xi1>
      %ge3A_1090 = arith.constant 64 : i32
      %ge3A_1091 = vector.broadcast %ge3A_1090 : i32 to vector<16xi32>
      %ge3A_1092 = arith.cmpi sge, %add3A_1078, %ge3A_1091 : vector<16xi32>
      %or3A_1093 = arith.ori %or3A_1089, %ge3A_1092 : vector<16xi1>
      %jit3A_1094 = arith.constant 0 : i32
      %jit3A_1095 = arith.constant 63 : i32
      %max3A_1096 = vector.broadcast %jit3A_1094 : i32 to vector<16xi32>
      %max3A_1097 = arith.maxsi %max3A_1096, %add3A_1078 : vector<16xi32>
      %min3A_1098 = vector.broadcast %jit3A_1095 : i32 to vector<16xi32>
      %min3A_1099 = arith.minsi %min3A_1098, %max3A_1097 : vector<16xi32>
      %jit3A_1100 = arith.constant 0 : i32
      %jit3A_1101 = arith.constant 63 : i32
      %max3A_1102 = vector.broadcast %jit3A_1100 : i32 to vector<16xi32>
      %max3A_1103 = arith.maxsi %max3A_1102, %add3A_1075 : vector<16xi32>
      %min3A_1104 = vector.broadcast %jit3A_1101 : i32 to vector<16xi32>
      %min3A_1105 = arith.minsi %min3A_1104, %max3A_1103 : vector<16xi32>
      %mul3A_1106 = arith.constant 2 : i32
      %mul3A_1107 = vector.broadcast %mul3A_1106 : i32 to vector<16xi32>
      %mul3A_1108 = arith.muli %mul3A_1107, %get3A_811 : vector<16xi32>
      %sub3A_1109 = arith.subi %min3A_1105, %mul3A_1108 : vector<16xi32>
      %shift_right_arithmetic3A_1110 = arith.constant 1 : i32
      %shift_right_arithmetic3A_1111 = vector.broadcast %shift_right_arithmetic3A_1110 : i32 to vector<16xi32>
      %shift_right_arithmetic3A_1112 = arith.shrsi %sub3A_1109, %shift_right_arithmetic3A_1111 : vector<16xi32>
      %mul3A_1113 = arith.constant 32 : i32
      %mul3A_1114 = vector.broadcast %mul3A_1113 : i32 to vector<16xi32>
      %mul3A_1115 = arith.muli %shift_right_arithmetic3A_1112, %mul3A_1114 : vector<16xi32>
      %add3A_1116 = arith.constant 16 : i32
      %add3A_1117 = vector.broadcast %add3A_1116 : i32 to vector<16xi32>
      %add3A_1118 = arith.addi %mul3A_1115, %add3A_1117 : vector<16xi32>
      %add3A_1119 = arith.addi %add3A_1118, %iota3A_812 : vector<16xi32>
      %and3A_1120 = arith.constant 1 : i32
      %and3A_1121 = vector.broadcast %and3A_1120 : i32 to vector<16xi32>
      %and3A_1122 = arith.andi %sub3A_1109, %and3A_1121 : vector<16xi32>
      %mul3A_1123 = arith.constant 64 : i32
      %mul3A_1124 = vector.broadcast %mul3A_1123 : i32 to vector<16xi32>
      %mul3A_1125 = arith.muli %and3A_1122, %mul3A_1124 : vector<16xi32>
      %add3A_1126 = arith.addi %mul3A_1125, %min3A_1099 : vector<16xi32>
      %gather3A_1127 = tpu.vector_load_idx %arg13[%add3A_1119, %add3A_1126] : memref<64x128xi32, #tpu.memory_space<vmem>>[vector<16xi32>, vector<16xi32>], vector<16xi32>,
      %jit3A_1128 = arith.constant 60000 : i32
      %broadcast_in_dim3A_1129 = vector.broadcast %jit3A_1128 : i32 to vector<16xi32>
      %select_n3A_1130 = arith.select %or3A_1093, %broadcast_in_dim3A_1129, %gather3A_1127 : vector<16xi1>, vector<16xi32>
      %add3A_1131 = arith.constant 241664 : i32
      %add3A_1132 = vector.broadcast %add3A_1131 : i32 to vector<16xi32>
      %add3A_1133 = arith.addi %select_n3A_1130, %add3A_1132 : vector<16xi32>
      %swap3A_1134 = arith.constant 1 : i32
      %swap3A_1135 = arith.index_cast %swap3A_1134 : i32 to index
      %swap3A_1136 = arith.constant 48 : index
      %swap3A_1137 = tpu.vector_load %arg15[%swap3A_1135, %swap3A_1136] {strides = array<i32>} : memref<3x96xi32, #tpu.memory_space<vmem>>, vector<16xi32>,
      tpu.vector_store %arg15[%swap3A_1135, %swap3A_1136], %add3A_1133 {strides = array<i32>} : memref<3x96xi32, #tpu.memory_space<vmem>>, vector<16xi32>,
      %add3A_1138 = arith.constant 0 : i32
      %add3A_1139 = vector.broadcast %add3A_1138 : i32 to vector<16xi32>
      %add3A_1140 = arith.addi %get3A_809, %add3A_1139 : vector<16xi32>
      %add3A_1141 = arith.constant 1 : i32
      %add3A_1142 = vector.broadcast %add3A_1141 : i32 to vector<16xi32>
      %add3A_1143 = arith.addi %get3A_807, %add3A_1142 : vector<16xi32>
      %lt3A_1144 = arith.constant 0 : i32
      %lt3A_1145 = vector.broadcast %lt3A_1144 : i32 to vector<16xi32>
      %lt3A_1146 = arith.cmpi slt, %add3A_1140, %lt3A_1145 : vector<16xi32>
      %ge3A_1147 = arith.constant 64 : i32
      %ge3A_1148 = vector.broadcast %ge3A_1147 : i32 to vector<16xi32>
      %ge3A_1149 = arith.cmpi sge, %add3A_1140, %ge3A_1148 : vector<16xi32>
      %or3A_1150 = arith.ori %lt3A_1146, %ge3A_1149 : vector<16xi1>
      %lt3A_1151 = arith.constant 0 : i32
      %lt3A_1152 = vector.broadcast %lt3A_1151 : i32 to vector<16xi32>
      %lt3A_1153 = arith.cmpi slt, %add3A_1143, %lt3A_1152 : vector<16xi32>
      %or3A_1154 = arith.ori %or3A_1150, %lt3A_1153 : vector<16xi1>
      %ge3A_1155 = arith.constant 64 : i32
      %ge3A_1156 = vector.broadcast %ge3A_1155 : i32 to vector<16xi32>
      %ge3A_1157 = arith.cmpi sge, %add3A_1143, %ge3A_1156 : vector<16xi32>
      %or3A_1158 = arith.ori %or3A_1154, %ge3A_1157 : vector<16xi1>
      %jit3A_1159 = arith.constant 0 : i32
      %jit3A_1160 = arith.constant 63 : i32
      %max3A_1161 = vector.broadcast %jit3A_1159 : i32 to vector<16xi32>
      %max3A_1162 = arith.maxsi %max3A_1161, %add3A_1143 : vector<16xi32>
      %min3A_1163 = vector.broadcast %jit3A_1160 : i32 to vector<16xi32>
      %min3A_1164 = arith.minsi %min3A_1163, %max3A_1162 : vector<16xi32>
      %jit3A_1165 = arith.constant 0 : i32
      %jit3A_1166 = arith.constant 63 : i32
      %max3A_1167 = vector.broadcast %jit3A_1165 : i32 to vector<16xi32>
      %max3A_1168 = arith.maxsi %max3A_1167, %add3A_1140 : vector<16xi32>
      %min3A_1169 = vector.broadcast %jit3A_1166 : i32 to vector<16xi32>
      %min3A_1170 = arith.minsi %min3A_1169, %max3A_1168 : vector<16xi32>
      %mul3A_1171 = arith.constant 2 : i32
      %mul3A_1172 = vector.broadcast %mul3A_1171 : i32 to vector<16xi32>
      %mul3A_1173 = arith.muli %mul3A_1172, %get3A_811 : vector<16xi32>
      %sub3A_1174 = arith.subi %min3A_1170, %mul3A_1173 : vector<16xi32>
      %shift_right_arithmetic3A_1175 = arith.constant 1 : i32
      %shift_right_arithmetic3A_1176 = vector.broadcast %shift_right_arithmetic3A_1175 : i32 to vector<16xi32>
      %shift_right_arithmetic3A_1177 = arith.shrsi %sub3A_1174, %shift_right_arithmetic3A_1176 : vector<16xi32>
      %mul3A_1178 = arith.constant 32 : i32
      %mul3A_1179 = vector.broadcast %mul3A_1178 : i32 to vector<16xi32>
      %mul3A_1180 = arith.muli %shift_right_arithmetic3A_1177, %mul3A_1179 : vector<16xi32>
      %add3A_1181 = arith.constant 16 : i32
      %add3A_1182 = vector.broadcast %add3A_1181 : i32 to vector<16xi32>
      %add3A_1183 = arith.addi %mul3A_1180, %add3A_1182 : vector<16xi32>
      %add3A_1184 = arith.addi %add3A_1183, %iota3A_812 : vector<16xi32>
      %and3A_1185 = arith.constant 1 : i32
      %and3A_1186 = vector.broadcast %and3A_1185 : i32 to vector<16xi32>
      %and3A_1187 = arith.andi %sub3A_1174, %and3A_1186 : vector<16xi32>
      %mul3A_1188 = arith.constant 64 : i32
      %mul3A_1189 = vector.broadcast %mul3A_1188 : i32 to vector<16xi32>
      %mul3A_1190 = arith.muli %and3A_1187, %mul3A_1189 : vector<16xi32>
      %add3A_1191 = arith.addi %mul3A_1190, %min3A_1164 : vector<16xi32>
      %gather3A_1192 = tpu.vector_load_idx %arg13[%add3A_1184, %add3A_1191] : memref<64x128xi32, #tpu.memory_space<vmem>>[vector<16xi32>, vector<16xi32>], vector<16xi32>,
      %jit3A_1193 = arith.constant 60000 : i32
      %broadcast_in_dim3A_1194 = vector.broadcast %jit3A_1193 : i32 to vector<16xi32>
      %select_n3A_1195 = arith.select %or3A_1158, %broadcast_in_dim3A_1194, %gather3A_1192 : vector<16xi1>, vector<16xi32>
      %add3A_1196 = arith.constant 302080 : i32
      %add3A_1197 = vector.broadcast %add3A_1196 : i32 to vector<16xi32>
      %add3A_1198 = arith.addi %select_n3A_1195, %add3A_1197 : vector<16xi32>
      %swap3A_1199 = arith.constant 1 : i32
      %swap3A_1200 = arith.index_cast %swap3A_1199 : i32 to index
      %swap3A_1201 = arith.constant 80 : index
      %swap3A_1202 = tpu.vector_load %arg15[%swap3A_1200, %swap3A_1201] {strides = array<i32>} : memref<3x96xi32, #tpu.memory_space<vmem>>, vector<16xi32>,
      tpu.vector_store %arg15[%swap3A_1200, %swap3A_1201], %add3A_1198 {strides = array<i32>} : memref<3x96xi32, #tpu.memory_space<vmem>>, vector<16xi32>,
      %add3A_1203 = arith.constant 1 : i32
      %add3A_1204 = vector.broadcast %add3A_1203 : i32 to vector<16xi32>
      %add3A_1205 = arith.addi %get3A_809, %add3A_1204 : vector<16xi32>
      %add3A_1206 = arith.constant -1 : i32
      %add3A_1207 = vector.broadcast %add3A_1206 : i32 to vector<16xi32>
      %add3A_1208 = arith.addi %get3A_807, %add3A_1207 : vector<16xi32>
      %lt3A_1209 = arith.constant 0 : i32
      %lt3A_1210 = vector.broadcast %lt3A_1209 : i32 to vector<16xi32>
      %lt3A_1211 = arith.cmpi slt, %add3A_1205, %lt3A_1210 : vector<16xi32>
      %ge3A_1212 = arith.constant 64 : i32
      %ge3A_1213 = vector.broadcast %ge3A_1212 : i32 to vector<16xi32>
      %ge3A_1214 = arith.cmpi sge, %add3A_1205, %ge3A_1213 : vector<16xi32>
      %or3A_1215 = arith.ori %lt3A_1211, %ge3A_1214 : vector<16xi1>
      %lt3A_1216 = arith.constant 0 : i32
      %lt3A_1217 = vector.broadcast %lt3A_1216 : i32 to vector<16xi32>
      %lt3A_1218 = arith.cmpi slt, %add3A_1208, %lt3A_1217 : vector<16xi32>
      %or3A_1219 = arith.ori %or3A_1215, %lt3A_1218 : vector<16xi1>
      %ge3A_1220 = arith.constant 64 : i32
      %ge3A_1221 = vector.broadcast %ge3A_1220 : i32 to vector<16xi32>
      %ge3A_1222 = arith.cmpi sge, %add3A_1208, %ge3A_1221 : vector<16xi32>
      %or3A_1223 = arith.ori %or3A_1219, %ge3A_1222 : vector<16xi1>
      %jit3A_1224 = arith.constant 0 : i32
      %jit3A_1225 = arith.constant 63 : i32
      %max3A_1226 = vector.broadcast %jit3A_1224 : i32 to vector<16xi32>
      %max3A_1227 = arith.maxsi %max3A_1226, %add3A_1208 : vector<16xi32>
      %min3A_1228 = vector.broadcast %jit3A_1225 : i32 to vector<16xi32>
      %min3A_1229 = arith.minsi %min3A_1228, %max3A_1227 : vector<16xi32>
      %jit3A_1230 = arith.constant 0 : i32
      %jit3A_1231 = arith.constant 63 : i32
      %max3A_1232 = vector.broadcast %jit3A_1230 : i32 to vector<16xi32>
      %max3A_1233 = arith.maxsi %max3A_1232, %add3A_1205 : vector<16xi32>
      %min3A_1234 = vector.broadcast %jit3A_1231 : i32 to vector<16xi32>
      %min3A_1235 = arith.minsi %min3A_1234, %max3A_1233 : vector<16xi32>
      %mul3A_1236 = arith.constant 2 : i32
      %mul3A_1237 = vector.broadcast %mul3A_1236 : i32 to vector<16xi32>
      %mul3A_1238 = arith.muli %mul3A_1237, %get3A_811 : vector<16xi32>
      %sub3A_1239 = arith.subi %min3A_1235, %mul3A_1238 : vector<16xi32>
      %shift_right_arithmetic3A_1240 = arith.constant 1 : i32
      %shift_right_arithmetic3A_1241 = vector.broadcast %shift_right_arithmetic3A_1240 : i32 to vector<16xi32>
      %shift_right_arithmetic3A_1242 = arith.shrsi %sub3A_1239, %shift_right_arithmetic3A_1241 : vector<16xi32>
      %mul3A_1243 = arith.constant 32 : i32
      %mul3A_1244 = vector.broadcast %mul3A_1243 : i32 to vector<16xi32>
      %mul3A_1245 = arith.muli %shift_right_arithmetic3A_1242, %mul3A_1244 : vector<16xi32>
      %add3A_1246 = arith.constant 16 : i32
      %add3A_1247 = vector.broadcast %add3A_1246 : i32 to vector<16xi32>
      %add3A_1248 = arith.addi %mul3A_1245, %add3A_1247 : vector<16xi32>
      %add3A_1249 = arith.addi %add3A_1248, %iota3A_812 : vector<16xi32>
      %and3A_1250 = arith.constant 1 : i32
      %and3A_1251 = vector.broadcast %and3A_1250 : i32 to vector<16xi32>
      %and3A_1252 = arith.andi %sub3A_1239, %and3A_1251 : vector<16xi32>
      %mul3A_1253 = arith.constant 64 : i32
      %mul3A_1254 = vector.broadcast %mul3A_1253 : i32 to vector<16xi32>
      %mul3A_1255 = arith.muli %and3A_1252, %mul3A_1254 : vector<16xi32>
      %add3A_1256 = arith.addi %mul3A_1255, %min3A_1229 : vector<16xi32>
      %gather3A_1257 = tpu.vector_load_idx %arg13[%add3A_1249, %add3A_1256] : memref<64x128xi32, #tpu.memory_space<vmem>>[vector<16xi32>, vector<16xi32>], vector<16xi32>,
      %jit3A_1258 = arith.constant 60000 : i32
      %broadcast_in_dim3A_1259 = vector.broadcast %jit3A_1258 : i32 to vector<16xi32>
      %select_n3A_1260 = arith.select %or3A_1223, %broadcast_in_dim3A_1259, %gather3A_1257 : vector<16xi1>, vector<16xi32>
      %add3A_1261 = arith.constant 362496 : i32
      %add3A_1262 = vector.broadcast %add3A_1261 : i32 to vector<16xi32>
      %add3A_1263 = arith.addi %select_n3A_1260, %add3A_1262 : vector<16xi32>
      %swap3A_1264 = arith.constant 2 : i32
      %swap3A_1265 = arith.index_cast %swap3A_1264 : i32 to index
      %swap3A_1266 = arith.constant 16 : index
      %swap3A_1267 = tpu.vector_load %arg15[%swap3A_1265, %swap3A_1266] {strides = array<i32>} : memref<3x96xi32, #tpu.memory_space<vmem>>, vector<16xi32>,
      tpu.vector_store %arg15[%swap3A_1265, %swap3A_1266], %add3A_1263 {strides = array<i32>} : memref<3x96xi32, #tpu.memory_space<vmem>>, vector<16xi32>,
      %add3A_1268 = arith.constant 1 : i32
      %add3A_1269 = vector.broadcast %add3A_1268 : i32 to vector<16xi32>
      %add3A_1270 = arith.addi %get3A_809, %add3A_1269 : vector<16xi32>
      %add3A_1271 = arith.constant 0 : i32
      %add3A_1272 = vector.broadcast %add3A_1271 : i32 to vector<16xi32>
      %add3A_1273 = arith.addi %get3A_807, %add3A_1272 : vector<16xi32>
      %lt3A_1274 = arith.constant 0 : i32
      %lt3A_1275 = vector.broadcast %lt3A_1274 : i32 to vector<16xi32>
      %lt3A_1276 = arith.cmpi slt, %add3A_1270, %lt3A_1275 : vector<16xi32>
      %ge3A_1277 = arith.constant 64 : i32
      %ge3A_1278 = vector.broadcast %ge3A_1277 : i32 to vector<16xi32>
      %ge3A_1279 = arith.cmpi sge, %add3A_1270, %ge3A_1278 : vector<16xi32>
      %or3A_1280 = arith.ori %lt3A_1276, %ge3A_1279 : vector<16xi1>
      %lt3A_1281 = arith.constant 0 : i32
      %lt3A_1282 = vector.broadcast %lt3A_1281 : i32 to vector<16xi32>
      %lt3A_1283 = arith.cmpi slt, %add3A_1273, %lt3A_1282 : vector<16xi32>
      %or3A_1284 = arith.ori %or3A_1280, %lt3A_1283 : vector<16xi1>
      %ge3A_1285 = arith.constant 64 : i32
      %ge3A_1286 = vector.broadcast %ge3A_1285 : i32 to vector<16xi32>
      %ge3A_1287 = arith.cmpi sge, %add3A_1273, %ge3A_1286 : vector<16xi32>
      %or3A_1288 = arith.ori %or3A_1284, %ge3A_1287 : vector<16xi1>
      %jit3A_1289 = arith.constant 0 : i32
      %jit3A_1290 = arith.constant 63 : i32
      %max3A_1291 = vector.broadcast %jit3A_1289 : i32 to vector<16xi32>
      %max3A_1292 = arith.maxsi %max3A_1291, %add3A_1273 : vector<16xi32>
      %min3A_1293 = vector.broadcast %jit3A_1290 : i32 to vector<16xi32>
      %min3A_1294 = arith.minsi %min3A_1293, %max3A_1292 : vector<16xi32>
      %jit3A_1295 = arith.constant 0 : i32
      %jit3A_1296 = arith.constant 63 : i32
      %max3A_1297 = vector.broadcast %jit3A_1295 : i32 to vector<16xi32>
      %max3A_1298 = arith.maxsi %max3A_1297, %add3A_1270 : vector<16xi32>
      %min3A_1299 = vector.broadcast %jit3A_1296 : i32 to vector<16xi32>
      %min3A_1300 = arith.minsi %min3A_1299, %max3A_1298 : vector<16xi32>
      %mul3A_1301 = arith.constant 2 : i32
      %mul3A_1302 = vector.broadcast %mul3A_1301 : i32 to vector<16xi32>
      %mul3A_1303 = arith.muli %mul3A_1302, %get3A_811 : vector<16xi32>
      %sub3A_1304 = arith.subi %min3A_1300, %mul3A_1303 : vector<16xi32>
      %shift_right_arithmetic3A_1305 = arith.constant 1 : i32
      %shift_right_arithmetic3A_1306 = vector.broadcast %shift_right_arithmetic3A_1305 : i32 to vector<16xi32>
      %shift_right_arithmetic3A_1307 = arith.shrsi %sub3A_1304, %shift_right_arithmetic3A_1306 : vector<16xi32>
      %mul3A_1308 = arith.constant 32 : i32
      %mul3A_1309 = vector.broadcast %mul3A_1308 : i32 to vector<16xi32>
      %mul3A_1310 = arith.muli %shift_right_arithmetic3A_1307, %mul3A_1309 : vector<16xi32>
      %add3A_1311 = arith.constant 16 : i32
      %add3A_1312 = vector.broadcast %add3A_1311 : i32 to vector<16xi32>
      %add3A_1313 = arith.addi %mul3A_1310, %add3A_1312 : vector<16xi32>
      %add3A_1314 = arith.addi %add3A_1313, %iota3A_812 : vector<16xi32>
      %and3A_1315 = arith.constant 1 : i32
      %and3A_1316 = vector.broadcast %and3A_1315 : i32 to vector<16xi32>
      %and3A_1317 = arith.andi %sub3A_1304, %and3A_1316 : vector<16xi32>
      %mul3A_1318 = arith.constant 64 : i32
      %mul3A_1319 = vector.broadcast %mul3A_1318 : i32 to vector<16xi32>
      %mul3A_1320 = arith.muli %and3A_1317, %mul3A_1319 : vector<16xi32>
      %add3A_1321 = arith.addi %mul3A_1320, %min3A_1294 : vector<16xi32>
      %gather3A_1322 = tpu.vector_load_idx %arg13[%add3A_1314, %add3A_1321] : memref<64x128xi32, #tpu.memory_space<vmem>>[vector<16xi32>, vector<16xi32>], vector<16xi32>,
      %jit3A_1323 = arith.constant 60000 : i32
      %broadcast_in_dim3A_1324 = vector.broadcast %jit3A_1323 : i32 to vector<16xi32>
      %select_n3A_1325 = arith.select %or3A_1288, %broadcast_in_dim3A_1324, %gather3A_1322 : vector<16xi1>, vector<16xi32>
      %add3A_1326 = arith.constant 422912 : i32
      %add3A_1327 = vector.broadcast %add3A_1326 : i32 to vector<16xi32>
      %add3A_1328 = arith.addi %select_n3A_1325, %add3A_1327 : vector<16xi32>
      %swap3A_1329 = arith.constant 2 : i32
      %swap3A_1330 = arith.index_cast %swap3A_1329 : i32 to index
      %swap3A_1331 = arith.constant 48 : index
      %swap3A_1332 = tpu.vector_load %arg15[%swap3A_1330, %swap3A_1331] {strides = array<i32>} : memref<3x96xi32, #tpu.memory_space<vmem>>, vector<16xi32>,
      tpu.vector_store %arg15[%swap3A_1330, %swap3A_1331], %add3A_1328 {strides = array<i32>} : memref<3x96xi32, #tpu.memory_space<vmem>>, vector<16xi32>,
      %add3A_1333 = arith.constant 1 : i32
      %add3A_1334 = vector.broadcast %add3A_1333 : i32 to vector<16xi32>
      %add3A_1335 = arith.addi %get3A_809, %add3A_1334 : vector<16xi32>
      %add3A_1336 = arith.constant 1 : i32
      %add3A_1337 = vector.broadcast %add3A_1336 : i32 to vector<16xi32>
      %add3A_1338 = arith.addi %get3A_807, %add3A_1337 : vector<16xi32>
      %lt3A_1339 = arith.constant 0 : i32
      %lt3A_1340 = vector.broadcast %lt3A_1339 : i32 to vector<16xi32>
      %lt3A_1341 = arith.cmpi slt, %add3A_1335, %lt3A_1340 : vector<16xi32>
      %ge3A_1342 = arith.constant 64 : i32
      %ge3A_1343 = vector.broadcast %ge3A_1342 : i32 to vector<16xi32>
      %ge3A_1344 = arith.cmpi sge, %add3A_1335, %ge3A_1343 : vector<16xi32>
      %or3A_1345 = arith.ori %lt3A_1341, %ge3A_1344 : vector<16xi1>
      %lt3A_1346 = arith.constant 0 : i32
      %lt3A_1347 = vector.broadcast %lt3A_1346 : i32 to vector<16xi32>
      %lt3A_1348 = arith.cmpi slt, %add3A_1338, %lt3A_1347 : vector<16xi32>
      %or3A_1349 = arith.ori %or3A_1345, %lt3A_1348 : vector<16xi1>
      %ge3A_1350 = arith.constant 64 : i32
      %ge3A_1351 = vector.broadcast %ge3A_1350 : i32 to vector<16xi32>
      %ge3A_1352 = arith.cmpi sge, %add3A_1338, %ge3A_1351 : vector<16xi32>
      %or3A_1353 = arith.ori %or3A_1349, %ge3A_1352 : vector<16xi1>
      %jit3A_1354 = arith.constant 0 : i32
      %jit3A_1355 = arith.constant 63 : i32
      %max3A_1356 = vector.broadcast %jit3A_1354 : i32 to vector<16xi32>
      %max3A_1357 = arith.maxsi %max3A_1356, %add3A_1338 : vector<16xi32>
      %min3A_1358 = vector.broadcast %jit3A_1355 : i32 to vector<16xi32>
      %min3A_1359 = arith.minsi %min3A_1358, %max3A_1357 : vector<16xi32>
      %jit3A_1360 = arith.constant 0 : i32
      %jit3A_1361 = arith.constant 63 : i32
      %max3A_1362 = vector.broadcast %jit3A_1360 : i32 to vector<16xi32>
      %max3A_1363 = arith.maxsi %max3A_1362, %add3A_1335 : vector<16xi32>
      %min3A_1364 = vector.broadcast %jit3A_1361 : i32 to vector<16xi32>
      %min3A_1365 = arith.minsi %min3A_1364, %max3A_1363 : vector<16xi32>
      %mul3A_1366 = arith.constant 2 : i32
      %mul3A_1367 = vector.broadcast %mul3A_1366 : i32 to vector<16xi32>
      %mul3A_1368 = arith.muli %mul3A_1367, %get3A_811 : vector<16xi32>
      %sub3A_1369 = arith.subi %min3A_1365, %mul3A_1368 : vector<16xi32>
      %shift_right_arithmetic3A_1370 = arith.constant 1 : i32
      %shift_right_arithmetic3A_1371 = vector.broadcast %shift_right_arithmetic3A_1370 : i32 to vector<16xi32>
      %shift_right_arithmetic3A_1372 = arith.shrsi %sub3A_1369, %shift_right_arithmetic3A_1371 : vector<16xi32>
      %mul3A_1373 = arith.constant 32 : i32
      %mul3A_1374 = vector.broadcast %mul3A_1373 : i32 to vector<16xi32>
      %mul3A_1375 = arith.muli %shift_right_arithmetic3A_1372, %mul3A_1374 : vector<16xi32>
      %add3A_1376 = arith.constant 16 : i32
      %add3A_1377 = vector.broadcast %add3A_1376 : i32 to vector<16xi32>
      %add3A_1378 = arith.addi %mul3A_1375, %add3A_1377 : vector<16xi32>
      %add3A_1379 = arith.addi %add3A_1378, %iota3A_812 : vector<16xi32>
      %and3A_1380 = arith.constant 1 : i32
      %and3A_1381 = vector.broadcast %and3A_1380 : i32 to vector<16xi32>
      %and3A_1382 = arith.andi %sub3A_1369, %and3A_1381 : vector<16xi32>
      %mul3A_1383 = arith.constant 64 : i32
      %mul3A_1384 = vector.broadcast %mul3A_1383 : i32 to vector<16xi32>
      %mul3A_1385 = arith.muli %and3A_1382, %mul3A_1384 : vector<16xi32>
      %add3A_1386 = arith.addi %mul3A_1385, %min3A_1359 : vector<16xi32>
      %gather3A_1387 = tpu.vector_load_idx %arg13[%add3A_1379, %add3A_1386] : memref<64x128xi32, #tpu.memory_space<vmem>>[vector<16xi32>, vector<16xi32>], vector<16xi32>,
      %jit3A_1388 = arith.constant 60000 : i32
      %broadcast_in_dim3A_1389 = vector.broadcast %jit3A_1388 : i32 to vector<16xi32>
      %select_n3A_1390 = arith.select %or3A_1353, %broadcast_in_dim3A_1389, %gather3A_1387 : vector<16xi1>, vector<16xi32>
      %add3A_1391 = arith.constant 483328 : i32
      %add3A_1392 = vector.broadcast %add3A_1391 : i32 to vector<16xi32>
      %add3A_1393 = arith.addi %select_n3A_1390, %add3A_1392 : vector<16xi32>
      %swap3A_1394 = arith.constant 2 : i32
      %swap3A_1395 = arith.index_cast %swap3A_1394 : i32 to index
      %swap3A_1396 = arith.constant 80 : index
      %swap3A_1397 = tpu.vector_load %arg15[%swap3A_1395, %swap3A_1396] {strides = array<i32>} : memref<3x96xi32, #tpu.memory_space<vmem>>, vector<16xi32>,
      tpu.vector_store %arg15[%swap3A_1395, %swap3A_1396], %add3A_1393 {strides = array<i32>} : memref<3x96xi32, #tpu.memory_space<vmem>>, vector<16xi32>,
      %dma_start3A_1398 = arith.constant 0 : i32
      %dma_start3A_1399 = arith.constant 0 : i32
      %dma_start3A_1400 = arith.constant 0 : i32
      %dma_start3A_1401 = tpu.memref_slice %arg17[%dma_start3A_1399, %dma_start3A_1400] : memref<288x128xf32, #tpu.memory_space<vmem>> -> memref<96x128xf32, #tpu.memory_space<vmem>>
      %dma_start3A_1402 = arith.constant 0 : i32
      %dma_start3A_1403 = tpu.memref_slice %arg15[%dma_start3A_1398, %dma_start3A_1402] : memref<3x96xi32, #tpu.memory_space<vmem>> -> memref<1x96xi32, #tpu.memory_space<vmem>>
      %dma_start3A_1404 = tpu.memref_squeeze %dma_start3A_1403 : memref<1x96xi32, #tpu.memory_space<vmem>> -> memref<96xi32, #tpu.memory_space<vmem>>
      %dma_start3A_1405 = arith.constant 0 : i32
      %dma_start3A_1406 = arith.constant 0 : i32
      %dma_start3A_1407 = tpu.memref_slice %arg4[%dma_start3A_1405, %dma_start3A_1406] : memref<543744x128xf32, #tpu.memory_space<hbm>> -> memref<543744x128xf32, #tpu.memory_space<hbm>>
      tpu.enqueue_indirect_dma source(%dma_start3A_1407 : memref<543744x128xf32, #tpu.memory_space<hbm>>) target(%dma_start3A_1401 : memref<96x128xf32, #tpu.memory_space<vmem>>) offsets(%dma_start3A_1404 : memref<96xi32, #tpu.memory_space<vmem>>) semaphore(%arg24 : memref<!tpu.dma_semaphore, #tpu.memory_space<semaphore_mem>>)
      %dma_start3A_1408 = arith.constant 1 : i32
      %dma_start3A_1409 = arith.constant 96 : i32
      %dma_start3A_1410 = arith.constant 0 : i32
      %dma_start3A_1411 = tpu.memref_slice %arg17[%dma_start3A_1409, %dma_start3A_1410] : memref<288x128xf32, #tpu.memory_space<vmem>> -> memref<96x128xf32, #tpu.memory_space<vmem>>
      %dma_start3A_1412 = arith.constant 0 : i32
      %dma_start3A_1413 = tpu.memref_slice %arg15[%dma_start3A_1408, %dma_start3A_1412] : memref<3x96xi32, #tpu.memory_space<vmem>> -> memref<1x96xi32, #tpu.memory_space<vmem>>
      %dma_start3A_1414 = tpu.memref_squeeze %dma_start3A_1413 : memref<1x96xi32, #tpu.memory_space<vmem>> -> memref<96xi32, #tpu.memory_space<vmem>>
      %dma_start3A_1415 = arith.constant 0 : i32
      %dma_start3A_1416 = arith.constant 0 : i32
      %dma_start3A_1417 = tpu.memref_slice %arg4[%dma_start3A_1415, %dma_start3A_1416] : memref<543744x128xf32, #tpu.memory_space<hbm>> -> memref<543744x128xf32, #tpu.memory_space<hbm>>
      tpu.enqueue_indirect_dma source(%dma_start3A_1417 : memref<543744x128xf32, #tpu.memory_space<hbm>>) target(%dma_start3A_1411 : memref<96x128xf32, #tpu.memory_space<vmem>>) offsets(%dma_start3A_1414 : memref<96xi32, #tpu.memory_space<vmem>>) semaphore(%arg24 : memref<!tpu.dma_semaphore, #tpu.memory_space<semaphore_mem>>)
      %dma_start3A_1418 = arith.constant 2 : i32
      %dma_start3A_1419 = arith.constant 192 : i32
      %dma_start3A_1420 = arith.constant 0 : i32
      %dma_start3A_1421 = tpu.memref_slice %arg17[%dma_start3A_1419, %dma_start3A_1420] : memref<288x128xf32, #tpu.memory_space<vmem>> -> memref<96x128xf32, #tpu.memory_space<vmem>>
      %dma_start3A_1422 = arith.constant 0 : i32
      %dma_start3A_1423 = tpu.memref_slice %arg15[%dma_start3A_1418, %dma_start3A_1422] : memref<3x96xi32, #tpu.memory_space<vmem>> -> memref<1x96xi32, #tpu.memory_space<vmem>>
      %dma_start3A_1424 = tpu.memref_squeeze %dma_start3A_1423 : memref<1x96xi32, #tpu.memory_space<vmem>> -> memref<96xi32, #tpu.memory_space<vmem>>
      %dma_start3A_1425 = arith.constant 0 : i32
      %dma_start3A_1426 = arith.constant 0 : i32
      %dma_start3A_1427 = tpu.memref_slice %arg4[%dma_start3A_1425, %dma_start3A_1426] : memref<543744x128xf32, #tpu.memory_space<hbm>> -> memref<543744x128xf32, #tpu.memory_space<hbm>>
      tpu.enqueue_indirect_dma source(%dma_start3A_1427 : memref<543744x128xf32, #tpu.memory_space<hbm>>) target(%dma_start3A_1421 : memref<96x128xf32, #tpu.memory_space<vmem>>) offsets(%dma_start3A_1424 : memref<96xi32, #tpu.memory_space<vmem>>) semaphore(%arg24 : memref<!tpu.dma_semaphore, #tpu.memory_space<semaphore_mem>>)
      %gt3A = arith.constant 0 : i32
      %gt3A_1428 = arith.cmpi sgt, %mul3A_146, %gt3A : i32
      %convert_element_type3A = arith.extui %gt3A_1428 : i1 to i32
      %cond3A = arith.constant 0 : i32
      %cond3A_1429 = arith.cmpi ne, %convert_element_type3A, %cond3A : i32
      scf.if %cond3A_1429 {
        %sub3A_2720 = arith.constant 1 : i32
        %sub3A_2721 = arith.subi %mul3A_146, %sub3A_2720 : i32
        %mul3A_2722 = arith.constant 32 : i32
        %mul3A_2723 = arith.muli %sub3A_2721, %mul3A_2722 : i32
        %add3A_2724 = arith.addi %mul3A_2, %mul3A_2723 : i32
        %dma_wait3A_2725 = arith.constant 0 : i32
        %dma_wait3A_2726 = arith.constant 0 : i32
        %dma_wait3A_2727 = arith.constant 0 : i32
        %dma_wait3A_2728 = tpu.memref_slice %arg18[%dma_wait3A_2726, %dma_wait3A_2727] : memref<288x128xf32, #tpu.memory_space<vmem>> -> memref<96x128xf32, #tpu.memory_space<vmem>>
        %dma_wait3A_2729 = arith.constant 0 : i32
        %dma_wait3A_2730 = tpu.memref_slice %arg16[%dma_wait3A_2725, %dma_wait3A_2729] : memref<3x96xi32, #tpu.memory_space<vmem>> -> memref<1x96xi32, #tpu.memory_space<vmem>>
        %dma_wait3A_2731 = tpu.memref_squeeze %dma_wait3A_2730 : memref<1x96xi32, #tpu.memory_space<vmem>> -> memref<96xi32, #tpu.memory_space<vmem>>
        %dma_wait3A_2732 = arith.constant 0 : i32
        %dma_wait3A_2733 = arith.constant 0 : i32
        %dma_wait3A_2734 = tpu.memref_slice %arg4[%dma_wait3A_2732, %dma_wait3A_2733] : memref<543744x128xf32, #tpu.memory_space<hbm>> -> memref<543744x128xf32, #tpu.memory_space<hbm>>
        tpu.wait_indirect_dma semaphore(%arg25 : memref<!tpu.dma_semaphore, #tpu.memory_space<semaphore_mem>>) src(%dma_wait3A_2734 : memref<543744x128xf32, #tpu.memory_space<hbm>>) dst(%dma_wait3A_2728 : memref<96x128xf32, #tpu.memory_space<vmem>>)
        %dma_wait3A_2735 = arith.constant 1 : i32
        %dma_wait3A_2736 = arith.constant 96 : i32
        %dma_wait3A_2737 = arith.constant 0 : i32
        %dma_wait3A_2738 = tpu.memref_slice %arg18[%dma_wait3A_2736, %dma_wait3A_2737] : memref<288x128xf32, #tpu.memory_space<vmem>> -> memref<96x128xf32, #tpu.memory_space<vmem>>
        %dma_wait3A_2739 = arith.constant 0 : i32
        %dma_wait3A_2740 = tpu.memref_slice %arg16[%dma_wait3A_2735, %dma_wait3A_2739] : memref<3x96xi32, #tpu.memory_space<vmem>> -> memref<1x96xi32, #tpu.memory_space<vmem>>
        %dma_wait3A_2741 = tpu.memref_squeeze %dma_wait3A_2740 : memref<1x96xi32, #tpu.memory_space<vmem>> -> memref<96xi32, #tpu.memory_space<vmem>>
        %dma_wait3A_2742 = arith.constant 0 : i32
        %dma_wait3A_2743 = arith.constant 0 : i32
        %dma_wait3A_2744 = tpu.memref_slice %arg4[%dma_wait3A_2742, %dma_wait3A_2743] : memref<543744x128xf32, #tpu.memory_space<hbm>> -> memref<543744x128xf32, #tpu.memory_space<hbm>>
        tpu.wait_indirect_dma semaphore(%arg25 : memref<!tpu.dma_semaphore, #tpu.memory_space<semaphore_mem>>) src(%dma_wait3A_2744 : memref<543744x128xf32, #tpu.memory_space<hbm>>) dst(%dma_wait3A_2738 : memref<96x128xf32, #tpu.memory_space<vmem>>)
        %dma_wait3A_2745 = arith.constant 2 : i32
        %dma_wait3A_2746 = arith.constant 192 : i32
        %dma_wait3A_2747 = arith.constant 0 : i32
        %dma_wait3A_2748 = tpu.memref_slice %arg18[%dma_wait3A_2746, %dma_wait3A_2747] : memref<288x128xf32, #tpu.memory_space<vmem>> -> memref<96x128xf32, #tpu.memory_space<vmem>>
        %dma_wait3A_2749 = arith.constant 0 : i32
        %dma_wait3A_2750 = tpu.memref_slice %arg16[%dma_wait3A_2745, %dma_wait3A_2749] : memref<3x96xi32, #tpu.memory_space<vmem>> -> memref<1x96xi32, #tpu.memory_space<vmem>>
        %dma_wait3A_2751 = tpu.memref_squeeze %dma_wait3A_2750 : memref<1x96xi32, #tpu.memory_space<vmem>> -> memref<96xi32, #tpu.memory_space<vmem>>
        %dma_wait3A_2752 = arith.constant 0 : i32
        %dma_wait3A_2753 = arith.constant 0 : i32
        %dma_wait3A_2754 = tpu.memref_slice %arg4[%dma_wait3A_2752, %dma_wait3A_2753] : memref<543744x128xf32, #tpu.memory_space<hbm>> -> memref<543744x128xf32, #tpu.memory_space<hbm>>
        tpu.wait_indirect_dma semaphore(%arg25 : memref<!tpu.dma_semaphore, #tpu.memory_space<semaphore_mem>>) src(%dma_wait3A_2754 : memref<543744x128xf32, #tpu.memory_space<hbm>>) dst(%dma_wait3A_2748 : memref<96x128xf32, #tpu.memory_space<vmem>>)
        %ge3A_2755 = arith.constant 2 : i32
        %ge3A_2756 = arith.cmpi sge, %sub3A_2721, %ge3A_2755 : i32
        %convert_element_type3A_2757 = arith.extui %ge3A_2756 : i1 to i32
        %cond3A_2758 = arith.constant 0 : i32
        %cond3A_2759 = arith.cmpi ne, %convert_element_type3A_2757, %cond3A_2758 : i32
        scf.if %cond3A_2759 {
          %dma_wait3A_2786 = arith.constant 0 : i32
          %dma_wait3A_2787 = tpu.memref_slice %arg6[%add3A_2724, %dma_wait3A_2786] : memref<51200x128xf32, #tpu.memory_space<hbm>> -> memref<32x128xf32, #tpu.memory_space<hbm>>
          %dma_wait3A_2788 = arith.constant 0 : i32
          %dma_wait3A_2789 = tpu.memref_slice %arg6[%add3A_2724, %dma_wait3A_2788] : memref<51200x128xf32, #tpu.memory_space<hbm>> -> memref<32x128xf32, #tpu.memory_space<hbm>>
          tpu.wait_dma2 semaphore(%arg27 : memref<!tpu.dma_semaphore, #tpu.memory_space<semaphore_mem>>) src(%arg21 : memref<32x128xf32, #tpu.memory_space<vmem>>) dst(%dma_wait3A_2789 : memref<32x128xf32, #tpu.memory_space<hbm>>)
        } else {
        }
        %get3A_2760 = arith.constant 0 : index
        %get3A_2761 = tpu.vector_load %arg19[%get3A_2760] {strides = array<i32>} : memref<128xf32, #tpu.memory_space<vmem>>, vector<16xf32>,
        %get3A_2762 = arith.constant 16 : index
        %get3A_2763 = tpu.vector_load %arg19[%get3A_2762] {strides = array<i32>} : memref<128xf32, #tpu.memory_space<vmem>>, vector<16xf32>,
        %get3A_2764 = arith.constant 32 : index
        %get3A_2765 = tpu.vector_load %arg19[%get3A_2764] {strides = array<i32>} : memref<128xf32, #tpu.memory_space<vmem>>, vector<16xf32>,
        %get3A_2766 = arith.constant 48 : index
        %get3A_2767 = tpu.vector_load %arg19[%get3A_2766] {strides = array<i32>} : memref<128xf32, #tpu.memory_space<vmem>>, vector<16xf32>,
        %get3A_2768 = arith.constant 64 : index
        %get3A_2769 = tpu.vector_load %arg19[%get3A_2768] {strides = array<i32>} : memref<128xf32, #tpu.memory_space<vmem>>, vector<16xf32>,
        %get3A_2770 = arith.constant 80 : index
        %get3A_2771 = tpu.vector_load %arg19[%get3A_2770] {strides = array<i32>} : memref<128xf32, #tpu.memory_space<vmem>>, vector<16xf32>,
        %get3A_2772 = arith.constant 96 : index
        %get3A_2773 = tpu.vector_load %arg19[%get3A_2772] {strides = array<i32>} : memref<128xf32, #tpu.memory_space<vmem>>, vector<16xf32>,
        %get3A_2774 = arith.constant 112 : index
        %get3A_2775 = tpu.vector_load %arg19[%get3A_2774] {strides = array<i32>} : memref<128xf32, #tpu.memory_space<vmem>>, vector<16xf32>,
        %scan3A_2776 = arith.constant 0 : i32
        %scan3A_2777 = arith.constant 0 : i32
        %scan3A_2778 = arith.constant 32 : i32
        %scan3A_2779 = arith.addi %scan3A_2777, %scan3A_2778 : i32
        %scan3A_2780 = arith.constant 1 : i32
        scf.for %scan3A_2786 = %scan3A_2777 to %scan3A_2779 step %scan3A_2780  : i32 {
          %add3A_2787 = arith.constant 0 : i32
          %add3A_2788 = arith.addi %add3A_2787, %scan3A_2786 : i32
          %get3A_2789 = arith.index_cast %add3A_2788 : i32 to index
          %get3A_2790 = arith.constant 0 : index
          %get3A_2791 = tpu.vector_load %arg18[%get3A_2789, %get3A_2790] {strides = array<i32>} : memref<288x128xf32, #tpu.memory_space<vmem>>, vector<16xf32>,
          %add3A_2792 = arith.addf %get3A_2761, %get3A_2791 : vector<16xf32>
          %add3A_2793 = arith.constant 32 : i32
          %add3A_2794 = arith.addi %add3A_2793, %scan3A_2786 : i32
          %get3A_2795 = arith.index_cast %add3A_2794 : i32 to index
          %get3A_2796 = arith.constant 0 : index
          %get3A_2797 = tpu.vector_load %arg18[%get3A_2795, %get3A_2796] {strides = array<i32>} : memref<288x128xf32, #tpu.memory_space<vmem>>, vector<16xf32>,
          %add3A_2798 = arith.addf %add3A_2792, %get3A_2797 : vector<16xf32>
          %add3A_2799 = arith.constant 64 : i32
          %add3A_2800 = arith.addi %add3A_2799, %scan3A_2786 : i32
          %get3A_2801 = arith.index_cast %add3A_2800 : i32 to index
          %get3A_2802 = arith.constant 0 : index
          %get3A_2803 = tpu.vector_load %arg18[%get3A_2801, %get3A_2802] {strides = array<i32>} : memref<288x128xf32, #tpu.memory_space<vmem>>, vector<16xf32>,
          %add3A_2804 = arith.addf %add3A_2798, %get3A_2803 : vector<16xf32>
          %add3A_2805 = arith.constant 96 : i32
          %add3A_2806 = arith.addi %add3A_2805, %scan3A_2786 : i32
          %get3A_2807 = arith.index_cast %add3A_2806 : i32 to index
          %get3A_2808 = arith.constant 0 : index
          %get3A_2809 = tpu.vector_load %arg18[%get3A_2807, %get3A_2808] {strides = array<i32>} : memref<288x128xf32, #tpu.memory_space<vmem>>, vector<16xf32>,
          %add3A_2810 = arith.addf %add3A_2804, %get3A_2809 : vector<16xf32>
          %add3A_2811 = arith.constant 128 : i32
          %add3A_2812 = arith.addi %add3A_2811, %scan3A_2786 : i32
          %get3A_2813 = arith.index_cast %add3A_2812 : i32 to index
          %get3A_2814 = arith.constant 0 : index
          %get3A_2815 = tpu.vector_load %arg18[%get3A_2813, %get3A_2814] {strides = array<i32>} : memref<288x128xf32, #tpu.memory_space<vmem>>, vector<16xf32>,
          %add3A_2816 = arith.addf %add3A_2810, %get3A_2815 : vector<16xf32>
          %add3A_2817 = arith.constant 160 : i32
          %add3A_2818 = arith.addi %add3A_2817, %scan3A_2786 : i32
          %get3A_2819 = arith.index_cast %add3A_2818 : i32 to index
          %get3A_2820 = arith.constant 0 : index
          %get3A_2821 = tpu.vector_load %arg18[%get3A_2819, %get3A_2820] {strides = array<i32>} : memref<288x128xf32, #tpu.memory_space<vmem>>, vector<16xf32>,
          %add3A_2822 = arith.addf %add3A_2816, %get3A_2821 : vector<16xf32>
          %add3A_2823 = arith.constant 192 : i32
          %add3A_2824 = arith.addi %add3A_2823, %scan3A_2786 : i32
          %get3A_2825 = arith.index_cast %add3A_2824 : i32 to index
          %get3A_2826 = arith.constant 0 : index
          %get3A_2827 = tpu.vector_load %arg18[%get3A_2825, %get3A_2826] {strides = array<i32>} : memref<288x128xf32, #tpu.memory_space<vmem>>, vector<16xf32>,
          %add3A_2828 = arith.addf %add3A_2822, %get3A_2827 : vector<16xf32>
          %add3A_2829 = arith.constant 224 : i32
          %add3A_2830 = arith.addi %add3A_2829, %scan3A_2786 : i32
          %get3A_2831 = arith.index_cast %add3A_2830 : i32 to index
          %get3A_2832 = arith.constant 0 : index
          %get3A_2833 = tpu.vector_load %arg18[%get3A_2831, %get3A_2832] {strides = array<i32>} : memref<288x128xf32, #tpu.memory_space<vmem>>, vector<16xf32>,
          %add3A_2834 = arith.addf %add3A_2828, %get3A_2833 : vector<16xf32>
          %add3A_2835 = arith.constant 256 : i32
          %add3A_2836 = arith.addi %add3A_2835, %scan3A_2786 : i32
          %get3A_2837 = arith.index_cast %add3A_2836 : i32 to index
          %get3A_2838 = arith.constant 0 : index
          %get3A_2839 = tpu.vector_load %arg18[%get3A_2837, %get3A_2838] {strides = array<i32>} : memref<288x128xf32, #tpu.memory_space<vmem>>, vector<16xf32>,
          %add3A_2840 = arith.addf %add3A_2834, %get3A_2839 : vector<16xf32>
          %swap3A_2841 = arith.index_cast %scan3A_2786 : i32 to index
          %swap3A_2842 = arith.constant 0 : index
          %swap3A_2843 = tpu.vector_load %arg21[%swap3A_2841, %swap3A_2842] {strides = array<i32>} : memref<32x128xf32, #tpu.memory_space<vmem>>, vector<16xf32>,
          tpu.vector_store %arg21[%swap3A_2841, %swap3A_2842], %add3A_2840 {strides = array<i32>} : memref<32x128xf32, #tpu.memory_space<vmem>>, vector<16xf32>,
          %add3A_2844 = arith.constant 0 : i32
          %add3A_2845 = arith.addi %add3A_2844, %scan3A_2786 : i32
          %get3A_2846 = arith.index_cast %add3A_2845 : i32 to index
          %get3A_2847 = arith.constant 16 : index
          %get3A_2848 = tpu.vector_load %arg18[%get3A_2846, %get3A_2847] {strides = array<i32>} : memref<288x128xf32, #tpu.memory_space<vmem>>, vector<16xf32>,
          %add3A_2849 = arith.addf %get3A_2763, %get3A_2848 : vector<16xf32>
          %add3A_2850 = arith.constant 32 : i32
          %add3A_2851 = arith.addi %add3A_2850, %scan3A_2786 : i32
          %get3A_2852 = arith.index_cast %add3A_2851 : i32 to index
          %get3A_2853 = arith.constant 16 : index
          %get3A_2854 = tpu.vector_load %arg18[%get3A_2852, %get3A_2853] {strides = array<i32>} : memref<288x128xf32, #tpu.memory_space<vmem>>, vector<16xf32>,
          %add3A_2855 = arith.addf %add3A_2849, %get3A_2854 : vector<16xf32>
          %add3A_2856 = arith.constant 64 : i32
          %add3A_2857 = arith.addi %add3A_2856, %scan3A_2786 : i32
          %get3A_2858 = arith.index_cast %add3A_2857 : i32 to index
          %get3A_2859 = arith.constant 16 : index
          %get3A_2860 = tpu.vector_load %arg18[%get3A_2858, %get3A_2859] {strides = array<i32>} : memref<288x128xf32, #tpu.memory_space<vmem>>, vector<16xf32>,
          %add3A_2861 = arith.addf %add3A_2855, %get3A_2860 : vector<16xf32>
          %add3A_2862 = arith.constant 96 : i32
          %add3A_2863 = arith.addi %add3A_2862, %scan3A_2786 : i32
          %get3A_2864 = arith.index_cast %add3A_2863 : i32 to index
          %get3A_2865 = arith.constant 16 : index
          %get3A_2866 = tpu.vector_load %arg18[%get3A_2864, %get3A_2865] {strides = array<i32>} : memref<288x128xf32, #tpu.memory_space<vmem>>, vector<16xf32>,
          %add3A_2867 = arith.addf %add3A_2861, %get3A_2866 : vector<16xf32>
          %add3A_2868 = arith.constant 128 : i32
          %add3A_2869 = arith.addi %add3A_2868, %scan3A_2786 : i32
          %get3A_2870 = arith.index_cast %add3A_2869 : i32 to index
          %get3A_2871 = arith.constant 16 : index
          %get3A_2872 = tpu.vector_load %arg18[%get3A_2870, %get3A_2871] {strides = array<i32>} : memref<288x128xf32, #tpu.memory_space<vmem>>, vector<16xf32>,
          %add3A_2873 = arith.addf %add3A_2867, %get3A_2872 : vector<16xf32>
          %add3A_2874 = arith.constant 160 : i32
          %add3A_2875 = arith.addi %add3A_2874, %scan3A_2786 : i32
          %get3A_2876 = arith.index_cast %add3A_2875 : i32 to index
          %get3A_2877 = arith.constant 16 : index
          %get3A_2878 = tpu.vector_load %arg18[%get3A_2876, %get3A_2877] {strides = array<i32>} : memref<288x128xf32, #tpu.memory_space<vmem>>, vector<16xf32>,
          %add3A_2879 = arith.addf %add3A_2873, %get3A_2878 : vector<16xf32>
          %add3A_2880 = arith.constant 192 : i32
          %add3A_2881 = arith.addi %add3A_2880, %scan3A_2786 : i32
          %get3A_2882 = arith.index_cast %add3A_2881 : i32 to index
          %get3A_2883 = arith.constant 16 : index
          %get3A_2884 = tpu.vector_load %arg18[%get3A_2882, %get3A_2883] {strides = array<i32>} : memref<288x128xf32, #tpu.memory_space<vmem>>, vector<16xf32>,
          %add3A_2885 = arith.addf %add3A_2879, %get3A_2884 : vector<16xf32>
          %add3A_2886 = arith.constant 224 : i32
          %add3A_2887 = arith.addi %add3A_2886, %scan3A_2786 : i32
          %get3A_2888 = arith.index_cast %add3A_2887 : i32 to index
          %get3A_2889 = arith.constant 16 : index
          %get3A_2890 = tpu.vector_load %arg18[%get3A_2888, %get3A_2889] {strides = array<i32>} : memref<288x128xf32, #tpu.memory_space<vmem>>, vector<16xf32>,
          %add3A_2891 = arith.addf %add3A_2885, %get3A_2890 : vector<16xf32>
          %add3A_2892 = arith.constant 256 : i32
          %add3A_2893 = arith.addi %add3A_2892, %scan3A_2786 : i32
          %get3A_2894 = arith.index_cast %add3A_2893 : i32 to index
          %get3A_2895 = arith.constant 16 : index
          %get3A_2896 = tpu.vector_load %arg18[%get3A_2894, %get3A_2895] {strides = array<i32>} : memref<288x128xf32, #tpu.memory_space<vmem>>, vector<16xf32>,
          %add3A_2897 = arith.addf %add3A_2891, %get3A_2896 : vector<16xf32>
          %swap3A_2898 = arith.index_cast %scan3A_2786 : i32 to index
          %swap3A_2899 = arith.constant 16 : index
          %swap3A_2900 = tpu.vector_load %arg21[%swap3A_2898, %swap3A_2899] {strides = array<i32>} : memref<32x128xf32, #tpu.memory_space<vmem>>, vector<16xf32>,
          tpu.vector_store %arg21[%swap3A_2898, %swap3A_2899], %add3A_2897 {strides = array<i32>} : memref<32x128xf32, #tpu.memory_space<vmem>>, vector<16xf32>,
          %add3A_2901 = arith.constant 0 : i32
          %add3A_2902 = arith.addi %add3A_2901, %scan3A_2786 : i32
          %get3A_2903 = arith.index_cast %add3A_2902 : i32 to index
          %get3A_2904 = arith.constant 32 : index
          %get3A_2905 = tpu.vector_load %arg18[%get3A_2903, %get3A_2904] {strides = array<i32>} : memref<288x128xf32, #tpu.memory_space<vmem>>, vector<16xf32>,
          %add3A_2906 = arith.addf %get3A_2765, %get3A_2905 : vector<16xf32>
          %add3A_2907 = arith.constant 32 : i32
          %add3A_2908 = arith.addi %add3A_2907, %scan3A_2786 : i32
          %get3A_2909 = arith.index_cast %add3A_2908 : i32 to index
          %get3A_2910 = arith.constant 32 : index
          %get3A_2911 = tpu.vector_load %arg18[%get3A_2909, %get3A_2910] {strides = array<i32>} : memref<288x128xf32, #tpu.memory_space<vmem>>, vector<16xf32>,
          %add3A_2912 = arith.addf %add3A_2906, %get3A_2911 : vector<16xf32>
          %add3A_2913 = arith.constant 64 : i32
          %add3A_2914 = arith.addi %add3A_2913, %scan3A_2786 : i32
          %get3A_2915 = arith.index_cast %add3A_2914 : i32 to index
          %get3A_2916 = arith.constant 32 : index
          %get3A_2917 = tpu.vector_load %arg18[%get3A_2915, %get3A_2916] {strides = array<i32>} : memref<288x128xf32, #tpu.memory_space<vmem>>, vector<16xf32>,
          %add3A_2918 = arith.addf %add3A_2912, %get3A_2917 : vector<16xf32>
          %add3A_2919 = arith.constant 96 : i32
          %add3A_2920 = arith.addi %add3A_2919, %scan3A_2786 : i32
          %get3A_2921 = arith.index_cast %add3A_2920 : i32 to index
          %get3A_2922 = arith.constant 32 : index
          %get3A_2923 = tpu.vector_load %arg18[%get3A_2921, %get3A_2922] {strides = array<i32>} : memref<288x128xf32, #tpu.memory_space<vmem>>, vector<16xf32>,
          %add3A_2924 = arith.addf %add3A_2918, %get3A_2923 : vector<16xf32>
          %add3A_2925 = arith.constant 128 : i32
          %add3A_2926 = arith.addi %add3A_2925, %scan3A_2786 : i32
          %get3A_2927 = arith.index_cast %add3A_2926 : i32 to index
          %get3A_2928 = arith.constant 32 : index
          %get3A_2929 = tpu.vector_load %arg18[%get3A_2927, %get3A_2928] {strides = array<i32>} : memref<288x128xf32, #tpu.memory_space<vmem>>, vector<16xf32>,
          %add3A_2930 = arith.addf %add3A_2924, %get3A_2929 : vector<16xf32>
          %add3A_2931 = arith.constant 160 : i32
          %add3A_2932 = arith.addi %add3A_2931, %scan3A_2786 : i32
          %get3A_2933 = arith.index_cast %add3A_2932 : i32 to index
          %get3A_2934 = arith.constant 32 : index
          %get3A_2935 = tpu.vector_load %arg18[%get3A_2933, %get3A_2934] {strides = array<i32>} : memref<288x128xf32, #tpu.memory_space<vmem>>, vector<16xf32>,
          %add3A_2936 = arith.addf %add3A_2930, %get3A_2935 : vector<16xf32>
          %add3A_2937 = arith.constant 192 : i32
          %add3A_2938 = arith.addi %add3A_2937, %scan3A_2786 : i32
          %get3A_2939 = arith.index_cast %add3A_2938 : i32 to index
          %get3A_2940 = arith.constant 32 : index
          %get3A_2941 = tpu.vector_load %arg18[%get3A_2939, %get3A_2940] {strides = array<i32>} : memref<288x128xf32, #tpu.memory_space<vmem>>, vector<16xf32>,
          %add3A_2942 = arith.addf %add3A_2936, %get3A_2941 : vector<16xf32>
          %add3A_2943 = arith.constant 224 : i32
          %add3A_2944 = arith.addi %add3A_2943, %scan3A_2786 : i32
          %get3A_2945 = arith.index_cast %add3A_2944 : i32 to index
          %get3A_2946 = arith.constant 32 : index
          %get3A_2947 = tpu.vector_load %arg18[%get3A_2945, %get3A_2946] {strides = array<i32>} : memref<288x128xf32, #tpu.memory_space<vmem>>, vector<16xf32>,
          %add3A_2948 = arith.addf %add3A_2942, %get3A_2947 : vector<16xf32>
          %add3A_2949 = arith.constant 256 : i32
          %add3A_2950 = arith.addi %add3A_2949, %scan3A_2786 : i32
          %get3A_2951 = arith.index_cast %add3A_2950 : i32 to index
          %get3A_2952 = arith.constant 32 : index
          %get3A_2953 = tpu.vector_load %arg18[%get3A_2951, %get3A_2952] {strides = array<i32>} : memref<288x128xf32, #tpu.memory_space<vmem>>, vector<16xf32>,
          %add3A_2954 = arith.addf %add3A_2948, %get3A_2953 : vector<16xf32>
          %swap3A_2955 = arith.index_cast %scan3A_2786 : i32 to index
          %swap3A_2956 = arith.constant 32 : index
          %swap3A_2957 = tpu.vector_load %arg21[%swap3A_2955, %swap3A_2956] {strides = array<i32>} : memref<32x128xf32, #tpu.memory_space<vmem>>, vector<16xf32>,
          tpu.vector_store %arg21[%swap3A_2955, %swap3A_2956], %add3A_2954 {strides = array<i32>} : memref<32x128xf32, #tpu.memory_space<vmem>>, vector<16xf32>,
          %add3A_2958 = arith.constant 0 : i32
          %add3A_2959 = arith.addi %add3A_2958, %scan3A_2786 : i32
          %get3A_2960 = arith.index_cast %add3A_2959 : i32 to index
          %get3A_2961 = arith.constant 48 : index
          %get3A_2962 = tpu.vector_load %arg18[%get3A_2960, %get3A_2961] {strides = array<i32>} : memref<288x128xf32, #tpu.memory_space<vmem>>, vector<16xf32>,
          %add3A_2963 = arith.addf %get3A_2767, %get3A_2962 : vector<16xf32>
          %add3A_2964 = arith.constant 32 : i32
          %add3A_2965 = arith.addi %add3A_2964, %scan3A_2786 : i32
          %get3A_2966 = arith.index_cast %add3A_2965 : i32 to index
          %get3A_2967 = arith.constant 48 : index
          %get3A_2968 = tpu.vector_load %arg18[%get3A_2966, %get3A_2967] {strides = array<i32>} : memref<288x128xf32, #tpu.memory_space<vmem>>, vector<16xf32>,
          %add3A_2969 = arith.addf %add3A_2963, %get3A_2968 : vector<16xf32>
          %add3A_2970 = arith.constant 64 : i32
          %add3A_2971 = arith.addi %add3A_2970, %scan3A_2786 : i32
          %get3A_2972 = arith.index_cast %add3A_2971 : i32 to index
          %get3A_2973 = arith.constant 48 : index
          %get3A_2974 = tpu.vector_load %arg18[%get3A_2972, %get3A_2973] {strides = array<i32>} : memref<288x128xf32, #tpu.memory_space<vmem>>, vector<16xf32>,
          %add3A_2975 = arith.addf %add3A_2969, %get3A_2974 : vector<16xf32>
          %add3A_2976 = arith.constant 96 : i32
          %add3A_2977 = arith.addi %add3A_2976, %scan3A_2786 : i32
          %get3A_2978 = arith.index_cast %add3A_2977 : i32 to index
          %get3A_2979 = arith.constant 48 : index
          %get3A_2980 = tpu.vector_load %arg18[%get3A_2978, %get3A_2979] {strides = array<i32>} : memref<288x128xf32, #tpu.memory_space<vmem>>, vector<16xf32>,
          %add3A_2981 = arith.addf %add3A_2975, %get3A_2980 : vector<16xf32>
          %add3A_2982 = arith.constant 128 : i32
          %add3A_2983 = arith.addi %add3A_2982, %scan3A_2786 : i32
          %get3A_2984 = arith.index_cast %add3A_2983 : i32 to index
          %get3A_2985 = arith.constant 48 : index
          %get3A_2986 = tpu.vector_load %arg18[%get3A_2984, %get3A_2985] {strides = array<i32>} : memref<288x128xf32, #tpu.memory_space<vmem>>, vector<16xf32>,
          %add3A_2987 = arith.addf %add3A_2981, %get3A_2986 : vector<16xf32>
          %add3A_2988 = arith.constant 160 : i32
          %add3A_2989 = arith.addi %add3A_2988, %scan3A_2786 : i32
          %get3A_2990 = arith.index_cast %add3A_2989 : i32 to index
          %get3A_2991 = arith.constant 48 : index
          %get3A_2992 = tpu.vector_load %arg18[%get3A_2990, %get3A_2991] {strides = array<i32>} : memref<288x128xf32, #tpu.memory_space<vmem>>, vector<16xf32>,
          %add3A_2993 = arith.addf %add3A_2987, %get3A_2992 : vector<16xf32>
          %add3A_2994 = arith.constant 192 : i32
          %add3A_2995 = arith.addi %add3A_2994, %scan3A_2786 : i32
          %get3A_2996 = arith.index_cast %add3A_2995 : i32 to index
          %get3A_2997 = arith.constant 48 : index
          %get3A_2998 = tpu.vector_load %arg18[%get3A_2996, %get3A_2997] {strides = array<i32>} : memref<288x128xf32, #tpu.memory_space<vmem>>, vector<16xf32>,
          %add3A_2999 = arith.addf %add3A_2993, %get3A_2998 : vector<16xf32>
          %add3A_3000 = arith.constant 224 : i32
          %add3A_3001 = arith.addi %add3A_3000, %scan3A_2786 : i32
          %get3A_3002 = arith.index_cast %add3A_3001 : i32 to index
          %get3A_3003 = arith.constant 48 : index
          %get3A_3004 = tpu.vector_load %arg18[%get3A_3002, %get3A_3003] {strides = array<i32>} : memref<288x128xf32, #tpu.memory_space<vmem>>, vector<16xf32>,
          %add3A_3005 = arith.addf %add3A_2999, %get3A_3004 : vector<16xf32>
          %add3A_3006 = arith.constant 256 : i32
          %add3A_3007 = arith.addi %add3A_3006, %scan3A_2786 : i32
          %get3A_3008 = arith.index_cast %add3A_3007 : i32 to index
          %get3A_3009 = arith.constant 48 : index
          %get3A_3010 = tpu.vector_load %arg18[%get3A_3008, %get3A_3009] {strides = array<i32>} : memref<288x128xf32, #tpu.memory_space<vmem>>, vector<16xf32>,
          %add3A_3011 = arith.addf %add3A_3005, %get3A_3010 : vector<16xf32>
          %swap3A_3012 = arith.index_cast %scan3A_2786 : i32 to index
          %swap3A_3013 = arith.constant 48 : index
          %swap3A_3014 = tpu.vector_load %arg21[%swap3A_3012, %swap3A_3013] {strides = array<i32>} : memref<32x128xf32, #tpu.memory_space<vmem>>, vector<16xf32>,
          tpu.vector_store %arg21[%swap3A_3012, %swap3A_3013], %add3A_3011 {strides = array<i32>} : memref<32x128xf32, #tpu.memory_space<vmem>>, vector<16xf32>,
          %add3A_3015 = arith.constant 0 : i32
          %add3A_3016 = arith.addi %add3A_3015, %scan3A_2786 : i32
          %get3A_3017 = arith.index_cast %add3A_3016 : i32 to index
          %get3A_3018 = arith.constant 64 : index
          %get3A_3019 = tpu.vector_load %arg18[%get3A_3017, %get3A_3018] {strides = array<i32>} : memref<288x128xf32, #tpu.memory_space<vmem>>, vector<16xf32>,
          %add3A_3020 = arith.addf %get3A_2769, %get3A_3019 : vector<16xf32>
          %add3A_3021 = arith.constant 32 : i32
          %add3A_3022 = arith.addi %add3A_3021, %scan3A_2786 : i32
          %get3A_3023 = arith.index_cast %add3A_3022 : i32 to index
          %get3A_3024 = arith.constant 64 : index
          %get3A_3025 = tpu.vector_load %arg18[%get3A_3023, %get3A_3024] {strides = array<i32>} : memref<288x128xf32, #tpu.memory_space<vmem>>, vector<16xf32>,
          %add3A_3026 = arith.addf %add3A_3020, %get3A_3025 : vector<16xf32>
          %add3A_3027 = arith.constant 64 : i32
          %add3A_3028 = arith.addi %add3A_3027, %scan3A_2786 : i32
          %get3A_3029 = arith.index_cast %add3A_3028 : i32 to index
          %get3A_3030 = arith.constant 64 : index
          %get3A_3031 = tpu.vector_load %arg18[%get3A_3029, %get3A_3030] {strides = array<i32>} : memref<288x128xf32, #tpu.memory_space<vmem>>, vector<16xf32>,
          %add3A_3032 = arith.addf %add3A_3026, %get3A_3031 : vector<16xf32>
          %add3A_3033 = arith.constant 96 : i32
          %add3A_3034 = arith.addi %add3A_3033, %scan3A_2786 : i32
          %get3A_3035 = arith.index_cast %add3A_3034 : i32 to index
          %get3A_3036 = arith.constant 64 : index
          %get3A_3037 = tpu.vector_load %arg18[%get3A_3035, %get3A_3036] {strides = array<i32>} : memref<288x128xf32, #tpu.memory_space<vmem>>, vector<16xf32>,
          %add3A_3038 = arith.addf %add3A_3032, %get3A_3037 : vector<16xf32>
          %add3A_3039 = arith.constant 128 : i32
          %add3A_3040 = arith.addi %add3A_3039, %scan3A_2786 : i32
          %get3A_3041 = arith.index_cast %add3A_3040 : i32 to index
          %get3A_3042 = arith.constant 64 : index
          %get3A_3043 = tpu.vector_load %arg18[%get3A_3041, %get3A_3042] {strides = array<i32>} : memref<288x128xf32, #tpu.memory_space<vmem>>, vector<16xf32>,
          %add3A_3044 = arith.addf %add3A_3038, %get3A_3043 : vector<16xf32>
          %add3A_3045 = arith.constant 160 : i32
          %add3A_3046 = arith.addi %add3A_3045, %scan3A_2786 : i32
          %get3A_3047 = arith.index_cast %add3A_3046 : i32 to index
          %get3A_3048 = arith.constant 64 : index
          %get3A_3049 = tpu.vector_load %arg18[%get3A_3047, %get3A_3048] {strides = array<i32>} : memref<288x128xf32, #tpu.memory_space<vmem>>, vector<16xf32>,
          %add3A_3050 = arith.addf %add3A_3044, %get3A_3049 : vector<16xf32>
          %add3A_3051 = arith.constant 192 : i32
          %add3A_3052 = arith.addi %add3A_3051, %scan3A_2786 : i32
          %get3A_3053 = arith.index_cast %add3A_3052 : i32 to index
          %get3A_3054 = arith.constant 64 : index
          %get3A_3055 = tpu.vector_load %arg18[%get3A_3053, %get3A_3054] {strides = array<i32>} : memref<288x128xf32, #tpu.memory_space<vmem>>, vector<16xf32>,
          %add3A_3056 = arith.addf %add3A_3050, %get3A_3055 : vector<16xf32>
          %add3A_3057 = arith.constant 224 : i32
          %add3A_3058 = arith.addi %add3A_3057, %scan3A_2786 : i32
          %get3A_3059 = arith.index_cast %add3A_3058 : i32 to index
          %get3A_3060 = arith.constant 64 : index
          %get3A_3061 = tpu.vector_load %arg18[%get3A_3059, %get3A_3060] {strides = array<i32>} : memref<288x128xf32, #tpu.memory_space<vmem>>, vector<16xf32>,
          %add3A_3062 = arith.addf %add3A_3056, %get3A_3061 : vector<16xf32>
          %add3A_3063 = arith.constant 256 : i32
          %add3A_3064 = arith.addi %add3A_3063, %scan3A_2786 : i32
          %get3A_3065 = arith.index_cast %add3A_3064 : i32 to index
          %get3A_3066 = arith.constant 64 : index
          %get3A_3067 = tpu.vector_load %arg18[%get3A_3065, %get3A_3066] {strides = array<i32>} : memref<288x128xf32, #tpu.memory_space<vmem>>, vector<16xf32>,
          %add3A_3068 = arith.addf %add3A_3062, %get3A_3067 : vector<16xf32>
          %swap3A_3069 = arith.index_cast %scan3A_2786 : i32 to index
          %swap3A_3070 = arith.constant 64 : index
          %swap3A_3071 = tpu.vector_load %arg21[%swap3A_3069, %swap3A_3070] {strides = array<i32>} : memref<32x128xf32, #tpu.memory_space<vmem>>, vector<16xf32>,
          tpu.vector_store %arg21[%swap3A_3069, %swap3A_3070], %add3A_3068 {strides = array<i32>} : memref<32x128xf32, #tpu.memory_space<vmem>>, vector<16xf32>,
          %add3A_3072 = arith.constant 0 : i32
          %add3A_3073 = arith.addi %add3A_3072, %scan3A_2786 : i32
          %get3A_3074 = arith.index_cast %add3A_3073 : i32 to index
          %get3A_3075 = arith.constant 80 : index
          %get3A_3076 = tpu.vector_load %arg18[%get3A_3074, %get3A_3075] {strides = array<i32>} : memref<288x128xf32, #tpu.memory_space<vmem>>, vector<16xf32>,
          %add3A_3077 = arith.addf %get3A_2771, %get3A_3076 : vector<16xf32>
          %add3A_3078 = arith.constant 32 : i32
          %add3A_3079 = arith.addi %add3A_3078, %scan3A_2786 : i32
          %get3A_3080 = arith.index_cast %add3A_3079 : i32 to index
          %get3A_3081 = arith.constant 80 : index
          %get3A_3082 = tpu.vector_load %arg18[%get3A_3080, %get3A_3081] {strides = array<i32>} : memref<288x128xf32, #tpu.memory_space<vmem>>, vector<16xf32>,
          %add3A_3083 = arith.addf %add3A_3077, %get3A_3082 : vector<16xf32>
          %add3A_3084 = arith.constant 64 : i32
          %add3A_3085 = arith.addi %add3A_3084, %scan3A_2786 : i32
          %get3A_3086 = arith.index_cast %add3A_3085 : i32 to index
          %get3A_3087 = arith.constant 80 : index
          %get3A_3088 = tpu.vector_load %arg18[%get3A_3086, %get3A_3087] {strides = array<i32>} : memref<288x128xf32, #tpu.memory_space<vmem>>, vector<16xf32>,
          %add3A_3089 = arith.addf %add3A_3083, %get3A_3088 : vector<16xf32>
          %add3A_3090 = arith.constant 96 : i32
          %add3A_3091 = arith.addi %add3A_3090, %scan3A_2786 : i32
          %get3A_3092 = arith.index_cast %add3A_3091 : i32 to index
          %get3A_3093 = arith.constant 80 : index
          %get3A_3094 = tpu.vector_load %arg18[%get3A_3092, %get3A_3093] {strides = array<i32>} : memref<288x128xf32, #tpu.memory_space<vmem>>, vector<16xf32>,
          %add3A_3095 = arith.addf %add3A_3089, %get3A_3094 : vector<16xf32>
          %add3A_3096 = arith.constant 128 : i32
          %add3A_3097 = arith.addi %add3A_3096, %scan3A_2786 : i32
          %get3A_3098 = arith.index_cast %add3A_3097 : i32 to index
          %get3A_3099 = arith.constant 80 : index
          %get3A_3100 = tpu.vector_load %arg18[%get3A_3098, %get3A_3099] {strides = array<i32>} : memref<288x128xf32, #tpu.memory_space<vmem>>, vector<16xf32>,
          %add3A_3101 = arith.addf %add3A_3095, %get3A_3100 : vector<16xf32>
          %add3A_3102 = arith.constant 160 : i32
          %add3A_3103 = arith.addi %add3A_3102, %scan3A_2786 : i32
          %get3A_3104 = arith.index_cast %add3A_3103 : i32 to index
          %get3A_3105 = arith.constant 80 : index
          %get3A_3106 = tpu.vector_load %arg18[%get3A_3104, %get3A_3105] {strides = array<i32>} : memref<288x128xf32, #tpu.memory_space<vmem>>, vector<16xf32>,
          %add3A_3107 = arith.addf %add3A_3101, %get3A_3106 : vector<16xf32>
          %add3A_3108 = arith.constant 192 : i32
          %add3A_3109 = arith.addi %add3A_3108, %scan3A_2786 : i32
          %get3A_3110 = arith.index_cast %add3A_3109 : i32 to index
          %get3A_3111 = arith.constant 80 : index
          %get3A_3112 = tpu.vector_load %arg18[%get3A_3110, %get3A_3111] {strides = array<i32>} : memref<288x128xf32, #tpu.memory_space<vmem>>, vector<16xf32>,
          %add3A_3113 = arith.addf %add3A_3107, %get3A_3112 : vector<16xf32>
          %add3A_3114 = arith.constant 224 : i32
          %add3A_3115 = arith.addi %add3A_3114, %scan3A_2786 : i32
          %get3A_3116 = arith.index_cast %add3A_3115 : i32 to index
          %get3A_3117 = arith.constant 80 : index
          %get3A_3118 = tpu.vector_load %arg18[%get3A_3116, %get3A_3117] {strides = array<i32>} : memref<288x128xf32, #tpu.memory_space<vmem>>, vector<16xf32>,
          %add3A_3119 = arith.addf %add3A_3113, %get3A_3118 : vector<16xf32>
          %add3A_3120 = arith.constant 256 : i32
          %add3A_3121 = arith.addi %add3A_3120, %scan3A_2786 : i32
          %get3A_3122 = arith.index_cast %add3A_3121 : i32 to index
          %get3A_3123 = arith.constant 80 : index
          %get3A_3124 = tpu.vector_load %arg18[%get3A_3122, %get3A_3123] {strides = array<i32>} : memref<288x128xf32, #tpu.memory_space<vmem>>, vector<16xf32>,
          %add3A_3125 = arith.addf %add3A_3119, %get3A_3124 : vector<16xf32>
          %swap3A_3126 = arith.index_cast %scan3A_2786 : i32 to index
          %swap3A_3127 = arith.constant 80 : index
          %swap3A_3128 = tpu.vector_load %arg21[%swap3A_3126, %swap3A_3127] {strides = array<i32>} : memref<32x128xf32, #tpu.memory_space<vmem>>, vector<16xf32>,
          tpu.vector_store %arg21[%swap3A_3126, %swap3A_3127], %add3A_3125 {strides = array<i32>} : memref<32x128xf32, #tpu.memory_space<vmem>>, vector<16xf32>,
          %add3A_3129 = arith.constant 0 : i32
          %add3A_3130 = arith.addi %add3A_3129, %scan3A_2786 : i32
          %get3A_3131 = arith.index_cast %add3A_3130 : i32 to index
          %get3A_3132 = arith.constant 96 : index
          %get3A_3133 = tpu.vector_load %arg18[%get3A_3131, %get3A_3132] {strides = array<i32>} : memref<288x128xf32, #tpu.memory_space<vmem>>, vector<16xf32>,
          %add3A_3134 = arith.addf %get3A_2773, %get3A_3133 : vector<16xf32>
          %add3A_3135 = arith.constant 32 : i32
          %add3A_3136 = arith.addi %add3A_3135, %scan3A_2786 : i32
          %get3A_3137 = arith.index_cast %add3A_3136 : i32 to index
          %get3A_3138 = arith.constant 96 : index
          %get3A_3139 = tpu.vector_load %arg18[%get3A_3137, %get3A_3138] {strides = array<i32>} : memref<288x128xf32, #tpu.memory_space<vmem>>, vector<16xf32>,
          %add3A_3140 = arith.addf %add3A_3134, %get3A_3139 : vector<16xf32>
          %add3A_3141 = arith.constant 64 : i32
          %add3A_3142 = arith.addi %add3A_3141, %scan3A_2786 : i32
          %get3A_3143 = arith.index_cast %add3A_3142 : i32 to index
          %get3A_3144 = arith.constant 96 : index
          %get3A_3145 = tpu.vector_load %arg18[%get3A_3143, %get3A_3144] {strides = array<i32>} : memref<288x128xf32, #tpu.memory_space<vmem>>, vector<16xf32>,
          %add3A_3146 = arith.addf %add3A_3140, %get3A_3145 : vector<16xf32>
          %add3A_3147 = arith.constant 96 : i32
          %add3A_3148 = arith.addi %add3A_3147, %scan3A_2786 : i32
          %get3A_3149 = arith.index_cast %add3A_3148 : i32 to index
          %get3A_3150 = arith.constant 96 : index
          %get3A_3151 = tpu.vector_load %arg18[%get3A_3149, %get3A_3150] {strides = array<i32>} : memref<288x128xf32, #tpu.memory_space<vmem>>, vector<16xf32>,
          %add3A_3152 = arith.addf %add3A_3146, %get3A_3151 : vector<16xf32>
          %add3A_3153 = arith.constant 128 : i32
          %add3A_3154 = arith.addi %add3A_3153, %scan3A_2786 : i32
          %get3A_3155 = arith.index_cast %add3A_3154 : i32 to index
          %get3A_3156 = arith.constant 96 : index
          %get3A_3157 = tpu.vector_load %arg18[%get3A_3155, %get3A_3156] {strides = array<i32>} : memref<288x128xf32, #tpu.memory_space<vmem>>, vector<16xf32>,
          %add3A_3158 = arith.addf %add3A_3152, %get3A_3157 : vector<16xf32>
          %add3A_3159 = arith.constant 160 : i32
          %add3A_3160 = arith.addi %add3A_3159, %scan3A_2786 : i32
          %get3A_3161 = arith.index_cast %add3A_3160 : i32 to index
          %get3A_3162 = arith.constant 96 : index
          %get3A_3163 = tpu.vector_load %arg18[%get3A_3161, %get3A_3162] {strides = array<i32>} : memref<288x128xf32, #tpu.memory_space<vmem>>, vector<16xf32>,
          %add3A_3164 = arith.addf %add3A_3158, %get3A_3163 : vector<16xf32>
          %add3A_3165 = arith.constant 192 : i32
          %add3A_3166 = arith.addi %add3A_3165, %scan3A_2786 : i32
          %get3A_3167 = arith.index_cast %add3A_3166 : i32 to index
          %get3A_3168 = arith.constant 96 : index
          %get3A_3169 = tpu.vector_load %arg18[%get3A_3167, %get3A_3168] {strides = array<i32>} : memref<288x128xf32, #tpu.memory_space<vmem>>, vector<16xf32>,
          %add3A_3170 = arith.addf %add3A_3164, %get3A_3169 : vector<16xf32>
          %add3A_3171 = arith.constant 224 : i32
          %add3A_3172 = arith.addi %add3A_3171, %scan3A_2786 : i32
          %get3A_3173 = arith.index_cast %add3A_3172 : i32 to index
          %get3A_3174 = arith.constant 96 : index
          %get3A_3175 = tpu.vector_load %arg18[%get3A_3173, %get3A_3174] {strides = array<i32>} : memref<288x128xf32, #tpu.memory_space<vmem>>, vector<16xf32>,
          %add3A_3176 = arith.addf %add3A_3170, %get3A_3175 : vector<16xf32>
          %add3A_3177 = arith.constant 256 : i32
          %add3A_3178 = arith.addi %add3A_3177, %scan3A_2786 : i32
          %get3A_3179 = arith.index_cast %add3A_3178 : i32 to index
          %get3A_3180 = arith.constant 96 : index
          %get3A_3181 = tpu.vector_load %arg18[%get3A_3179, %get3A_3180] {strides = array<i32>} : memref<288x128xf32, #tpu.memory_space<vmem>>, vector<16xf32>,
          %add3A_3182 = arith.addf %add3A_3176, %get3A_3181 : vector<16xf32>
          %swap3A_3183 = arith.index_cast %scan3A_2786 : i32 to index
          %swap3A_3184 = arith.constant 96 : index
          %swap3A_3185 = tpu.vector_load %arg21[%swap3A_3183, %swap3A_3184] {strides = array<i32>} : memref<32x128xf32, #tpu.memory_space<vmem>>, vector<16xf32>,
          tpu.vector_store %arg21[%swap3A_3183, %swap3A_3184], %add3A_3182 {strides = array<i32>} : memref<32x128xf32, #tpu.memory_space<vmem>>, vector<16xf32>,
          %add3A_3186 = arith.constant 0 : i32
          %add3A_3187 = arith.addi %add3A_3186, %scan3A_2786 : i32
          %get3A_3188 = arith.index_cast %add3A_3187 : i32 to index
          %get3A_3189 = arith.constant 112 : index
          %get3A_3190 = tpu.vector_load %arg18[%get3A_3188, %get3A_3189] {strides = array<i32>} : memref<288x128xf32, #tpu.memory_space<vmem>>, vector<16xf32>,
          %add3A_3191 = arith.addf %get3A_2775, %get3A_3190 : vector<16xf32>
          %add3A_3192 = arith.constant 32 : i32
          %add3A_3193 = arith.addi %add3A_3192, %scan3A_2786 : i32
          %get3A_3194 = arith.index_cast %add3A_3193 : i32 to index
          %get3A_3195 = arith.constant 112 : index
          %get3A_3196 = tpu.vector_load %arg18[%get3A_3194, %get3A_3195] {strides = array<i32>} : memref<288x128xf32, #tpu.memory_space<vmem>>, vector<16xf32>,
          %add3A_3197 = arith.addf %add3A_3191, %get3A_3196 : vector<16xf32>
          %add3A_3198 = arith.constant 64 : i32
          %add3A_3199 = arith.addi %add3A_3198, %scan3A_2786 : i32
          %get3A_3200 = arith.index_cast %add3A_3199 : i32 to index
          %get3A_3201 = arith.constant 112 : index
          %get3A_3202 = tpu.vector_load %arg18[%get3A_3200, %get3A_3201] {strides = array<i32>} : memref<288x128xf32, #tpu.memory_space<vmem>>, vector<16xf32>,
          %add3A_3203 = arith.addf %add3A_3197, %get3A_3202 : vector<16xf32>
          %add3A_3204 = arith.constant 96 : i32
          %add3A_3205 = arith.addi %add3A_3204, %scan3A_2786 : i32
          %get3A_3206 = arith.index_cast %add3A_3205 : i32 to index
          %get3A_3207 = arith.constant 112 : index
          %get3A_3208 = tpu.vector_load %arg18[%get3A_3206, %get3A_3207] {strides = array<i32>} : memref<288x128xf32, #tpu.memory_space<vmem>>, vector<16xf32>,
          %add3A_3209 = arith.addf %add3A_3203, %get3A_3208 : vector<16xf32>
          %add3A_3210 = arith.constant 128 : i32
          %add3A_3211 = arith.addi %add3A_3210, %scan3A_2786 : i32
          %get3A_3212 = arith.index_cast %add3A_3211 : i32 to index
          %get3A_3213 = arith.constant 112 : index
          %get3A_3214 = tpu.vector_load %arg18[%get3A_3212, %get3A_3213] {strides = array<i32>} : memref<288x128xf32, #tpu.memory_space<vmem>>, vector<16xf32>,
          %add3A_3215 = arith.addf %add3A_3209, %get3A_3214 : vector<16xf32>
          %add3A_3216 = arith.constant 160 : i32
          %add3A_3217 = arith.addi %add3A_3216, %scan3A_2786 : i32
          %get3A_3218 = arith.index_cast %add3A_3217 : i32 to index
          %get3A_3219 = arith.constant 112 : index
          %get3A_3220 = tpu.vector_load %arg18[%get3A_3218, %get3A_3219] {strides = array<i32>} : memref<288x128xf32, #tpu.memory_space<vmem>>, vector<16xf32>,
          %add3A_3221 = arith.addf %add3A_3215, %get3A_3220 : vector<16xf32>
          %add3A_3222 = arith.constant 192 : i32
          %add3A_3223 = arith.addi %add3A_3222, %scan3A_2786 : i32
          %get3A_3224 = arith.index_cast %add3A_3223 : i32 to index
          %get3A_3225 = arith.constant 112 : index
          %get3A_3226 = tpu.vector_load %arg18[%get3A_3224, %get3A_3225] {strides = array<i32>} : memref<288x128xf32, #tpu.memory_space<vmem>>, vector<16xf32>,
          %add3A_3227 = arith.addf %add3A_3221, %get3A_3226 : vector<16xf32>
          %add3A_3228 = arith.constant 224 : i32
          %add3A_3229 = arith.addi %add3A_3228, %scan3A_2786 : i32
          %get3A_3230 = arith.index_cast %add3A_3229 : i32 to index
          %get3A_3231 = arith.constant 112 : index
          %get3A_3232 = tpu.vector_load %arg18[%get3A_3230, %get3A_3231] {strides = array<i32>} : memref<288x128xf32, #tpu.memory_space<vmem>>, vector<16xf32>,
          %add3A_3233 = arith.addf %add3A_3227, %get3A_3232 : vector<16xf32>
          %add3A_3234 = arith.constant 256 : i32
          %add3A_3235 = arith.addi %add3A_3234, %scan3A_2786 : i32
          %get3A_3236 = arith.index_cast %add3A_3235 : i32 to index
          %get3A_3237 = arith.constant 112 : index
          %get3A_3238 = tpu.vector_load %arg18[%get3A_3236, %get3A_3237] {strides = array<i32>} : memref<288x128xf32, #tpu.memory_space<vmem>>, vector<16xf32>,
          %add3A_3239 = arith.addf %add3A_3233, %get3A_3238 : vector<16xf32>
          %swap3A_3240 = arith.index_cast %scan3A_2786 : i32 to index
          %swap3A_3241 = arith.constant 112 : index
          %swap3A_3242 = tpu.vector_load %arg21[%swap3A_3240, %swap3A_3241] {strides = array<i32>} : memref<32x128xf32, #tpu.memory_space<vmem>>, vector<16xf32>,
          tpu.vector_store %arg21[%swap3A_3240, %swap3A_3241], %add3A_3239 {strides = array<i32>} : memref<32x128xf32, #tpu.memory_space<vmem>>, vector<16xf32>,
        }
        %scan3A_2781 = arith.constant 32 : i32
        %dma_start3A_2782 = arith.constant 0 : i32
        %dma_start3A_2783 = tpu.memref_slice %arg6[%add3A_2724, %dma_start3A_2782] : memref<51200x128xf32, #tpu.memory_space<hbm>> -> memref<32x128xf32, #tpu.memory_space<hbm>>
        %dma_start3A_2784 = arith.constant 0 : i32
        %dma_start3A_2785 = tpu.memref_slice %arg6[%add3A_2724, %dma_start3A_2784] : memref<51200x128xf32, #tpu.memory_space<hbm>> -> memref<32x128xf32, #tpu.memory_space<hbm>>
        tpu.enqueue_dma source(%arg21 : memref<32x128xf32, #tpu.memory_space<vmem>>) target(%dma_start3A_2785 : memref<32x128xf32, #tpu.memory_space<hbm>>) target_semaphore(%arg27 : memref<!tpu.dma_semaphore, #tpu.memory_space<semaphore_mem>>)
      } else {
      }
      %add3A_1430 = arith.constant 2 : i32
      %add3A_1431 = arith.addi %mul3A_146, %add3A_1430 : i32
      %lt3A_1432 = arith.constant 50 : i32
      %lt3A_1433 = arith.cmpi slt, %add3A_1431, %lt3A_1432 : i32
      %convert_element_type3A_1434 = arith.extui %lt3A_1433 : i1 to i32
      %cond3A_1435 = arith.constant 0 : i32
      %cond3A_1436 = arith.cmpi ne, %convert_element_type3A_1434, %cond3A_1435 : i32
      scf.if %cond3A_1436 {
        %add3A_2720 = arith.constant 2 : i32
        %add3A_2721 = arith.addi %mul3A_146, %add3A_2720 : i32
        %mul3A_2722 = arith.constant 50 : i32
        %mul3A_2723 = arith.muli %add3A, %mul3A_2722 : i32
        %add3A_2724 = arith.addi %mul3A_2723, %add3A_2721 : i32
        "tpu.region"() ({
          %run_scoped3A = tpu.sem_alloc : memref<!tpu.dma_semaphore, #tpu.memory_space<semaphore_mem>>
          %dma_start3A_2792 = arith.constant 0 : i32
          %dma_start3A_2793 = tpu.memref_slice %arg3[%add3A_2724, %dma_start3A_2792] : memref<1600x96xi32, #tpu.memory_space<hbm>> -> memref<1x96xi32, #tpu.memory_space<hbm>>
          %dma_start3A_2794 = tpu.memref_squeeze %dma_start3A_2793 : memref<1x96xi32, #tpu.memory_space<hbm>> -> memref<96xi32, #tpu.memory_space<hbm>>
          %dma_start3A_2795 = arith.constant 0 : i32
          %dma_start3A_2796 = tpu.memref_slice %arg3[%add3A_2724, %dma_start3A_2795] : memref<1600x96xi32, #tpu.memory_space<hbm>> -> memref<1x96xi32, #tpu.memory_space<hbm>>
          %dma_start3A_2797 = tpu.memref_squeeze %dma_start3A_2796 : memref<1x96xi32, #tpu.memory_space<hbm>> -> memref<96xi32, #tpu.memory_space<hbm>>
          tpu.enqueue_dma source(%dma_start3A_2797 : memref<96xi32, #tpu.memory_space<hbm>>) target(%arg7 : memref<96xi32, #tpu.memory_space<vmem>>) target_semaphore(%run_scoped3A : memref<!tpu.dma_semaphore, #tpu.memory_space<semaphore_mem>>)
          %dma_wait3A_2798 = arith.constant 0 : i32
          %dma_wait3A_2799 = tpu.memref_slice %arg3[%add3A_2724, %dma_wait3A_2798] : memref<1600x96xi32, #tpu.memory_space<hbm>> -> memref<1x96xi32, #tpu.memory_space<hbm>>
          %dma_wait3A_2800 = tpu.memref_squeeze %dma_wait3A_2799 : memref<1x96xi32, #tpu.memory_space<hbm>> -> memref<96xi32, #tpu.memory_space<hbm>>
          %dma_wait3A_2801 = arith.constant 0 : i32
          %dma_wait3A_2802 = tpu.memref_slice %arg3[%add3A_2724, %dma_wait3A_2801] : memref<1600x96xi32, #tpu.memory_space<hbm>> -> memref<1x96xi32, #tpu.memory_space<hbm>>
          %dma_wait3A_2803 = tpu.memref_squeeze %dma_wait3A_2802 : memref<1x96xi32, #tpu.memory_space<hbm>> -> memref<96xi32, #tpu.memory_space<hbm>>
          tpu.wait_dma2 semaphore(%run_scoped3A : memref<!tpu.dma_semaphore, #tpu.memory_space<semaphore_mem>>) src(%dma_wait3A_2803 : memref<96xi32, #tpu.memory_space<hbm>>) dst(%arg7 : memref<96xi32, #tpu.memory_space<vmem>>)
          tpu.yield
        }) : () -> ()
        %get3A_2725 = arith.constant 0 : index
        %get3A_2726 = tpu.vector_load %arg7[%get3A_2725] {strides = array<i32>} : memref<96xi32, #tpu.memory_space<vmem>>, vector<16xi32>,
        %get3A_2727 = arith.constant 64 : index
        %get3A_2728 = tpu.vector_load %arg7[%get3A_2727] {strides = array<i32>} : memref<96xi32, #tpu.memory_space<vmem>>, vector<16xi32>,
        %sub3A_2729 = arith.constant 1 : i32
        %sub3A_2730 = vector.broadcast %sub3A_2729 : i32 to vector<16xi32>
        %sub3A_2731 = arith.subi %get3A_2728, %sub3A_2730 : vector<16xi32>
        %jit3A_2732 = arith.constant 0 : i32
        %jit3A_2733 = arith.constant 63 : i32
        %max3A_2734 = vector.broadcast %jit3A_2732 : i32 to vector<16xi32>
        %max3A_2735 = arith.maxsi %max3A_2734, %sub3A_2731 : vector<16xi32>
        %min3A_2736 = vector.broadcast %jit3A_2733 : i32 to vector<16xi32>
        %min3A_2737 = arith.minsi %min3A_2736, %max3A_2735 : vector<16xi32>
        %shift_right_arithmetic3A_2738 = arith.constant 1 : i32
        %shift_right_arithmetic3A_2739 = vector.broadcast %shift_right_arithmetic3A_2738 : i32 to vector<16xi32>
        %shift_right_arithmetic3A_2740 = arith.shrsi %min3A_2737, %shift_right_arithmetic3A_2739 : vector<16xi32>
        %min3A_2741 = arith.constant 30 : i32
        %min3A_2742 = vector.broadcast %min3A_2741 : i32 to vector<16xi32>
        %min3A_2743 = arith.minsi %shift_right_arithmetic3A_2740, %min3A_2742 : vector<16xi32>
        %swap3A_2744 = arith.constant 0 : index
        %swap3A_2745 = tpu.vector_load %arg9[%swap3A_2744] {strides = array<i32>} : memref<32xi32, #tpu.memory_space<vmem>>, vector<16xi32>,
        tpu.vector_store %arg9[%swap3A_2744], %min3A_2743 {strides = array<i32>} : memref<32xi32, #tpu.memory_space<vmem>>, vector<16xi32>,
        %mul3A_2746 = arith.constant 32 : i32
        %mul3A_2747 = vector.broadcast %mul3A_2746 : i32 to vector<16xi32>
        %mul3A_2748 = arith.muli %get3A_2726, %mul3A_2747 : vector<16xi32>
        %add3A_2749 = arith.addi %mul3A_2748, %min3A_2743 : vector<16xi32>
        %swap3A_2750 = arith.constant 0 : index
        %swap3A_2751 = tpu.vector_load %arg11[%swap3A_2750] {strides = array<i32>} : memref<64xi32, #tpu.memory_space<vmem>>, vector<16xi32>,
        tpu.vector_store %arg11[%swap3A_2750], %add3A_2749 {strides = array<i32>} : memref<64xi32, #tpu.memory_space<vmem>>, vector<16xi32>,
        %add3A_2752 = arith.constant 1 : i32
        %add3A_2753 = vector.broadcast %add3A_2752 : i32 to vector<16xi32>
        %add3A_2754 = arith.addi %add3A_2749, %add3A_2753 : vector<16xi32>
        %swap3A_2755 = arith.constant 32 : index
        %swap3A_2756 = tpu.vector_load %arg11[%swap3A_2755] {strides = array<i32>} : memref<64xi32, #tpu.memory_space<vmem>>, vector<16xi32>,
        tpu.vector_store %arg11[%swap3A_2755], %add3A_2754 {strides = array<i32>} : memref<64xi32, #tpu.memory_space<vmem>>, vector<16xi32>,
        %get3A_2757 = arith.constant 16 : index
        %get3A_2758 = tpu.vector_load %arg7[%get3A_2757] {strides = array<i32>} : memref<96xi32, #tpu.memory_space<vmem>>, vector<16xi32>,
        %get3A_2759 = arith.constant 80 : index
        %get3A_2760 = tpu.vector_load %arg7[%get3A_2759] {strides = array<i32>} : memref<96xi32, #tpu.memory_space<vmem>>, vector<16xi32>,
        %sub3A_2761 = arith.constant 1 : i32
        %sub3A_2762 = vector.broadcast %sub3A_2761 : i32 to vector<16xi32>
        %sub3A_2763 = arith.subi %get3A_2760, %sub3A_2762 : vector<16xi32>
        %jit3A_2764 = arith.constant 0 : i32
        %jit3A_2765 = arith.constant 63 : i32
        %max3A_2766 = vector.broadcast %jit3A_2764 : i32 to vector<16xi32>
        %max3A_2767 = arith.maxsi %max3A_2766, %sub3A_2763 : vector<16xi32>
        %min3A_2768 = vector.broadcast %jit3A_2765 : i32 to vector<16xi32>
        %min3A_2769 = arith.minsi %min3A_2768, %max3A_2767 : vector<16xi32>
        %shift_right_arithmetic3A_2770 = arith.constant 1 : i32
        %shift_right_arithmetic3A_2771 = vector.broadcast %shift_right_arithmetic3A_2770 : i32 to vector<16xi32>
        %shift_right_arithmetic3A_2772 = arith.shrsi %min3A_2769, %shift_right_arithmetic3A_2771 : vector<16xi32>
        %min3A_2773 = arith.constant 30 : i32
        %min3A_2774 = vector.broadcast %min3A_2773 : i32 to vector<16xi32>
        %min3A_2775 = arith.minsi %shift_right_arithmetic3A_2772, %min3A_2774 : vector<16xi32>
        %swap3A_2776 = arith.constant 16 : index
        %swap3A_2777 = tpu.vector_load %arg9[%swap3A_2776] {strides = array<i32>} : memref<32xi32, #tpu.memory_space<vmem>>, vector<16xi32>,
        tpu.vector_store %arg9[%swap3A_2776], %min3A_2775 {strides = array<i32>} : memref<32xi32, #tpu.memory_space<vmem>>, vector<16xi32>,
        %mul3A_2778 = arith.constant 32 : i32
        %mul3A_2779 = vector.broadcast %mul3A_2778 : i32 to vector<16xi32>
        %mul3A_2780 = arith.muli %get3A_2758, %mul3A_2779 : vector<16xi32>
        %add3A_2781 = arith.addi %mul3A_2780, %min3A_2775 : vector<16xi32>
        %swap3A_2782 = arith.constant 16 : index
        %swap3A_2783 = tpu.vector_load %arg11[%swap3A_2782] {strides = array<i32>} : memref<64xi32, #tpu.memory_space<vmem>>, vector<16xi32>,
        tpu.vector_store %arg11[%swap3A_2782], %add3A_2781 {strides = array<i32>} : memref<64xi32, #tpu.memory_space<vmem>>, vector<16xi32>,
        %add3A_2784 = arith.constant 1 : i32
        %add3A_2785 = vector.broadcast %add3A_2784 : i32 to vector<16xi32>
        %add3A_2786 = arith.addi %add3A_2781, %add3A_2785 : vector<16xi32>
        %swap3A_2787 = arith.constant 48 : index
        %swap3A_2788 = tpu.vector_load %arg11[%swap3A_2787] {strides = array<i32>} : memref<64xi32, #tpu.memory_space<vmem>>, vector<16xi32>,
        tpu.vector_store %arg11[%swap3A_2787], %add3A_2786 {strides = array<i32>} : memref<64xi32, #tpu.memory_space<vmem>>, vector<16xi32>,
        %dma_start3A_2789 = arith.constant 0 : i32
        %dma_start3A_2790 = arith.constant 0 : i32
        %dma_start3A_2791 = tpu.memref_slice %arg2[%dma_start3A_2789, %dma_start3A_2790] : memref<3200x128xi32, #tpu.memory_space<hbm>> -> memref<3200x128xi32, #tpu.memory_space<hbm>>
        tpu.enqueue_indirect_dma source(%dma_start3A_2791 : memref<3200x128xi32, #tpu.memory_space<hbm>>) target(%arg13 : memref<64x128xi32, #tpu.memory_space<vmem>>) offsets(%arg11 : memref<64xi32, #tpu.memory_space<vmem>>) semaphore(%arg22 : memref<!tpu.dma_semaphore, #tpu.memory_space<semaphore_mem>>)
      } else {
      }
      %add3A_1437 = arith.constant 1 : i32
      %add3A_1438 = arith.addi %mul3A_146, %add3A_1437 : i32
      %dma_wait3A_1439 = arith.constant 0 : i32
      %dma_wait3A_1440 = arith.constant 0 : i32
      %dma_wait3A_1441 = tpu.memref_slice %arg2[%dma_wait3A_1439, %dma_wait3A_1440] : memref<3200x128xi32, #tpu.memory_space<hbm>> -> memref<3200x128xi32, #tpu.memory_space<hbm>>
      tpu.wait_indirect_dma semaphore(%arg23 : memref<!tpu.dma_semaphore, #tpu.memory_space<semaphore_mem>>) src(%dma_wait3A_1441 : memref<3200x128xi32, #tpu.memory_space<hbm>>) dst(%arg14 : memref<64x128xi32, #tpu.memory_space<vmem>>)
      %get3A_1442 = arith.constant 32 : index
      %get3A_1443 = tpu.vector_load %arg8[%get3A_1442] {strides = array<i32>} : memref<96xi32, #tpu.memory_space<vmem>>, vector<16xi32>,
      %get3A_1444 = arith.constant 64 : index
      %get3A_1445 = tpu.vector_load %arg8[%get3A_1444] {strides = array<i32>} : memref<96xi32, #tpu.memory_space<vmem>>, vector<16xi32>,
      %get3A_1446 = arith.constant 0 : index
      %get3A_1447 = tpu.vector_load %arg10[%get3A_1446] {strides = array<i32>} : memref<32xi32, #tpu.memory_space<vmem>>, vector<16xi32>,
      %iota3A_1448 = tpu.iota {dimensions = array<i32: 0>} : vector<16xi32>
      %add3A_1449 = arith.constant -1 : i32
      %add3A_1450 = vector.broadcast %add3A_1449 : i32 to vector<16xi32>
      %add3A_1451 = arith.addi %get3A_1445, %add3A_1450 : vector<16xi32>
      %add3A_1452 = arith.constant -1 : i32
      %add3A_1453 = vector.broadcast %add3A_1452 : i32 to vector<16xi32>
      %add3A_1454 = arith.addi %get3A_1443, %add3A_1453 : vector<16xi32>
      %lt3A_1455 = arith.constant 0 : i32
      %lt3A_1456 = vector.broadcast %lt3A_1455 : i32 to vector<16xi32>
      %lt3A_1457 = arith.cmpi slt, %add3A_1451, %lt3A_1456 : vector<16xi32>
      %ge3A_1458 = arith.constant 64 : i32
      %ge3A_1459 = vector.broadcast %ge3A_1458 : i32 to vector<16xi32>
      %ge3A_1460 = arith.cmpi sge, %add3A_1451, %ge3A_1459 : vector<16xi32>
      %or3A_1461 = arith.ori %lt3A_1457, %ge3A_1460 : vector<16xi1>
      %lt3A_1462 = arith.constant 0 : i32
      %lt3A_1463 = vector.broadcast %lt3A_1462 : i32 to vector<16xi32>
      %lt3A_1464 = arith.cmpi slt, %add3A_1454, %lt3A_1463 : vector<16xi32>
      %or3A_1465 = arith.ori %or3A_1461, %lt3A_1464 : vector<16xi1>
      %ge3A_1466 = arith.constant 64 : i32
      %ge3A_1467 = vector.broadcast %ge3A_1466 : i32 to vector<16xi32>
      %ge3A_1468 = arith.cmpi sge, %add3A_1454, %ge3A_1467 : vector<16xi32>
      %or3A_1469 = arith.ori %or3A_1465, %ge3A_1468 : vector<16xi1>
      %jit3A_1470 = arith.constant 0 : i32
      %jit3A_1471 = arith.constant 63 : i32
      %max3A_1472 = vector.broadcast %jit3A_1470 : i32 to vector<16xi32>
      %max3A_1473 = arith.maxsi %max3A_1472, %add3A_1454 : vector<16xi32>
      %min3A_1474 = vector.broadcast %jit3A_1471 : i32 to vector<16xi32>
      %min3A_1475 = arith.minsi %min3A_1474, %max3A_1473 : vector<16xi32>
      %jit3A_1476 = arith.constant 0 : i32
      %jit3A_1477 = arith.constant 63 : i32
      %max3A_1478 = vector.broadcast %jit3A_1476 : i32 to vector<16xi32>
      %max3A_1479 = arith.maxsi %max3A_1478, %add3A_1451 : vector<16xi32>
      %min3A_1480 = vector.broadcast %jit3A_1477 : i32 to vector<16xi32>
      %min3A_1481 = arith.minsi %min3A_1480, %max3A_1479 : vector<16xi32>
      %mul3A_1482 = arith.constant 2 : i32
      %mul3A_1483 = vector.broadcast %mul3A_1482 : i32 to vector<16xi32>
      %mul3A_1484 = arith.muli %mul3A_1483, %get3A_1447 : vector<16xi32>
      %sub3A_1485 = arith.subi %min3A_1481, %mul3A_1484 : vector<16xi32>
      %shift_right_arithmetic3A_1486 = arith.constant 1 : i32
      %shift_right_arithmetic3A_1487 = vector.broadcast %shift_right_arithmetic3A_1486 : i32 to vector<16xi32>
      %shift_right_arithmetic3A_1488 = arith.shrsi %sub3A_1485, %shift_right_arithmetic3A_1487 : vector<16xi32>
      %mul3A_1489 = arith.constant 32 : i32
      %mul3A_1490 = vector.broadcast %mul3A_1489 : i32 to vector<16xi32>
      %mul3A_1491 = arith.muli %shift_right_arithmetic3A_1488, %mul3A_1490 : vector<16xi32>
      %add3A_1492 = arith.constant 0 : i32
      %add3A_1493 = vector.broadcast %add3A_1492 : i32 to vector<16xi32>
      %add3A_1494 = arith.addi %mul3A_1491, %add3A_1493 : vector<16xi32>
      %add3A_1495 = arith.addi %add3A_1494, %iota3A_1448 : vector<16xi32>
      %and3A_1496 = arith.constant 1 : i32
      %and3A_1497 = vector.broadcast %and3A_1496 : i32 to vector<16xi32>
      %and3A_1498 = arith.andi %sub3A_1485, %and3A_1497 : vector<16xi32>
      %mul3A_1499 = arith.constant 64 : i32
      %mul3A_1500 = vector.broadcast %mul3A_1499 : i32 to vector<16xi32>
      %mul3A_1501 = arith.muli %and3A_1498, %mul3A_1500 : vector<16xi32>
      %add3A_1502 = arith.addi %mul3A_1501, %min3A_1475 : vector<16xi32>
      %gather3A_1503 = tpu.vector_load_idx %arg14[%add3A_1495, %add3A_1502] : memref<64x128xi32, #tpu.memory_space<vmem>>[vector<16xi32>, vector<16xi32>], vector<16xi32>,
      %jit3A_1504 = arith.constant 60000 : i32
      %broadcast_in_dim3A_1505 = vector.broadcast %jit3A_1504 : i32 to vector<16xi32>
      %select_n3A_1506 = arith.select %or3A_1469, %broadcast_in_dim3A_1505, %gather3A_1503 : vector<16xi1>, vector<16xi32>
      %add3A_1507 = arith.constant 0 : i32
      %add3A_1508 = vector.broadcast %add3A_1507 : i32 to vector<16xi32>
      %add3A_1509 = arith.addi %select_n3A_1506, %add3A_1508 : vector<16xi32>
      %swap3A_1510 = arith.constant 0 : i32
      %swap3A_1511 = arith.index_cast %swap3A_1510 : i32 to index
      %swap3A_1512 = arith.constant 0 : index
      %swap3A_1513 = tpu.vector_load %arg16[%swap3A_1511, %swap3A_1512] {strides = array<i32>} : memref<3x96xi32, #tpu.memory_space<vmem>>, vector<16xi32>,
      tpu.vector_store %arg16[%swap3A_1511, %swap3A_1512], %add3A_1509 {strides = array<i32>} : memref<3x96xi32, #tpu.memory_space<vmem>>, vector<16xi32>,
      %add3A_1514 = arith.constant -1 : i32
      %add3A_1515 = vector.broadcast %add3A_1514 : i32 to vector<16xi32>
      %add3A_1516 = arith.addi %get3A_1445, %add3A_1515 : vector<16xi32>
      %add3A_1517 = arith.constant 0 : i32
      %add3A_1518 = vector.broadcast %add3A_1517 : i32 to vector<16xi32>
      %add3A_1519 = arith.addi %get3A_1443, %add3A_1518 : vector<16xi32>
      %lt3A_1520 = arith.constant 0 : i32
      %lt3A_1521 = vector.broadcast %lt3A_1520 : i32 to vector<16xi32>
      %lt3A_1522 = arith.cmpi slt, %add3A_1516, %lt3A_1521 : vector<16xi32>
      %ge3A_1523 = arith.constant 64 : i32
      %ge3A_1524 = vector.broadcast %ge3A_1523 : i32 to vector<16xi32>
      %ge3A_1525 = arith.cmpi sge, %add3A_1516, %ge3A_1524 : vector<16xi32>
      %or3A_1526 = arith.ori %lt3A_1522, %ge3A_1525 : vector<16xi1>
      %lt3A_1527 = arith.constant 0 : i32
      %lt3A_1528 = vector.broadcast %lt3A_1527 : i32 to vector<16xi32>
      %lt3A_1529 = arith.cmpi slt, %add3A_1519, %lt3A_1528 : vector<16xi32>
      %or3A_1530 = arith.ori %or3A_1526, %lt3A_1529 : vector<16xi1>
      %ge3A_1531 = arith.constant 64 : i32
      %ge3A_1532 = vector.broadcast %ge3A_1531 : i32 to vector<16xi32>
      %ge3A_1533 = arith.cmpi sge, %add3A_1519, %ge3A_1532 : vector<16xi32>
      %or3A_1534 = arith.ori %or3A_1530, %ge3A_1533 : vector<16xi1>
      %jit3A_1535 = arith.constant 0 : i32
      %jit3A_1536 = arith.constant 63 : i32
      %max3A_1537 = vector.broadcast %jit3A_1535 : i32 to vector<16xi32>
      %max3A_1538 = arith.maxsi %max3A_1537, %add3A_1519 : vector<16xi32>
      %min3A_1539 = vector.broadcast %jit3A_1536 : i32 to vector<16xi32>
      %min3A_1540 = arith.minsi %min3A_1539, %max3A_1538 : vector<16xi32>
      %jit3A_1541 = arith.constant 0 : i32
      %jit3A_1542 = arith.constant 63 : i32
      %max3A_1543 = vector.broadcast %jit3A_1541 : i32 to vector<16xi32>
      %max3A_1544 = arith.maxsi %max3A_1543, %add3A_1516 : vector<16xi32>
      %min3A_1545 = vector.broadcast %jit3A_1542 : i32 to vector<16xi32>
      %min3A_1546 = arith.minsi %min3A_1545, %max3A_1544 : vector<16xi32>
      %mul3A_1547 = arith.constant 2 : i32
      %mul3A_1548 = vector.broadcast %mul3A_1547 : i32 to vector<16xi32>
      %mul3A_1549 = arith.muli %mul3A_1548, %get3A_1447 : vector<16xi32>
      %sub3A_1550 = arith.subi %min3A_1546, %mul3A_1549 : vector<16xi32>
      %shift_right_arithmetic3A_1551 = arith.constant 1 : i32
      %shift_right_arithmetic3A_1552 = vector.broadcast %shift_right_arithmetic3A_1551 : i32 to vector<16xi32>
      %shift_right_arithmetic3A_1553 = arith.shrsi %sub3A_1550, %shift_right_arithmetic3A_1552 : vector<16xi32>
      %mul3A_1554 = arith.constant 32 : i32
      %mul3A_1555 = vector.broadcast %mul3A_1554 : i32 to vector<16xi32>
      %mul3A_1556 = arith.muli %shift_right_arithmetic3A_1553, %mul3A_1555 : vector<16xi32>
      %add3A_1557 = arith.constant 0 : i32
      %add3A_1558 = vector.broadcast %add3A_1557 : i32 to vector<16xi32>
      %add3A_1559 = arith.addi %mul3A_1556, %add3A_1558 : vector<16xi32>
      %add3A_1560 = arith.addi %add3A_1559, %iota3A_1448 : vector<16xi32>
      %and3A_1561 = arith.constant 1 : i32
      %and3A_1562 = vector.broadcast %and3A_1561 : i32 to vector<16xi32>
      %and3A_1563 = arith.andi %sub3A_1550, %and3A_1562 : vector<16xi32>
      %mul3A_1564 = arith.constant 64 : i32
      %mul3A_1565 = vector.broadcast %mul3A_1564 : i32 to vector<16xi32>
      %mul3A_1566 = arith.muli %and3A_1563, %mul3A_1565 : vector<16xi32>
      %add3A_1567 = arith.addi %mul3A_1566, %min3A_1540 : vector<16xi32>
      %gather3A_1568 = tpu.vector_load_idx %arg14[%add3A_1560, %add3A_1567] : memref<64x128xi32, #tpu.memory_space<vmem>>[vector<16xi32>, vector<16xi32>], vector<16xi32>,
      %jit3A_1569 = arith.constant 60000 : i32
      %broadcast_in_dim3A_1570 = vector.broadcast %jit3A_1569 : i32 to vector<16xi32>
      %select_n3A_1571 = arith.select %or3A_1534, %broadcast_in_dim3A_1570, %gather3A_1568 : vector<16xi1>, vector<16xi32>
      %add3A_1572 = arith.constant 60416 : i32
      %add3A_1573 = vector.broadcast %add3A_1572 : i32 to vector<16xi32>
      %add3A_1574 = arith.addi %select_n3A_1571, %add3A_1573 : vector<16xi32>
      %swap3A_1575 = arith.constant 0 : i32
      %swap3A_1576 = arith.index_cast %swap3A_1575 : i32 to index
      %swap3A_1577 = arith.constant 32 : index
      %swap3A_1578 = tpu.vector_load %arg16[%swap3A_1576, %swap3A_1577] {strides = array<i32>} : memref<3x96xi32, #tpu.memory_space<vmem>>, vector<16xi32>,
      tpu.vector_store %arg16[%swap3A_1576, %swap3A_1577], %add3A_1574 {strides = array<i32>} : memref<3x96xi32, #tpu.memory_space<vmem>>, vector<16xi32>,
      %add3A_1579 = arith.constant -1 : i32
      %add3A_1580 = vector.broadcast %add3A_1579 : i32 to vector<16xi32>
      %add3A_1581 = arith.addi %get3A_1445, %add3A_1580 : vector<16xi32>
      %add3A_1582 = arith.constant 1 : i32
      %add3A_1583 = vector.broadcast %add3A_1582 : i32 to vector<16xi32>
      %add3A_1584 = arith.addi %get3A_1443, %add3A_1583 : vector<16xi32>
      %lt3A_1585 = arith.constant 0 : i32
      %lt3A_1586 = vector.broadcast %lt3A_1585 : i32 to vector<16xi32>
      %lt3A_1587 = arith.cmpi slt, %add3A_1581, %lt3A_1586 : vector<16xi32>
      %ge3A_1588 = arith.constant 64 : i32
      %ge3A_1589 = vector.broadcast %ge3A_1588 : i32 to vector<16xi32>
      %ge3A_1590 = arith.cmpi sge, %add3A_1581, %ge3A_1589 : vector<16xi32>
      %or3A_1591 = arith.ori %lt3A_1587, %ge3A_1590 : vector<16xi1>
      %lt3A_1592 = arith.constant 0 : i32
      %lt3A_1593 = vector.broadcast %lt3A_1592 : i32 to vector<16xi32>
      %lt3A_1594 = arith.cmpi slt, %add3A_1584, %lt3A_1593 : vector<16xi32>
      %or3A_1595 = arith.ori %or3A_1591, %lt3A_1594 : vector<16xi1>
      %ge3A_1596 = arith.constant 64 : i32
      %ge3A_1597 = vector.broadcast %ge3A_1596 : i32 to vector<16xi32>
      %ge3A_1598 = arith.cmpi sge, %add3A_1584, %ge3A_1597 : vector<16xi32>
      %or3A_1599 = arith.ori %or3A_1595, %ge3A_1598 : vector<16xi1>
      %jit3A_1600 = arith.constant 0 : i32
      %jit3A_1601 = arith.constant 63 : i32
      %max3A_1602 = vector.broadcast %jit3A_1600 : i32 to vector<16xi32>
      %max3A_1603 = arith.maxsi %max3A_1602, %add3A_1584 : vector<16xi32>
      %min3A_1604 = vector.broadcast %jit3A_1601 : i32 to vector<16xi32>
      %min3A_1605 = arith.minsi %min3A_1604, %max3A_1603 : vector<16xi32>
      %jit3A_1606 = arith.constant 0 : i32
      %jit3A_1607 = arith.constant 63 : i32
      %max3A_1608 = vector.broadcast %jit3A_1606 : i32 to vector<16xi32>
      %max3A_1609 = arith.maxsi %max3A_1608, %add3A_1581 : vector<16xi32>
      %min3A_1610 = vector.broadcast %jit3A_1607 : i32 to vector<16xi32>
      %min3A_1611 = arith.minsi %min3A_1610, %max3A_1609 : vector<16xi32>
      %mul3A_1612 = arith.constant 2 : i32
      %mul3A_1613 = vector.broadcast %mul3A_1612 : i32 to vector<16xi32>
      %mul3A_1614 = arith.muli %mul3A_1613, %get3A_1447 : vector<16xi32>
      %sub3A_1615 = arith.subi %min3A_1611, %mul3A_1614 : vector<16xi32>
      %shift_right_arithmetic3A_1616 = arith.constant 1 : i32
      %shift_right_arithmetic3A_1617 = vector.broadcast %shift_right_arithmetic3A_1616 : i32 to vector<16xi32>
      %shift_right_arithmetic3A_1618 = arith.shrsi %sub3A_1615, %shift_right_arithmetic3A_1617 : vector<16xi32>
      %mul3A_1619 = arith.constant 32 : i32
      %mul3A_1620 = vector.broadcast %mul3A_1619 : i32 to vector<16xi32>
      %mul3A_1621 = arith.muli %shift_right_arithmetic3A_1618, %mul3A_1620 : vector<16xi32>
      %add3A_1622 = arith.constant 0 : i32
      %add3A_1623 = vector.broadcast %add3A_1622 : i32 to vector<16xi32>
      %add3A_1624 = arith.addi %mul3A_1621, %add3A_1623 : vector<16xi32>
      %add3A_1625 = arith.addi %add3A_1624, %iota3A_1448 : vector<16xi32>
      %and3A_1626 = arith.constant 1 : i32
      %and3A_1627 = vector.broadcast %and3A_1626 : i32 to vector<16xi32>
      %and3A_1628 = arith.andi %sub3A_1615, %and3A_1627 : vector<16xi32>
      %mul3A_1629 = arith.constant 64 : i32
      %mul3A_1630 = vector.broadcast %mul3A_1629 : i32 to vector<16xi32>
      %mul3A_1631 = arith.muli %and3A_1628, %mul3A_1630 : vector<16xi32>
      %add3A_1632 = arith.addi %mul3A_1631, %min3A_1605 : vector<16xi32>
      %gather3A_1633 = tpu.vector_load_idx %arg14[%add3A_1625, %add3A_1632] : memref<64x128xi32, #tpu.memory_space<vmem>>[vector<16xi32>, vector<16xi32>], vector<16xi32>,
      %jit3A_1634 = arith.constant 60000 : i32
      %broadcast_in_dim3A_1635 = vector.broadcast %jit3A_1634 : i32 to vector<16xi32>
      %select_n3A_1636 = arith.select %or3A_1599, %broadcast_in_dim3A_1635, %gather3A_1633 : vector<16xi1>, vector<16xi32>
      %add3A_1637 = arith.constant 120832 : i32
      %add3A_1638 = vector.broadcast %add3A_1637 : i32 to vector<16xi32>
      %add3A_1639 = arith.addi %select_n3A_1636, %add3A_1638 : vector<16xi32>
      %swap3A_1640 = arith.constant 0 : i32
      %swap3A_1641 = arith.index_cast %swap3A_1640 : i32 to index
      %swap3A_1642 = arith.constant 64 : index
      %swap3A_1643 = tpu.vector_load %arg16[%swap3A_1641, %swap3A_1642] {strides = array<i32>} : memref<3x96xi32, #tpu.memory_space<vmem>>, vector<16xi32>,
      tpu.vector_store %arg16[%swap3A_1641, %swap3A_1642], %add3A_1639 {strides = array<i32>} : memref<3x96xi32, #tpu.memory_space<vmem>>, vector<16xi32>,
      %add3A_1644 = arith.constant 0 : i32
      %add3A_1645 = vector.broadcast %add3A_1644 : i32 to vector<16xi32>
      %add3A_1646 = arith.addi %get3A_1445, %add3A_1645 : vector<16xi32>
      %add3A_1647 = arith.constant -1 : i32
      %add3A_1648 = vector.broadcast %add3A_1647 : i32 to vector<16xi32>
      %add3A_1649 = arith.addi %get3A_1443, %add3A_1648 : vector<16xi32>
      %lt3A_1650 = arith.constant 0 : i32
      %lt3A_1651 = vector.broadcast %lt3A_1650 : i32 to vector<16xi32>
      %lt3A_1652 = arith.cmpi slt, %add3A_1646, %lt3A_1651 : vector<16xi32>
      %ge3A_1653 = arith.constant 64 : i32
      %ge3A_1654 = vector.broadcast %ge3A_1653 : i32 to vector<16xi32>
      %ge3A_1655 = arith.cmpi sge, %add3A_1646, %ge3A_1654 : vector<16xi32>
      %or3A_1656 = arith.ori %lt3A_1652, %ge3A_1655 : vector<16xi1>
      %lt3A_1657 = arith.constant 0 : i32
      %lt3A_1658 = vector.broadcast %lt3A_1657 : i32 to vector<16xi32>
      %lt3A_1659 = arith.cmpi slt, %add3A_1649, %lt3A_1658 : vector<16xi32>
      %or3A_1660 = arith.ori %or3A_1656, %lt3A_1659 : vector<16xi1>
      %ge3A_1661 = arith.constant 64 : i32
      %ge3A_1662 = vector.broadcast %ge3A_1661 : i32 to vector<16xi32>
      %ge3A_1663 = arith.cmpi sge, %add3A_1649, %ge3A_1662 : vector<16xi32>
      %or3A_1664 = arith.ori %or3A_1660, %ge3A_1663 : vector<16xi1>
      %jit3A_1665 = arith.constant 0 : i32
      %jit3A_1666 = arith.constant 63 : i32
      %max3A_1667 = vector.broadcast %jit3A_1665 : i32 to vector<16xi32>
      %max3A_1668 = arith.maxsi %max3A_1667, %add3A_1649 : vector<16xi32>
      %min3A_1669 = vector.broadcast %jit3A_1666 : i32 to vector<16xi32>
      %min3A_1670 = arith.minsi %min3A_1669, %max3A_1668 : vector<16xi32>
      %jit3A_1671 = arith.constant 0 : i32
      %jit3A_1672 = arith.constant 63 : i32
      %max3A_1673 = vector.broadcast %jit3A_1671 : i32 to vector<16xi32>
      %max3A_1674 = arith.maxsi %max3A_1673, %add3A_1646 : vector<16xi32>
      %min3A_1675 = vector.broadcast %jit3A_1672 : i32 to vector<16xi32>
      %min3A_1676 = arith.minsi %min3A_1675, %max3A_1674 : vector<16xi32>
      %mul3A_1677 = arith.constant 2 : i32
      %mul3A_1678 = vector.broadcast %mul3A_1677 : i32 to vector<16xi32>
      %mul3A_1679 = arith.muli %mul3A_1678, %get3A_1447 : vector<16xi32>
      %sub3A_1680 = arith.subi %min3A_1676, %mul3A_1679 : vector<16xi32>
      %shift_right_arithmetic3A_1681 = arith.constant 1 : i32
      %shift_right_arithmetic3A_1682 = vector.broadcast %shift_right_arithmetic3A_1681 : i32 to vector<16xi32>
      %shift_right_arithmetic3A_1683 = arith.shrsi %sub3A_1680, %shift_right_arithmetic3A_1682 : vector<16xi32>
      %mul3A_1684 = arith.constant 32 : i32
      %mul3A_1685 = vector.broadcast %mul3A_1684 : i32 to vector<16xi32>
      %mul3A_1686 = arith.muli %shift_right_arithmetic3A_1683, %mul3A_1685 : vector<16xi32>
      %add3A_1687 = arith.constant 0 : i32
      %add3A_1688 = vector.broadcast %add3A_1687 : i32 to vector<16xi32>
      %add3A_1689 = arith.addi %mul3A_1686, %add3A_1688 : vector<16xi32>
      %add3A_1690 = arith.addi %add3A_1689, %iota3A_1448 : vector<16xi32>
      %and3A_1691 = arith.constant 1 : i32
      %and3A_1692 = vector.broadcast %and3A_1691 : i32 to vector<16xi32>
      %and3A_1693 = arith.andi %sub3A_1680, %and3A_1692 : vector<16xi32>
      %mul3A_1694 = arith.constant 64 : i32
      %mul3A_1695 = vector.broadcast %mul3A_1694 : i32 to vector<16xi32>
      %mul3A_1696 = arith.muli %and3A_1693, %mul3A_1695 : vector<16xi32>
      %add3A_1697 = arith.addi %mul3A_1696, %min3A_1670 : vector<16xi32>
      %gather3A_1698 = tpu.vector_load_idx %arg14[%add3A_1690, %add3A_1697] : memref<64x128xi32, #tpu.memory_space<vmem>>[vector<16xi32>, vector<16xi32>], vector<16xi32>,
      %jit3A_1699 = arith.constant 60000 : i32
      %broadcast_in_dim3A_1700 = vector.broadcast %jit3A_1699 : i32 to vector<16xi32>
      %select_n3A_1701 = arith.select %or3A_1664, %broadcast_in_dim3A_1700, %gather3A_1698 : vector<16xi1>, vector<16xi32>
      %add3A_1702 = arith.constant 181248 : i32
      %add3A_1703 = vector.broadcast %add3A_1702 : i32 to vector<16xi32>
      %add3A_1704 = arith.addi %select_n3A_1701, %add3A_1703 : vector<16xi32>
      %swap3A_1705 = arith.constant 1 : i32
      %swap3A_1706 = arith.index_cast %swap3A_1705 : i32 to index
      %swap3A_1707 = arith.constant 0 : index
      %swap3A_1708 = tpu.vector_load %arg16[%swap3A_1706, %swap3A_1707] {strides = array<i32>} : memref<3x96xi32, #tpu.memory_space<vmem>>, vector<16xi32>,
      tpu.vector_store %arg16[%swap3A_1706, %swap3A_1707], %add3A_1704 {strides = array<i32>} : memref<3x96xi32, #tpu.memory_space<vmem>>, vector<16xi32>,
      %add3A_1709 = arith.constant 0 : i32
      %add3A_1710 = vector.broadcast %add3A_1709 : i32 to vector<16xi32>
      %add3A_1711 = arith.addi %get3A_1445, %add3A_1710 : vector<16xi32>
      %add3A_1712 = arith.constant 0 : i32
      %add3A_1713 = vector.broadcast %add3A_1712 : i32 to vector<16xi32>
      %add3A_1714 = arith.addi %get3A_1443, %add3A_1713 : vector<16xi32>
      %lt3A_1715 = arith.constant 0 : i32
      %lt3A_1716 = vector.broadcast %lt3A_1715 : i32 to vector<16xi32>
      %lt3A_1717 = arith.cmpi slt, %add3A_1711, %lt3A_1716 : vector<16xi32>
      %ge3A_1718 = arith.constant 64 : i32
      %ge3A_1719 = vector.broadcast %ge3A_1718 : i32 to vector<16xi32>
      %ge3A_1720 = arith.cmpi sge, %add3A_1711, %ge3A_1719 : vector<16xi32>
      %or3A_1721 = arith.ori %lt3A_1717, %ge3A_1720 : vector<16xi1>
      %lt3A_1722 = arith.constant 0 : i32
      %lt3A_1723 = vector.broadcast %lt3A_1722 : i32 to vector<16xi32>
      %lt3A_1724 = arith.cmpi slt, %add3A_1714, %lt3A_1723 : vector<16xi32>
      %or3A_1725 = arith.ori %or3A_1721, %lt3A_1724 : vector<16xi1>
      %ge3A_1726 = arith.constant 64 : i32
      %ge3A_1727 = vector.broadcast %ge3A_1726 : i32 to vector<16xi32>
      %ge3A_1728 = arith.cmpi sge, %add3A_1714, %ge3A_1727 : vector<16xi32>
      %or3A_1729 = arith.ori %or3A_1725, %ge3A_1728 : vector<16xi1>
      %jit3A_1730 = arith.constant 0 : i32
      %jit3A_1731 = arith.constant 63 : i32
      %max3A_1732 = vector.broadcast %jit3A_1730 : i32 to vector<16xi32>
      %max3A_1733 = arith.maxsi %max3A_1732, %add3A_1714 : vector<16xi32>
      %min3A_1734 = vector.broadcast %jit3A_1731 : i32 to vector<16xi32>
      %min3A_1735 = arith.minsi %min3A_1734, %max3A_1733 : vector<16xi32>
      %jit3A_1736 = arith.constant 0 : i32
      %jit3A_1737 = arith.constant 63 : i32
      %max3A_1738 = vector.broadcast %jit3A_1736 : i32 to vector<16xi32>
      %max3A_1739 = arith.maxsi %max3A_1738, %add3A_1711 : vector<16xi32>
      %min3A_1740 = vector.broadcast %jit3A_1737 : i32 to vector<16xi32>
      %min3A_1741 = arith.minsi %min3A_1740, %max3A_1739 : vector<16xi32>
      %mul3A_1742 = arith.constant 2 : i32
      %mul3A_1743 = vector.broadcast %mul3A_1742 : i32 to vector<16xi32>
      %mul3A_1744 = arith.muli %mul3A_1743, %get3A_1447 : vector<16xi32>
      %sub3A_1745 = arith.subi %min3A_1741, %mul3A_1744 : vector<16xi32>
      %shift_right_arithmetic3A_1746 = arith.constant 1 : i32
      %shift_right_arithmetic3A_1747 = vector.broadcast %shift_right_arithmetic3A_1746 : i32 to vector<16xi32>
      %shift_right_arithmetic3A_1748 = arith.shrsi %sub3A_1745, %shift_right_arithmetic3A_1747 : vector<16xi32>
      %mul3A_1749 = arith.constant 32 : i32
      %mul3A_1750 = vector.broadcast %mul3A_1749 : i32 to vector<16xi32>
      %mul3A_1751 = arith.muli %shift_right_arithmetic3A_1748, %mul3A_1750 : vector<16xi32>
      %add3A_1752 = arith.constant 0 : i32
      %add3A_1753 = vector.broadcast %add3A_1752 : i32 to vector<16xi32>
      %add3A_1754 = arith.addi %mul3A_1751, %add3A_1753 : vector<16xi32>
      %add3A_1755 = arith.addi %add3A_1754, %iota3A_1448 : vector<16xi32>
      %and3A_1756 = arith.constant 1 : i32
      %and3A_1757 = vector.broadcast %and3A_1756 : i32 to vector<16xi32>
      %and3A_1758 = arith.andi %sub3A_1745, %and3A_1757 : vector<16xi32>
      %mul3A_1759 = arith.constant 64 : i32
      %mul3A_1760 = vector.broadcast %mul3A_1759 : i32 to vector<16xi32>
      %mul3A_1761 = arith.muli %and3A_1758, %mul3A_1760 : vector<16xi32>
      %add3A_1762 = arith.addi %mul3A_1761, %min3A_1735 : vector<16xi32>
      %gather3A_1763 = tpu.vector_load_idx %arg14[%add3A_1755, %add3A_1762] : memref<64x128xi32, #tpu.memory_space<vmem>>[vector<16xi32>, vector<16xi32>], vector<16xi32>,
      %jit3A_1764 = arith.constant 60000 : i32
      %broadcast_in_dim3A_1765 = vector.broadcast %jit3A_1764 : i32 to vector<16xi32>
      %select_n3A_1766 = arith.select %or3A_1729, %broadcast_in_dim3A_1765, %gather3A_1763 : vector<16xi1>, vector<16xi32>
      %add3A_1767 = arith.constant 241664 : i32
      %add3A_1768 = vector.broadcast %add3A_1767 : i32 to vector<16xi32>
      %add3A_1769 = arith.addi %select_n3A_1766, %add3A_1768 : vector<16xi32>
      %swap3A_1770 = arith.constant 1 : i32
      %swap3A_1771 = arith.index_cast %swap3A_1770 : i32 to index
      %swap3A_1772 = arith.constant 32 : index
      %swap3A_1773 = tpu.vector_load %arg16[%swap3A_1771, %swap3A_1772] {strides = array<i32>} : memref<3x96xi32, #tpu.memory_space<vmem>>, vector<16xi32>,
      tpu.vector_store %arg16[%swap3A_1771, %swap3A_1772], %add3A_1769 {strides = array<i32>} : memref<3x96xi32, #tpu.memory_space<vmem>>, vector<16xi32>,
      %add3A_1774 = arith.constant 0 : i32
      %add3A_1775 = vector.broadcast %add3A_1774 : i32 to vector<16xi32>
      %add3A_1776 = arith.addi %get3A_1445, %add3A_1775 : vector<16xi32>
      %add3A_1777 = arith.constant 1 : i32
      %add3A_1778 = vector.broadcast %add3A_1777 : i32 to vector<16xi32>
      %add3A_1779 = arith.addi %get3A_1443, %add3A_1778 : vector<16xi32>
      %lt3A_1780 = arith.constant 0 : i32
      %lt3A_1781 = vector.broadcast %lt3A_1780 : i32 to vector<16xi32>
      %lt3A_1782 = arith.cmpi slt, %add3A_1776, %lt3A_1781 : vector<16xi32>
      %ge3A_1783 = arith.constant 64 : i32
      %ge3A_1784 = vector.broadcast %ge3A_1783 : i32 to vector<16xi32>
      %ge3A_1785 = arith.cmpi sge, %add3A_1776, %ge3A_1784 : vector<16xi32>
      %or3A_1786 = arith.ori %lt3A_1782, %ge3A_1785 : vector<16xi1>
      %lt3A_1787 = arith.constant 0 : i32
      %lt3A_1788 = vector.broadcast %lt3A_1787 : i32 to vector<16xi32>
      %lt3A_1789 = arith.cmpi slt, %add3A_1779, %lt3A_1788 : vector<16xi32>
      %or3A_1790 = arith.ori %or3A_1786, %lt3A_1789 : vector<16xi1>
      %ge3A_1791 = arith.constant 64 : i32
      %ge3A_1792 = vector.broadcast %ge3A_1791 : i32 to vector<16xi32>
      %ge3A_1793 = arith.cmpi sge, %add3A_1779, %ge3A_1792 : vector<16xi32>
      %or3A_1794 = arith.ori %or3A_1790, %ge3A_1793 : vector<16xi1>
      %jit3A_1795 = arith.constant 0 : i32
      %jit3A_1796 = arith.constant 63 : i32
      %max3A_1797 = vector.broadcast %jit3A_1795 : i32 to vector<16xi32>
      %max3A_1798 = arith.maxsi %max3A_1797, %add3A_1779 : vector<16xi32>
      %min3A_1799 = vector.broadcast %jit3A_1796 : i32 to vector<16xi32>
      %min3A_1800 = arith.minsi %min3A_1799, %max3A_1798 : vector<16xi32>
      %jit3A_1801 = arith.constant 0 : i32
      %jit3A_1802 = arith.constant 63 : i32
      %max3A_1803 = vector.broadcast %jit3A_1801 : i32 to vector<16xi32>
      %max3A_1804 = arith.maxsi %max3A_1803, %add3A_1776 : vector<16xi32>
      %min3A_1805 = vector.broadcast %jit3A_1802 : i32 to vector<16xi32>
      %min3A_1806 = arith.minsi %min3A_1805, %max3A_1804 : vector<16xi32>
      %mul3A_1807 = arith.constant 2 : i32
      %mul3A_1808 = vector.broadcast %mul3A_1807 : i32 to vector<16xi32>
      %mul3A_1809 = arith.muli %mul3A_1808, %get3A_1447 : vector<16xi32>
      %sub3A_1810 = arith.subi %min3A_1806, %mul3A_1809 : vector<16xi32>
      %shift_right_arithmetic3A_1811 = arith.constant 1 : i32
      %shift_right_arithmetic3A_1812 = vector.broadcast %shift_right_arithmetic3A_1811 : i32 to vector<16xi32>
      %shift_right_arithmetic3A_1813 = arith.shrsi %sub3A_1810, %shift_right_arithmetic3A_1812 : vector<16xi32>
      %mul3A_1814 = arith.constant 32 : i32
      %mul3A_1815 = vector.broadcast %mul3A_1814 : i32 to vector<16xi32>
      %mul3A_1816 = arith.muli %shift_right_arithmetic3A_1813, %mul3A_1815 : vector<16xi32>
      %add3A_1817 = arith.constant 0 : i32
      %add3A_1818 = vector.broadcast %add3A_1817 : i32 to vector<16xi32>
      %add3A_1819 = arith.addi %mul3A_1816, %add3A_1818 : vector<16xi32>
      %add3A_1820 = arith.addi %add3A_1819, %iota3A_1448 : vector<16xi32>
      %and3A_1821 = arith.constant 1 : i32
      %and3A_1822 = vector.broadcast %and3A_1821 : i32 to vector<16xi32>
      %and3A_1823 = arith.andi %sub3A_1810, %and3A_1822 : vector<16xi32>
      %mul3A_1824 = arith.constant 64 : i32
      %mul3A_1825 = vector.broadcast %mul3A_1824 : i32 to vector<16xi32>
      %mul3A_1826 = arith.muli %and3A_1823, %mul3A_1825 : vector<16xi32>
      %add3A_1827 = arith.addi %mul3A_1826, %min3A_1800 : vector<16xi32>
      %gather3A_1828 = tpu.vector_load_idx %arg14[%add3A_1820, %add3A_1827] : memref<64x128xi32, #tpu.memory_space<vmem>>[vector<16xi32>, vector<16xi32>], vector<16xi32>,
      %jit3A_1829 = arith.constant 60000 : i32
      %broadcast_in_dim3A_1830 = vector.broadcast %jit3A_1829 : i32 to vector<16xi32>
      %select_n3A_1831 = arith.select %or3A_1794, %broadcast_in_dim3A_1830, %gather3A_1828 : vector<16xi1>, vector<16xi32>
      %add3A_1832 = arith.constant 302080 : i32
      %add3A_1833 = vector.broadcast %add3A_1832 : i32 to vector<16xi32>
      %add3A_1834 = arith.addi %select_n3A_1831, %add3A_1833 : vector<16xi32>
      %swap3A_1835 = arith.constant 1 : i32
      %swap3A_1836 = arith.index_cast %swap3A_1835 : i32 to index
      %swap3A_1837 = arith.constant 64 : index
      %swap3A_1838 = tpu.vector_load %arg16[%swap3A_1836, %swap3A_1837] {strides = array<i32>} : memref<3x96xi32, #tpu.memory_space<vmem>>, vector<16xi32>,
      tpu.vector_store %arg16[%swap3A_1836, %swap3A_1837], %add3A_1834 {strides = array<i32>} : memref<3x96xi32, #tpu.memory_space<vmem>>, vector<16xi32>,
      %add3A_1839 = arith.constant 1 : i32
      %add3A_1840 = vector.broadcast %add3A_1839 : i32 to vector<16xi32>
      %add3A_1841 = arith.addi %get3A_1445, %add3A_1840 : vector<16xi32>
      %add3A_1842 = arith.constant -1 : i32
      %add3A_1843 = vector.broadcast %add3A_1842 : i32 to vector<16xi32>
      %add3A_1844 = arith.addi %get3A_1443, %add3A_1843 : vector<16xi32>
      %lt3A_1845 = arith.constant 0 : i32
      %lt3A_1846 = vector.broadcast %lt3A_1845 : i32 to vector<16xi32>
      %lt3A_1847 = arith.cmpi slt, %add3A_1841, %lt3A_1846 : vector<16xi32>
      %ge3A_1848 = arith.constant 64 : i32
      %ge3A_1849 = vector.broadcast %ge3A_1848 : i32 to vector<16xi32>
      %ge3A_1850 = arith.cmpi sge, %add3A_1841, %ge3A_1849 : vector<16xi32>
      %or3A_1851 = arith.ori %lt3A_1847, %ge3A_1850 : vector<16xi1>
      %lt3A_1852 = arith.constant 0 : i32
      %lt3A_1853 = vector.broadcast %lt3A_1852 : i32 to vector<16xi32>
      %lt3A_1854 = arith.cmpi slt, %add3A_1844, %lt3A_1853 : vector<16xi32>
      %or3A_1855 = arith.ori %or3A_1851, %lt3A_1854 : vector<16xi1>
      %ge3A_1856 = arith.constant 64 : i32
      %ge3A_1857 = vector.broadcast %ge3A_1856 : i32 to vector<16xi32>
      %ge3A_1858 = arith.cmpi sge, %add3A_1844, %ge3A_1857 : vector<16xi32>
      %or3A_1859 = arith.ori %or3A_1855, %ge3A_1858 : vector<16xi1>
      %jit3A_1860 = arith.constant 0 : i32
      %jit3A_1861 = arith.constant 63 : i32
      %max3A_1862 = vector.broadcast %jit3A_1860 : i32 to vector<16xi32>
      %max3A_1863 = arith.maxsi %max3A_1862, %add3A_1844 : vector<16xi32>
      %min3A_1864 = vector.broadcast %jit3A_1861 : i32 to vector<16xi32>
      %min3A_1865 = arith.minsi %min3A_1864, %max3A_1863 : vector<16xi32>
      %jit3A_1866 = arith.constant 0 : i32
      %jit3A_1867 = arith.constant 63 : i32
      %max3A_1868 = vector.broadcast %jit3A_1866 : i32 to vector<16xi32>
      %max3A_1869 = arith.maxsi %max3A_1868, %add3A_1841 : vector<16xi32>
      %min3A_1870 = vector.broadcast %jit3A_1867 : i32 to vector<16xi32>
      %min3A_1871 = arith.minsi %min3A_1870, %max3A_1869 : vector<16xi32>
      %mul3A_1872 = arith.constant 2 : i32
      %mul3A_1873 = vector.broadcast %mul3A_1872 : i32 to vector<16xi32>
      %mul3A_1874 = arith.muli %mul3A_1873, %get3A_1447 : vector<16xi32>
      %sub3A_1875 = arith.subi %min3A_1871, %mul3A_1874 : vector<16xi32>
      %shift_right_arithmetic3A_1876 = arith.constant 1 : i32
      %shift_right_arithmetic3A_1877 = vector.broadcast %shift_right_arithmetic3A_1876 : i32 to vector<16xi32>
      %shift_right_arithmetic3A_1878 = arith.shrsi %sub3A_1875, %shift_right_arithmetic3A_1877 : vector<16xi32>
      %mul3A_1879 = arith.constant 32 : i32
      %mul3A_1880 = vector.broadcast %mul3A_1879 : i32 to vector<16xi32>
      %mul3A_1881 = arith.muli %shift_right_arithmetic3A_1878, %mul3A_1880 : vector<16xi32>
      %add3A_1882 = arith.constant 0 : i32
      %add3A_1883 = vector.broadcast %add3A_1882 : i32 to vector<16xi32>
      %add3A_1884 = arith.addi %mul3A_1881, %add3A_1883 : vector<16xi32>
      %add3A_1885 = arith.addi %add3A_1884, %iota3A_1448 : vector<16xi32>
      %and3A_1886 = arith.constant 1 : i32
      %and3A_1887 = vector.broadcast %and3A_1886 : i32 to vector<16xi32>
      %and3A_1888 = arith.andi %sub3A_1875, %and3A_1887 : vector<16xi32>
      %mul3A_1889 = arith.constant 64 : i32
      %mul3A_1890 = vector.broadcast %mul3A_1889 : i32 to vector<16xi32>
      %mul3A_1891 = arith.muli %and3A_1888, %mul3A_1890 : vector<16xi32>
      %add3A_1892 = arith.addi %mul3A_1891, %min3A_1865 : vector<16xi32>
      %gather3A_1893 = tpu.vector_load_idx %arg14[%add3A_1885, %add3A_1892] : memref<64x128xi32, #tpu.memory_space<vmem>>[vector<16xi32>, vector<16xi32>], vector<16xi32>,
      %jit3A_1894 = arith.constant 60000 : i32
      %broadcast_in_dim3A_1895 = vector.broadcast %jit3A_1894 : i32 to vector<16xi32>
      %select_n3A_1896 = arith.select %or3A_1859, %broadcast_in_dim3A_1895, %gather3A_1893 : vector<16xi1>, vector<16xi32>
      %add3A_1897 = arith.constant 362496 : i32
      %add3A_1898 = vector.broadcast %add3A_1897 : i32 to vector<16xi32>
      %add3A_1899 = arith.addi %select_n3A_1896, %add3A_1898 : vector<16xi32>
      %swap3A_1900 = arith.constant 2 : i32
      %swap3A_1901 = arith.index_cast %swap3A_1900 : i32 to index
      %swap3A_1902 = arith.constant 0 : index
      %swap3A_1903 = tpu.vector_load %arg16[%swap3A_1901, %swap3A_1902] {strides = array<i32>} : memref<3x96xi32, #tpu.memory_space<vmem>>, vector<16xi32>,
      tpu.vector_store %arg16[%swap3A_1901, %swap3A_1902], %add3A_1899 {strides = array<i32>} : memref<3x96xi32, #tpu.memory_space<vmem>>, vector<16xi32>,
      %add3A_1904 = arith.constant 1 : i32
      %add3A_1905 = vector.broadcast %add3A_1904 : i32 to vector<16xi32>
      %add3A_1906 = arith.addi %get3A_1445, %add3A_1905 : vector<16xi32>
      %add3A_1907 = arith.constant 0 : i32
      %add3A_1908 = vector.broadcast %add3A_1907 : i32 to vector<16xi32>
      %add3A_1909 = arith.addi %get3A_1443, %add3A_1908 : vector<16xi32>
      %lt3A_1910 = arith.constant 0 : i32
      %lt3A_1911 = vector.broadcast %lt3A_1910 : i32 to vector<16xi32>
      %lt3A_1912 = arith.cmpi slt, %add3A_1906, %lt3A_1911 : vector<16xi32>
      %ge3A_1913 = arith.constant 64 : i32
      %ge3A_1914 = vector.broadcast %ge3A_1913 : i32 to vector<16xi32>
      %ge3A_1915 = arith.cmpi sge, %add3A_1906, %ge3A_1914 : vector<16xi32>
      %or3A_1916 = arith.ori %lt3A_1912, %ge3A_1915 : vector<16xi1>
      %lt3A_1917 = arith.constant 0 : i32
      %lt3A_1918 = vector.broadcast %lt3A_1917 : i32 to vector<16xi32>
      %lt3A_1919 = arith.cmpi slt, %add3A_1909, %lt3A_1918 : vector<16xi32>
      %or3A_1920 = arith.ori %or3A_1916, %lt3A_1919 : vector<16xi1>
      %ge3A_1921 = arith.constant 64 : i32
      %ge3A_1922 = vector.broadcast %ge3A_1921 : i32 to vector<16xi32>
      %ge3A_1923 = arith.cmpi sge, %add3A_1909, %ge3A_1922 : vector<16xi32>
      %or3A_1924 = arith.ori %or3A_1920, %ge3A_1923 : vector<16xi1>
      %jit3A_1925 = arith.constant 0 : i32
      %jit3A_1926 = arith.constant 63 : i32
      %max3A_1927 = vector.broadcast %jit3A_1925 : i32 to vector<16xi32>
      %max3A_1928 = arith.maxsi %max3A_1927, %add3A_1909 : vector<16xi32>
      %min3A_1929 = vector.broadcast %jit3A_1926 : i32 to vector<16xi32>
      %min3A_1930 = arith.minsi %min3A_1929, %max3A_1928 : vector<16xi32>
      %jit3A_1931 = arith.constant 0 : i32
      %jit3A_1932 = arith.constant 63 : i32
      %max3A_1933 = vector.broadcast %jit3A_1931 : i32 to vector<16xi32>
      %max3A_1934 = arith.maxsi %max3A_1933, %add3A_1906 : vector<16xi32>
      %min3A_1935 = vector.broadcast %jit3A_1932 : i32 to vector<16xi32>
      %min3A_1936 = arith.minsi %min3A_1935, %max3A_1934 : vector<16xi32>
      %mul3A_1937 = arith.constant 2 : i32
      %mul3A_1938 = vector.broadcast %mul3A_1937 : i32 to vector<16xi32>
      %mul3A_1939 = arith.muli %mul3A_1938, %get3A_1447 : vector<16xi32>
      %sub3A_1940 = arith.subi %min3A_1936, %mul3A_1939 : vector<16xi32>
      %shift_right_arithmetic3A_1941 = arith.constant 1 : i32
      %shift_right_arithmetic3A_1942 = vector.broadcast %shift_right_arithmetic3A_1941 : i32 to vector<16xi32>
      %shift_right_arithmetic3A_1943 = arith.shrsi %sub3A_1940, %shift_right_arithmetic3A_1942 : vector<16xi32>
      %mul3A_1944 = arith.constant 32 : i32
      %mul3A_1945 = vector.broadcast %mul3A_1944 : i32 to vector<16xi32>
      %mul3A_1946 = arith.muli %shift_right_arithmetic3A_1943, %mul3A_1945 : vector<16xi32>
      %add3A_1947 = arith.constant 0 : i32
      %add3A_1948 = vector.broadcast %add3A_1947 : i32 to vector<16xi32>
      %add3A_1949 = arith.addi %mul3A_1946, %add3A_1948 : vector<16xi32>
      %add3A_1950 = arith.addi %add3A_1949, %iota3A_1448 : vector<16xi32>
      %and3A_1951 = arith.constant 1 : i32
      %and3A_1952 = vector.broadcast %and3A_1951 : i32 to vector<16xi32>
      %and3A_1953 = arith.andi %sub3A_1940, %and3A_1952 : vector<16xi32>
      %mul3A_1954 = arith.constant 64 : i32
      %mul3A_1955 = vector.broadcast %mul3A_1954 : i32 to vector<16xi32>
      %mul3A_1956 = arith.muli %and3A_1953, %mul3A_1955 : vector<16xi32>
      %add3A_1957 = arith.addi %mul3A_1956, %min3A_1930 : vector<16xi32>
      %gather3A_1958 = tpu.vector_load_idx %arg14[%add3A_1950, %add3A_1957] : memref<64x128xi32, #tpu.memory_space<vmem>>[vector<16xi32>, vector<16xi32>], vector<16xi32>,
      %jit3A_1959 = arith.constant 60000 : i32
      %broadcast_in_dim3A_1960 = vector.broadcast %jit3A_1959 : i32 to vector<16xi32>
      %select_n3A_1961 = arith.select %or3A_1924, %broadcast_in_dim3A_1960, %gather3A_1958 : vector<16xi1>, vector<16xi32>
      %add3A_1962 = arith.constant 422912 : i32
      %add3A_1963 = vector.broadcast %add3A_1962 : i32 to vector<16xi32>
      %add3A_1964 = arith.addi %select_n3A_1961, %add3A_1963 : vector<16xi32>
      %swap3A_1965 = arith.constant 2 : i32
      %swap3A_1966 = arith.index_cast %swap3A_1965 : i32 to index
      %swap3A_1967 = arith.constant 32 : index
      %swap3A_1968 = tpu.vector_load %arg16[%swap3A_1966, %swap3A_1967] {strides = array<i32>} : memref<3x96xi32, #tpu.memory_space<vmem>>, vector<16xi32>,
      tpu.vector_store %arg16[%swap3A_1966, %swap3A_1967], %add3A_1964 {strides = array<i32>} : memref<3x96xi32, #tpu.memory_space<vmem>>, vector<16xi32>,
      %add3A_1969 = arith.constant 1 : i32
      %add3A_1970 = vector.broadcast %add3A_1969 : i32 to vector<16xi32>
      %add3A_1971 = arith.addi %get3A_1445, %add3A_1970 : vector<16xi32>
      %add3A_1972 = arith.constant 1 : i32
      %add3A_1973 = vector.broadcast %add3A_1972 : i32 to vector<16xi32>
      %add3A_1974 = arith.addi %get3A_1443, %add3A_1973 : vector<16xi32>
      %lt3A_1975 = arith.constant 0 : i32
      %lt3A_1976 = vector.broadcast %lt3A_1975 : i32 to vector<16xi32>
      %lt3A_1977 = arith.cmpi slt, %add3A_1971, %lt3A_1976 : vector<16xi32>
      %ge3A_1978 = arith.constant 64 : i32
      %ge3A_1979 = vector.broadcast %ge3A_1978 : i32 to vector<16xi32>
      %ge3A_1980 = arith.cmpi sge, %add3A_1971, %ge3A_1979 : vector<16xi32>
      %or3A_1981 = arith.ori %lt3A_1977, %ge3A_1980 : vector<16xi1>
      %lt3A_1982 = arith.constant 0 : i32
      %lt3A_1983 = vector.broadcast %lt3A_1982 : i32 to vector<16xi32>
      %lt3A_1984 = arith.cmpi slt, %add3A_1974, %lt3A_1983 : vector<16xi32>
      %or3A_1985 = arith.ori %or3A_1981, %lt3A_1984 : vector<16xi1>
      %ge3A_1986 = arith.constant 64 : i32
      %ge3A_1987 = vector.broadcast %ge3A_1986 : i32 to vector<16xi32>
      %ge3A_1988 = arith.cmpi sge, %add3A_1974, %ge3A_1987 : vector<16xi32>
      %or3A_1989 = arith.ori %or3A_1985, %ge3A_1988 : vector<16xi1>
      %jit3A_1990 = arith.constant 0 : i32
      %jit3A_1991 = arith.constant 63 : i32
      %max3A_1992 = vector.broadcast %jit3A_1990 : i32 to vector<16xi32>
      %max3A_1993 = arith.maxsi %max3A_1992, %add3A_1974 : vector<16xi32>
      %min3A_1994 = vector.broadcast %jit3A_1991 : i32 to vector<16xi32>
      %min3A_1995 = arith.minsi %min3A_1994, %max3A_1993 : vector<16xi32>
      %jit3A_1996 = arith.constant 0 : i32
      %jit3A_1997 = arith.constant 63 : i32
      %max3A_1998 = vector.broadcast %jit3A_1996 : i32 to vector<16xi32>
      %max3A_1999 = arith.maxsi %max3A_1998, %add3A_1971 : vector<16xi32>
      %min3A_2000 = vector.broadcast %jit3A_1997 : i32 to vector<16xi32>
      %min3A_2001 = arith.minsi %min3A_2000, %max3A_1999 : vector<16xi32>
      %mul3A_2002 = arith.constant 2 : i32
      %mul3A_2003 = vector.broadcast %mul3A_2002 : i32 to vector<16xi32>
      %mul3A_2004 = arith.muli %mul3A_2003, %get3A_1447 : vector<16xi32>
      %sub3A_2005 = arith.subi %min3A_2001, %mul3A_2004 : vector<16xi32>
      %shift_right_arithmetic3A_2006 = arith.constant 1 : i32
      %shift_right_arithmetic3A_2007 = vector.broadcast %shift_right_arithmetic3A_2006 : i32 to vector<16xi32>
      %shift_right_arithmetic3A_2008 = arith.shrsi %sub3A_2005, %shift_right_arithmetic3A_2007 : vector<16xi32>
      %mul3A_2009 = arith.constant 32 : i32
      %mul3A_2010 = vector.broadcast %mul3A_2009 : i32 to vector<16xi32>
      %mul3A_2011 = arith.muli %shift_right_arithmetic3A_2008, %mul3A_2010 : vector<16xi32>
      %add3A_2012 = arith.constant 0 : i32
      %add3A_2013 = vector.broadcast %add3A_2012 : i32 to vector<16xi32>
      %add3A_2014 = arith.addi %mul3A_2011, %add3A_2013 : vector<16xi32>
      %add3A_2015 = arith.addi %add3A_2014, %iota3A_1448 : vector<16xi32>
      %and3A_2016 = arith.constant 1 : i32
      %and3A_2017 = vector.broadcast %and3A_2016 : i32 to vector<16xi32>
      %and3A_2018 = arith.andi %sub3A_2005, %and3A_2017 : vector<16xi32>
      %mul3A_2019 = arith.constant 64 : i32
      %mul3A_2020 = vector.broadcast %mul3A_2019 : i32 to vector<16xi32>
      %mul3A_2021 = arith.muli %and3A_2018, %mul3A_2020 : vector<16xi32>
      %add3A_2022 = arith.addi %mul3A_2021, %min3A_1995 : vector<16xi32>
      %gather3A_2023 = tpu.vector_load_idx %arg14[%add3A_2015, %add3A_2022] : memref<64x128xi32, #tpu.memory_space<vmem>>[vector<16xi32>, vector<16xi32>], vector<16xi32>,
      %jit3A_2024 = arith.constant 60000 : i32
      %broadcast_in_dim3A_2025 = vector.broadcast %jit3A_2024 : i32 to vector<16xi32>
      %select_n3A_2026 = arith.select %or3A_1989, %broadcast_in_dim3A_2025, %gather3A_2023 : vector<16xi1>, vector<16xi32>
      %add3A_2027 = arith.constant 483328 : i32
      %add3A_2028 = vector.broadcast %add3A_2027 : i32 to vector<16xi32>
      %add3A_2029 = arith.addi %select_n3A_2026, %add3A_2028 : vector<16xi32>
      %swap3A_2030 = arith.constant 2 : i32
      %swap3A_2031 = arith.index_cast %swap3A_2030 : i32 to index
      %swap3A_2032 = arith.constant 64 : index
      %swap3A_2033 = tpu.vector_load %arg16[%swap3A_2031, %swap3A_2032] {strides = array<i32>} : memref<3x96xi32, #tpu.memory_space<vmem>>, vector<16xi32>,
      tpu.vector_store %arg16[%swap3A_2031, %swap3A_2032], %add3A_2029 {strides = array<i32>} : memref<3x96xi32, #tpu.memory_space<vmem>>, vector<16xi32>,
      %get3A_2034 = arith.constant 48 : index
      %get3A_2035 = tpu.vector_load %arg8[%get3A_2034] {strides = array<i32>} : memref<96xi32, #tpu.memory_space<vmem>>, vector<16xi32>,
      %get3A_2036 = arith.constant 80 : index
      %get3A_2037 = tpu.vector_load %arg8[%get3A_2036] {strides = array<i32>} : memref<96xi32, #tpu.memory_space<vmem>>, vector<16xi32>,
      %get3A_2038 = arith.constant 16 : index
      %get3A_2039 = tpu.vector_load %arg10[%get3A_2038] {strides = array<i32>} : memref<32xi32, #tpu.memory_space<vmem>>, vector<16xi32>,
      %iota3A_2040 = tpu.iota {dimensions = array<i32: 0>} : vector<16xi32>
      %add3A_2041 = arith.constant -1 : i32
      %add3A_2042 = vector.broadcast %add3A_2041 : i32 to vector<16xi32>
      %add3A_2043 = arith.addi %get3A_2037, %add3A_2042 : vector<16xi32>
      %add3A_2044 = arith.constant -1 : i32
      %add3A_2045 = vector.broadcast %add3A_2044 : i32 to vector<16xi32>
      %add3A_2046 = arith.addi %get3A_2035, %add3A_2045 : vector<16xi32>
      %lt3A_2047 = arith.constant 0 : i32
      %lt3A_2048 = vector.broadcast %lt3A_2047 : i32 to vector<16xi32>
      %lt3A_2049 = arith.cmpi slt, %add3A_2043, %lt3A_2048 : vector<16xi32>
      %ge3A_2050 = arith.constant 64 : i32
      %ge3A_2051 = vector.broadcast %ge3A_2050 : i32 to vector<16xi32>
      %ge3A_2052 = arith.cmpi sge, %add3A_2043, %ge3A_2051 : vector<16xi32>
      %or3A_2053 = arith.ori %lt3A_2049, %ge3A_2052 : vector<16xi1>
      %lt3A_2054 = arith.constant 0 : i32
      %lt3A_2055 = vector.broadcast %lt3A_2054 : i32 to vector<16xi32>
      %lt3A_2056 = arith.cmpi slt, %add3A_2046, %lt3A_2055 : vector<16xi32>
      %or3A_2057 = arith.ori %or3A_2053, %lt3A_2056 : vector<16xi1>
      %ge3A_2058 = arith.constant 64 : i32
      %ge3A_2059 = vector.broadcast %ge3A_2058 : i32 to vector<16xi32>
      %ge3A_2060 = arith.cmpi sge, %add3A_2046, %ge3A_2059 : vector<16xi32>
      %or3A_2061 = arith.ori %or3A_2057, %ge3A_2060 : vector<16xi1>
      %jit3A_2062 = arith.constant 0 : i32
      %jit3A_2063 = arith.constant 63 : i32
      %max3A_2064 = vector.broadcast %jit3A_2062 : i32 to vector<16xi32>
      %max3A_2065 = arith.maxsi %max3A_2064, %add3A_2046 : vector<16xi32>
      %min3A_2066 = vector.broadcast %jit3A_2063 : i32 to vector<16xi32>
      %min3A_2067 = arith.minsi %min3A_2066, %max3A_2065 : vector<16xi32>
      %jit3A_2068 = arith.constant 0 : i32
      %jit3A_2069 = arith.constant 63 : i32
      %max3A_2070 = vector.broadcast %jit3A_2068 : i32 to vector<16xi32>
      %max3A_2071 = arith.maxsi %max3A_2070, %add3A_2043 : vector<16xi32>
      %min3A_2072 = vector.broadcast %jit3A_2069 : i32 to vector<16xi32>
      %min3A_2073 = arith.minsi %min3A_2072, %max3A_2071 : vector<16xi32>
      %mul3A_2074 = arith.constant 2 : i32
      %mul3A_2075 = vector.broadcast %mul3A_2074 : i32 to vector<16xi32>
      %mul3A_2076 = arith.muli %mul3A_2075, %get3A_2039 : vector<16xi32>
      %sub3A_2077 = arith.subi %min3A_2073, %mul3A_2076 : vector<16xi32>
      %shift_right_arithmetic3A_2078 = arith.constant 1 : i32
      %shift_right_arithmetic3A_2079 = vector.broadcast %shift_right_arithmetic3A_2078 : i32 to vector<16xi32>
      %shift_right_arithmetic3A_2080 = arith.shrsi %sub3A_2077, %shift_right_arithmetic3A_2079 : vector<16xi32>
      %mul3A_2081 = arith.constant 32 : i32
      %mul3A_2082 = vector.broadcast %mul3A_2081 : i32 to vector<16xi32>
      %mul3A_2083 = arith.muli %shift_right_arithmetic3A_2080, %mul3A_2082 : vector<16xi32>
      %add3A_2084 = arith.constant 16 : i32
      %add3A_2085 = vector.broadcast %add3A_2084 : i32 to vector<16xi32>
      %add3A_2086 = arith.addi %mul3A_2083, %add3A_2085 : vector<16xi32>
      %add3A_2087 = arith.addi %add3A_2086, %iota3A_2040 : vector<16xi32>
      %and3A_2088 = arith.constant 1 : i32
      %and3A_2089 = vector.broadcast %and3A_2088 : i32 to vector<16xi32>
      %and3A_2090 = arith.andi %sub3A_2077, %and3A_2089 : vector<16xi32>
      %mul3A_2091 = arith.constant 64 : i32
      %mul3A_2092 = vector.broadcast %mul3A_2091 : i32 to vector<16xi32>
      %mul3A_2093 = arith.muli %and3A_2090, %mul3A_2092 : vector<16xi32>
      %add3A_2094 = arith.addi %mul3A_2093, %min3A_2067 : vector<16xi32>
      %gather3A_2095 = tpu.vector_load_idx %arg14[%add3A_2087, %add3A_2094] : memref<64x128xi32, #tpu.memory_space<vmem>>[vector<16xi32>, vector<16xi32>], vector<16xi32>,
      %jit3A_2096 = arith.constant 60000 : i32
      %broadcast_in_dim3A_2097 = vector.broadcast %jit3A_2096 : i32 to vector<16xi32>
      %select_n3A_2098 = arith.select %or3A_2061, %broadcast_in_dim3A_2097, %gather3A_2095 : vector<16xi1>, vector<16xi32>
      %add3A_2099 = arith.constant 0 : i32
      %add3A_2100 = vector.broadcast %add3A_2099 : i32 to vector<16xi32>
      %add3A_2101 = arith.addi %select_n3A_2098, %add3A_2100 : vector<16xi32>
      %swap3A_2102 = arith.constant 0 : i32
      %swap3A_2103 = arith.index_cast %swap3A_2102 : i32 to index
      %swap3A_2104 = arith.constant 16 : index
      %swap3A_2105 = tpu.vector_load %arg16[%swap3A_2103, %swap3A_2104] {strides = array<i32>} : memref<3x96xi32, #tpu.memory_space<vmem>>, vector<16xi32>,
      tpu.vector_store %arg16[%swap3A_2103, %swap3A_2104], %add3A_2101 {strides = array<i32>} : memref<3x96xi32, #tpu.memory_space<vmem>>, vector<16xi32>,
      %add3A_2106 = arith.constant -1 : i32
      %add3A_2107 = vector.broadcast %add3A_2106 : i32 to vector<16xi32>
      %add3A_2108 = arith.addi %get3A_2037, %add3A_2107 : vector<16xi32>
      %add3A_2109 = arith.constant 0 : i32
      %add3A_2110 = vector.broadcast %add3A_2109 : i32 to vector<16xi32>
      %add3A_2111 = arith.addi %get3A_2035, %add3A_2110 : vector<16xi32>
      %lt3A_2112 = arith.constant 0 : i32
      %lt3A_2113 = vector.broadcast %lt3A_2112 : i32 to vector<16xi32>
      %lt3A_2114 = arith.cmpi slt, %add3A_2108, %lt3A_2113 : vector<16xi32>
      %ge3A_2115 = arith.constant 64 : i32
      %ge3A_2116 = vector.broadcast %ge3A_2115 : i32 to vector<16xi32>
      %ge3A_2117 = arith.cmpi sge, %add3A_2108, %ge3A_2116 : vector<16xi32>
      %or3A_2118 = arith.ori %lt3A_2114, %ge3A_2117 : vector<16xi1>
      %lt3A_2119 = arith.constant 0 : i32
      %lt3A_2120 = vector.broadcast %lt3A_2119 : i32 to vector<16xi32>
      %lt3A_2121 = arith.cmpi slt, %add3A_2111, %lt3A_2120 : vector<16xi32>
      %or3A_2122 = arith.ori %or3A_2118, %lt3A_2121 : vector<16xi1>
      %ge3A_2123 = arith.constant 64 : i32
      %ge3A_2124 = vector.broadcast %ge3A_2123 : i32 to vector<16xi32>
      %ge3A_2125 = arith.cmpi sge, %add3A_2111, %ge3A_2124 : vector<16xi32>
      %or3A_2126 = arith.ori %or3A_2122, %ge3A_2125 : vector<16xi1>
      %jit3A_2127 = arith.constant 0 : i32
      %jit3A_2128 = arith.constant 63 : i32
      %max3A_2129 = vector.broadcast %jit3A_2127 : i32 to vector<16xi32>
      %max3A_2130 = arith.maxsi %max3A_2129, %add3A_2111 : vector<16xi32>
      %min3A_2131 = vector.broadcast %jit3A_2128 : i32 to vector<16xi32>
      %min3A_2132 = arith.minsi %min3A_2131, %max3A_2130 : vector<16xi32>
      %jit3A_2133 = arith.constant 0 : i32
      %jit3A_2134 = arith.constant 63 : i32
      %max3A_2135 = vector.broadcast %jit3A_2133 : i32 to vector<16xi32>
      %max3A_2136 = arith.maxsi %max3A_2135, %add3A_2108 : vector<16xi32>
      %min3A_2137 = vector.broadcast %jit3A_2134 : i32 to vector<16xi32>
      %min3A_2138 = arith.minsi %min3A_2137, %max3A_2136 : vector<16xi32>
      %mul3A_2139 = arith.constant 2 : i32
      %mul3A_2140 = vector.broadcast %mul3A_2139 : i32 to vector<16xi32>
      %mul3A_2141 = arith.muli %mul3A_2140, %get3A_2039 : vector<16xi32>
      %sub3A_2142 = arith.subi %min3A_2138, %mul3A_2141 : vector<16xi32>
      %shift_right_arithmetic3A_2143 = arith.constant 1 : i32
      %shift_right_arithmetic3A_2144 = vector.broadcast %shift_right_arithmetic3A_2143 : i32 to vector<16xi32>
      %shift_right_arithmetic3A_2145 = arith.shrsi %sub3A_2142, %shift_right_arithmetic3A_2144 : vector<16xi32>
      %mul3A_2146 = arith.constant 32 : i32
      %mul3A_2147 = vector.broadcast %mul3A_2146 : i32 to vector<16xi32>
      %mul3A_2148 = arith.muli %shift_right_arithmetic3A_2145, %mul3A_2147 : vector<16xi32>
      %add3A_2149 = arith.constant 16 : i32
      %add3A_2150 = vector.broadcast %add3A_2149 : i32 to vector<16xi32>
      %add3A_2151 = arith.addi %mul3A_2148, %add3A_2150 : vector<16xi32>
      %add3A_2152 = arith.addi %add3A_2151, %iota3A_2040 : vector<16xi32>
      %and3A_2153 = arith.constant 1 : i32
      %and3A_2154 = vector.broadcast %and3A_2153 : i32 to vector<16xi32>
      %and3A_2155 = arith.andi %sub3A_2142, %and3A_2154 : vector<16xi32>
      %mul3A_2156 = arith.constant 64 : i32
      %mul3A_2157 = vector.broadcast %mul3A_2156 : i32 to vector<16xi32>
      %mul3A_2158 = arith.muli %and3A_2155, %mul3A_2157 : vector<16xi32>
      %add3A_2159 = arith.addi %mul3A_2158, %min3A_2132 : vector<16xi32>
      %gather3A_2160 = tpu.vector_load_idx %arg14[%add3A_2152, %add3A_2159] : memref<64x128xi32, #tpu.memory_space<vmem>>[vector<16xi32>, vector<16xi32>], vector<16xi32>,
      %jit3A_2161 = arith.constant 60000 : i32
      %broadcast_in_dim3A_2162 = vector.broadcast %jit3A_2161 : i32 to vector<16xi32>
      %select_n3A_2163 = arith.select %or3A_2126, %broadcast_in_dim3A_2162, %gather3A_2160 : vector<16xi1>, vector<16xi32>
      %add3A_2164 = arith.constant 60416 : i32
      %add3A_2165 = vector.broadcast %add3A_2164 : i32 to vector<16xi32>
      %add3A_2166 = arith.addi %select_n3A_2163, %add3A_2165 : vector<16xi32>
      %swap3A_2167 = arith.constant 0 : i32
      %swap3A_2168 = arith.index_cast %swap3A_2167 : i32 to index
      %swap3A_2169 = arith.constant 48 : index
      %swap3A_2170 = tpu.vector_load %arg16[%swap3A_2168, %swap3A_2169] {strides = array<i32>} : memref<3x96xi32, #tpu.memory_space<vmem>>, vector<16xi32>,
      tpu.vector_store %arg16[%swap3A_2168, %swap3A_2169], %add3A_2166 {strides = array<i32>} : memref<3x96xi32, #tpu.memory_space<vmem>>, vector<16xi32>,
      %add3A_2171 = arith.constant -1 : i32
      %add3A_2172 = vector.broadcast %add3A_2171 : i32 to vector<16xi32>
      %add3A_2173 = arith.addi %get3A_2037, %add3A_2172 : vector<16xi32>
      %add3A_2174 = arith.constant 1 : i32
      %add3A_2175 = vector.broadcast %add3A_2174 : i32 to vector<16xi32>
      %add3A_2176 = arith.addi %get3A_2035, %add3A_2175 : vector<16xi32>
      %lt3A_2177 = arith.constant 0 : i32
      %lt3A_2178 = vector.broadcast %lt3A_2177 : i32 to vector<16xi32>
      %lt3A_2179 = arith.cmpi slt, %add3A_2173, %lt3A_2178 : vector<16xi32>
      %ge3A_2180 = arith.constant 64 : i32
      %ge3A_2181 = vector.broadcast %ge3A_2180 : i32 to vector<16xi32>
      %ge3A_2182 = arith.cmpi sge, %add3A_2173, %ge3A_2181 : vector<16xi32>
      %or3A_2183 = arith.ori %lt3A_2179, %ge3A_2182 : vector<16xi1>
      %lt3A_2184 = arith.constant 0 : i32
      %lt3A_2185 = vector.broadcast %lt3A_2184 : i32 to vector<16xi32>
      %lt3A_2186 = arith.cmpi slt, %add3A_2176, %lt3A_2185 : vector<16xi32>
      %or3A_2187 = arith.ori %or3A_2183, %lt3A_2186 : vector<16xi1>
      %ge3A_2188 = arith.constant 64 : i32
      %ge3A_2189 = vector.broadcast %ge3A_2188 : i32 to vector<16xi32>
      %ge3A_2190 = arith.cmpi sge, %add3A_2176, %ge3A_2189 : vector<16xi32>
      %or3A_2191 = arith.ori %or3A_2187, %ge3A_2190 : vector<16xi1>
      %jit3A_2192 = arith.constant 0 : i32
      %jit3A_2193 = arith.constant 63 : i32
      %max3A_2194 = vector.broadcast %jit3A_2192 : i32 to vector<16xi32>
      %max3A_2195 = arith.maxsi %max3A_2194, %add3A_2176 : vector<16xi32>
      %min3A_2196 = vector.broadcast %jit3A_2193 : i32 to vector<16xi32>
      %min3A_2197 = arith.minsi %min3A_2196, %max3A_2195 : vector<16xi32>
      %jit3A_2198 = arith.constant 0 : i32
      %jit3A_2199 = arith.constant 63 : i32
      %max3A_2200 = vector.broadcast %jit3A_2198 : i32 to vector<16xi32>
      %max3A_2201 = arith.maxsi %max3A_2200, %add3A_2173 : vector<16xi32>
      %min3A_2202 = vector.broadcast %jit3A_2199 : i32 to vector<16xi32>
      %min3A_2203 = arith.minsi %min3A_2202, %max3A_2201 : vector<16xi32>
      %mul3A_2204 = arith.constant 2 : i32
      %mul3A_2205 = vector.broadcast %mul3A_2204 : i32 to vector<16xi32>
      %mul3A_2206 = arith.muli %mul3A_2205, %get3A_2039 : vector<16xi32>
      %sub3A_2207 = arith.subi %min3A_2203, %mul3A_2206 : vector<16xi32>
      %shift_right_arithmetic3A_2208 = arith.constant 1 : i32
      %shift_right_arithmetic3A_2209 = vector.broadcast %shift_right_arithmetic3A_2208 : i32 to vector<16xi32>
      %shift_right_arithmetic3A_2210 = arith.shrsi %sub3A_2207, %shift_right_arithmetic3A_2209 : vector<16xi32>
      %mul3A_2211 = arith.constant 32 : i32
      %mul3A_2212 = vector.broadcast %mul3A_2211 : i32 to vector<16xi32>
      %mul3A_2213 = arith.muli %shift_right_arithmetic3A_2210, %mul3A_2212 : vector<16xi32>
      %add3A_2214 = arith.constant 16 : i32
      %add3A_2215 = vector.broadcast %add3A_2214 : i32 to vector<16xi32>
      %add3A_2216 = arith.addi %mul3A_2213, %add3A_2215 : vector<16xi32>
      %add3A_2217 = arith.addi %add3A_2216, %iota3A_2040 : vector<16xi32>
      %and3A_2218 = arith.constant 1 : i32
      %and3A_2219 = vector.broadcast %and3A_2218 : i32 to vector<16xi32>
      %and3A_2220 = arith.andi %sub3A_2207, %and3A_2219 : vector<16xi32>
      %mul3A_2221 = arith.constant 64 : i32
      %mul3A_2222 = vector.broadcast %mul3A_2221 : i32 to vector<16xi32>
      %mul3A_2223 = arith.muli %and3A_2220, %mul3A_2222 : vector<16xi32>
      %add3A_2224 = arith.addi %mul3A_2223, %min3A_2197 : vector<16xi32>
      %gather3A_2225 = tpu.vector_load_idx %arg14[%add3A_2217, %add3A_2224] : memref<64x128xi32, #tpu.memory_space<vmem>>[vector<16xi32>, vector<16xi32>], vector<16xi32>,
      %jit3A_2226 = arith.constant 60000 : i32
      %broadcast_in_dim3A_2227 = vector.broadcast %jit3A_2226 : i32 to vector<16xi32>
      %select_n3A_2228 = arith.select %or3A_2191, %broadcast_in_dim3A_2227, %gather3A_2225 : vector<16xi1>, vector<16xi32>
      %add3A_2229 = arith.constant 120832 : i32
      %add3A_2230 = vector.broadcast %add3A_2229 : i32 to vector<16xi32>
      %add3A_2231 = arith.addi %select_n3A_2228, %add3A_2230 : vector<16xi32>
      %swap3A_2232 = arith.constant 0 : i32
      %swap3A_2233 = arith.index_cast %swap3A_2232 : i32 to index
      %swap3A_2234 = arith.constant 80 : index
      %swap3A_2235 = tpu.vector_load %arg16[%swap3A_2233, %swap3A_2234] {strides = array<i32>} : memref<3x96xi32, #tpu.memory_space<vmem>>, vector<16xi32>,
      tpu.vector_store %arg16[%swap3A_2233, %swap3A_2234], %add3A_2231 {strides = array<i32>} : memref<3x96xi32, #tpu.memory_space<vmem>>, vector<16xi32>,
      %add3A_2236 = arith.constant 0 : i32
      %add3A_2237 = vector.broadcast %add3A_2236 : i32 to vector<16xi32>
      %add3A_2238 = arith.addi %get3A_2037, %add3A_2237 : vector<16xi32>
      %add3A_2239 = arith.constant -1 : i32
      %add3A_2240 = vector.broadcast %add3A_2239 : i32 to vector<16xi32>
      %add3A_2241 = arith.addi %get3A_2035, %add3A_2240 : vector<16xi32>
      %lt3A_2242 = arith.constant 0 : i32
      %lt3A_2243 = vector.broadcast %lt3A_2242 : i32 to vector<16xi32>
      %lt3A_2244 = arith.cmpi slt, %add3A_2238, %lt3A_2243 : vector<16xi32>
      %ge3A_2245 = arith.constant 64 : i32
      %ge3A_2246 = vector.broadcast %ge3A_2245 : i32 to vector<16xi32>
      %ge3A_2247 = arith.cmpi sge, %add3A_2238, %ge3A_2246 : vector<16xi32>
      %or3A_2248 = arith.ori %lt3A_2244, %ge3A_2247 : vector<16xi1>
      %lt3A_2249 = arith.constant 0 : i32
      %lt3A_2250 = vector.broadcast %lt3A_2249 : i32 to vector<16xi32>
      %lt3A_2251 = arith.cmpi slt, %add3A_2241, %lt3A_2250 : vector<16xi32>
      %or3A_2252 = arith.ori %or3A_2248, %lt3A_2251 : vector<16xi1>
      %ge3A_2253 = arith.constant 64 : i32
      %ge3A_2254 = vector.broadcast %ge3A_2253 : i32 to vector<16xi32>
      %ge3A_2255 = arith.cmpi sge, %add3A_2241, %ge3A_2254 : vector<16xi32>
      %or3A_2256 = arith.ori %or3A_2252, %ge3A_2255 : vector<16xi1>
      %jit3A_2257 = arith.constant 0 : i32
      %jit3A_2258 = arith.constant 63 : i32
      %max3A_2259 = vector.broadcast %jit3A_2257 : i32 to vector<16xi32>
      %max3A_2260 = arith.maxsi %max3A_2259, %add3A_2241 : vector<16xi32>
      %min3A_2261 = vector.broadcast %jit3A_2258 : i32 to vector<16xi32>
      %min3A_2262 = arith.minsi %min3A_2261, %max3A_2260 : vector<16xi32>
      %jit3A_2263 = arith.constant 0 : i32
      %jit3A_2264 = arith.constant 63 : i32
      %max3A_2265 = vector.broadcast %jit3A_2263 : i32 to vector<16xi32>
      %max3A_2266 = arith.maxsi %max3A_2265, %add3A_2238 : vector<16xi32>
      %min3A_2267 = vector.broadcast %jit3A_2264 : i32 to vector<16xi32>
      %min3A_2268 = arith.minsi %min3A_2267, %max3A_2266 : vector<16xi32>
      %mul3A_2269 = arith.constant 2 : i32
      %mul3A_2270 = vector.broadcast %mul3A_2269 : i32 to vector<16xi32>
      %mul3A_2271 = arith.muli %mul3A_2270, %get3A_2039 : vector<16xi32>
      %sub3A_2272 = arith.subi %min3A_2268, %mul3A_2271 : vector<16xi32>
      %shift_right_arithmetic3A_2273 = arith.constant 1 : i32
      %shift_right_arithmetic3A_2274 = vector.broadcast %shift_right_arithmetic3A_2273 : i32 to vector<16xi32>
      %shift_right_arithmetic3A_2275 = arith.shrsi %sub3A_2272, %shift_right_arithmetic3A_2274 : vector<16xi32>
      %mul3A_2276 = arith.constant 32 : i32
      %mul3A_2277 = vector.broadcast %mul3A_2276 : i32 to vector<16xi32>
      %mul3A_2278 = arith.muli %shift_right_arithmetic3A_2275, %mul3A_2277 : vector<16xi32>
      %add3A_2279 = arith.constant 16 : i32
      %add3A_2280 = vector.broadcast %add3A_2279 : i32 to vector<16xi32>
      %add3A_2281 = arith.addi %mul3A_2278, %add3A_2280 : vector<16xi32>
      %add3A_2282 = arith.addi %add3A_2281, %iota3A_2040 : vector<16xi32>
      %and3A_2283 = arith.constant 1 : i32
      %and3A_2284 = vector.broadcast %and3A_2283 : i32 to vector<16xi32>
      %and3A_2285 = arith.andi %sub3A_2272, %and3A_2284 : vector<16xi32>
      %mul3A_2286 = arith.constant 64 : i32
      %mul3A_2287 = vector.broadcast %mul3A_2286 : i32 to vector<16xi32>
      %mul3A_2288 = arith.muli %and3A_2285, %mul3A_2287 : vector<16xi32>
      %add3A_2289 = arith.addi %mul3A_2288, %min3A_2262 : vector<16xi32>
      %gather3A_2290 = tpu.vector_load_idx %arg14[%add3A_2282, %add3A_2289] : memref<64x128xi32, #tpu.memory_space<vmem>>[vector<16xi32>, vector<16xi32>], vector<16xi32>,
      %jit3A_2291 = arith.constant 60000 : i32
      %broadcast_in_dim3A_2292 = vector.broadcast %jit3A_2291 : i32 to vector<16xi32>
      %select_n3A_2293 = arith.select %or3A_2256, %broadcast_in_dim3A_2292, %gather3A_2290 : vector<16xi1>, vector<16xi32>
      %add3A_2294 = arith.constant 181248 : i32
      %add3A_2295 = vector.broadcast %add3A_2294 : i32 to vector<16xi32>
      %add3A_2296 = arith.addi %select_n3A_2293, %add3A_2295 : vector<16xi32>
      %swap3A_2297 = arith.constant 1 : i32
      %swap3A_2298 = arith.index_cast %swap3A_2297 : i32 to index
      %swap3A_2299 = arith.constant 16 : index
      %swap3A_2300 = tpu.vector_load %arg16[%swap3A_2298, %swap3A_2299] {strides = array<i32>} : memref<3x96xi32, #tpu.memory_space<vmem>>, vector<16xi32>,
      tpu.vector_store %arg16[%swap3A_2298, %swap3A_2299], %add3A_2296 {strides = array<i32>} : memref<3x96xi32, #tpu.memory_space<vmem>>, vector<16xi32>,
      %add3A_2301 = arith.constant 0 : i32
      %add3A_2302 = vector.broadcast %add3A_2301 : i32 to vector<16xi32>
      %add3A_2303 = arith.addi %get3A_2037, %add3A_2302 : vector<16xi32>
      %add3A_2304 = arith.constant 0 : i32
      %add3A_2305 = vector.broadcast %add3A_2304 : i32 to vector<16xi32>
      %add3A_2306 = arith.addi %get3A_2035, %add3A_2305 : vector<16xi32>
      %lt3A_2307 = arith.constant 0 : i32
      %lt3A_2308 = vector.broadcast %lt3A_2307 : i32 to vector<16xi32>
      %lt3A_2309 = arith.cmpi slt, %add3A_2303, %lt3A_2308 : vector<16xi32>
      %ge3A_2310 = arith.constant 64 : i32
      %ge3A_2311 = vector.broadcast %ge3A_2310 : i32 to vector<16xi32>
      %ge3A_2312 = arith.cmpi sge, %add3A_2303, %ge3A_2311 : vector<16xi32>
      %or3A_2313 = arith.ori %lt3A_2309, %ge3A_2312 : vector<16xi1>
      %lt3A_2314 = arith.constant 0 : i32
      %lt3A_2315 = vector.broadcast %lt3A_2314 : i32 to vector<16xi32>
      %lt3A_2316 = arith.cmpi slt, %add3A_2306, %lt3A_2315 : vector<16xi32>
      %or3A_2317 = arith.ori %or3A_2313, %lt3A_2316 : vector<16xi1>
      %ge3A_2318 = arith.constant 64 : i32
      %ge3A_2319 = vector.broadcast %ge3A_2318 : i32 to vector<16xi32>
      %ge3A_2320 = arith.cmpi sge, %add3A_2306, %ge3A_2319 : vector<16xi32>
      %or3A_2321 = arith.ori %or3A_2317, %ge3A_2320 : vector<16xi1>
      %jit3A_2322 = arith.constant 0 : i32
      %jit3A_2323 = arith.constant 63 : i32
      %max3A_2324 = vector.broadcast %jit3A_2322 : i32 to vector<16xi32>
      %max3A_2325 = arith.maxsi %max3A_2324, %add3A_2306 : vector<16xi32>
      %min3A_2326 = vector.broadcast %jit3A_2323 : i32 to vector<16xi32>
      %min3A_2327 = arith.minsi %min3A_2326, %max3A_2325 : vector<16xi32>
      %jit3A_2328 = arith.constant 0 : i32
      %jit3A_2329 = arith.constant 63 : i32
      %max3A_2330 = vector.broadcast %jit3A_2328 : i32 to vector<16xi32>
      %max3A_2331 = arith.maxsi %max3A_2330, %add3A_2303 : vector<16xi32>
      %min3A_2332 = vector.broadcast %jit3A_2329 : i32 to vector<16xi32>
      %min3A_2333 = arith.minsi %min3A_2332, %max3A_2331 : vector<16xi32>
      %mul3A_2334 = arith.constant 2 : i32
      %mul3A_2335 = vector.broadcast %mul3A_2334 : i32 to vector<16xi32>
      %mul3A_2336 = arith.muli %mul3A_2335, %get3A_2039 : vector<16xi32>
      %sub3A_2337 = arith.subi %min3A_2333, %mul3A_2336 : vector<16xi32>
      %shift_right_arithmetic3A_2338 = arith.constant 1 : i32
      %shift_right_arithmetic3A_2339 = vector.broadcast %shift_right_arithmetic3A_2338 : i32 to vector<16xi32>
      %shift_right_arithmetic3A_2340 = arith.shrsi %sub3A_2337, %shift_right_arithmetic3A_2339 : vector<16xi32>
      %mul3A_2341 = arith.constant 32 : i32
      %mul3A_2342 = vector.broadcast %mul3A_2341 : i32 to vector<16xi32>
      %mul3A_2343 = arith.muli %shift_right_arithmetic3A_2340, %mul3A_2342 : vector<16xi32>
      %add3A_2344 = arith.constant 16 : i32
      %add3A_2345 = vector.broadcast %add3A_2344 : i32 to vector<16xi32>
      %add3A_2346 = arith.addi %mul3A_2343, %add3A_2345 : vector<16xi32>
      %add3A_2347 = arith.addi %add3A_2346, %iota3A_2040 : vector<16xi32>
      %and3A_2348 = arith.constant 1 : i32
      %and3A_2349 = vector.broadcast %and3A_2348 : i32 to vector<16xi32>
      %and3A_2350 = arith.andi %sub3A_2337, %and3A_2349 : vector<16xi32>
      %mul3A_2351 = arith.constant 64 : i32
      %mul3A_2352 = vector.broadcast %mul3A_2351 : i32 to vector<16xi32>
      %mul3A_2353 = arith.muli %and3A_2350, %mul3A_2352 : vector<16xi32>
      %add3A_2354 = arith.addi %mul3A_2353, %min3A_2327 : vector<16xi32>
      %gather3A_2355 = tpu.vector_load_idx %arg14[%add3A_2347, %add3A_2354] : memref<64x128xi32, #tpu.memory_space<vmem>>[vector<16xi32>, vector<16xi32>], vector<16xi32>,
      %jit3A_2356 = arith.constant 60000 : i32
      %broadcast_in_dim3A_2357 = vector.broadcast %jit3A_2356 : i32 to vector<16xi32>
      %select_n3A_2358 = arith.select %or3A_2321, %broadcast_in_dim3A_2357, %gather3A_2355 : vector<16xi1>, vector<16xi32>
      %add3A_2359 = arith.constant 241664 : i32
      %add3A_2360 = vector.broadcast %add3A_2359 : i32 to vector<16xi32>
      %add3A_2361 = arith.addi %select_n3A_2358, %add3A_2360 : vector<16xi32>
      %swap3A_2362 = arith.constant 1 : i32
      %swap3A_2363 = arith.index_cast %swap3A_2362 : i32 to index
      %swap3A_2364 = arith.constant 48 : index
      %swap3A_2365 = tpu.vector_load %arg16[%swap3A_2363, %swap3A_2364] {strides = array<i32>} : memref<3x96xi32, #tpu.memory_space<vmem>>, vector<16xi32>,
      tpu.vector_store %arg16[%swap3A_2363, %swap3A_2364], %add3A_2361 {strides = array<i32>} : memref<3x96xi32, #tpu.memory_space<vmem>>, vector<16xi32>,
      %add3A_2366 = arith.constant 0 : i32
      %add3A_2367 = vector.broadcast %add3A_2366 : i32 to vector<16xi32>
      %add3A_2368 = arith.addi %get3A_2037, %add3A_2367 : vector<16xi32>
      %add3A_2369 = arith.constant 1 : i32
      %add3A_2370 = vector.broadcast %add3A_2369 : i32 to vector<16xi32>
      %add3A_2371 = arith.addi %get3A_2035, %add3A_2370 : vector<16xi32>
      %lt3A_2372 = arith.constant 0 : i32
      %lt3A_2373 = vector.broadcast %lt3A_2372 : i32 to vector<16xi32>
      %lt3A_2374 = arith.cmpi slt, %add3A_2368, %lt3A_2373 : vector<16xi32>
      %ge3A_2375 = arith.constant 64 : i32
      %ge3A_2376 = vector.broadcast %ge3A_2375 : i32 to vector<16xi32>
      %ge3A_2377 = arith.cmpi sge, %add3A_2368, %ge3A_2376 : vector<16xi32>
      %or3A_2378 = arith.ori %lt3A_2374, %ge3A_2377 : vector<16xi1>
      %lt3A_2379 = arith.constant 0 : i32
      %lt3A_2380 = vector.broadcast %lt3A_2379 : i32 to vector<16xi32>
      %lt3A_2381 = arith.cmpi slt, %add3A_2371, %lt3A_2380 : vector<16xi32>
      %or3A_2382 = arith.ori %or3A_2378, %lt3A_2381 : vector<16xi1>
      %ge3A_2383 = arith.constant 64 : i32
      %ge3A_2384 = vector.broadcast %ge3A_2383 : i32 to vector<16xi32>
      %ge3A_2385 = arith.cmpi sge, %add3A_2371, %ge3A_2384 : vector<16xi32>
      %or3A_2386 = arith.ori %or3A_2382, %ge3A_2385 : vector<16xi1>
      %jit3A_2387 = arith.constant 0 : i32
      %jit3A_2388 = arith.constant 63 : i32
      %max3A_2389 = vector.broadcast %jit3A_2387 : i32 to vector<16xi32>
      %max3A_2390 = arith.maxsi %max3A_2389, %add3A_2371 : vector<16xi32>
      %min3A_2391 = vector.broadcast %jit3A_2388 : i32 to vector<16xi32>
      %min3A_2392 = arith.minsi %min3A_2391, %max3A_2390 : vector<16xi32>
      %jit3A_2393 = arith.constant 0 : i32
      %jit3A_2394 = arith.constant 63 : i32
      %max3A_2395 = vector.broadcast %jit3A_2393 : i32 to vector<16xi32>
      %max3A_2396 = arith.maxsi %max3A_2395, %add3A_2368 : vector<16xi32>
      %min3A_2397 = vector.broadcast %jit3A_2394 : i32 to vector<16xi32>
      %min3A_2398 = arith.minsi %min3A_2397, %max3A_2396 : vector<16xi32>
      %mul3A_2399 = arith.constant 2 : i32
      %mul3A_2400 = vector.broadcast %mul3A_2399 : i32 to vector<16xi32>
      %mul3A_2401 = arith.muli %mul3A_2400, %get3A_2039 : vector<16xi32>
      %sub3A_2402 = arith.subi %min3A_2398, %mul3A_2401 : vector<16xi32>
      %shift_right_arithmetic3A_2403 = arith.constant 1 : i32
      %shift_right_arithmetic3A_2404 = vector.broadcast %shift_right_arithmetic3A_2403 : i32 to vector<16xi32>
      %shift_right_arithmetic3A_2405 = arith.shrsi %sub3A_2402, %shift_right_arithmetic3A_2404 : vector<16xi32>
      %mul3A_2406 = arith.constant 32 : i32
      %mul3A_2407 = vector.broadcast %mul3A_2406 : i32 to vector<16xi32>
      %mul3A_2408 = arith.muli %shift_right_arithmetic3A_2405, %mul3A_2407 : vector<16xi32>
      %add3A_2409 = arith.constant 16 : i32
      %add3A_2410 = vector.broadcast %add3A_2409 : i32 to vector<16xi32>
      %add3A_2411 = arith.addi %mul3A_2408, %add3A_2410 : vector<16xi32>
      %add3A_2412 = arith.addi %add3A_2411, %iota3A_2040 : vector<16xi32>
      %and3A_2413 = arith.constant 1 : i32
      %and3A_2414 = vector.broadcast %and3A_2413 : i32 to vector<16xi32>
      %and3A_2415 = arith.andi %sub3A_2402, %and3A_2414 : vector<16xi32>
      %mul3A_2416 = arith.constant 64 : i32
      %mul3A_2417 = vector.broadcast %mul3A_2416 : i32 to vector<16xi32>
      %mul3A_2418 = arith.muli %and3A_2415, %mul3A_2417 : vector<16xi32>
      %add3A_2419 = arith.addi %mul3A_2418, %min3A_2392 : vector<16xi32>
      %gather3A_2420 = tpu.vector_load_idx %arg14[%add3A_2412, %add3A_2419] : memref<64x128xi32, #tpu.memory_space<vmem>>[vector<16xi32>, vector<16xi32>], vector<16xi32>,
      %jit3A_2421 = arith.constant 60000 : i32
      %broadcast_in_dim3A_2422 = vector.broadcast %jit3A_2421 : i32 to vector<16xi32>
      %select_n3A_2423 = arith.select %or3A_2386, %broadcast_in_dim3A_2422, %gather3A_2420 : vector<16xi1>, vector<16xi32>
      %add3A_2424 = arith.constant 302080 : i32
      %add3A_2425 = vector.broadcast %add3A_2424 : i32 to vector<16xi32>
      %add3A_2426 = arith.addi %select_n3A_2423, %add3A_2425 : vector<16xi32>
      %swap3A_2427 = arith.constant 1 : i32
      %swap3A_2428 = arith.index_cast %swap3A_2427 : i32 to index
      %swap3A_2429 = arith.constant 80 : index
      %swap3A_2430 = tpu.vector_load %arg16[%swap3A_2428, %swap3A_2429] {strides = array<i32>} : memref<3x96xi32, #tpu.memory_space<vmem>>, vector<16xi32>,
      tpu.vector_store %arg16[%swap3A_2428, %swap3A_2429], %add3A_2426 {strides = array<i32>} : memref<3x96xi32, #tpu.memory_space<vmem>>, vector<16xi32>,
      %add3A_2431 = arith.constant 1 : i32
      %add3A_2432 = vector.broadcast %add3A_2431 : i32 to vector<16xi32>
      %add3A_2433 = arith.addi %get3A_2037, %add3A_2432 : vector<16xi32>
      %add3A_2434 = arith.constant -1 : i32
      %add3A_2435 = vector.broadcast %add3A_2434 : i32 to vector<16xi32>
      %add3A_2436 = arith.addi %get3A_2035, %add3A_2435 : vector<16xi32>
      %lt3A_2437 = arith.constant 0 : i32
      %lt3A_2438 = vector.broadcast %lt3A_2437 : i32 to vector<16xi32>
      %lt3A_2439 = arith.cmpi slt, %add3A_2433, %lt3A_2438 : vector<16xi32>
      %ge3A_2440 = arith.constant 64 : i32
      %ge3A_2441 = vector.broadcast %ge3A_2440 : i32 to vector<16xi32>
      %ge3A_2442 = arith.cmpi sge, %add3A_2433, %ge3A_2441 : vector<16xi32>
      %or3A_2443 = arith.ori %lt3A_2439, %ge3A_2442 : vector<16xi1>
      %lt3A_2444 = arith.constant 0 : i32
      %lt3A_2445 = vector.broadcast %lt3A_2444 : i32 to vector<16xi32>
      %lt3A_2446 = arith.cmpi slt, %add3A_2436, %lt3A_2445 : vector<16xi32>
      %or3A_2447 = arith.ori %or3A_2443, %lt3A_2446 : vector<16xi1>
      %ge3A_2448 = arith.constant 64 : i32
      %ge3A_2449 = vector.broadcast %ge3A_2448 : i32 to vector<16xi32>
      %ge3A_2450 = arith.cmpi sge, %add3A_2436, %ge3A_2449 : vector<16xi32>
      %or3A_2451 = arith.ori %or3A_2447, %ge3A_2450 : vector<16xi1>
      %jit3A_2452 = arith.constant 0 : i32
      %jit3A_2453 = arith.constant 63 : i32
      %max3A_2454 = vector.broadcast %jit3A_2452 : i32 to vector<16xi32>
      %max3A_2455 = arith.maxsi %max3A_2454, %add3A_2436 : vector<16xi32>
      %min3A_2456 = vector.broadcast %jit3A_2453 : i32 to vector<16xi32>
      %min3A_2457 = arith.minsi %min3A_2456, %max3A_2455 : vector<16xi32>
      %jit3A_2458 = arith.constant 0 : i32
      %jit3A_2459 = arith.constant 63 : i32
      %max3A_2460 = vector.broadcast %jit3A_2458 : i32 to vector<16xi32>
      %max3A_2461 = arith.maxsi %max3A_2460, %add3A_2433 : vector<16xi32>
      %min3A_2462 = vector.broadcast %jit3A_2459 : i32 to vector<16xi32>
      %min3A_2463 = arith.minsi %min3A_2462, %max3A_2461 : vector<16xi32>
      %mul3A_2464 = arith.constant 2 : i32
      %mul3A_2465 = vector.broadcast %mul3A_2464 : i32 to vector<16xi32>
      %mul3A_2466 = arith.muli %mul3A_2465, %get3A_2039 : vector<16xi32>
      %sub3A_2467 = arith.subi %min3A_2463, %mul3A_2466 : vector<16xi32>
      %shift_right_arithmetic3A_2468 = arith.constant 1 : i32
      %shift_right_arithmetic3A_2469 = vector.broadcast %shift_right_arithmetic3A_2468 : i32 to vector<16xi32>
      %shift_right_arithmetic3A_2470 = arith.shrsi %sub3A_2467, %shift_right_arithmetic3A_2469 : vector<16xi32>
      %mul3A_2471 = arith.constant 32 : i32
      %mul3A_2472 = vector.broadcast %mul3A_2471 : i32 to vector<16xi32>
      %mul3A_2473 = arith.muli %shift_right_arithmetic3A_2470, %mul3A_2472 : vector<16xi32>
      %add3A_2474 = arith.constant 16 : i32
      %add3A_2475 = vector.broadcast %add3A_2474 : i32 to vector<16xi32>
      %add3A_2476 = arith.addi %mul3A_2473, %add3A_2475 : vector<16xi32>
      %add3A_2477 = arith.addi %add3A_2476, %iota3A_2040 : vector<16xi32>
      %and3A_2478 = arith.constant 1 : i32
      %and3A_2479 = vector.broadcast %and3A_2478 : i32 to vector<16xi32>
      %and3A_2480 = arith.andi %sub3A_2467, %and3A_2479 : vector<16xi32>
      %mul3A_2481 = arith.constant 64 : i32
      %mul3A_2482 = vector.broadcast %mul3A_2481 : i32 to vector<16xi32>
      %mul3A_2483 = arith.muli %and3A_2480, %mul3A_2482 : vector<16xi32>
      %add3A_2484 = arith.addi %mul3A_2483, %min3A_2457 : vector<16xi32>
      %gather3A_2485 = tpu.vector_load_idx %arg14[%add3A_2477, %add3A_2484] : memref<64x128xi32, #tpu.memory_space<vmem>>[vector<16xi32>, vector<16xi32>], vector<16xi32>,
      %jit3A_2486 = arith.constant 60000 : i32
      %broadcast_in_dim3A_2487 = vector.broadcast %jit3A_2486 : i32 to vector<16xi32>
      %select_n3A_2488 = arith.select %or3A_2451, %broadcast_in_dim3A_2487, %gather3A_2485 : vector<16xi1>, vector<16xi32>
      %add3A_2489 = arith.constant 362496 : i32
      %add3A_2490 = vector.broadcast %add3A_2489 : i32 to vector<16xi32>
      %add3A_2491 = arith.addi %select_n3A_2488, %add3A_2490 : vector<16xi32>
      %swap3A_2492 = arith.constant 2 : i32
      %swap3A_2493 = arith.index_cast %swap3A_2492 : i32 to index
      %swap3A_2494 = arith.constant 16 : index
      %swap3A_2495 = tpu.vector_load %arg16[%swap3A_2493, %swap3A_2494] {strides = array<i32>} : memref<3x96xi32, #tpu.memory_space<vmem>>, vector<16xi32>,
      tpu.vector_store %arg16[%swap3A_2493, %swap3A_2494], %add3A_2491 {strides = array<i32>} : memref<3x96xi32, #tpu.memory_space<vmem>>, vector<16xi32>,
      %add3A_2496 = arith.constant 1 : i32
      %add3A_2497 = vector.broadcast %add3A_2496 : i32 to vector<16xi32>
      %add3A_2498 = arith.addi %get3A_2037, %add3A_2497 : vector<16xi32>
      %add3A_2499 = arith.constant 0 : i32
      %add3A_2500 = vector.broadcast %add3A_2499 : i32 to vector<16xi32>
      %add3A_2501 = arith.addi %get3A_2035, %add3A_2500 : vector<16xi32>
      %lt3A_2502 = arith.constant 0 : i32
      %lt3A_2503 = vector.broadcast %lt3A_2502 : i32 to vector<16xi32>
      %lt3A_2504 = arith.cmpi slt, %add3A_2498, %lt3A_2503 : vector<16xi32>
      %ge3A_2505 = arith.constant 64 : i32
      %ge3A_2506 = vector.broadcast %ge3A_2505 : i32 to vector<16xi32>
      %ge3A_2507 = arith.cmpi sge, %add3A_2498, %ge3A_2506 : vector<16xi32>
      %or3A_2508 = arith.ori %lt3A_2504, %ge3A_2507 : vector<16xi1>
      %lt3A_2509 = arith.constant 0 : i32
      %lt3A_2510 = vector.broadcast %lt3A_2509 : i32 to vector<16xi32>
      %lt3A_2511 = arith.cmpi slt, %add3A_2501, %lt3A_2510 : vector<16xi32>
      %or3A_2512 = arith.ori %or3A_2508, %lt3A_2511 : vector<16xi1>
      %ge3A_2513 = arith.constant 64 : i32
      %ge3A_2514 = vector.broadcast %ge3A_2513 : i32 to vector<16xi32>
      %ge3A_2515 = arith.cmpi sge, %add3A_2501, %ge3A_2514 : vector<16xi32>
      %or3A_2516 = arith.ori %or3A_2512, %ge3A_2515 : vector<16xi1>
      %jit3A_2517 = arith.constant 0 : i32
      %jit3A_2518 = arith.constant 63 : i32
      %max3A_2519 = vector.broadcast %jit3A_2517 : i32 to vector<16xi32>
      %max3A_2520 = arith.maxsi %max3A_2519, %add3A_2501 : vector<16xi32>
      %min3A_2521 = vector.broadcast %jit3A_2518 : i32 to vector<16xi32>
      %min3A_2522 = arith.minsi %min3A_2521, %max3A_2520 : vector<16xi32>
      %jit3A_2523 = arith.constant 0 : i32
      %jit3A_2524 = arith.constant 63 : i32
      %max3A_2525 = vector.broadcast %jit3A_2523 : i32 to vector<16xi32>
      %max3A_2526 = arith.maxsi %max3A_2525, %add3A_2498 : vector<16xi32>
      %min3A_2527 = vector.broadcast %jit3A_2524 : i32 to vector<16xi32>
      %min3A_2528 = arith.minsi %min3A_2527, %max3A_2526 : vector<16xi32>
      %mul3A_2529 = arith.constant 2 : i32
      %mul3A_2530 = vector.broadcast %mul3A_2529 : i32 to vector<16xi32>
      %mul3A_2531 = arith.muli %mul3A_2530, %get3A_2039 : vector<16xi32>
      %sub3A_2532 = arith.subi %min3A_2528, %mul3A_2531 : vector<16xi32>
      %shift_right_arithmetic3A_2533 = arith.constant 1 : i32
      %shift_right_arithmetic3A_2534 = vector.broadcast %shift_right_arithmetic3A_2533 : i32 to vector<16xi32>
      %shift_right_arithmetic3A_2535 = arith.shrsi %sub3A_2532, %shift_right_arithmetic3A_2534 : vector<16xi32>
      %mul3A_2536 = arith.constant 32 : i32
      %mul3A_2537 = vector.broadcast %mul3A_2536 : i32 to vector<16xi32>
      %mul3A_2538 = arith.muli %shift_right_arithmetic3A_2535, %mul3A_2537 : vector<16xi32>
      %add3A_2539 = arith.constant 16 : i32
      %add3A_2540 = vector.broadcast %add3A_2539 : i32 to vector<16xi32>
      %add3A_2541 = arith.addi %mul3A_2538, %add3A_2540 : vector<16xi32>
      %add3A_2542 = arith.addi %add3A_2541, %iota3A_2040 : vector<16xi32>
      %and3A_2543 = arith.constant 1 : i32
      %and3A_2544 = vector.broadcast %and3A_2543 : i32 to vector<16xi32>
      %and3A_2545 = arith.andi %sub3A_2532, %and3A_2544 : vector<16xi32>
      %mul3A_2546 = arith.constant 64 : i32
      %mul3A_2547 = vector.broadcast %mul3A_2546 : i32 to vector<16xi32>
      %mul3A_2548 = arith.muli %and3A_2545, %mul3A_2547 : vector<16xi32>
      %add3A_2549 = arith.addi %mul3A_2548, %min3A_2522 : vector<16xi32>
      %gather3A_2550 = tpu.vector_load_idx %arg14[%add3A_2542, %add3A_2549] : memref<64x128xi32, #tpu.memory_space<vmem>>[vector<16xi32>, vector<16xi32>], vector<16xi32>,
      %jit3A_2551 = arith.constant 60000 : i32
      %broadcast_in_dim3A_2552 = vector.broadcast %jit3A_2551 : i32 to vector<16xi32>
      %select_n3A_2553 = arith.select %or3A_2516, %broadcast_in_dim3A_2552, %gather3A_2550 : vector<16xi1>, vector<16xi32>
      %add3A_2554 = arith.constant 422912 : i32
      %add3A_2555 = vector.broadcast %add3A_2554 : i32 to vector<16xi32>
      %add3A_2556 = arith.addi %select_n3A_2553, %add3A_2555 : vector<16xi32>
      %swap3A_2557 = arith.constant 2 : i32
      %swap3A_2558 = arith.index_cast %swap3A_2557 : i32 to index
      %swap3A_2559 = arith.constant 48 : index
      %swap3A_2560 = tpu.vector_load %arg16[%swap3A_2558, %swap3A_2559] {strides = array<i32>} : memref<3x96xi32, #tpu.memory_space<vmem>>, vector<16xi32>,
      tpu.vector_store %arg16[%swap3A_2558, %swap3A_2559], %add3A_2556 {strides = array<i32>} : memref<3x96xi32, #tpu.memory_space<vmem>>, vector<16xi32>,
      %add3A_2561 = arith.constant 1 : i32
      %add3A_2562 = vector.broadcast %add3A_2561 : i32 to vector<16xi32>
      %add3A_2563 = arith.addi %get3A_2037, %add3A_2562 : vector<16xi32>
      %add3A_2564 = arith.constant 1 : i32
      %add3A_2565 = vector.broadcast %add3A_2564 : i32 to vector<16xi32>
      %add3A_2566 = arith.addi %get3A_2035, %add3A_2565 : vector<16xi32>
      %lt3A_2567 = arith.constant 0 : i32
      %lt3A_2568 = vector.broadcast %lt3A_2567 : i32 to vector<16xi32>
      %lt3A_2569 = arith.cmpi slt, %add3A_2563, %lt3A_2568 : vector<16xi32>
      %ge3A_2570 = arith.constant 64 : i32
      %ge3A_2571 = vector.broadcast %ge3A_2570 : i32 to vector<16xi32>
      %ge3A_2572 = arith.cmpi sge, %add3A_2563, %ge3A_2571 : vector<16xi32>
      %or3A_2573 = arith.ori %lt3A_2569, %ge3A_2572 : vector<16xi1>
      %lt3A_2574 = arith.constant 0 : i32
      %lt3A_2575 = vector.broadcast %lt3A_2574 : i32 to vector<16xi32>
      %lt3A_2576 = arith.cmpi slt, %add3A_2566, %lt3A_2575 : vector<16xi32>
      %or3A_2577 = arith.ori %or3A_2573, %lt3A_2576 : vector<16xi1>
      %ge3A_2578 = arith.constant 64 : i32
      %ge3A_2579 = vector.broadcast %ge3A_2578 : i32 to vector<16xi32>
      %ge3A_2580 = arith.cmpi sge, %add3A_2566, %ge3A_2579 : vector<16xi32>
      %or3A_2581 = arith.ori %or3A_2577, %ge3A_2580 : vector<16xi1>
      %jit3A_2582 = arith.constant 0 : i32
      %jit3A_2583 = arith.constant 63 : i32
      %max3A_2584 = vector.broadcast %jit3A_2582 : i32 to vector<16xi32>
      %max3A_2585 = arith.maxsi %max3A_2584, %add3A_2566 : vector<16xi32>
      %min3A_2586 = vector.broadcast %jit3A_2583 : i32 to vector<16xi32>
      %min3A_2587 = arith.minsi %min3A_2586, %max3A_2585 : vector<16xi32>
      %jit3A_2588 = arith.constant 0 : i32
      %jit3A_2589 = arith.constant 63 : i32
      %max3A_2590 = vector.broadcast %jit3A_2588 : i32 to vector<16xi32>
      %max3A_2591 = arith.maxsi %max3A_2590, %add3A_2563 : vector<16xi32>
      %min3A_2592 = vector.broadcast %jit3A_2589 : i32 to vector<16xi32>
      %min3A_2593 = arith.minsi %min3A_2592, %max3A_2591 : vector<16xi32>
      %mul3A_2594 = arith.constant 2 : i32
      %mul3A_2595 = vector.broadcast %mul3A_2594 : i32 to vector<16xi32>
      %mul3A_2596 = arith.muli %mul3A_2595, %get3A_2039 : vector<16xi32>
      %sub3A_2597 = arith.subi %min3A_2593, %mul3A_2596 : vector<16xi32>
      %shift_right_arithmetic3A_2598 = arith.constant 1 : i32
      %shift_right_arithmetic3A_2599 = vector.broadcast %shift_right_arithmetic3A_2598 : i32 to vector<16xi32>
      %shift_right_arithmetic3A_2600 = arith.shrsi %sub3A_2597, %shift_right_arithmetic3A_2599 : vector<16xi32>
      %mul3A_2601 = arith.constant 32 : i32
      %mul3A_2602 = vector.broadcast %mul3A_2601 : i32 to vector<16xi32>
      %mul3A_2603 = arith.muli %shift_right_arithmetic3A_2600, %mul3A_2602 : vector<16xi32>
      %add3A_2604 = arith.constant 16 : i32
      %add3A_2605 = vector.broadcast %add3A_2604 : i32 to vector<16xi32>
      %add3A_2606 = arith.addi %mul3A_2603, %add3A_2605 : vector<16xi32>
      %add3A_2607 = arith.addi %add3A_2606, %iota3A_2040 : vector<16xi32>
      %and3A_2608 = arith.constant 1 : i32
      %and3A_2609 = vector.broadcast %and3A_2608 : i32 to vector<16xi32>
      %and3A_2610 = arith.andi %sub3A_2597, %and3A_2609 : vector<16xi32>
      %mul3A_2611 = arith.constant 64 : i32
      %mul3A_2612 = vector.broadcast %mul3A_2611 : i32 to vector<16xi32>
      %mul3A_2613 = arith.muli %and3A_2610, %mul3A_2612 : vector<16xi32>
      %add3A_2614 = arith.addi %mul3A_2613, %min3A_2587 : vector<16xi32>
      %gather3A_2615 = tpu.vector_load_idx %arg14[%add3A_2607, %add3A_2614] : memref<64x128xi32, #tpu.memory_space<vmem>>[vector<16xi32>, vector<16xi32>], vector<16xi32>,
      %jit3A_2616 = arith.constant 60000 : i32
      %broadcast_in_dim3A_2617 = vector.broadcast %jit3A_2616 : i32 to vector<16xi32>
      %select_n3A_2618 = arith.select %or3A_2581, %broadcast_in_dim3A_2617, %gather3A_2615 : vector<16xi1>, vector<16xi32>
      %add3A_2619 = arith.constant 483328 : i32
      %add3A_2620 = vector.broadcast %add3A_2619 : i32 to vector<16xi32>
      %add3A_2621 = arith.addi %select_n3A_2618, %add3A_2620 : vector<16xi32>
      %swap3A_2622 = arith.constant 2 : i32
      %swap3A_2623 = arith.index_cast %swap3A_2622 : i32 to index
      %swap3A_2624 = arith.constant 80 : index
      %swap3A_2625 = tpu.vector_load %arg16[%swap3A_2623, %swap3A_2624] {strides = array<i32>} : memref<3x96xi32, #tpu.memory_space<vmem>>, vector<16xi32>,
      tpu.vector_store %arg16[%swap3A_2623, %swap3A_2624], %add3A_2621 {strides = array<i32>} : memref<3x96xi32, #tpu.memory_space<vmem>>, vector<16xi32>,
      %dma_start3A_2626 = arith.constant 0 : i32
      %dma_start3A_2627 = arith.constant 0 : i32
      %dma_start3A_2628 = arith.constant 0 : i32
      %dma_start3A_2629 = tpu.memref_slice %arg18[%dma_start3A_2627, %dma_start3A_2628] : memref<288x128xf32, #tpu.memory_space<vmem>> -> memref<96x128xf32, #tpu.memory_space<vmem>>
      %dma_start3A_2630 = arith.constant 0 : i32
      %dma_start3A_2631 = tpu.memref_slice %arg16[%dma_start3A_2626, %dma_start3A_2630] : memref<3x96xi32, #tpu.memory_space<vmem>> -> memref<1x96xi32, #tpu.memory_space<vmem>>
      %dma_start3A_2632 = tpu.memref_squeeze %dma_start3A_2631 : memref<1x96xi32, #tpu.memory_space<vmem>> -> memref<96xi32, #tpu.memory_space<vmem>>
      %dma_start3A_2633 = arith.constant 0 : i32
      %dma_start3A_2634 = arith.constant 0 : i32
      %dma_start3A_2635 = tpu.memref_slice %arg4[%dma_start3A_2633, %dma_start3A_2634] : memref<543744x128xf32, #tpu.memory_space<hbm>> -> memref<543744x128xf32, #tpu.memory_space<hbm>>
      tpu.enqueue_indirect_dma source(%dma_start3A_2635 : memref<543744x128xf32, #tpu.memory_space<hbm>>) target(%dma_start3A_2629 : memref<96x128xf32, #tpu.memory_space<vmem>>) offsets(%dma_start3A_2632 : memref<96xi32, #tpu.memory_space<vmem>>) semaphore(%arg25 : memref<!tpu.dma_semaphore, #tpu.memory_space<semaphore_mem>>)
      %dma_start3A_2636 = arith.constant 1 : i32
      %dma_start3A_2637 = arith.constant 96 : i32
      %dma_start3A_2638 = arith.constant 0 : i32
      %dma_start3A_2639 = tpu.memref_slice %arg18[%dma_start3A_2637, %dma_start3A_2638] : memref<288x128xf32, #tpu.memory_space<vmem>> -> memref<96x128xf32, #tpu.memory_space<vmem>>
      %dma_start3A_2640 = arith.constant 0 : i32
      %dma_start3A_2641 = tpu.memref_slice %arg16[%dma_start3A_2636, %dma_start3A_2640] : memref<3x96xi32, #tpu.memory_space<vmem>> -> memref<1x96xi32, #tpu.memory_space<vmem>>
      %dma_start3A_2642 = tpu.memref_squeeze %dma_start3A_2641 : memref<1x96xi32, #tpu.memory_space<vmem>> -> memref<96xi32, #tpu.memory_space<vmem>>
      %dma_start3A_2643 = arith.constant 0 : i32
      %dma_start3A_2644 = arith.constant 0 : i32
      %dma_start3A_2645 = tpu.memref_slice %arg4[%dma_start3A_2643, %dma_start3A_2644] : memref<543744x128xf32, #tpu.memory_space<hbm>> -> memref<543744x128xf32, #tpu.memory_space<hbm>>
      tpu.enqueue_indirect_dma source(%dma_start3A_2645 : memref<543744x128xf32, #tpu.memory_space<hbm>>) target(%dma_start3A_2639 : memref<96x128xf32, #tpu.memory_space<vmem>>) offsets(%dma_start3A_2642 : memref<96xi32, #tpu.memory_space<vmem>>) semaphore(%arg25 : memref<!tpu.dma_semaphore, #tpu.memory_space<semaphore_mem>>)
      %dma_start3A_2646 = arith.constant 2 : i32
      %dma_start3A_2647 = arith.constant 192 : i32
      %dma_start3A_2648 = arith.constant 0 : i32
      %dma_start3A_2649 = tpu.memref_slice %arg18[%dma_start3A_2647, %dma_start3A_2648] : memref<288x128xf32, #tpu.memory_space<vmem>> -> memref<96x128xf32, #tpu.memory_space<vmem>>
      %dma_start3A_2650 = arith.constant 0 : i32
      %dma_start3A_2651 = tpu.memref_slice %arg16[%dma_start3A_2646, %dma_start3A_2650] : memref<3x96xi32, #tpu.memory_space<vmem>> -> memref<1x96xi32, #tpu.memory_space<vmem>>
      %dma_start3A_2652 = tpu.memref_squeeze %dma_start3A_2651 : memref<1x96xi32, #tpu.memory_space<vmem>> -> memref<96xi32, #tpu.memory_space<vmem>>
      %dma_start3A_2653 = arith.constant 0 : i32
      %dma_start3A_2654 = arith.constant 0 : i32
      %dma_start3A_2655 = tpu.memref_slice %arg4[%dma_start3A_2653, %dma_start3A_2654] : memref<543744x128xf32, #tpu.memory_space<hbm>> -> memref<543744x128xf32, #tpu.memory_space<hbm>>
      tpu.enqueue_indirect_dma source(%dma_start3A_2655 : memref<543744x128xf32, #tpu.memory_space<hbm>>) target(%dma_start3A_2649 : memref<96x128xf32, #tpu.memory_space<vmem>>) offsets(%dma_start3A_2652 : memref<96xi32, #tpu.memory_space<vmem>>) semaphore(%arg25 : memref<!tpu.dma_semaphore, #tpu.memory_space<semaphore_mem>>)
      %mul3A_2656 = arith.constant 32 : i32
      %mul3A_2657 = arith.muli %mul3A_146, %mul3A_2656 : i32
      %add3A_2658 = arith.addi %mul3A_2, %mul3A_2657 : i32
      %dma_wait3A_2659 = arith.constant 0 : i32
      %dma_wait3A_2660 = arith.constant 0 : i32
      %dma_wait3A_2661 = arith.constant 0 : i32
      %dma_wait3A_2662 = tpu.memref_slice %arg17[%dma_wait3A_2660, %dma_wait3A_2661] : memref<288x128xf32, #tpu.memory_space<vmem>> -> memref<96x128xf32, #tpu.memory_space<vmem>>
      %dma_wait3A_2663 = arith.constant 0 : i32
      %dma_wait3A_2664 = tpu.memref_slice %arg15[%dma_wait3A_2659, %dma_wait3A_2663] : memref<3x96xi32, #tpu.memory_space<vmem>> -> memref<1x96xi32, #tpu.memory_space<vmem>>
      %dma_wait3A_2665 = tpu.memref_squeeze %dma_wait3A_2664 : memref<1x96xi32, #tpu.memory_space<vmem>> -> memref<96xi32, #tpu.memory_space<vmem>>
      %dma_wait3A_2666 = arith.constant 0 : i32
      %dma_wait3A_2667 = arith.constant 0 : i32
      %dma_wait3A_2668 = tpu.memref_slice %arg4[%dma_wait3A_2666, %dma_wait3A_2667] : memref<543744x128xf32, #tpu.memory_space<hbm>> -> memref<543744x128xf32, #tpu.memory_space<hbm>>
      tpu.wait_indirect_dma semaphore(%arg24 : memref<!tpu.dma_semaphore, #tpu.memory_space<semaphore_mem>>) src(%dma_wait3A_2668 : memref<543744x128xf32, #tpu.memory_space<hbm>>) dst(%dma_wait3A_2662 : memref<96x128xf32, #tpu.memory_space<vmem>>)
      %dma_wait3A_2669 = arith.constant 1 : i32
      %dma_wait3A_2670 = arith.constant 96 : i32
      %dma_wait3A_2671 = arith.constant 0 : i32
      %dma_wait3A_2672 = tpu.memref_slice %arg17[%dma_wait3A_2670, %dma_wait3A_2671] : memref<288x128xf32, #tpu.memory_space<vmem>> -> memref<96x128xf32, #tpu.memory_space<vmem>>
      %dma_wait3A_2673 = arith.constant 0 : i32
      %dma_wait3A_2674 = tpu.memref_slice %arg15[%dma_wait3A_2669, %dma_wait3A_2673] : memref<3x96xi32, #tpu.memory_space<vmem>> -> memref<1x96xi32, #tpu.memory_space<vmem>>
      %dma_wait3A_2675 = tpu.memref_squeeze %dma_wait3A_2674 : memref<1x96xi32, #tpu.memory_space<vmem>> -> memref<96xi32, #tpu.memory_space<vmem>>
      %dma_wait3A_2676 = arith.constant 0 : i32
      %dma_wait3A_2677 = arith.constant 0 : i32
      %dma_wait3A_2678 = tpu.memref_slice %arg4[%dma_wait3A_2676, %dma_wait3A_2677] : memref<543744x128xf32, #tpu.memory_space<hbm>> -> memref<543744x128xf32, #tpu.memory_space<hbm>>
      tpu.wait_indirect_dma semaphore(%arg24 : memref<!tpu.dma_semaphore, #tpu.memory_space<semaphore_mem>>) src(%dma_wait3A_2678 : memref<543744x128xf32, #tpu.memory_space<hbm>>) dst(%dma_wait3A_2672 : memref<96x128xf32, #tpu.memory_space<vmem>>)
      %dma_wait3A_2679 = arith.constant 2 : i32
      %dma_wait3A_2680 = arith.constant 192 : i32
      %dma_wait3A_2681 = arith.constant 0 : i32
      %dma_wait3A_2682 = tpu.memref_slice %arg17[%dma_wait3A_2680, %dma_wait3A_2681] : memref<288x128xf32, #tpu.memory_space<vmem>> -> memref<96x128xf32, #tpu.memory_space<vmem>>
      %dma_wait3A_2683 = arith.constant 0 : i32
      %dma_wait3A_2684 = tpu.memref_slice %arg15[%dma_wait3A_2679, %dma_wait3A_2683] : memref<3x96xi32, #tpu.memory_space<vmem>> -> memref<1x96xi32, #tpu.memory_space<vmem>>
      %dma_wait3A_2685 = tpu.memref_squeeze %dma_wait3A_2684 : memref<1x96xi32, #tpu.memory_space<vmem>> -> memref<96xi32, #tpu.memory_space<vmem>>
      %dma_wait3A_2686 = arith.constant 0 : i32
      %dma_wait3A_2687 = arith.constant 0 : i32
      %dma_wait3A_2688 = tpu.memref_slice %arg4[%dma_wait3A_2686, %dma_wait3A_2687] : memref<543744x128xf32, #tpu.memory_space<hbm>> -> memref<543744x128xf32, #tpu.memory_space<hbm>>
      tpu.wait_indirect_dma semaphore(%arg24 : memref<!tpu.dma_semaphore, #tpu.memory_space<semaphore_mem>>) src(%dma_wait3A_2688 : memref<543744x128xf32, #tpu.memory_space<hbm>>) dst(%dma_wait3A_2682 : memref<96x128xf32, #tpu.memory_space<vmem>>)
      %ge3A_2689 = arith.constant 2 : i32
      %ge3A_2690 = arith.cmpi sge, %mul3A_146, %ge3A_2689 : i32
      %convert_element_type3A_2691 = arith.extui %ge3A_2690 : i1 to i32
      %cond3A_2692 = arith.constant 0 : i32
      %cond3A_2693 = arith.cmpi ne, %convert_element_type3A_2691, %cond3A_2692 : i32
      scf.if %cond3A_2693 {
        %dma_wait3A_2720 = arith.constant 0 : i32
        %dma_wait3A_2721 = tpu.memref_slice %arg6[%add3A_2658, %dma_wait3A_2720] : memref<51200x128xf32, #tpu.memory_space<hbm>> -> memref<32x128xf32, #tpu.memory_space<hbm>>
        %dma_wait3A_2722 = arith.constant 0 : i32
        %dma_wait3A_2723 = tpu.memref_slice %arg6[%add3A_2658, %dma_wait3A_2722] : memref<51200x128xf32, #tpu.memory_space<hbm>> -> memref<32x128xf32, #tpu.memory_space<hbm>>
        tpu.wait_dma2 semaphore(%arg26 : memref<!tpu.dma_semaphore, #tpu.memory_space<semaphore_mem>>) src(%arg20 : memref<32x128xf32, #tpu.memory_space<vmem>>) dst(%dma_wait3A_2723 : memref<32x128xf32, #tpu.memory_space<hbm>>)
      } else {
      }
      %get3A_2694 = arith.constant 0 : index
      %get3A_2695 = tpu.vector_load %arg19[%get3A_2694] {strides = array<i32>} : memref<128xf32, #tpu.memory_space<vmem>>, vector<16xf32>,
      %get3A_2696 = arith.constant 16 : index
      %get3A_2697 = tpu.vector_load %arg19[%get3A_2696] {strides = array<i32>} : memref<128xf32, #tpu.memory_space<vmem>>, vector<16xf32>,
      %get3A_2698 = arith.constant 32 : index
      %get3A_2699 = tpu.vector_load %arg19[%get3A_2698] {strides = array<i32>} : memref<128xf32, #tpu.memory_space<vmem>>, vector<16xf32>,
      %get3A_2700 = arith.constant 48 : index
      %get3A_2701 = tpu.vector_load %arg19[%get3A_2700] {strides = array<i32>} : memref<128xf32, #tpu.memory_space<vmem>>, vector<16xf32>,
      %get3A_2702 = arith.constant 64 : index
      %get3A_2703 = tpu.vector_load %arg19[%get3A_2702] {strides = array<i32>} : memref<128xf32, #tpu.memory_space<vmem>>, vector<16xf32>,
      %get3A_2704 = arith.constant 80 : index
      %get3A_2705 = tpu.vector_load %arg19[%get3A_2704] {strides = array<i32>} : memref<128xf32, #tpu.memory_space<vmem>>, vector<16xf32>,
      %get3A_2706 = arith.constant 96 : index
      %get3A_2707 = tpu.vector_load %arg19[%get3A_2706] {strides = array<i32>} : memref<128xf32, #tpu.memory_space<vmem>>, vector<16xf32>,
      %get3A_2708 = arith.constant 112 : index
      %get3A_2709 = tpu.vector_load %arg19[%get3A_2708] {strides = array<i32>} : memref<128xf32, #tpu.memory_space<vmem>>, vector<16xf32>,
      %scan3A_2710 = arith.constant 0 : i32
      %scan3A_2711 = arith.constant 0 : i32
      %scan3A_2712 = arith.constant 32 : i32
      %scan3A_2713 = arith.addi %scan3A_2711, %scan3A_2712 : i32
      %scan3A_2714 = arith.constant 1 : i32
      scf.for %scan3A_2720 = %scan3A_2711 to %scan3A_2713 step %scan3A_2714  : i32 {
        %add3A_2721 = arith.constant 0 : i32
        %add3A_2722 = arith.addi %add3A_2721, %scan3A_2720 : i32
        %get3A_2723 = arith.index_cast %add3A_2722 : i32 to index
        %get3A_2724 = arith.constant 0 : index
        %get3A_2725 = tpu.vector_load %arg17[%get3A_2723, %get3A_2724] {strides = array<i32>} : memref<288x128xf32, #tpu.memory_space<vmem>>, vector<16xf32>,
        %add3A_2726 = arith.addf %get3A_2695, %get3A_2725 : vector<16xf32>
        %add3A_2727 = arith.constant 32 : i32
        %add3A_2728 = arith.addi %add3A_2727, %scan3A_2720 : i32
        %get3A_2729 = arith.index_cast %add3A_2728 : i32 to index
        %get3A_2730 = arith.constant 0 : index
        %get3A_2731 = tpu.vector_load %arg17[%get3A_2729, %get3A_2730] {strides = array<i32>} : memref<288x128xf32, #tpu.memory_space<vmem>>, vector<16xf32>,
        %add3A_2732 = arith.addf %add3A_2726, %get3A_2731 : vector<16xf32>
        %add3A_2733 = arith.constant 64 : i32
        %add3A_2734 = arith.addi %add3A_2733, %scan3A_2720 : i32
        %get3A_2735 = arith.index_cast %add3A_2734 : i32 to index
        %get3A_2736 = arith.constant 0 : index
        %get3A_2737 = tpu.vector_load %arg17[%get3A_2735, %get3A_2736] {strides = array<i32>} : memref<288x128xf32, #tpu.memory_space<vmem>>, vector<16xf32>,
        %add3A_2738 = arith.addf %add3A_2732, %get3A_2737 : vector<16xf32>
        %add3A_2739 = arith.constant 96 : i32
        %add3A_2740 = arith.addi %add3A_2739, %scan3A_2720 : i32
        %get3A_2741 = arith.index_cast %add3A_2740 : i32 to index
        %get3A_2742 = arith.constant 0 : index
        %get3A_2743 = tpu.vector_load %arg17[%get3A_2741, %get3A_2742] {strides = array<i32>} : memref<288x128xf32, #tpu.memory_space<vmem>>, vector<16xf32>,
        %add3A_2744 = arith.addf %add3A_2738, %get3A_2743 : vector<16xf32>
        %add3A_2745 = arith.constant 128 : i32
        %add3A_2746 = arith.addi %add3A_2745, %scan3A_2720 : i32
        %get3A_2747 = arith.index_cast %add3A_2746 : i32 to index
        %get3A_2748 = arith.constant 0 : index
        %get3A_2749 = tpu.vector_load %arg17[%get3A_2747, %get3A_2748] {strides = array<i32>} : memref<288x128xf32, #tpu.memory_space<vmem>>, vector<16xf32>,
        %add3A_2750 = arith.addf %add3A_2744, %get3A_2749 : vector<16xf32>
        %add3A_2751 = arith.constant 160 : i32
        %add3A_2752 = arith.addi %add3A_2751, %scan3A_2720 : i32
        %get3A_2753 = arith.index_cast %add3A_2752 : i32 to index
        %get3A_2754 = arith.constant 0 : index
        %get3A_2755 = tpu.vector_load %arg17[%get3A_2753, %get3A_2754] {strides = array<i32>} : memref<288x128xf32, #tpu.memory_space<vmem>>, vector<16xf32>,
        %add3A_2756 = arith.addf %add3A_2750, %get3A_2755 : vector<16xf32>
        %add3A_2757 = arith.constant 192 : i32
        %add3A_2758 = arith.addi %add3A_2757, %scan3A_2720 : i32
        %get3A_2759 = arith.index_cast %add3A_2758 : i32 to index
        %get3A_2760 = arith.constant 0 : index
        %get3A_2761 = tpu.vector_load %arg17[%get3A_2759, %get3A_2760] {strides = array<i32>} : memref<288x128xf32, #tpu.memory_space<vmem>>, vector<16xf32>,
        %add3A_2762 = arith.addf %add3A_2756, %get3A_2761 : vector<16xf32>
        %add3A_2763 = arith.constant 224 : i32
        %add3A_2764 = arith.addi %add3A_2763, %scan3A_2720 : i32
        %get3A_2765 = arith.index_cast %add3A_2764 : i32 to index
        %get3A_2766 = arith.constant 0 : index
        %get3A_2767 = tpu.vector_load %arg17[%get3A_2765, %get3A_2766] {strides = array<i32>} : memref<288x128xf32, #tpu.memory_space<vmem>>, vector<16xf32>,
        %add3A_2768 = arith.addf %add3A_2762, %get3A_2767 : vector<16xf32>
        %add3A_2769 = arith.constant 256 : i32
        %add3A_2770 = arith.addi %add3A_2769, %scan3A_2720 : i32
        %get3A_2771 = arith.index_cast %add3A_2770 : i32 to index
        %get3A_2772 = arith.constant 0 : index
        %get3A_2773 = tpu.vector_load %arg17[%get3A_2771, %get3A_2772] {strides = array<i32>} : memref<288x128xf32, #tpu.memory_space<vmem>>, vector<16xf32>,
        %add3A_2774 = arith.addf %add3A_2768, %get3A_2773 : vector<16xf32>
        %swap3A_2775 = arith.index_cast %scan3A_2720 : i32 to index
        %swap3A_2776 = arith.constant 0 : index
        %swap3A_2777 = tpu.vector_load %arg20[%swap3A_2775, %swap3A_2776] {strides = array<i32>} : memref<32x128xf32, #tpu.memory_space<vmem>>, vector<16xf32>,
        tpu.vector_store %arg20[%swap3A_2775, %swap3A_2776], %add3A_2774 {strides = array<i32>} : memref<32x128xf32, #tpu.memory_space<vmem>>, vector<16xf32>,
        %add3A_2778 = arith.constant 0 : i32
        %add3A_2779 = arith.addi %add3A_2778, %scan3A_2720 : i32
        %get3A_2780 = arith.index_cast %add3A_2779 : i32 to index
        %get3A_2781 = arith.constant 16 : index
        %get3A_2782 = tpu.vector_load %arg17[%get3A_2780, %get3A_2781] {strides = array<i32>} : memref<288x128xf32, #tpu.memory_space<vmem>>, vector<16xf32>,
        %add3A_2783 = arith.addf %get3A_2697, %get3A_2782 : vector<16xf32>
        %add3A_2784 = arith.constant 32 : i32
        %add3A_2785 = arith.addi %add3A_2784, %scan3A_2720 : i32
        %get3A_2786 = arith.index_cast %add3A_2785 : i32 to index
        %get3A_2787 = arith.constant 16 : index
        %get3A_2788 = tpu.vector_load %arg17[%get3A_2786, %get3A_2787] {strides = array<i32>} : memref<288x128xf32, #tpu.memory_space<vmem>>, vector<16xf32>,
        %add3A_2789 = arith.addf %add3A_2783, %get3A_2788 : vector<16xf32>
        %add3A_2790 = arith.constant 64 : i32
        %add3A_2791 = arith.addi %add3A_2790, %scan3A_2720 : i32
        %get3A_2792 = arith.index_cast %add3A_2791 : i32 to index
        %get3A_2793 = arith.constant 16 : index
        %get3A_2794 = tpu.vector_load %arg17[%get3A_2792, %get3A_2793] {strides = array<i32>} : memref<288x128xf32, #tpu.memory_space<vmem>>, vector<16xf32>,
        %add3A_2795 = arith.addf %add3A_2789, %get3A_2794 : vector<16xf32>
        %add3A_2796 = arith.constant 96 : i32
        %add3A_2797 = arith.addi %add3A_2796, %scan3A_2720 : i32
        %get3A_2798 = arith.index_cast %add3A_2797 : i32 to index
        %get3A_2799 = arith.constant 16 : index
        %get3A_2800 = tpu.vector_load %arg17[%get3A_2798, %get3A_2799] {strides = array<i32>} : memref<288x128xf32, #tpu.memory_space<vmem>>, vector<16xf32>,
        %add3A_2801 = arith.addf %add3A_2795, %get3A_2800 : vector<16xf32>
        %add3A_2802 = arith.constant 128 : i32
        %add3A_2803 = arith.addi %add3A_2802, %scan3A_2720 : i32
        %get3A_2804 = arith.index_cast %add3A_2803 : i32 to index
        %get3A_2805 = arith.constant 16 : index
        %get3A_2806 = tpu.vector_load %arg17[%get3A_2804, %get3A_2805] {strides = array<i32>} : memref<288x128xf32, #tpu.memory_space<vmem>>, vector<16xf32>,
        %add3A_2807 = arith.addf %add3A_2801, %get3A_2806 : vector<16xf32>
        %add3A_2808 = arith.constant 160 : i32
        %add3A_2809 = arith.addi %add3A_2808, %scan3A_2720 : i32
        %get3A_2810 = arith.index_cast %add3A_2809 : i32 to index
        %get3A_2811 = arith.constant 16 : index
        %get3A_2812 = tpu.vector_load %arg17[%get3A_2810, %get3A_2811] {strides = array<i32>} : memref<288x128xf32, #tpu.memory_space<vmem>>, vector<16xf32>,
        %add3A_2813 = arith.addf %add3A_2807, %get3A_2812 : vector<16xf32>
        %add3A_2814 = arith.constant 192 : i32
        %add3A_2815 = arith.addi %add3A_2814, %scan3A_2720 : i32
        %get3A_2816 = arith.index_cast %add3A_2815 : i32 to index
        %get3A_2817 = arith.constant 16 : index
        %get3A_2818 = tpu.vector_load %arg17[%get3A_2816, %get3A_2817] {strides = array<i32>} : memref<288x128xf32, #tpu.memory_space<vmem>>, vector<16xf32>,
        %add3A_2819 = arith.addf %add3A_2813, %get3A_2818 : vector<16xf32>
        %add3A_2820 = arith.constant 224 : i32
        %add3A_2821 = arith.addi %add3A_2820, %scan3A_2720 : i32
        %get3A_2822 = arith.index_cast %add3A_2821 : i32 to index
        %get3A_2823 = arith.constant 16 : index
        %get3A_2824 = tpu.vector_load %arg17[%get3A_2822, %get3A_2823] {strides = array<i32>} : memref<288x128xf32, #tpu.memory_space<vmem>>, vector<16xf32>,
        %add3A_2825 = arith.addf %add3A_2819, %get3A_2824 : vector<16xf32>
        %add3A_2826 = arith.constant 256 : i32
        %add3A_2827 = arith.addi %add3A_2826, %scan3A_2720 : i32
        %get3A_2828 = arith.index_cast %add3A_2827 : i32 to index
        %get3A_2829 = arith.constant 16 : index
        %get3A_2830 = tpu.vector_load %arg17[%get3A_2828, %get3A_2829] {strides = array<i32>} : memref<288x128xf32, #tpu.memory_space<vmem>>, vector<16xf32>,
        %add3A_2831 = arith.addf %add3A_2825, %get3A_2830 : vector<16xf32>
        %swap3A_2832 = arith.index_cast %scan3A_2720 : i32 to index
        %swap3A_2833 = arith.constant 16 : index
        %swap3A_2834 = tpu.vector_load %arg20[%swap3A_2832, %swap3A_2833] {strides = array<i32>} : memref<32x128xf32, #tpu.memory_space<vmem>>, vector<16xf32>,
        tpu.vector_store %arg20[%swap3A_2832, %swap3A_2833], %add3A_2831 {strides = array<i32>} : memref<32x128xf32, #tpu.memory_space<vmem>>, vector<16xf32>,
        %add3A_2835 = arith.constant 0 : i32
        %add3A_2836 = arith.addi %add3A_2835, %scan3A_2720 : i32
        %get3A_2837 = arith.index_cast %add3A_2836 : i32 to index
        %get3A_2838 = arith.constant 32 : index
        %get3A_2839 = tpu.vector_load %arg17[%get3A_2837, %get3A_2838] {strides = array<i32>} : memref<288x128xf32, #tpu.memory_space<vmem>>, vector<16xf32>,
        %add3A_2840 = arith.addf %get3A_2699, %get3A_2839 : vector<16xf32>
        %add3A_2841 = arith.constant 32 : i32
        %add3A_2842 = arith.addi %add3A_2841, %scan3A_2720 : i32
        %get3A_2843 = arith.index_cast %add3A_2842 : i32 to index
        %get3A_2844 = arith.constant 32 : index
        %get3A_2845 = tpu.vector_load %arg17[%get3A_2843, %get3A_2844] {strides = array<i32>} : memref<288x128xf32, #tpu.memory_space<vmem>>, vector<16xf32>,
        %add3A_2846 = arith.addf %add3A_2840, %get3A_2845 : vector<16xf32>
        %add3A_2847 = arith.constant 64 : i32
        %add3A_2848 = arith.addi %add3A_2847, %scan3A_2720 : i32
        %get3A_2849 = arith.index_cast %add3A_2848 : i32 to index
        %get3A_2850 = arith.constant 32 : index
        %get3A_2851 = tpu.vector_load %arg17[%get3A_2849, %get3A_2850] {strides = array<i32>} : memref<288x128xf32, #tpu.memory_space<vmem>>, vector<16xf32>,
        %add3A_2852 = arith.addf %add3A_2846, %get3A_2851 : vector<16xf32>
        %add3A_2853 = arith.constant 96 : i32
        %add3A_2854 = arith.addi %add3A_2853, %scan3A_2720 : i32
        %get3A_2855 = arith.index_cast %add3A_2854 : i32 to index
        %get3A_2856 = arith.constant 32 : index
        %get3A_2857 = tpu.vector_load %arg17[%get3A_2855, %get3A_2856] {strides = array<i32>} : memref<288x128xf32, #tpu.memory_space<vmem>>, vector<16xf32>,
        %add3A_2858 = arith.addf %add3A_2852, %get3A_2857 : vector<16xf32>
        %add3A_2859 = arith.constant 128 : i32
        %add3A_2860 = arith.addi %add3A_2859, %scan3A_2720 : i32
        %get3A_2861 = arith.index_cast %add3A_2860 : i32 to index
        %get3A_2862 = arith.constant 32 : index
        %get3A_2863 = tpu.vector_load %arg17[%get3A_2861, %get3A_2862] {strides = array<i32>} : memref<288x128xf32, #tpu.memory_space<vmem>>, vector<16xf32>,
        %add3A_2864 = arith.addf %add3A_2858, %get3A_2863 : vector<16xf32>
        %add3A_2865 = arith.constant 160 : i32
        %add3A_2866 = arith.addi %add3A_2865, %scan3A_2720 : i32
        %get3A_2867 = arith.index_cast %add3A_2866 : i32 to index
        %get3A_2868 = arith.constant 32 : index
        %get3A_2869 = tpu.vector_load %arg17[%get3A_2867, %get3A_2868] {strides = array<i32>} : memref<288x128xf32, #tpu.memory_space<vmem>>, vector<16xf32>,
        %add3A_2870 = arith.addf %add3A_2864, %get3A_2869 : vector<16xf32>
        %add3A_2871 = arith.constant 192 : i32
        %add3A_2872 = arith.addi %add3A_2871, %scan3A_2720 : i32
        %get3A_2873 = arith.index_cast %add3A_2872 : i32 to index
        %get3A_2874 = arith.constant 32 : index
        %get3A_2875 = tpu.vector_load %arg17[%get3A_2873, %get3A_2874] {strides = array<i32>} : memref<288x128xf32, #tpu.memory_space<vmem>>, vector<16xf32>,
        %add3A_2876 = arith.addf %add3A_2870, %get3A_2875 : vector<16xf32>
        %add3A_2877 = arith.constant 224 : i32
        %add3A_2878 = arith.addi %add3A_2877, %scan3A_2720 : i32
        %get3A_2879 = arith.index_cast %add3A_2878 : i32 to index
        %get3A_2880 = arith.constant 32 : index
        %get3A_2881 = tpu.vector_load %arg17[%get3A_2879, %get3A_2880] {strides = array<i32>} : memref<288x128xf32, #tpu.memory_space<vmem>>, vector<16xf32>,
        %add3A_2882 = arith.addf %add3A_2876, %get3A_2881 : vector<16xf32>
        %add3A_2883 = arith.constant 256 : i32
        %add3A_2884 = arith.addi %add3A_2883, %scan3A_2720 : i32
        %get3A_2885 = arith.index_cast %add3A_2884 : i32 to index
        %get3A_2886 = arith.constant 32 : index
        %get3A_2887 = tpu.vector_load %arg17[%get3A_2885, %get3A_2886] {strides = array<i32>} : memref<288x128xf32, #tpu.memory_space<vmem>>, vector<16xf32>,
        %add3A_2888 = arith.addf %add3A_2882, %get3A_2887 : vector<16xf32>
        %swap3A_2889 = arith.index_cast %scan3A_2720 : i32 to index
        %swap3A_2890 = arith.constant 32 : index
        %swap3A_2891 = tpu.vector_load %arg20[%swap3A_2889, %swap3A_2890] {strides = array<i32>} : memref<32x128xf32, #tpu.memory_space<vmem>>, vector<16xf32>,
        tpu.vector_store %arg20[%swap3A_2889, %swap3A_2890], %add3A_2888 {strides = array<i32>} : memref<32x128xf32, #tpu.memory_space<vmem>>, vector<16xf32>,
        %add3A_2892 = arith.constant 0 : i32
        %add3A_2893 = arith.addi %add3A_2892, %scan3A_2720 : i32
        %get3A_2894 = arith.index_cast %add3A_2893 : i32 to index
        %get3A_2895 = arith.constant 48 : index
        %get3A_2896 = tpu.vector_load %arg17[%get3A_2894, %get3A_2895] {strides = array<i32>} : memref<288x128xf32, #tpu.memory_space<vmem>>, vector<16xf32>,
        %add3A_2897 = arith.addf %get3A_2701, %get3A_2896 : vector<16xf32>
        %add3A_2898 = arith.constant 32 : i32
        %add3A_2899 = arith.addi %add3A_2898, %scan3A_2720 : i32
        %get3A_2900 = arith.index_cast %add3A_2899 : i32 to index
        %get3A_2901 = arith.constant 48 : index
        %get3A_2902 = tpu.vector_load %arg17[%get3A_2900, %get3A_2901] {strides = array<i32>} : memref<288x128xf32, #tpu.memory_space<vmem>>, vector<16xf32>,
        %add3A_2903 = arith.addf %add3A_2897, %get3A_2902 : vector<16xf32>
        %add3A_2904 = arith.constant 64 : i32
        %add3A_2905 = arith.addi %add3A_2904, %scan3A_2720 : i32
        %get3A_2906 = arith.index_cast %add3A_2905 : i32 to index
        %get3A_2907 = arith.constant 48 : index
        %get3A_2908 = tpu.vector_load %arg17[%get3A_2906, %get3A_2907] {strides = array<i32>} : memref<288x128xf32, #tpu.memory_space<vmem>>, vector<16xf32>,
        %add3A_2909 = arith.addf %add3A_2903, %get3A_2908 : vector<16xf32>
        %add3A_2910 = arith.constant 96 : i32
        %add3A_2911 = arith.addi %add3A_2910, %scan3A_2720 : i32
        %get3A_2912 = arith.index_cast %add3A_2911 : i32 to index
        %get3A_2913 = arith.constant 48 : index
        %get3A_2914 = tpu.vector_load %arg17[%get3A_2912, %get3A_2913] {strides = array<i32>} : memref<288x128xf32, #tpu.memory_space<vmem>>, vector<16xf32>,
        %add3A_2915 = arith.addf %add3A_2909, %get3A_2914 : vector<16xf32>
        %add3A_2916 = arith.constant 128 : i32
        %add3A_2917 = arith.addi %add3A_2916, %scan3A_2720 : i32
        %get3A_2918 = arith.index_cast %add3A_2917 : i32 to index
        %get3A_2919 = arith.constant 48 : index
        %get3A_2920 = tpu.vector_load %arg17[%get3A_2918, %get3A_2919] {strides = array<i32>} : memref<288x128xf32, #tpu.memory_space<vmem>>, vector<16xf32>,
        %add3A_2921 = arith.addf %add3A_2915, %get3A_2920 : vector<16xf32>
        %add3A_2922 = arith.constant 160 : i32
        %add3A_2923 = arith.addi %add3A_2922, %scan3A_2720 : i32
        %get3A_2924 = arith.index_cast %add3A_2923 : i32 to index
        %get3A_2925 = arith.constant 48 : index
        %get3A_2926 = tpu.vector_load %arg17[%get3A_2924, %get3A_2925] {strides = array<i32>} : memref<288x128xf32, #tpu.memory_space<vmem>>, vector<16xf32>,
        %add3A_2927 = arith.addf %add3A_2921, %get3A_2926 : vector<16xf32>
        %add3A_2928 = arith.constant 192 : i32
        %add3A_2929 = arith.addi %add3A_2928, %scan3A_2720 : i32
        %get3A_2930 = arith.index_cast %add3A_2929 : i32 to index
        %get3A_2931 = arith.constant 48 : index
        %get3A_2932 = tpu.vector_load %arg17[%get3A_2930, %get3A_2931] {strides = array<i32>} : memref<288x128xf32, #tpu.memory_space<vmem>>, vector<16xf32>,
        %add3A_2933 = arith.addf %add3A_2927, %get3A_2932 : vector<16xf32>
        %add3A_2934 = arith.constant 224 : i32
        %add3A_2935 = arith.addi %add3A_2934, %scan3A_2720 : i32
        %get3A_2936 = arith.index_cast %add3A_2935 : i32 to index
        %get3A_2937 = arith.constant 48 : index
        %get3A_2938 = tpu.vector_load %arg17[%get3A_2936, %get3A_2937] {strides = array<i32>} : memref<288x128xf32, #tpu.memory_space<vmem>>, vector<16xf32>,
        %add3A_2939 = arith.addf %add3A_2933, %get3A_2938 : vector<16xf32>
        %add3A_2940 = arith.constant 256 : i32
        %add3A_2941 = arith.addi %add3A_2940, %scan3A_2720 : i32
        %get3A_2942 = arith.index_cast %add3A_2941 : i32 to index
        %get3A_2943 = arith.constant 48 : index
        %get3A_2944 = tpu.vector_load %arg17[%get3A_2942, %get3A_2943] {strides = array<i32>} : memref<288x128xf32, #tpu.memory_space<vmem>>, vector<16xf32>,
        %add3A_2945 = arith.addf %add3A_2939, %get3A_2944 : vector<16xf32>
        %swap3A_2946 = arith.index_cast %scan3A_2720 : i32 to index
        %swap3A_2947 = arith.constant 48 : index
        %swap3A_2948 = tpu.vector_load %arg20[%swap3A_2946, %swap3A_2947] {strides = array<i32>} : memref<32x128xf32, #tpu.memory_space<vmem>>, vector<16xf32>,
        tpu.vector_store %arg20[%swap3A_2946, %swap3A_2947], %add3A_2945 {strides = array<i32>} : memref<32x128xf32, #tpu.memory_space<vmem>>, vector<16xf32>,
        %add3A_2949 = arith.constant 0 : i32
        %add3A_2950 = arith.addi %add3A_2949, %scan3A_2720 : i32
        %get3A_2951 = arith.index_cast %add3A_2950 : i32 to index
        %get3A_2952 = arith.constant 64 : index
        %get3A_2953 = tpu.vector_load %arg17[%get3A_2951, %get3A_2952] {strides = array<i32>} : memref<288x128xf32, #tpu.memory_space<vmem>>, vector<16xf32>,
        %add3A_2954 = arith.addf %get3A_2703, %get3A_2953 : vector<16xf32>
        %add3A_2955 = arith.constant 32 : i32
        %add3A_2956 = arith.addi %add3A_2955, %scan3A_2720 : i32
        %get3A_2957 = arith.index_cast %add3A_2956 : i32 to index
        %get3A_2958 = arith.constant 64 : index
        %get3A_2959 = tpu.vector_load %arg17[%get3A_2957, %get3A_2958] {strides = array<i32>} : memref<288x128xf32, #tpu.memory_space<vmem>>, vector<16xf32>,
        %add3A_2960 = arith.addf %add3A_2954, %get3A_2959 : vector<16xf32>
        %add3A_2961 = arith.constant 64 : i32
        %add3A_2962 = arith.addi %add3A_2961, %scan3A_2720 : i32
        %get3A_2963 = arith.index_cast %add3A_2962 : i32 to index
        %get3A_2964 = arith.constant 64 : index
        %get3A_2965 = tpu.vector_load %arg17[%get3A_2963, %get3A_2964] {strides = array<i32>} : memref<288x128xf32, #tpu.memory_space<vmem>>, vector<16xf32>,
        %add3A_2966 = arith.addf %add3A_2960, %get3A_2965 : vector<16xf32>
        %add3A_2967 = arith.constant 96 : i32
        %add3A_2968 = arith.addi %add3A_2967, %scan3A_2720 : i32
        %get3A_2969 = arith.index_cast %add3A_2968 : i32 to index
        %get3A_2970 = arith.constant 64 : index
        %get3A_2971 = tpu.vector_load %arg17[%get3A_2969, %get3A_2970] {strides = array<i32>} : memref<288x128xf32, #tpu.memory_space<vmem>>, vector<16xf32>,
        %add3A_2972 = arith.addf %add3A_2966, %get3A_2971 : vector<16xf32>
        %add3A_2973 = arith.constant 128 : i32
        %add3A_2974 = arith.addi %add3A_2973, %scan3A_2720 : i32
        %get3A_2975 = arith.index_cast %add3A_2974 : i32 to index
        %get3A_2976 = arith.constant 64 : index
        %get3A_2977 = tpu.vector_load %arg17[%get3A_2975, %get3A_2976] {strides = array<i32>} : memref<288x128xf32, #tpu.memory_space<vmem>>, vector<16xf32>,
        %add3A_2978 = arith.addf %add3A_2972, %get3A_2977 : vector<16xf32>
        %add3A_2979 = arith.constant 160 : i32
        %add3A_2980 = arith.addi %add3A_2979, %scan3A_2720 : i32
        %get3A_2981 = arith.index_cast %add3A_2980 : i32 to index
        %get3A_2982 = arith.constant 64 : index
        %get3A_2983 = tpu.vector_load %arg17[%get3A_2981, %get3A_2982] {strides = array<i32>} : memref<288x128xf32, #tpu.memory_space<vmem>>, vector<16xf32>,
        %add3A_2984 = arith.addf %add3A_2978, %get3A_2983 : vector<16xf32>
        %add3A_2985 = arith.constant 192 : i32
        %add3A_2986 = arith.addi %add3A_2985, %scan3A_2720 : i32
        %get3A_2987 = arith.index_cast %add3A_2986 : i32 to index
        %get3A_2988 = arith.constant 64 : index
        %get3A_2989 = tpu.vector_load %arg17[%get3A_2987, %get3A_2988] {strides = array<i32>} : memref<288x128xf32, #tpu.memory_space<vmem>>, vector<16xf32>,
        %add3A_2990 = arith.addf %add3A_2984, %get3A_2989 : vector<16xf32>
        %add3A_2991 = arith.constant 224 : i32
        %add3A_2992 = arith.addi %add3A_2991, %scan3A_2720 : i32
        %get3A_2993 = arith.index_cast %add3A_2992 : i32 to index
        %get3A_2994 = arith.constant 64 : index
        %get3A_2995 = tpu.vector_load %arg17[%get3A_2993, %get3A_2994] {strides = array<i32>} : memref<288x128xf32, #tpu.memory_space<vmem>>, vector<16xf32>,
        %add3A_2996 = arith.addf %add3A_2990, %get3A_2995 : vector<16xf32>
        %add3A_2997 = arith.constant 256 : i32
        %add3A_2998 = arith.addi %add3A_2997, %scan3A_2720 : i32
        %get3A_2999 = arith.index_cast %add3A_2998 : i32 to index
        %get3A_3000 = arith.constant 64 : index
        %get3A_3001 = tpu.vector_load %arg17[%get3A_2999, %get3A_3000] {strides = array<i32>} : memref<288x128xf32, #tpu.memory_space<vmem>>, vector<16xf32>,
        %add3A_3002 = arith.addf %add3A_2996, %get3A_3001 : vector<16xf32>
        %swap3A_3003 = arith.index_cast %scan3A_2720 : i32 to index
        %swap3A_3004 = arith.constant 64 : index
        %swap3A_3005 = tpu.vector_load %arg20[%swap3A_3003, %swap3A_3004] {strides = array<i32>} : memref<32x128xf32, #tpu.memory_space<vmem>>, vector<16xf32>,
        tpu.vector_store %arg20[%swap3A_3003, %swap3A_3004], %add3A_3002 {strides = array<i32>} : memref<32x128xf32, #tpu.memory_space<vmem>>, vector<16xf32>,
        %add3A_3006 = arith.constant 0 : i32
        %add3A_3007 = arith.addi %add3A_3006, %scan3A_2720 : i32
        %get3A_3008 = arith.index_cast %add3A_3007 : i32 to index
        %get3A_3009 = arith.constant 80 : index
        %get3A_3010 = tpu.vector_load %arg17[%get3A_3008, %get3A_3009] {strides = array<i32>} : memref<288x128xf32, #tpu.memory_space<vmem>>, vector<16xf32>,
        %add3A_3011 = arith.addf %get3A_2705, %get3A_3010 : vector<16xf32>
        %add3A_3012 = arith.constant 32 : i32
        %add3A_3013 = arith.addi %add3A_3012, %scan3A_2720 : i32
        %get3A_3014 = arith.index_cast %add3A_3013 : i32 to index
        %get3A_3015 = arith.constant 80 : index
        %get3A_3016 = tpu.vector_load %arg17[%get3A_3014, %get3A_3015] {strides = array<i32>} : memref<288x128xf32, #tpu.memory_space<vmem>>, vector<16xf32>,
        %add3A_3017 = arith.addf %add3A_3011, %get3A_3016 : vector<16xf32>
        %add3A_3018 = arith.constant 64 : i32
        %add3A_3019 = arith.addi %add3A_3018, %scan3A_2720 : i32
        %get3A_3020 = arith.index_cast %add3A_3019 : i32 to index
        %get3A_3021 = arith.constant 80 : index
        %get3A_3022 = tpu.vector_load %arg17[%get3A_3020, %get3A_3021] {strides = array<i32>} : memref<288x128xf32, #tpu.memory_space<vmem>>, vector<16xf32>,
        %add3A_3023 = arith.addf %add3A_3017, %get3A_3022 : vector<16xf32>
        %add3A_3024 = arith.constant 96 : i32
        %add3A_3025 = arith.addi %add3A_3024, %scan3A_2720 : i32
        %get3A_3026 = arith.index_cast %add3A_3025 : i32 to index
        %get3A_3027 = arith.constant 80 : index
        %get3A_3028 = tpu.vector_load %arg17[%get3A_3026, %get3A_3027] {strides = array<i32>} : memref<288x128xf32, #tpu.memory_space<vmem>>, vector<16xf32>,
        %add3A_3029 = arith.addf %add3A_3023, %get3A_3028 : vector<16xf32>
        %add3A_3030 = arith.constant 128 : i32
        %add3A_3031 = arith.addi %add3A_3030, %scan3A_2720 : i32
        %get3A_3032 = arith.index_cast %add3A_3031 : i32 to index
        %get3A_3033 = arith.constant 80 : index
        %get3A_3034 = tpu.vector_load %arg17[%get3A_3032, %get3A_3033] {strides = array<i32>} : memref<288x128xf32, #tpu.memory_space<vmem>>, vector<16xf32>,
        %add3A_3035 = arith.addf %add3A_3029, %get3A_3034 : vector<16xf32>
        %add3A_3036 = arith.constant 160 : i32
        %add3A_3037 = arith.addi %add3A_3036, %scan3A_2720 : i32
        %get3A_3038 = arith.index_cast %add3A_3037 : i32 to index
        %get3A_3039 = arith.constant 80 : index
        %get3A_3040 = tpu.vector_load %arg17[%get3A_3038, %get3A_3039] {strides = array<i32>} : memref<288x128xf32, #tpu.memory_space<vmem>>, vector<16xf32>,
        %add3A_3041 = arith.addf %add3A_3035, %get3A_3040 : vector<16xf32>
        %add3A_3042 = arith.constant 192 : i32
        %add3A_3043 = arith.addi %add3A_3042, %scan3A_2720 : i32
        %get3A_3044 = arith.index_cast %add3A_3043 : i32 to index
        %get3A_3045 = arith.constant 80 : index
        %get3A_3046 = tpu.vector_load %arg17[%get3A_3044, %get3A_3045] {strides = array<i32>} : memref<288x128xf32, #tpu.memory_space<vmem>>, vector<16xf32>,
        %add3A_3047 = arith.addf %add3A_3041, %get3A_3046 : vector<16xf32>
        %add3A_3048 = arith.constant 224 : i32
        %add3A_3049 = arith.addi %add3A_3048, %scan3A_2720 : i32
        %get3A_3050 = arith.index_cast %add3A_3049 : i32 to index
        %get3A_3051 = arith.constant 80 : index
        %get3A_3052 = tpu.vector_load %arg17[%get3A_3050, %get3A_3051] {strides = array<i32>} : memref<288x128xf32, #tpu.memory_space<vmem>>, vector<16xf32>,
        %add3A_3053 = arith.addf %add3A_3047, %get3A_3052 : vector<16xf32>
        %add3A_3054 = arith.constant 256 : i32
        %add3A_3055 = arith.addi %add3A_3054, %scan3A_2720 : i32
        %get3A_3056 = arith.index_cast %add3A_3055 : i32 to index
        %get3A_3057 = arith.constant 80 : index
        %get3A_3058 = tpu.vector_load %arg17[%get3A_3056, %get3A_3057] {strides = array<i32>} : memref<288x128xf32, #tpu.memory_space<vmem>>, vector<16xf32>,
        %add3A_3059 = arith.addf %add3A_3053, %get3A_3058 : vector<16xf32>
        %swap3A_3060 = arith.index_cast %scan3A_2720 : i32 to index
        %swap3A_3061 = arith.constant 80 : index
        %swap3A_3062 = tpu.vector_load %arg20[%swap3A_3060, %swap3A_3061] {strides = array<i32>} : memref<32x128xf32, #tpu.memory_space<vmem>>, vector<16xf32>,
        tpu.vector_store %arg20[%swap3A_3060, %swap3A_3061], %add3A_3059 {strides = array<i32>} : memref<32x128xf32, #tpu.memory_space<vmem>>, vector<16xf32>,
        %add3A_3063 = arith.constant 0 : i32
        %add3A_3064 = arith.addi %add3A_3063, %scan3A_2720 : i32
        %get3A_3065 = arith.index_cast %add3A_3064 : i32 to index
        %get3A_3066 = arith.constant 96 : index
        %get3A_3067 = tpu.vector_load %arg17[%get3A_3065, %get3A_3066] {strides = array<i32>} : memref<288x128xf32, #tpu.memory_space<vmem>>, vector<16xf32>,
        %add3A_3068 = arith.addf %get3A_2707, %get3A_3067 : vector<16xf32>
        %add3A_3069 = arith.constant 32 : i32
        %add3A_3070 = arith.addi %add3A_3069, %scan3A_2720 : i32
        %get3A_3071 = arith.index_cast %add3A_3070 : i32 to index
        %get3A_3072 = arith.constant 96 : index
        %get3A_3073 = tpu.vector_load %arg17[%get3A_3071, %get3A_3072] {strides = array<i32>} : memref<288x128xf32, #tpu.memory_space<vmem>>, vector<16xf32>,
        %add3A_3074 = arith.addf %add3A_3068, %get3A_3073 : vector<16xf32>
        %add3A_3075 = arith.constant 64 : i32
        %add3A_3076 = arith.addi %add3A_3075, %scan3A_2720 : i32
        %get3A_3077 = arith.index_cast %add3A_3076 : i32 to index
        %get3A_3078 = arith.constant 96 : index
        %get3A_3079 = tpu.vector_load %arg17[%get3A_3077, %get3A_3078] {strides = array<i32>} : memref<288x128xf32, #tpu.memory_space<vmem>>, vector<16xf32>,
        %add3A_3080 = arith.addf %add3A_3074, %get3A_3079 : vector<16xf32>
        %add3A_3081 = arith.constant 96 : i32
        %add3A_3082 = arith.addi %add3A_3081, %scan3A_2720 : i32
        %get3A_3083 = arith.index_cast %add3A_3082 : i32 to index
        %get3A_3084 = arith.constant 96 : index
        %get3A_3085 = tpu.vector_load %arg17[%get3A_3083, %get3A_3084] {strides = array<i32>} : memref<288x128xf32, #tpu.memory_space<vmem>>, vector<16xf32>,
        %add3A_3086 = arith.addf %add3A_3080, %get3A_3085 : vector<16xf32>
        %add3A_3087 = arith.constant 128 : i32
        %add3A_3088 = arith.addi %add3A_3087, %scan3A_2720 : i32
        %get3A_3089 = arith.index_cast %add3A_3088 : i32 to index
        %get3A_3090 = arith.constant 96 : index
        %get3A_3091 = tpu.vector_load %arg17[%get3A_3089, %get3A_3090] {strides = array<i32>} : memref<288x128xf32, #tpu.memory_space<vmem>>, vector<16xf32>,
        %add3A_3092 = arith.addf %add3A_3086, %get3A_3091 : vector<16xf32>
        %add3A_3093 = arith.constant 160 : i32
        %add3A_3094 = arith.addi %add3A_3093, %scan3A_2720 : i32
        %get3A_3095 = arith.index_cast %add3A_3094 : i32 to index
        %get3A_3096 = arith.constant 96 : index
        %get3A_3097 = tpu.vector_load %arg17[%get3A_3095, %get3A_3096] {strides = array<i32>} : memref<288x128xf32, #tpu.memory_space<vmem>>, vector<16xf32>,
        %add3A_3098 = arith.addf %add3A_3092, %get3A_3097 : vector<16xf32>
        %add3A_3099 = arith.constant 192 : i32
        %add3A_3100 = arith.addi %add3A_3099, %scan3A_2720 : i32
        %get3A_3101 = arith.index_cast %add3A_3100 : i32 to index
        %get3A_3102 = arith.constant 96 : index
        %get3A_3103 = tpu.vector_load %arg17[%get3A_3101, %get3A_3102] {strides = array<i32>} : memref<288x128xf32, #tpu.memory_space<vmem>>, vector<16xf32>,
        %add3A_3104 = arith.addf %add3A_3098, %get3A_3103 : vector<16xf32>
        %add3A_3105 = arith.constant 224 : i32
        %add3A_3106 = arith.addi %add3A_3105, %scan3A_2720 : i32
        %get3A_3107 = arith.index_cast %add3A_3106 : i32 to index
        %get3A_3108 = arith.constant 96 : index
        %get3A_3109 = tpu.vector_load %arg17[%get3A_3107, %get3A_3108] {strides = array<i32>} : memref<288x128xf32, #tpu.memory_space<vmem>>, vector<16xf32>,
        %add3A_3110 = arith.addf %add3A_3104, %get3A_3109 : vector<16xf32>
        %add3A_3111 = arith.constant 256 : i32
        %add3A_3112 = arith.addi %add3A_3111, %scan3A_2720 : i32
        %get3A_3113 = arith.index_cast %add3A_3112 : i32 to index
        %get3A_3114 = arith.constant 96 : index
        %get3A_3115 = tpu.vector_load %arg17[%get3A_3113, %get3A_3114] {strides = array<i32>} : memref<288x128xf32, #tpu.memory_space<vmem>>, vector<16xf32>,
        %add3A_3116 = arith.addf %add3A_3110, %get3A_3115 : vector<16xf32>
        %swap3A_3117 = arith.index_cast %scan3A_2720 : i32 to index
        %swap3A_3118 = arith.constant 96 : index
        %swap3A_3119 = tpu.vector_load %arg20[%swap3A_3117, %swap3A_3118] {strides = array<i32>} : memref<32x128xf32, #tpu.memory_space<vmem>>, vector<16xf32>,
        tpu.vector_store %arg20[%swap3A_3117, %swap3A_3118], %add3A_3116 {strides = array<i32>} : memref<32x128xf32, #tpu.memory_space<vmem>>, vector<16xf32>,
        %add3A_3120 = arith.constant 0 : i32
        %add3A_3121 = arith.addi %add3A_3120, %scan3A_2720 : i32
        %get3A_3122 = arith.index_cast %add3A_3121 : i32 to index
        %get3A_3123 = arith.constant 112 : index
        %get3A_3124 = tpu.vector_load %arg17[%get3A_3122, %get3A_3123] {strides = array<i32>} : memref<288x128xf32, #tpu.memory_space<vmem>>, vector<16xf32>,
        %add3A_3125 = arith.addf %get3A_2709, %get3A_3124 : vector<16xf32>
        %add3A_3126 = arith.constant 32 : i32
        %add3A_3127 = arith.addi %add3A_3126, %scan3A_2720 : i32
        %get3A_3128 = arith.index_cast %add3A_3127 : i32 to index
        %get3A_3129 = arith.constant 112 : index
        %get3A_3130 = tpu.vector_load %arg17[%get3A_3128, %get3A_3129] {strides = array<i32>} : memref<288x128xf32, #tpu.memory_space<vmem>>, vector<16xf32>,
        %add3A_3131 = arith.addf %add3A_3125, %get3A_3130 : vector<16xf32>
        %add3A_3132 = arith.constant 64 : i32
        %add3A_3133 = arith.addi %add3A_3132, %scan3A_2720 : i32
        %get3A_3134 = arith.index_cast %add3A_3133 : i32 to index
        %get3A_3135 = arith.constant 112 : index
        %get3A_3136 = tpu.vector_load %arg17[%get3A_3134, %get3A_3135] {strides = array<i32>} : memref<288x128xf32, #tpu.memory_space<vmem>>, vector<16xf32>,
        %add3A_3137 = arith.addf %add3A_3131, %get3A_3136 : vector<16xf32>
        %add3A_3138 = arith.constant 96 : i32
        %add3A_3139 = arith.addi %add3A_3138, %scan3A_2720 : i32
        %get3A_3140 = arith.index_cast %add3A_3139 : i32 to index
        %get3A_3141 = arith.constant 112 : index
        %get3A_3142 = tpu.vector_load %arg17[%get3A_3140, %get3A_3141] {strides = array<i32>} : memref<288x128xf32, #tpu.memory_space<vmem>>, vector<16xf32>,
        %add3A_3143 = arith.addf %add3A_3137, %get3A_3142 : vector<16xf32>
        %add3A_3144 = arith.constant 128 : i32
        %add3A_3145 = arith.addi %add3A_3144, %scan3A_2720 : i32
        %get3A_3146 = arith.index_cast %add3A_3145 : i32 to index
        %get3A_3147 = arith.constant 112 : index
        %get3A_3148 = tpu.vector_load %arg17[%get3A_3146, %get3A_3147] {strides = array<i32>} : memref<288x128xf32, #tpu.memory_space<vmem>>, vector<16xf32>,
        %add3A_3149 = arith.addf %add3A_3143, %get3A_3148 : vector<16xf32>
        %add3A_3150 = arith.constant 160 : i32
        %add3A_3151 = arith.addi %add3A_3150, %scan3A_2720 : i32
        %get3A_3152 = arith.index_cast %add3A_3151 : i32 to index
        %get3A_3153 = arith.constant 112 : index
        %get3A_3154 = tpu.vector_load %arg17[%get3A_3152, %get3A_3153] {strides = array<i32>} : memref<288x128xf32, #tpu.memory_space<vmem>>, vector<16xf32>,
        %add3A_3155 = arith.addf %add3A_3149, %get3A_3154 : vector<16xf32>
        %add3A_3156 = arith.constant 192 : i32
        %add3A_3157 = arith.addi %add3A_3156, %scan3A_2720 : i32
        %get3A_3158 = arith.index_cast %add3A_3157 : i32 to index
        %get3A_3159 = arith.constant 112 : index
        %get3A_3160 = tpu.vector_load %arg17[%get3A_3158, %get3A_3159] {strides = array<i32>} : memref<288x128xf32, #tpu.memory_space<vmem>>, vector<16xf32>,
        %add3A_3161 = arith.addf %add3A_3155, %get3A_3160 : vector<16xf32>
        %add3A_3162 = arith.constant 224 : i32
        %add3A_3163 = arith.addi %add3A_3162, %scan3A_2720 : i32
        %get3A_3164 = arith.index_cast %add3A_3163 : i32 to index
        %get3A_3165 = arith.constant 112 : index
        %get3A_3166 = tpu.vector_load %arg17[%get3A_3164, %get3A_3165] {strides = array<i32>} : memref<288x128xf32, #tpu.memory_space<vmem>>, vector<16xf32>,
        %add3A_3167 = arith.addf %add3A_3161, %get3A_3166 : vector<16xf32>
        %add3A_3168 = arith.constant 256 : i32
        %add3A_3169 = arith.addi %add3A_3168, %scan3A_2720 : i32
        %get3A_3170 = arith.index_cast %add3A_3169 : i32 to index
        %get3A_3171 = arith.constant 112 : index
        %get3A_3172 = tpu.vector_load %arg17[%get3A_3170, %get3A_3171] {strides = array<i32>} : memref<288x128xf32, #tpu.memory_space<vmem>>, vector<16xf32>,
        %add3A_3173 = arith.addf %add3A_3167, %get3A_3172 : vector<16xf32>
        %swap3A_3174 = arith.index_cast %scan3A_2720 : i32 to index
        %swap3A_3175 = arith.constant 112 : index
        %swap3A_3176 = tpu.vector_load %arg20[%swap3A_3174, %swap3A_3175] {strides = array<i32>} : memref<32x128xf32, #tpu.memory_space<vmem>>, vector<16xf32>,
        tpu.vector_store %arg20[%swap3A_3174, %swap3A_3175], %add3A_3173 {strides = array<i32>} : memref<32x128xf32, #tpu.memory_space<vmem>>, vector<16xf32>,
      }
      %scan3A_2715 = arith.constant 32 : i32
      %dma_start3A_2716 = arith.constant 0 : i32
      %dma_start3A_2717 = tpu.memref_slice %arg6[%add3A_2658, %dma_start3A_2716] : memref<51200x128xf32, #tpu.memory_space<hbm>> -> memref<32x128xf32, #tpu.memory_space<hbm>>
      %dma_start3A_2718 = arith.constant 0 : i32
      %dma_start3A_2719 = tpu.memref_slice %arg6[%add3A_2658, %dma_start3A_2718] : memref<51200x128xf32, #tpu.memory_space<hbm>> -> memref<32x128xf32, #tpu.memory_space<hbm>>
      tpu.enqueue_dma source(%arg20 : memref<32x128xf32, #tpu.memory_space<vmem>>) target(%dma_start3A_2719 : memref<32x128xf32, #tpu.memory_space<hbm>>) target_semaphore(%arg26 : memref<!tpu.dma_semaphore, #tpu.memory_space<semaphore_mem>>)
    }
    %scan3A_70 = arith.constant 25 : i32
    %add3A_71 = arith.constant 1568 : i32
    %add3A_72 = arith.addi %mul3A_2, %add3A_71 : i32
    %dma_wait3A = arith.constant 0 : i32
    %dma_wait3A_73 = arith.constant 0 : i32
    %dma_wait3A_74 = arith.constant 0 : i32
    %dma_wait3A_75 = tpu.memref_slice %arg18[%dma_wait3A_73, %dma_wait3A_74] : memref<288x128xf32, #tpu.memory_space<vmem>> -> memref<96x128xf32, #tpu.memory_space<vmem>>
    %dma_wait3A_76 = arith.constant 0 : i32
    %dma_wait3A_77 = tpu.memref_slice %arg16[%dma_wait3A, %dma_wait3A_76] : memref<3x96xi32, #tpu.memory_space<vmem>> -> memref<1x96xi32, #tpu.memory_space<vmem>>
    %dma_wait3A_78 = tpu.memref_squeeze %dma_wait3A_77 : memref<1x96xi32, #tpu.memory_space<vmem>> -> memref<96xi32, #tpu.memory_space<vmem>>
    %dma_wait3A_79 = arith.constant 0 : i32
    %dma_wait3A_80 = arith.constant 0 : i32
    %dma_wait3A_81 = tpu.memref_slice %arg4[%dma_wait3A_79, %dma_wait3A_80] : memref<543744x128xf32, #tpu.memory_space<hbm>> -> memref<543744x128xf32, #tpu.memory_space<hbm>>
    tpu.wait_indirect_dma semaphore(%arg25 : memref<!tpu.dma_semaphore, #tpu.memory_space<semaphore_mem>>) src(%dma_wait3A_81 : memref<543744x128xf32, #tpu.memory_space<hbm>>) dst(%dma_wait3A_75 : memref<96x128xf32, #tpu.memory_space<vmem>>)
    %dma_wait3A_82 = arith.constant 1 : i32
    %dma_wait3A_83 = arith.constant 96 : i32
    %dma_wait3A_84 = arith.constant 0 : i32
    %dma_wait3A_85 = tpu.memref_slice %arg18[%dma_wait3A_83, %dma_wait3A_84] : memref<288x128xf32, #tpu.memory_space<vmem>> -> memref<96x128xf32, #tpu.memory_space<vmem>>
    %dma_wait3A_86 = arith.constant 0 : i32
    %dma_wait3A_87 = tpu.memref_slice %arg16[%dma_wait3A_82, %dma_wait3A_86] : memref<3x96xi32, #tpu.memory_space<vmem>> -> memref<1x96xi32, #tpu.memory_space<vmem>>
    %dma_wait3A_88 = tpu.memref_squeeze %dma_wait3A_87 : memref<1x96xi32, #tpu.memory_space<vmem>> -> memref<96xi32, #tpu.memory_space<vmem>>
    %dma_wait3A_89 = arith.constant 0 : i32
    %dma_wait3A_90 = arith.constant 0 : i32
    %dma_wait3A_91 = tpu.memref_slice %arg4[%dma_wait3A_89, %dma_wait3A_90] : memref<543744x128xf32, #tpu.memory_space<hbm>> -> memref<543744x128xf32, #tpu.memory_space<hbm>>
    tpu.wait_indirect_dma semaphore(%arg25 : memref<!tpu.dma_semaphore, #tpu.memory_space<semaphore_mem>>) src(%dma_wait3A_91 : memref<543744x128xf32, #tpu.memory_space<hbm>>) dst(%dma_wait3A_85 : memref<96x128xf32, #tpu.memory_space<vmem>>)
    %dma_wait3A_92 = arith.constant 2 : i32
    %dma_wait3A_93 = arith.constant 192 : i32
    %dma_wait3A_94 = arith.constant 0 : i32
    %dma_wait3A_95 = tpu.memref_slice %arg18[%dma_wait3A_93, %dma_wait3A_94] : memref<288x128xf32, #tpu.memory_space<vmem>> -> memref<96x128xf32, #tpu.memory_space<vmem>>
    %dma_wait3A_96 = arith.constant 0 : i32
    %dma_wait3A_97 = tpu.memref_slice %arg16[%dma_wait3A_92, %dma_wait3A_96] : memref<3x96xi32, #tpu.memory_space<vmem>> -> memref<1x96xi32, #tpu.memory_space<vmem>>
    %dma_wait3A_98 = tpu.memref_squeeze %dma_wait3A_97 : memref<1x96xi32, #tpu.memory_space<vmem>> -> memref<96xi32, #tpu.memory_space<vmem>>
    %dma_wait3A_99 = arith.constant 0 : i32
    %dma_wait3A_100 = arith.constant 0 : i32
    %dma_wait3A_101 = tpu.memref_slice %arg4[%dma_wait3A_99, %dma_wait3A_100] : memref<543744x128xf32, #tpu.memory_space<hbm>> -> memref<543744x128xf32, #tpu.memory_space<hbm>>
    tpu.wait_indirect_dma semaphore(%arg25 : memref<!tpu.dma_semaphore, #tpu.memory_space<semaphore_mem>>) src(%dma_wait3A_101 : memref<543744x128xf32, #tpu.memory_space<hbm>>) dst(%dma_wait3A_95 : memref<96x128xf32, #tpu.memory_space<vmem>>)
    %dma_wait3A_102 = arith.constant 0 : i32
    %dma_wait3A_103 = tpu.memref_slice %arg6[%add3A_72, %dma_wait3A_102] : memref<51200x128xf32, #tpu.memory_space<hbm>> -> memref<32x128xf32, #tpu.memory_space<hbm>>
    %dma_wait3A_104 = arith.constant 0 : i32
    %dma_wait3A_105 = tpu.memref_slice %arg6[%add3A_72, %dma_wait3A_104] : memref<51200x128xf32, #tpu.memory_space<hbm>> -> memref<32x128xf32, #tpu.memory_space<hbm>>
    tpu.wait_dma2 semaphore(%arg27 : memref<!tpu.dma_semaphore, #tpu.memory_space<semaphore_mem>>) src(%arg21 : memref<32x128xf32, #tpu.memory_space<vmem>>) dst(%dma_wait3A_105 : memref<32x128xf32, #tpu.memory_space<hbm>>)
    %get3A_106 = arith.constant 0 : index
    %get3A_107 = tpu.vector_load %arg19[%get3A_106] {strides = array<i32>} : memref<128xf32, #tpu.memory_space<vmem>>, vector<16xf32>,
    %get3A_108 = arith.constant 16 : index
    %get3A_109 = tpu.vector_load %arg19[%get3A_108] {strides = array<i32>} : memref<128xf32, #tpu.memory_space<vmem>>, vector<16xf32>,
    %get3A_110 = arith.constant 32 : index
    %get3A_111 = tpu.vector_load %arg19[%get3A_110] {strides = array<i32>} : memref<128xf32, #tpu.memory_space<vmem>>, vector<16xf32>,
    %get3A_112 = arith.constant 48 : index
    %get3A_113 = tpu.vector_load %arg19[%get3A_112] {strides = array<i32>} : memref<128xf32, #tpu.memory_space<vmem>>, vector<16xf32>,
    %get3A_114 = arith.constant 64 : index
    %get3A_115 = tpu.vector_load %arg19[%get3A_114] {strides = array<i32>} : memref<128xf32, #tpu.memory_space<vmem>>, vector<16xf32>,
    %get3A_116 = arith.constant 80 : index
    %get3A_117 = tpu.vector_load %arg19[%get3A_116] {strides = array<i32>} : memref<128xf32, #tpu.memory_space<vmem>>, vector<16xf32>,
    %get3A_118 = arith.constant 96 : index
    %get3A_119 = tpu.vector_load %arg19[%get3A_118] {strides = array<i32>} : memref<128xf32, #tpu.memory_space<vmem>>, vector<16xf32>,
    %get3A_120 = arith.constant 112 : index
    %get3A_121 = tpu.vector_load %arg19[%get3A_120] {strides = array<i32>} : memref<128xf32, #tpu.memory_space<vmem>>, vector<16xf32>,
    %scan3A_122 = arith.constant 0 : i32
    %scan3A_123 = arith.constant 0 : i32
    %scan3A_124 = arith.constant 32 : i32
    %scan3A_125 = arith.addi %scan3A_123, %scan3A_124 : i32
    %scan3A_126 = arith.constant 1 : i32
    scf.for %scan3A_144 = %scan3A_123 to %scan3A_125 step %scan3A_126  : i32 {
      %add3A_145 = arith.constant 0 : i32
      %add3A_146 = arith.addi %add3A_145, %scan3A_144 : i32
      %get3A_147 = arith.index_cast %add3A_146 : i32 to index
      %get3A_148 = arith.constant 0 : index
      %get3A_149 = tpu.vector_load %arg18[%get3A_147, %get3A_148] {strides = array<i32>} : memref<288x128xf32, #tpu.memory_space<vmem>>, vector<16xf32>,
      %add3A_150 = arith.addf %get3A_107, %get3A_149 : vector<16xf32>
      %add3A_151 = arith.constant 32 : i32
      %add3A_152 = arith.addi %add3A_151, %scan3A_144 : i32
      %get3A_153 = arith.index_cast %add3A_152 : i32 to index
      %get3A_154 = arith.constant 0 : index
      %get3A_155 = tpu.vector_load %arg18[%get3A_153, %get3A_154] {strides = array<i32>} : memref<288x128xf32, #tpu.memory_space<vmem>>, vector<16xf32>,
      %add3A_156 = arith.addf %add3A_150, %get3A_155 : vector<16xf32>
      %add3A_157 = arith.constant 64 : i32
      %add3A_158 = arith.addi %add3A_157, %scan3A_144 : i32
      %get3A_159 = arith.index_cast %add3A_158 : i32 to index
      %get3A_160 = arith.constant 0 : index
      %get3A_161 = tpu.vector_load %arg18[%get3A_159, %get3A_160] {strides = array<i32>} : memref<288x128xf32, #tpu.memory_space<vmem>>, vector<16xf32>,
      %add3A_162 = arith.addf %add3A_156, %get3A_161 : vector<16xf32>
      %add3A_163 = arith.constant 96 : i32
      %add3A_164 = arith.addi %add3A_163, %scan3A_144 : i32
      %get3A_165 = arith.index_cast %add3A_164 : i32 to index
      %get3A_166 = arith.constant 0 : index
      %get3A_167 = tpu.vector_load %arg18[%get3A_165, %get3A_166] {strides = array<i32>} : memref<288x128xf32, #tpu.memory_space<vmem>>, vector<16xf32>,
      %add3A_168 = arith.addf %add3A_162, %get3A_167 : vector<16xf32>
      %add3A_169 = arith.constant 128 : i32
      %add3A_170 = arith.addi %add3A_169, %scan3A_144 : i32
      %get3A_171 = arith.index_cast %add3A_170 : i32 to index
      %get3A_172 = arith.constant 0 : index
      %get3A_173 = tpu.vector_load %arg18[%get3A_171, %get3A_172] {strides = array<i32>} : memref<288x128xf32, #tpu.memory_space<vmem>>, vector<16xf32>,
      %add3A_174 = arith.addf %add3A_168, %get3A_173 : vector<16xf32>
      %add3A_175 = arith.constant 160 : i32
      %add3A_176 = arith.addi %add3A_175, %scan3A_144 : i32
      %get3A_177 = arith.index_cast %add3A_176 : i32 to index
      %get3A_178 = arith.constant 0 : index
      %get3A_179 = tpu.vector_load %arg18[%get3A_177, %get3A_178] {strides = array<i32>} : memref<288x128xf32, #tpu.memory_space<vmem>>, vector<16xf32>,
      %add3A_180 = arith.addf %add3A_174, %get3A_179 : vector<16xf32>
      %add3A_181 = arith.constant 192 : i32
      %add3A_182 = arith.addi %add3A_181, %scan3A_144 : i32
      %get3A_183 = arith.index_cast %add3A_182 : i32 to index
      %get3A_184 = arith.constant 0 : index
      %get3A_185 = tpu.vector_load %arg18[%get3A_183, %get3A_184] {strides = array<i32>} : memref<288x128xf32, #tpu.memory_space<vmem>>, vector<16xf32>,
      %add3A_186 = arith.addf %add3A_180, %get3A_185 : vector<16xf32>
      %add3A_187 = arith.constant 224 : i32
      %add3A_188 = arith.addi %add3A_187, %scan3A_144 : i32
      %get3A_189 = arith.index_cast %add3A_188 : i32 to index
      %get3A_190 = arith.constant 0 : index
      %get3A_191 = tpu.vector_load %arg18[%get3A_189, %get3A_190] {strides = array<i32>} : memref<288x128xf32, #tpu.memory_space<vmem>>, vector<16xf32>,
      %add3A_192 = arith.addf %add3A_186, %get3A_191 : vector<16xf32>
      %add3A_193 = arith.constant 256 : i32
      %add3A_194 = arith.addi %add3A_193, %scan3A_144 : i32
      %get3A_195 = arith.index_cast %add3A_194 : i32 to index
      %get3A_196 = arith.constant 0 : index
      %get3A_197 = tpu.vector_load %arg18[%get3A_195, %get3A_196] {strides = array<i32>} : memref<288x128xf32, #tpu.memory_space<vmem>>, vector<16xf32>,
      %add3A_198 = arith.addf %add3A_192, %get3A_197 : vector<16xf32>
      %swap3A_199 = arith.index_cast %scan3A_144 : i32 to index
      %swap3A_200 = arith.constant 0 : index
      %swap3A_201 = tpu.vector_load %arg21[%swap3A_199, %swap3A_200] {strides = array<i32>} : memref<32x128xf32, #tpu.memory_space<vmem>>, vector<16xf32>,
      tpu.vector_store %arg21[%swap3A_199, %swap3A_200], %add3A_198 {strides = array<i32>} : memref<32x128xf32, #tpu.memory_space<vmem>>, vector<16xf32>,
      %add3A_202 = arith.constant 0 : i32
      %add3A_203 = arith.addi %add3A_202, %scan3A_144 : i32
      %get3A_204 = arith.index_cast %add3A_203 : i32 to index
      %get3A_205 = arith.constant 16 : index
      %get3A_206 = tpu.vector_load %arg18[%get3A_204, %get3A_205] {strides = array<i32>} : memref<288x128xf32, #tpu.memory_space<vmem>>, vector<16xf32>,
      %add3A_207 = arith.addf %get3A_109, %get3A_206 : vector<16xf32>
      %add3A_208 = arith.constant 32 : i32
      %add3A_209 = arith.addi %add3A_208, %scan3A_144 : i32
      %get3A_210 = arith.index_cast %add3A_209 : i32 to index
      %get3A_211 = arith.constant 16 : index
      %get3A_212 = tpu.vector_load %arg18[%get3A_210, %get3A_211] {strides = array<i32>} : memref<288x128xf32, #tpu.memory_space<vmem>>, vector<16xf32>,
      %add3A_213 = arith.addf %add3A_207, %get3A_212 : vector<16xf32>
      %add3A_214 = arith.constant 64 : i32
      %add3A_215 = arith.addi %add3A_214, %scan3A_144 : i32
      %get3A_216 = arith.index_cast %add3A_215 : i32 to index
      %get3A_217 = arith.constant 16 : index
      %get3A_218 = tpu.vector_load %arg18[%get3A_216, %get3A_217] {strides = array<i32>} : memref<288x128xf32, #tpu.memory_space<vmem>>, vector<16xf32>,
      %add3A_219 = arith.addf %add3A_213, %get3A_218 : vector<16xf32>
      %add3A_220 = arith.constant 96 : i32
      %add3A_221 = arith.addi %add3A_220, %scan3A_144 : i32
      %get3A_222 = arith.index_cast %add3A_221 : i32 to index
      %get3A_223 = arith.constant 16 : index
      %get3A_224 = tpu.vector_load %arg18[%get3A_222, %get3A_223] {strides = array<i32>} : memref<288x128xf32, #tpu.memory_space<vmem>>, vector<16xf32>,
      %add3A_225 = arith.addf %add3A_219, %get3A_224 : vector<16xf32>
      %add3A_226 = arith.constant 128 : i32
      %add3A_227 = arith.addi %add3A_226, %scan3A_144 : i32
      %get3A_228 = arith.index_cast %add3A_227 : i32 to index
      %get3A_229 = arith.constant 16 : index
      %get3A_230 = tpu.vector_load %arg18[%get3A_228, %get3A_229] {strides = array<i32>} : memref<288x128xf32, #tpu.memory_space<vmem>>, vector<16xf32>,
      %add3A_231 = arith.addf %add3A_225, %get3A_230 : vector<16xf32>
      %add3A_232 = arith.constant 160 : i32
      %add3A_233 = arith.addi %add3A_232, %scan3A_144 : i32
      %get3A_234 = arith.index_cast %add3A_233 : i32 to index
      %get3A_235 = arith.constant 16 : index
      %get3A_236 = tpu.vector_load %arg18[%get3A_234, %get3A_235] {strides = array<i32>} : memref<288x128xf32, #tpu.memory_space<vmem>>, vector<16xf32>,
      %add3A_237 = arith.addf %add3A_231, %get3A_236 : vector<16xf32>
      %add3A_238 = arith.constant 192 : i32
      %add3A_239 = arith.addi %add3A_238, %scan3A_144 : i32
      %get3A_240 = arith.index_cast %add3A_239 : i32 to index
      %get3A_241 = arith.constant 16 : index
      %get3A_242 = tpu.vector_load %arg18[%get3A_240, %get3A_241] {strides = array<i32>} : memref<288x128xf32, #tpu.memory_space<vmem>>, vector<16xf32>,
      %add3A_243 = arith.addf %add3A_237, %get3A_242 : vector<16xf32>
      %add3A_244 = arith.constant 224 : i32
      %add3A_245 = arith.addi %add3A_244, %scan3A_144 : i32
      %get3A_246 = arith.index_cast %add3A_245 : i32 to index
      %get3A_247 = arith.constant 16 : index
      %get3A_248 = tpu.vector_load %arg18[%get3A_246, %get3A_247] {strides = array<i32>} : memref<288x128xf32, #tpu.memory_space<vmem>>, vector<16xf32>,
      %add3A_249 = arith.addf %add3A_243, %get3A_248 : vector<16xf32>
      %add3A_250 = arith.constant 256 : i32
      %add3A_251 = arith.addi %add3A_250, %scan3A_144 : i32
      %get3A_252 = arith.index_cast %add3A_251 : i32 to index
      %get3A_253 = arith.constant 16 : index
      %get3A_254 = tpu.vector_load %arg18[%get3A_252, %get3A_253] {strides = array<i32>} : memref<288x128xf32, #tpu.memory_space<vmem>>, vector<16xf32>,
      %add3A_255 = arith.addf %add3A_249, %get3A_254 : vector<16xf32>
      %swap3A_256 = arith.index_cast %scan3A_144 : i32 to index
      %swap3A_257 = arith.constant 16 : index
      %swap3A_258 = tpu.vector_load %arg21[%swap3A_256, %swap3A_257] {strides = array<i32>} : memref<32x128xf32, #tpu.memory_space<vmem>>, vector<16xf32>,
      tpu.vector_store %arg21[%swap3A_256, %swap3A_257], %add3A_255 {strides = array<i32>} : memref<32x128xf32, #tpu.memory_space<vmem>>, vector<16xf32>,
      %add3A_259 = arith.constant 0 : i32
      %add3A_260 = arith.addi %add3A_259, %scan3A_144 : i32
      %get3A_261 = arith.index_cast %add3A_260 : i32 to index
      %get3A_262 = arith.constant 32 : index
      %get3A_263 = tpu.vector_load %arg18[%get3A_261, %get3A_262] {strides = array<i32>} : memref<288x128xf32, #tpu.memory_space<vmem>>, vector<16xf32>,
      %add3A_264 = arith.addf %get3A_111, %get3A_263 : vector<16xf32>
      %add3A_265 = arith.constant 32 : i32
      %add3A_266 = arith.addi %add3A_265, %scan3A_144 : i32
      %get3A_267 = arith.index_cast %add3A_266 : i32 to index
      %get3A_268 = arith.constant 32 : index
      %get3A_269 = tpu.vector_load %arg18[%get3A_267, %get3A_268] {strides = array<i32>} : memref<288x128xf32, #tpu.memory_space<vmem>>, vector<16xf32>,
      %add3A_270 = arith.addf %add3A_264, %get3A_269 : vector<16xf32>
      %add3A_271 = arith.constant 64 : i32
      %add3A_272 = arith.addi %add3A_271, %scan3A_144 : i32
      %get3A_273 = arith.index_cast %add3A_272 : i32 to index
      %get3A_274 = arith.constant 32 : index
      %get3A_275 = tpu.vector_load %arg18[%get3A_273, %get3A_274] {strides = array<i32>} : memref<288x128xf32, #tpu.memory_space<vmem>>, vector<16xf32>,
      %add3A_276 = arith.addf %add3A_270, %get3A_275 : vector<16xf32>
      %add3A_277 = arith.constant 96 : i32
      %add3A_278 = arith.addi %add3A_277, %scan3A_144 : i32
      %get3A_279 = arith.index_cast %add3A_278 : i32 to index
      %get3A_280 = arith.constant 32 : index
      %get3A_281 = tpu.vector_load %arg18[%get3A_279, %get3A_280] {strides = array<i32>} : memref<288x128xf32, #tpu.memory_space<vmem>>, vector<16xf32>,
      %add3A_282 = arith.addf %add3A_276, %get3A_281 : vector<16xf32>
      %add3A_283 = arith.constant 128 : i32
      %add3A_284 = arith.addi %add3A_283, %scan3A_144 : i32
      %get3A_285 = arith.index_cast %add3A_284 : i32 to index
      %get3A_286 = arith.constant 32 : index
      %get3A_287 = tpu.vector_load %arg18[%get3A_285, %get3A_286] {strides = array<i32>} : memref<288x128xf32, #tpu.memory_space<vmem>>, vector<16xf32>,
      %add3A_288 = arith.addf %add3A_282, %get3A_287 : vector<16xf32>
      %add3A_289 = arith.constant 160 : i32
      %add3A_290 = arith.addi %add3A_289, %scan3A_144 : i32
      %get3A_291 = arith.index_cast %add3A_290 : i32 to index
      %get3A_292 = arith.constant 32 : index
      %get3A_293 = tpu.vector_load %arg18[%get3A_291, %get3A_292] {strides = array<i32>} : memref<288x128xf32, #tpu.memory_space<vmem>>, vector<16xf32>,
      %add3A_294 = arith.addf %add3A_288, %get3A_293 : vector<16xf32>
      %add3A_295 = arith.constant 192 : i32
      %add3A_296 = arith.addi %add3A_295, %scan3A_144 : i32
      %get3A_297 = arith.index_cast %add3A_296 : i32 to index
      %get3A_298 = arith.constant 32 : index
      %get3A_299 = tpu.vector_load %arg18[%get3A_297, %get3A_298] {strides = array<i32>} : memref<288x128xf32, #tpu.memory_space<vmem>>, vector<16xf32>,
      %add3A_300 = arith.addf %add3A_294, %get3A_299 : vector<16xf32>
      %add3A_301 = arith.constant 224 : i32
      %add3A_302 = arith.addi %add3A_301, %scan3A_144 : i32
      %get3A_303 = arith.index_cast %add3A_302 : i32 to index
      %get3A_304 = arith.constant 32 : index
      %get3A_305 = tpu.vector_load %arg18[%get3A_303, %get3A_304] {strides = array<i32>} : memref<288x128xf32, #tpu.memory_space<vmem>>, vector<16xf32>,
      %add3A_306 = arith.addf %add3A_300, %get3A_305 : vector<16xf32>
      %add3A_307 = arith.constant 256 : i32
      %add3A_308 = arith.addi %add3A_307, %scan3A_144 : i32
      %get3A_309 = arith.index_cast %add3A_308 : i32 to index
      %get3A_310 = arith.constant 32 : index
      %get3A_311 = tpu.vector_load %arg18[%get3A_309, %get3A_310] {strides = array<i32>} : memref<288x128xf32, #tpu.memory_space<vmem>>, vector<16xf32>,
      %add3A_312 = arith.addf %add3A_306, %get3A_311 : vector<16xf32>
      %swap3A_313 = arith.index_cast %scan3A_144 : i32 to index
      %swap3A_314 = arith.constant 32 : index
      %swap3A_315 = tpu.vector_load %arg21[%swap3A_313, %swap3A_314] {strides = array<i32>} : memref<32x128xf32, #tpu.memory_space<vmem>>, vector<16xf32>,
      tpu.vector_store %arg21[%swap3A_313, %swap3A_314], %add3A_312 {strides = array<i32>} : memref<32x128xf32, #tpu.memory_space<vmem>>, vector<16xf32>,
      %add3A_316 = arith.constant 0 : i32
      %add3A_317 = arith.addi %add3A_316, %scan3A_144 : i32
      %get3A_318 = arith.index_cast %add3A_317 : i32 to index
      %get3A_319 = arith.constant 48 : index
      %get3A_320 = tpu.vector_load %arg18[%get3A_318, %get3A_319] {strides = array<i32>} : memref<288x128xf32, #tpu.memory_space<vmem>>, vector<16xf32>,
      %add3A_321 = arith.addf %get3A_113, %get3A_320 : vector<16xf32>
      %add3A_322 = arith.constant 32 : i32
      %add3A_323 = arith.addi %add3A_322, %scan3A_144 : i32
      %get3A_324 = arith.index_cast %add3A_323 : i32 to index
      %get3A_325 = arith.constant 48 : index
      %get3A_326 = tpu.vector_load %arg18[%get3A_324, %get3A_325] {strides = array<i32>} : memref<288x128xf32, #tpu.memory_space<vmem>>, vector<16xf32>,
      %add3A_327 = arith.addf %add3A_321, %get3A_326 : vector<16xf32>
      %add3A_328 = arith.constant 64 : i32
      %add3A_329 = arith.addi %add3A_328, %scan3A_144 : i32
      %get3A_330 = arith.index_cast %add3A_329 : i32 to index
      %get3A_331 = arith.constant 48 : index
      %get3A_332 = tpu.vector_load %arg18[%get3A_330, %get3A_331] {strides = array<i32>} : memref<288x128xf32, #tpu.memory_space<vmem>>, vector<16xf32>,
      %add3A_333 = arith.addf %add3A_327, %get3A_332 : vector<16xf32>
      %add3A_334 = arith.constant 96 : i32
      %add3A_335 = arith.addi %add3A_334, %scan3A_144 : i32
      %get3A_336 = arith.index_cast %add3A_335 : i32 to index
      %get3A_337 = arith.constant 48 : index
      %get3A_338 = tpu.vector_load %arg18[%get3A_336, %get3A_337] {strides = array<i32>} : memref<288x128xf32, #tpu.memory_space<vmem>>, vector<16xf32>,
      %add3A_339 = arith.addf %add3A_333, %get3A_338 : vector<16xf32>
      %add3A_340 = arith.constant 128 : i32
      %add3A_341 = arith.addi %add3A_340, %scan3A_144 : i32
      %get3A_342 = arith.index_cast %add3A_341 : i32 to index
      %get3A_343 = arith.constant 48 : index
      %get3A_344 = tpu.vector_load %arg18[%get3A_342, %get3A_343] {strides = array<i32>} : memref<288x128xf32, #tpu.memory_space<vmem>>, vector<16xf32>,
      %add3A_345 = arith.addf %add3A_339, %get3A_344 : vector<16xf32>
      %add3A_346 = arith.constant 160 : i32
      %add3A_347 = arith.addi %add3A_346, %scan3A_144 : i32
      %get3A_348 = arith.index_cast %add3A_347 : i32 to index
      %get3A_349 = arith.constant 48 : index
      %get3A_350 = tpu.vector_load %arg18[%get3A_348, %get3A_349] {strides = array<i32>} : memref<288x128xf32, #tpu.memory_space<vmem>>, vector<16xf32>,
      %add3A_351 = arith.addf %add3A_345, %get3A_350 : vector<16xf32>
      %add3A_352 = arith.constant 192 : i32
      %add3A_353 = arith.addi %add3A_352, %scan3A_144 : i32
      %get3A_354 = arith.index_cast %add3A_353 : i32 to index
      %get3A_355 = arith.constant 48 : index
      %get3A_356 = tpu.vector_load %arg18[%get3A_354, %get3A_355] {strides = array<i32>} : memref<288x128xf32, #tpu.memory_space<vmem>>, vector<16xf32>,
      %add3A_357 = arith.addf %add3A_351, %get3A_356 : vector<16xf32>
      %add3A_358 = arith.constant 224 : i32
      %add3A_359 = arith.addi %add3A_358, %scan3A_144 : i32
      %get3A_360 = arith.index_cast %add3A_359 : i32 to index
      %get3A_361 = arith.constant 48 : index
      %get3A_362 = tpu.vector_load %arg18[%get3A_360, %get3A_361] {strides = array<i32>} : memref<288x128xf32, #tpu.memory_space<vmem>>, vector<16xf32>,
      %add3A_363 = arith.addf %add3A_357, %get3A_362 : vector<16xf32>
      %add3A_364 = arith.constant 256 : i32
      %add3A_365 = arith.addi %add3A_364, %scan3A_144 : i32
      %get3A_366 = arith.index_cast %add3A_365 : i32 to index
      %get3A_367 = arith.constant 48 : index
      %get3A_368 = tpu.vector_load %arg18[%get3A_366, %get3A_367] {strides = array<i32>} : memref<288x128xf32, #tpu.memory_space<vmem>>, vector<16xf32>,
      %add3A_369 = arith.addf %add3A_363, %get3A_368 : vector<16xf32>
      %swap3A_370 = arith.index_cast %scan3A_144 : i32 to index
      %swap3A_371 = arith.constant 48 : index
      %swap3A_372 = tpu.vector_load %arg21[%swap3A_370, %swap3A_371] {strides = array<i32>} : memref<32x128xf32, #tpu.memory_space<vmem>>, vector<16xf32>,
      tpu.vector_store %arg21[%swap3A_370, %swap3A_371], %add3A_369 {strides = array<i32>} : memref<32x128xf32, #tpu.memory_space<vmem>>, vector<16xf32>,
      %add3A_373 = arith.constant 0 : i32
      %add3A_374 = arith.addi %add3A_373, %scan3A_144 : i32
      %get3A_375 = arith.index_cast %add3A_374 : i32 to index
      %get3A_376 = arith.constant 64 : index
      %get3A_377 = tpu.vector_load %arg18[%get3A_375, %get3A_376] {strides = array<i32>} : memref<288x128xf32, #tpu.memory_space<vmem>>, vector<16xf32>,
      %add3A_378 = arith.addf %get3A_115, %get3A_377 : vector<16xf32>
      %add3A_379 = arith.constant 32 : i32
      %add3A_380 = arith.addi %add3A_379, %scan3A_144 : i32
      %get3A_381 = arith.index_cast %add3A_380 : i32 to index
      %get3A_382 = arith.constant 64 : index
      %get3A_383 = tpu.vector_load %arg18[%get3A_381, %get3A_382] {strides = array<i32>} : memref<288x128xf32, #tpu.memory_space<vmem>>, vector<16xf32>,
      %add3A_384 = arith.addf %add3A_378, %get3A_383 : vector<16xf32>
      %add3A_385 = arith.constant 64 : i32
      %add3A_386 = arith.addi %add3A_385, %scan3A_144 : i32
      %get3A_387 = arith.index_cast %add3A_386 : i32 to index
      %get3A_388 = arith.constant 64 : index
      %get3A_389 = tpu.vector_load %arg18[%get3A_387, %get3A_388] {strides = array<i32>} : memref<288x128xf32, #tpu.memory_space<vmem>>, vector<16xf32>,
      %add3A_390 = arith.addf %add3A_384, %get3A_389 : vector<16xf32>
      %add3A_391 = arith.constant 96 : i32
      %add3A_392 = arith.addi %add3A_391, %scan3A_144 : i32
      %get3A_393 = arith.index_cast %add3A_392 : i32 to index
      %get3A_394 = arith.constant 64 : index
      %get3A_395 = tpu.vector_load %arg18[%get3A_393, %get3A_394] {strides = array<i32>} : memref<288x128xf32, #tpu.memory_space<vmem>>, vector<16xf32>,
      %add3A_396 = arith.addf %add3A_390, %get3A_395 : vector<16xf32>
      %add3A_397 = arith.constant 128 : i32
      %add3A_398 = arith.addi %add3A_397, %scan3A_144 : i32
      %get3A_399 = arith.index_cast %add3A_398 : i32 to index
      %get3A_400 = arith.constant 64 : index
      %get3A_401 = tpu.vector_load %arg18[%get3A_399, %get3A_400] {strides = array<i32>} : memref<288x128xf32, #tpu.memory_space<vmem>>, vector<16xf32>,
      %add3A_402 = arith.addf %add3A_396, %get3A_401 : vector<16xf32>
      %add3A_403 = arith.constant 160 : i32
      %add3A_404 = arith.addi %add3A_403, %scan3A_144 : i32
      %get3A_405 = arith.index_cast %add3A_404 : i32 to index
      %get3A_406 = arith.constant 64 : index
      %get3A_407 = tpu.vector_load %arg18[%get3A_405, %get3A_406] {strides = array<i32>} : memref<288x128xf32, #tpu.memory_space<vmem>>, vector<16xf32>,
      %add3A_408 = arith.addf %add3A_402, %get3A_407 : vector<16xf32>
      %add3A_409 = arith.constant 192 : i32
      %add3A_410 = arith.addi %add3A_409, %scan3A_144 : i32
      %get3A_411 = arith.index_cast %add3A_410 : i32 to index
      %get3A_412 = arith.constant 64 : index
      %get3A_413 = tpu.vector_load %arg18[%get3A_411, %get3A_412] {strides = array<i32>} : memref<288x128xf32, #tpu.memory_space<vmem>>, vector<16xf32>,
      %add3A_414 = arith.addf %add3A_408, %get3A_413 : vector<16xf32>
      %add3A_415 = arith.constant 224 : i32
      %add3A_416 = arith.addi %add3A_415, %scan3A_144 : i32
      %get3A_417 = arith.index_cast %add3A_416 : i32 to index
      %get3A_418 = arith.constant 64 : index
      %get3A_419 = tpu.vector_load %arg18[%get3A_417, %get3A_418] {strides = array<i32>} : memref<288x128xf32, #tpu.memory_space<vmem>>, vector<16xf32>,
      %add3A_420 = arith.addf %add3A_414, %get3A_419 : vector<16xf32>
      %add3A_421 = arith.constant 256 : i32
      %add3A_422 = arith.addi %add3A_421, %scan3A_144 : i32
      %get3A_423 = arith.index_cast %add3A_422 : i32 to index
      %get3A_424 = arith.constant 64 : index
      %get3A_425 = tpu.vector_load %arg18[%get3A_423, %get3A_424] {strides = array<i32>} : memref<288x128xf32, #tpu.memory_space<vmem>>, vector<16xf32>,
      %add3A_426 = arith.addf %add3A_420, %get3A_425 : vector<16xf32>
      %swap3A_427 = arith.index_cast %scan3A_144 : i32 to index
      %swap3A_428 = arith.constant 64 : index
      %swap3A_429 = tpu.vector_load %arg21[%swap3A_427, %swap3A_428] {strides = array<i32>} : memref<32x128xf32, #tpu.memory_space<vmem>>, vector<16xf32>,
      tpu.vector_store %arg21[%swap3A_427, %swap3A_428], %add3A_426 {strides = array<i32>} : memref<32x128xf32, #tpu.memory_space<vmem>>, vector<16xf32>,
      %add3A_430 = arith.constant 0 : i32
      %add3A_431 = arith.addi %add3A_430, %scan3A_144 : i32
      %get3A_432 = arith.index_cast %add3A_431 : i32 to index
      %get3A_433 = arith.constant 80 : index
      %get3A_434 = tpu.vector_load %arg18[%get3A_432, %get3A_433] {strides = array<i32>} : memref<288x128xf32, #tpu.memory_space<vmem>>, vector<16xf32>,
      %add3A_435 = arith.addf %get3A_117, %get3A_434 : vector<16xf32>
      %add3A_436 = arith.constant 32 : i32
      %add3A_437 = arith.addi %add3A_436, %scan3A_144 : i32
      %get3A_438 = arith.index_cast %add3A_437 : i32 to index
      %get3A_439 = arith.constant 80 : index
      %get3A_440 = tpu.vector_load %arg18[%get3A_438, %get3A_439] {strides = array<i32>} : memref<288x128xf32, #tpu.memory_space<vmem>>, vector<16xf32>,
      %add3A_441 = arith.addf %add3A_435, %get3A_440 : vector<16xf32>
      %add3A_442 = arith.constant 64 : i32
      %add3A_443 = arith.addi %add3A_442, %scan3A_144 : i32
      %get3A_444 = arith.index_cast %add3A_443 : i32 to index
      %get3A_445 = arith.constant 80 : index
      %get3A_446 = tpu.vector_load %arg18[%get3A_444, %get3A_445] {strides = array<i32>} : memref<288x128xf32, #tpu.memory_space<vmem>>, vector<16xf32>,
      %add3A_447 = arith.addf %add3A_441, %get3A_446 : vector<16xf32>
      %add3A_448 = arith.constant 96 : i32
      %add3A_449 = arith.addi %add3A_448, %scan3A_144 : i32
      %get3A_450 = arith.index_cast %add3A_449 : i32 to index
      %get3A_451 = arith.constant 80 : index
      %get3A_452 = tpu.vector_load %arg18[%get3A_450, %get3A_451] {strides = array<i32>} : memref<288x128xf32, #tpu.memory_space<vmem>>, vector<16xf32>,
      %add3A_453 = arith.addf %add3A_447, %get3A_452 : vector<16xf32>
      %add3A_454 = arith.constant 128 : i32
      %add3A_455 = arith.addi %add3A_454, %scan3A_144 : i32
      %get3A_456 = arith.index_cast %add3A_455 : i32 to index
      %get3A_457 = arith.constant 80 : index
      %get3A_458 = tpu.vector_load %arg18[%get3A_456, %get3A_457] {strides = array<i32>} : memref<288x128xf32, #tpu.memory_space<vmem>>, vector<16xf32>,
      %add3A_459 = arith.addf %add3A_453, %get3A_458 : vector<16xf32>
      %add3A_460 = arith.constant 160 : i32
      %add3A_461 = arith.addi %add3A_460, %scan3A_144 : i32
      %get3A_462 = arith.index_cast %add3A_461 : i32 to index
      %get3A_463 = arith.constant 80 : index
      %get3A_464 = tpu.vector_load %arg18[%get3A_462, %get3A_463] {strides = array<i32>} : memref<288x128xf32, #tpu.memory_space<vmem>>, vector<16xf32>,
      %add3A_465 = arith.addf %add3A_459, %get3A_464 : vector<16xf32>
      %add3A_466 = arith.constant 192 : i32
      %add3A_467 = arith.addi %add3A_466, %scan3A_144 : i32
      %get3A_468 = arith.index_cast %add3A_467 : i32 to index
      %get3A_469 = arith.constant 80 : index
      %get3A_470 = tpu.vector_load %arg18[%get3A_468, %get3A_469] {strides = array<i32>} : memref<288x128xf32, #tpu.memory_space<vmem>>, vector<16xf32>,
      %add3A_471 = arith.addf %add3A_465, %get3A_470 : vector<16xf32>
      %add3A_472 = arith.constant 224 : i32
      %add3A_473 = arith.addi %add3A_472, %scan3A_144 : i32
      %get3A_474 = arith.index_cast %add3A_473 : i32 to index
      %get3A_475 = arith.constant 80 : index
      %get3A_476 = tpu.vector_load %arg18[%get3A_474, %get3A_475] {strides = array<i32>} : memref<288x128xf32, #tpu.memory_space<vmem>>, vector<16xf32>,
      %add3A_477 = arith.addf %add3A_471, %get3A_476 : vector<16xf32>
      %add3A_478 = arith.constant 256 : i32
      %add3A_479 = arith.addi %add3A_478, %scan3A_144 : i32
      %get3A_480 = arith.index_cast %add3A_479 : i32 to index
      %get3A_481 = arith.constant 80 : index
      %get3A_482 = tpu.vector_load %arg18[%get3A_480, %get3A_481] {strides = array<i32>} : memref<288x128xf32, #tpu.memory_space<vmem>>, vector<16xf32>,
      %add3A_483 = arith.addf %add3A_477, %get3A_482 : vector<16xf32>
      %swap3A_484 = arith.index_cast %scan3A_144 : i32 to index
      %swap3A_485 = arith.constant 80 : index
      %swap3A_486 = tpu.vector_load %arg21[%swap3A_484, %swap3A_485] {strides = array<i32>} : memref<32x128xf32, #tpu.memory_space<vmem>>, vector<16xf32>,
      tpu.vector_store %arg21[%swap3A_484, %swap3A_485], %add3A_483 {strides = array<i32>} : memref<32x128xf32, #tpu.memory_space<vmem>>, vector<16xf32>,
      %add3A_487 = arith.constant 0 : i32
      %add3A_488 = arith.addi %add3A_487, %scan3A_144 : i32
      %get3A_489 = arith.index_cast %add3A_488 : i32 to index
      %get3A_490 = arith.constant 96 : index
      %get3A_491 = tpu.vector_load %arg18[%get3A_489, %get3A_490] {strides = array<i32>} : memref<288x128xf32, #tpu.memory_space<vmem>>, vector<16xf32>,
      %add3A_492 = arith.addf %get3A_119, %get3A_491 : vector<16xf32>
      %add3A_493 = arith.constant 32 : i32
      %add3A_494 = arith.addi %add3A_493, %scan3A_144 : i32
      %get3A_495 = arith.index_cast %add3A_494 : i32 to index
      %get3A_496 = arith.constant 96 : index
      %get3A_497 = tpu.vector_load %arg18[%get3A_495, %get3A_496] {strides = array<i32>} : memref<288x128xf32, #tpu.memory_space<vmem>>, vector<16xf32>,
      %add3A_498 = arith.addf %add3A_492, %get3A_497 : vector<16xf32>
      %add3A_499 = arith.constant 64 : i32
      %add3A_500 = arith.addi %add3A_499, %scan3A_144 : i32
      %get3A_501 = arith.index_cast %add3A_500 : i32 to index
      %get3A_502 = arith.constant 96 : index
      %get3A_503 = tpu.vector_load %arg18[%get3A_501, %get3A_502] {strides = array<i32>} : memref<288x128xf32, #tpu.memory_space<vmem>>, vector<16xf32>,
      %add3A_504 = arith.addf %add3A_498, %get3A_503 : vector<16xf32>
      %add3A_505 = arith.constant 96 : i32
      %add3A_506 = arith.addi %add3A_505, %scan3A_144 : i32
      %get3A_507 = arith.index_cast %add3A_506 : i32 to index
      %get3A_508 = arith.constant 96 : index
      %get3A_509 = tpu.vector_load %arg18[%get3A_507, %get3A_508] {strides = array<i32>} : memref<288x128xf32, #tpu.memory_space<vmem>>, vector<16xf32>,
      %add3A_510 = arith.addf %add3A_504, %get3A_509 : vector<16xf32>
      %add3A_511 = arith.constant 128 : i32
      %add3A_512 = arith.addi %add3A_511, %scan3A_144 : i32
      %get3A_513 = arith.index_cast %add3A_512 : i32 to index
      %get3A_514 = arith.constant 96 : index
      %get3A_515 = tpu.vector_load %arg18[%get3A_513, %get3A_514] {strides = array<i32>} : memref<288x128xf32, #tpu.memory_space<vmem>>, vector<16xf32>,
      %add3A_516 = arith.addf %add3A_510, %get3A_515 : vector<16xf32>
      %add3A_517 = arith.constant 160 : i32
      %add3A_518 = arith.addi %add3A_517, %scan3A_144 : i32
      %get3A_519 = arith.index_cast %add3A_518 : i32 to index
      %get3A_520 = arith.constant 96 : index
      %get3A_521 = tpu.vector_load %arg18[%get3A_519, %get3A_520] {strides = array<i32>} : memref<288x128xf32, #tpu.memory_space<vmem>>, vector<16xf32>,
      %add3A_522 = arith.addf %add3A_516, %get3A_521 : vector<16xf32>
      %add3A_523 = arith.constant 192 : i32
      %add3A_524 = arith.addi %add3A_523, %scan3A_144 : i32
      %get3A_525 = arith.index_cast %add3A_524 : i32 to index
      %get3A_526 = arith.constant 96 : index
      %get3A_527 = tpu.vector_load %arg18[%get3A_525, %get3A_526] {strides = array<i32>} : memref<288x128xf32, #tpu.memory_space<vmem>>, vector<16xf32>,
      %add3A_528 = arith.addf %add3A_522, %get3A_527 : vector<16xf32>
      %add3A_529 = arith.constant 224 : i32
      %add3A_530 = arith.addi %add3A_529, %scan3A_144 : i32
      %get3A_531 = arith.index_cast %add3A_530 : i32 to index
      %get3A_532 = arith.constant 96 : index
      %get3A_533 = tpu.vector_load %arg18[%get3A_531, %get3A_532] {strides = array<i32>} : memref<288x128xf32, #tpu.memory_space<vmem>>, vector<16xf32>,
      %add3A_534 = arith.addf %add3A_528, %get3A_533 : vector<16xf32>
      %add3A_535 = arith.constant 256 : i32
      %add3A_536 = arith.addi %add3A_535, %scan3A_144 : i32
      %get3A_537 = arith.index_cast %add3A_536 : i32 to index
      %get3A_538 = arith.constant 96 : index
      %get3A_539 = tpu.vector_load %arg18[%get3A_537, %get3A_538] {strides = array<i32>} : memref<288x128xf32, #tpu.memory_space<vmem>>, vector<16xf32>,
      %add3A_540 = arith.addf %add3A_534, %get3A_539 : vector<16xf32>
      %swap3A_541 = arith.index_cast %scan3A_144 : i32 to index
      %swap3A_542 = arith.constant 96 : index
      %swap3A_543 = tpu.vector_load %arg21[%swap3A_541, %swap3A_542] {strides = array<i32>} : memref<32x128xf32, #tpu.memory_space<vmem>>, vector<16xf32>,
      tpu.vector_store %arg21[%swap3A_541, %swap3A_542], %add3A_540 {strides = array<i32>} : memref<32x128xf32, #tpu.memory_space<vmem>>, vector<16xf32>,
      %add3A_544 = arith.constant 0 : i32
      %add3A_545 = arith.addi %add3A_544, %scan3A_144 : i32
      %get3A_546 = arith.index_cast %add3A_545 : i32 to index
      %get3A_547 = arith.constant 112 : index
      %get3A_548 = tpu.vector_load %arg18[%get3A_546, %get3A_547] {strides = array<i32>} : memref<288x128xf32, #tpu.memory_space<vmem>>, vector<16xf32>,
      %add3A_549 = arith.addf %get3A_121, %get3A_548 : vector<16xf32>
      %add3A_550 = arith.constant 32 : i32
      %add3A_551 = arith.addi %add3A_550, %scan3A_144 : i32
      %get3A_552 = arith.index_cast %add3A_551 : i32 to index
      %get3A_553 = arith.constant 112 : index
      %get3A_554 = tpu.vector_load %arg18[%get3A_552, %get3A_553] {strides = array<i32>} : memref<288x128xf32, #tpu.memory_space<vmem>>, vector<16xf32>,
      %add3A_555 = arith.addf %add3A_549, %get3A_554 : vector<16xf32>
      %add3A_556 = arith.constant 64 : i32
      %add3A_557 = arith.addi %add3A_556, %scan3A_144 : i32
      %get3A_558 = arith.index_cast %add3A_557 : i32 to index
      %get3A_559 = arith.constant 112 : index
      %get3A_560 = tpu.vector_load %arg18[%get3A_558, %get3A_559] {strides = array<i32>} : memref<288x128xf32, #tpu.memory_space<vmem>>, vector<16xf32>,
      %add3A_561 = arith.addf %add3A_555, %get3A_560 : vector<16xf32>
      %add3A_562 = arith.constant 96 : i32
      %add3A_563 = arith.addi %add3A_562, %scan3A_144 : i32
      %get3A_564 = arith.index_cast %add3A_563 : i32 to index
      %get3A_565 = arith.constant 112 : index
      %get3A_566 = tpu.vector_load %arg18[%get3A_564, %get3A_565] {strides = array<i32>} : memref<288x128xf32, #tpu.memory_space<vmem>>, vector<16xf32>,
      %add3A_567 = arith.addf %add3A_561, %get3A_566 : vector<16xf32>
      %add3A_568 = arith.constant 128 : i32
      %add3A_569 = arith.addi %add3A_568, %scan3A_144 : i32
      %get3A_570 = arith.index_cast %add3A_569 : i32 to index
      %get3A_571 = arith.constant 112 : index
      %get3A_572 = tpu.vector_load %arg18[%get3A_570, %get3A_571] {strides = array<i32>} : memref<288x128xf32, #tpu.memory_space<vmem>>, vector<16xf32>,
      %add3A_573 = arith.addf %add3A_567, %get3A_572 : vector<16xf32>
      %add3A_574 = arith.constant 160 : i32
      %add3A_575 = arith.addi %add3A_574, %scan3A_144 : i32
      %get3A_576 = arith.index_cast %add3A_575 : i32 to index
      %get3A_577 = arith.constant 112 : index
      %get3A_578 = tpu.vector_load %arg18[%get3A_576, %get3A_577] {strides = array<i32>} : memref<288x128xf32, #tpu.memory_space<vmem>>, vector<16xf32>,
      %add3A_579 = arith.addf %add3A_573, %get3A_578 : vector<16xf32>
      %add3A_580 = arith.constant 192 : i32
      %add3A_581 = arith.addi %add3A_580, %scan3A_144 : i32
      %get3A_582 = arith.index_cast %add3A_581 : i32 to index
      %get3A_583 = arith.constant 112 : index
      %get3A_584 = tpu.vector_load %arg18[%get3A_582, %get3A_583] {strides = array<i32>} : memref<288x128xf32, #tpu.memory_space<vmem>>, vector<16xf32>,
      %add3A_585 = arith.addf %add3A_579, %get3A_584 : vector<16xf32>
      %add3A_586 = arith.constant 224 : i32
      %add3A_587 = arith.addi %add3A_586, %scan3A_144 : i32
      %get3A_588 = arith.index_cast %add3A_587 : i32 to index
      %get3A_589 = arith.constant 112 : index
      %get3A_590 = tpu.vector_load %arg18[%get3A_588, %get3A_589] {strides = array<i32>} : memref<288x128xf32, #tpu.memory_space<vmem>>, vector<16xf32>,
      %add3A_591 = arith.addf %add3A_585, %get3A_590 : vector<16xf32>
      %add3A_592 = arith.constant 256 : i32
      %add3A_593 = arith.addi %add3A_592, %scan3A_144 : i32
      %get3A_594 = arith.index_cast %add3A_593 : i32 to index
      %get3A_595 = arith.constant 112 : index
      %get3A_596 = tpu.vector_load %arg18[%get3A_594, %get3A_595] {strides = array<i32>} : memref<288x128xf32, #tpu.memory_space<vmem>>, vector<16xf32>,
      %add3A_597 = arith.addf %add3A_591, %get3A_596 : vector<16xf32>
      %swap3A_598 = arith.index_cast %scan3A_144 : i32 to index
      %swap3A_599 = arith.constant 112 : index
      %swap3A_600 = tpu.vector_load %arg21[%swap3A_598, %swap3A_599] {strides = array<i32>} : memref<32x128xf32, #tpu.memory_space<vmem>>, vector<16xf32>,
      tpu.vector_store %arg21[%swap3A_598, %swap3A_599], %add3A_597 {strides = array<i32>} : memref<32x128xf32, #tpu.memory_space<vmem>>, vector<16xf32>,
    }
    %scan3A_127 = arith.constant 32 : i32
    %dma_start3A_128 = arith.constant 0 : i32
    %dma_start3A_129 = tpu.memref_slice %arg6[%add3A_72, %dma_start3A_128] : memref<51200x128xf32, #tpu.memory_space<hbm>> -> memref<32x128xf32, #tpu.memory_space<hbm>>
    %dma_start3A_130 = arith.constant 0 : i32
    %dma_start3A_131 = tpu.memref_slice %arg6[%add3A_72, %dma_start3A_130] : memref<51200x128xf32, #tpu.memory_space<hbm>> -> memref<32x128xf32, #tpu.memory_space<hbm>>
    tpu.enqueue_dma source(%arg21 : memref<32x128xf32, #tpu.memory_space<vmem>>) target(%dma_start3A_131 : memref<32x128xf32, #tpu.memory_space<hbm>>) target_semaphore(%arg27 : memref<!tpu.dma_semaphore, #tpu.memory_space<semaphore_mem>>)
    %add3A_132 = arith.constant 1536 : i32
    %add3A_133 = arith.addi %mul3A_2, %add3A_132 : i32
    %dma_wait3A_134 = arith.constant 0 : i32
    %dma_wait3A_135 = tpu.memref_slice %arg6[%add3A_133, %dma_wait3A_134] : memref<51200x128xf32, #tpu.memory_space<hbm>> -> memref<32x128xf32, #tpu.memory_space<hbm>>
    %dma_wait3A_136 = arith.constant 0 : i32
    %dma_wait3A_137 = tpu.memref_slice %arg6[%add3A_133, %dma_wait3A_136] : memref<51200x128xf32, #tpu.memory_space<hbm>> -> memref<32x128xf32, #tpu.memory_space<hbm>>
    tpu.wait_dma2 semaphore(%arg26 : memref<!tpu.dma_semaphore, #tpu.memory_space<semaphore_mem>>) src(%arg20 : memref<32x128xf32, #tpu.memory_space<vmem>>) dst(%dma_wait3A_137 : memref<32x128xf32, #tpu.memory_space<hbm>>)
    %add3A_138 = arith.constant 1568 : i32
    %add3A_139 = arith.addi %mul3A_2, %add3A_138 : i32
    %dma_wait3A_140 = arith.constant 0 : i32
    %dma_wait3A_141 = tpu.memref_slice %arg6[%add3A_139, %dma_wait3A_140] : memref<51200x128xf32, #tpu.memory_space<hbm>> -> memref<32x128xf32, #tpu.memory_space<hbm>>
    %dma_wait3A_142 = arith.constant 0 : i32
    %dma_wait3A_143 = tpu.memref_slice %arg6[%add3A_139, %dma_wait3A_142] : memref<51200x128xf32, #tpu.memory_space<hbm>> -> memref<32x128xf32, #tpu.memory_space<hbm>>
    tpu.wait_dma2 semaphore(%arg27 : memref<!tpu.dma_semaphore, #tpu.memory_space<semaphore_mem>>) src(%arg21 : memref<32x128xf32, #tpu.memory_space<vmem>>) dst(%dma_wait3A_143 : memref<32x128xf32, #tpu.memory_space<hbm>>)
    return
  }
}

module attributes {stable_mosaic.version = 14 : i64} {
  func.func @_matmul_body(%arg0: i32, %arg1: memref<1024x128xf32, #tpu.memory_space<vmem>>, %arg2: memref<128x1152xf32, #tpu.memory_space<vmem>>, %arg3: memref<9x1024x128xf32, #tpu.memory_space<vmem>>) attributes {dimension_semantics = [#tpu.dimension_semantics<arbitrary>], iteration_bounds = array<i64: 59>, scalar_prefetch = 0 : i64, scratch_operands = 0 : i64, tpu.core_type = #tpu.core_type<tc>, window_params = [{transform_indices = @transform_0, window_bounds = array<i64: 1024, 128>}, {pipeline_mode = #tpu.pipeline_mode<synchronous>, transform_indices = @transform_1, window_bounds = array<i64: 128, 1152>}, {transform_indices = @transform_2, window_bounds = array<i64: 9, 1024, 128>}]} {
    %get3A = arith.constant 0 : index
    %get3A_0 = arith.constant 0 : index
    %get3A_1 = vector.load %arg1[%get3A, %get3A_0] : memref<1024x128xf32, #tpu.memory_space<vmem>>, vector<1024x128xf32>
    %get3A_2 = arith.constant 0 : index
    %get3A_3 = arith.constant 0 : index
    %get3A_4 = vector.load %arg2[%get3A_2, %get3A_3] : memref<128x1152xf32, #tpu.memory_space<vmem>>, vector<128x1152xf32>
    %dot_general3A = arith.constant dense<0.000000e+00> : vector<1024x1152xf32>
    %dot_general3A_5 = tpu.matmul %get3A_1, %get3A_4, %dot_general3A {dimension_numbers = #tpu.dot_dimension_numbers<[1], [0], [0], [1], [0, 0, 1, 1], [], []>, transpose_lhs_hint = false} : vector<1024x128xf32>, vector<128x1152xf32>, vector<1024x1152xf32> -> vector<1024x1152xf32>
    %slice3A = vector.extract_strided_slice %dot_general3A_5 {offsets = [0, 0], sizes = [1024, 128], strides = [1, 1]} : vector<1024x1152xf32> to vector<1024x128xf32>
    %swap3A = arith.constant 0 : index
    %swap3A_6 = arith.constant 0 : index
    %swap3A_7 = arith.constant 0 : index
    %swap3A_8 = vector.load %arg3[%swap3A, %swap3A_6, %swap3A_7] : memref<9x1024x128xf32, #tpu.memory_space<vmem>>, vector<1x1024x128xf32>
    %swap3A_9 = vector.shape_cast %swap3A_8 : vector<1x1024x128xf32> to vector<1024x128xf32>
    %swap3A_10 = vector.shape_cast %slice3A : vector<1024x128xf32> to vector<1x1024x128xf32>
    tpu.vector_store %arg3[%swap3A, %swap3A_6, %swap3A_7], %swap3A_10 {strides = array<i32>} : memref<9x1024x128xf32, #tpu.memory_space<vmem>>, vector<1x1024x128xf32>,
    %slice3A_11 = vector.extract_strided_slice %dot_general3A_5 {offsets = [0, 128], sizes = [1024, 128], strides = [1, 1]} : vector<1024x1152xf32> to vector<1024x128xf32>
    %swap3A_12 = arith.constant 1 : index
    %swap3A_13 = arith.constant 0 : index
    %swap3A_14 = arith.constant 0 : index
    %swap3A_15 = vector.load %arg3[%swap3A_12, %swap3A_13, %swap3A_14] : memref<9x1024x128xf32, #tpu.memory_space<vmem>>, vector<1x1024x128xf32>
    %swap3A_16 = vector.shape_cast %swap3A_15 : vector<1x1024x128xf32> to vector<1024x128xf32>
    %swap3A_17 = vector.shape_cast %slice3A_11 : vector<1024x128xf32> to vector<1x1024x128xf32>
    tpu.vector_store %arg3[%swap3A_12, %swap3A_13, %swap3A_14], %swap3A_17 {strides = array<i32>} : memref<9x1024x128xf32, #tpu.memory_space<vmem>>, vector<1x1024x128xf32>,
    %slice3A_18 = vector.extract_strided_slice %dot_general3A_5 {offsets = [0, 256], sizes = [1024, 128], strides = [1, 1]} : vector<1024x1152xf32> to vector<1024x128xf32>
    %swap3A_19 = arith.constant 2 : index
    %swap3A_20 = arith.constant 0 : index
    %swap3A_21 = arith.constant 0 : index
    %swap3A_22 = vector.load %arg3[%swap3A_19, %swap3A_20, %swap3A_21] : memref<9x1024x128xf32, #tpu.memory_space<vmem>>, vector<1x1024x128xf32>
    %swap3A_23 = vector.shape_cast %swap3A_22 : vector<1x1024x128xf32> to vector<1024x128xf32>
    %swap3A_24 = vector.shape_cast %slice3A_18 : vector<1024x128xf32> to vector<1x1024x128xf32>
    tpu.vector_store %arg3[%swap3A_19, %swap3A_20, %swap3A_21], %swap3A_24 {strides = array<i32>} : memref<9x1024x128xf32, #tpu.memory_space<vmem>>, vector<1x1024x128xf32>,
    %slice3A_25 = vector.extract_strided_slice %dot_general3A_5 {offsets = [0, 384], sizes = [1024, 128], strides = [1, 1]} : vector<1024x1152xf32> to vector<1024x128xf32>
    %swap3A_26 = arith.constant 3 : index
    %swap3A_27 = arith.constant 0 : index
    %swap3A_28 = arith.constant 0 : index
    %swap3A_29 = vector.load %arg3[%swap3A_26, %swap3A_27, %swap3A_28] : memref<9x1024x128xf32, #tpu.memory_space<vmem>>, vector<1x1024x128xf32>
    %swap3A_30 = vector.shape_cast %swap3A_29 : vector<1x1024x128xf32> to vector<1024x128xf32>
    %swap3A_31 = vector.shape_cast %slice3A_25 : vector<1024x128xf32> to vector<1x1024x128xf32>
    tpu.vector_store %arg3[%swap3A_26, %swap3A_27, %swap3A_28], %swap3A_31 {strides = array<i32>} : memref<9x1024x128xf32, #tpu.memory_space<vmem>>, vector<1x1024x128xf32>,
    %slice3A_32 = vector.extract_strided_slice %dot_general3A_5 {offsets = [0, 512], sizes = [1024, 128], strides = [1, 1]} : vector<1024x1152xf32> to vector<1024x128xf32>
    %swap3A_33 = arith.constant 4 : index
    %swap3A_34 = arith.constant 0 : index
    %swap3A_35 = arith.constant 0 : index
    %swap3A_36 = vector.load %arg3[%swap3A_33, %swap3A_34, %swap3A_35] : memref<9x1024x128xf32, #tpu.memory_space<vmem>>, vector<1x1024x128xf32>
    %swap3A_37 = vector.shape_cast %swap3A_36 : vector<1x1024x128xf32> to vector<1024x128xf32>
    %swap3A_38 = vector.shape_cast %slice3A_32 : vector<1024x128xf32> to vector<1x1024x128xf32>
    tpu.vector_store %arg3[%swap3A_33, %swap3A_34, %swap3A_35], %swap3A_38 {strides = array<i32>} : memref<9x1024x128xf32, #tpu.memory_space<vmem>>, vector<1x1024x128xf32>,
    %slice3A_39 = vector.extract_strided_slice %dot_general3A_5 {offsets = [0, 640], sizes = [1024, 128], strides = [1, 1]} : vector<1024x1152xf32> to vector<1024x128xf32>
    %swap3A_40 = arith.constant 5 : index
    %swap3A_41 = arith.constant 0 : index
    %swap3A_42 = arith.constant 0 : index
    %swap3A_43 = vector.load %arg3[%swap3A_40, %swap3A_41, %swap3A_42] : memref<9x1024x128xf32, #tpu.memory_space<vmem>>, vector<1x1024x128xf32>
    %swap3A_44 = vector.shape_cast %swap3A_43 : vector<1x1024x128xf32> to vector<1024x128xf32>
    %swap3A_45 = vector.shape_cast %slice3A_39 : vector<1024x128xf32> to vector<1x1024x128xf32>
    tpu.vector_store %arg3[%swap3A_40, %swap3A_41, %swap3A_42], %swap3A_45 {strides = array<i32>} : memref<9x1024x128xf32, #tpu.memory_space<vmem>>, vector<1x1024x128xf32>,
    %slice3A_46 = vector.extract_strided_slice %dot_general3A_5 {offsets = [0, 768], sizes = [1024, 128], strides = [1, 1]} : vector<1024x1152xf32> to vector<1024x128xf32>
    %swap3A_47 = arith.constant 6 : index
    %swap3A_48 = arith.constant 0 : index
    %swap3A_49 = arith.constant 0 : index
    %swap3A_50 = vector.load %arg3[%swap3A_47, %swap3A_48, %swap3A_49] : memref<9x1024x128xf32, #tpu.memory_space<vmem>>, vector<1x1024x128xf32>
    %swap3A_51 = vector.shape_cast %swap3A_50 : vector<1x1024x128xf32> to vector<1024x128xf32>
    %swap3A_52 = vector.shape_cast %slice3A_46 : vector<1024x128xf32> to vector<1x1024x128xf32>
    tpu.vector_store %arg3[%swap3A_47, %swap3A_48, %swap3A_49], %swap3A_52 {strides = array<i32>} : memref<9x1024x128xf32, #tpu.memory_space<vmem>>, vector<1x1024x128xf32>,
    %slice3A_53 = vector.extract_strided_slice %dot_general3A_5 {offsets = [0, 896], sizes = [1024, 128], strides = [1, 1]} : vector<1024x1152xf32> to vector<1024x128xf32>
    %swap3A_54 = arith.constant 7 : index
    %swap3A_55 = arith.constant 0 : index
    %swap3A_56 = arith.constant 0 : index
    %swap3A_57 = vector.load %arg3[%swap3A_54, %swap3A_55, %swap3A_56] : memref<9x1024x128xf32, #tpu.memory_space<vmem>>, vector<1x1024x128xf32>
    %swap3A_58 = vector.shape_cast %swap3A_57 : vector<1x1024x128xf32> to vector<1024x128xf32>
    %swap3A_59 = vector.shape_cast %slice3A_53 : vector<1024x128xf32> to vector<1x1024x128xf32>
    tpu.vector_store %arg3[%swap3A_54, %swap3A_55, %swap3A_56], %swap3A_59 {strides = array<i32>} : memref<9x1024x128xf32, #tpu.memory_space<vmem>>, vector<1x1024x128xf32>,
    %slice3A_60 = vector.extract_strided_slice %dot_general3A_5 {offsets = [0, 1024], sizes = [1024, 128], strides = [1, 1]} : vector<1024x1152xf32> to vector<1024x128xf32>
    %swap3A_61 = arith.constant 8 : index
    %swap3A_62 = arith.constant 0 : index
    %swap3A_63 = arith.constant 0 : index
    %swap3A_64 = vector.load %arg3[%swap3A_61, %swap3A_62, %swap3A_63] : memref<9x1024x128xf32, #tpu.memory_space<vmem>>, vector<1x1024x128xf32>
    %swap3A_65 = vector.shape_cast %swap3A_64 : vector<1x1024x128xf32> to vector<1024x128xf32>
    %swap3A_66 = vector.shape_cast %slice3A_60 : vector<1024x128xf32> to vector<1x1024x128xf32>
    tpu.vector_store %arg3[%swap3A_61, %swap3A_62, %swap3A_63], %swap3A_66 {strides = array<i32>} : memref<9x1024x128xf32, #tpu.memory_space<vmem>>, vector<1x1024x128xf32>,
    return
  }
  func.func @transform_0(%arg0: i32) -> (i32, i32) {
    %c0_i32 = arith.constant 0 : i32
    %c0_i32_0 = arith.constant 0 : i32
    return %arg0, %c0_i32 : i32, i32
  }
  func.func @transform_1(%arg0: i32) -> (i32, i32) {
    %c0_i32 = arith.constant 0 : i32
    %c0_i32_0 = arith.constant 0 : i32
    %c0_i32_1 = arith.constant 0 : i32
    return %c0_i32, %c0_i32_0 : i32, i32
  }
  func.func @transform_2(%arg0: i32) -> (i32, i32, i32) {
    %c0_i32 = arith.constant 0 : i32
    %c0_i32_0 = arith.constant 0 : i32
    %c0_i32_1 = arith.constant 0 : i32
    return %c0_i32, %arg0, %c0_i32_0 : i32, i32, i32
  }
}

</mosaic_0001>

<sc_bundles>
// kernel: kernel.4.cloned.1.call-start
scs
__scs_entry_jumppad:
0x0: {  	(pc) =	sbr.rel $0x88, $3  }
0x1: {  	(tag) =	ssettag $0x0;
	lr =	simm.s32 $0x1  }
0x2: {  	[smem:$0x3F9A] =	sst lr;
	_ =	strace $0xD0000000  }
0x3: {  	_ = 	snop  }
0x4: {  	_ = 	snop  }
0x5: {  	_ = 	snop  }
0x6: {  	_ = 	snop  }
0x7: {  	_ = 	snop  }
__scs_overlays_trampoline_lowered:
0x8: {  	[smem:$0x3FA9] =	sst s0  }
0x9: {  	[smem:$0x3FAA] =	sst s1  }
0xa: {  	[smem:$0x3FAB] =	sst s2  }
0xb: {  	[smem:$0x3FAC] =	sst s3  }
0xc: {  	[smem:$0x3FAD] =	sst s4  }
0xd: {  	[smem:$0x3FAE] =	sst s5  }
0xe: {  	[smem:$0x3FAF] =	sst s6  }
0xf: {  	[smem:$0x3FB0] =	sst s7  }
0x10: {  	[smem:$0x3FB1] =	sst s8  }
0x11: {  	[smem:$0x3FB2] =	sst s9;
	s0 =	simm.s32 @!p0 $0x0  }
0x12: {  	s1 =	sld [smem:$0x3F98];
	s0 =	simm.s32 @p0 $0x1  }
0x13: {  	[smem:$0x3FB3] =	sst s0;
	s0 =	simm.s32 @!p1 $0x0  }
0x14: {  	s2 =	sld [smem:$0x3F97];
	s0 =	simm.s32 @p1 $0x1  }
0x15: {  	[smem:$0x3FB4] =	sst s0;
	s0 =	simm.s32 @!p2 $0x0  }
0x16: {  	s3 =	sld [smem:$0x3FDB];
	s0 =	simm.s32 @p2 $0x1  }
0x17: {  	s4 =	simm.s32 $0x1BF5;
	[smem:$0x3FB6] =	sst s0  }
0x18: {  	s0 =	sld [smem:$0x3F99];
	_ =	swait.ge [sflag:s4], $0x0  }
0x19: {  	s7 =	sld [smem:$0x3F9A]  }
0x1a: {  	s8 =	sadd.s32 $0xFFFFE003, lr  }
0x1b: {  	s9 =	sadd.s32 $0xFFFFFEF7, lr;
	s5 =	simm.s32 $0xFFFFFFFF;
	p2 =	slt.u32 s8, $0xFFFFF086  }
0x1c: {  	p1 =	slt.u32 s9, $0xF7A;
	s5 =	simm.s32 @!p2 $0x0  }
0x1d: {  	s5 =	simm.s32 @p1 $0x1;
	p0 =	seq.s32 s7, s2  }
0x1e: {  	s7 =	smul.u32 @!p0 $0xF7A, s2;
	p2 =	seq.s32 @!p0 s5, $0x0  }
0x1f: {  	s9 =	smul.u32 $0xF7A, s1;
	s8 =	simm.s32 @!p0 $0x1BF5;
	p2 =	por !p2, p0  }
0x20: {  	[sflag:s8] =	ssyncset.s32 @!p0 $0xFFFFF086;
	s6 =	sadd.s32 @!p0 s3, s7;
	s7 =	simm.s32 @!p0 $0x108  }
0x21: {  	s3 =	sadd.s32 s3, s9;
	s6 =	sadd.s32 @!p0 $0x88, s6;
	s7 =	simm.s32 @p2 $0x1082  }
0x22: {  	[simem:s7], [sflag:s8] =	dma.local @!p0 [hbm:s6], $0xF7A  }
0x23: {  	s9 =	sor.u32 $0xD0000000, s2;
	s6 =	simm.s32 $0x108;
	_ =	swait.ge @!p0 [sflag:s8], $0x0  }
0x24: {  	s3 =	sadd.s32 $0x88, s3;
	s6 =	simm.s32 @!p1 $0x1082;
	[sflag:s4] =	ssyncset.s32 $0xFFFFF086  }
0x25: {  	[simem:s6], [sflag:s4] =	dma.local [hbm:s3], $0xF7A  }
0x26: {  	[smem:$0x3F9A] =	sst s1;
	(tag) =	ssettag s2;
	_ =	strace s9  }
0x27: {  	s1 =	sld [smem:$0x3FAA]  }
0x28: {  	s2 =	sld [smem:$0x3FAB]  }
0x29: {  	s4 =	sld [smem:$0x3FAD]  }
0x2a: {  	p0 =	seq.s32 s5, $0x0;
	s5 =	sld [smem:$0x3FAE]  }
0x2b: {  	s6 =	sld [smem:$0x3FAF]  }
0x2c: {  	s7 =	sld [smem:$0x3FB0]  }
0x2d: {  	s3 =	simm.s32 $0x108;
	s8 =	sld [smem:$0x3FB1]  }
0x2e: {  	s3 =	simm.s32 @!p0 $0x1082;
	s9 =	sld [smem:$0x3FB2]  }
0x2f: {  	lr =	sadd.s32 s0, s3;
	s0 =	sld [smem:$0x3FA9]  }
0x30: {  	s3 =	sld [smem:$0x3FAC]  }
0x31: {  	[smem:$0x3FB5] =	sst s10  }
0x32: {  	s10 =	sld [smem:$0x3FB3];
	_ =	sdelay $0x3  }
0x33: {  	p0 =	seq.s32 s10, $0x1;
	s10 =	sld [smem:$0x3FB5];
	_ =	sdelay $0x3  }
0x34: {  	[smem:$0x3FB5] =	sst s10  }
0x35: {  	s10 =	sld [smem:$0x3FB4];
	_ =	sdelay $0x3  }
0x36: {  	p1 =	seq.s32 s10, $0x1;
	s10 =	sld [smem:$0x3FB5];
	_ =	sdelay $0x3  }
0x37: {  	[smem:$0x3FB5] =	sst s10  }
0x38: {  	s10 =	sld [smem:$0x3FB6]  }
0x39: {  	_ = 	snop;
	(pc) =	sbr.ind lr, $3  }
0x3a: {  	_ = 	snop  }
0x3b: {  	_ = 	snop  }
0x3c: {  	p2 =	seq.s32 s10, $0x1;
	s10 =	sld [smem:$0x3FB5]  }
0x3d: {  	_ =	shalt  }
0x3e: {  	_ =	shalt  }
0x3f: {  	_ =	shalt  }
0x40: {  	_ =	shalt  }
0x41: {  	_ =	shalt  }
0x42: {  	_ =	shalt  }
0x43: {  	_ =	shalt  }
0x44: {  	_ =	shalt  }
0x45: {  	_ =	shalt  }
0x46: {  	_ =	shalt  }
0x47: {  	_ =	shalt  }
0x48: {  	_ =	shalt  }
0x49: {  	_ =	shalt  }
0x4a: {  	_ =	shalt  }
0x4b: {  	_ =	shalt  }
0x4c: {  	_ =	shalt  }
0x4d: {  	_ =	shalt  }
0x4e: {  	_ =	shalt  }
0x4f: {  	_ =	shalt  }
0x50: {  	_ =	shalt  }
0x51: {  	_ =	shalt  }
0x52: {  	_ =	shalt  }
0x53: {  	_ =	shalt  }
0x54: {  	_ =	shalt  }
0x55: {  	_ =	shalt  }
0x56: {  	_ =	shalt  }
0x57: {  	_ =	shalt  }
0x58: {  	_ =	shalt  }
0x59: {  	_ =	shalt  }
0x5a: {  	_ =	shalt  }
0x5b: {  	_ =	shalt  }
0x5c: {  	_ =	shalt  }
0x5d: {  	_ =	shalt  }
0x5e: {  	_ =	shalt  }
0x5f: {  	_ =	shalt  }
0x60: {  	_ =	shalt  }
0x61: {  	_ =	shalt  }
0x62: {  	_ =	shalt  }
0x63: {  	_ =	shalt  }
0x64: {  	_ =	shalt  }
0x65: {  	_ =	shalt  }
0x66: {  	_ =	shalt  }
0x67: {  	_ =	shalt  }
0x68: {  	_ =	shalt  }
0x69: {  	_ =	shalt  }
0x6a: {  	_ =	shalt  }
0x6b: {  	_ =	shalt  }
0x6c: {  	_ =	shalt  }
0x6d: {  	_ =	shalt  }
0x6e: {  	_ =	shalt  }
0x6f: {  	_ =	shalt  }
0x70: {  	_ =	shalt  }
0x71: {  	_ =	shalt  }
0x72: {  	_ =	shalt  }
0x73: {  	_ =	shalt  }
0x74: {  	_ =	shalt  }
0x75: {  	_ =	shalt  }
0x76: {  	_ =	shalt  }
0x77: {  	_ =	shalt  }
0x78: {  	_ =	shalt  }
0x79: {  	_ =	shalt  }
0x7a: {  	_ =	shalt  }
0x7b: {  	_ =	shalt  }
0x7c: {  	_ =	shalt  }
0x7d: {  	_ =	shalt  }
0x7e: {  	_ =	shalt  }
0x7f: {  	_ =	shalt  }
0x80: {  	_ =	shalt  }
0x81: {  	_ =	shalt  }
0x82: {  	_ =	shalt  }
0x83: {  	_ =	shalt  }
0x84: {  	_ =	shalt  }
0x85: {  	_ =	shalt  }
0x86: {  	_ =	shalt  }
0x87: {  	_ =	shalt  }
.Lfunc_end0:
.L_simem_size_0:
called_computation_lowered:
.L_overlay_start_0:
0x88: {  	s2 =	sld [smem:$0x3FD9]  }
0x89: {  	s3 =	sld [smem:$0x3FFE];
	_ =	sdelay $0x1  }
0x8a: {  	s1 =	srdreg.scid  }
0x8b: {  	s0 =	sand.u32 $0x1, s1  }
0x8c: {  	s17 =	sshll.u32 s0, $0xA;
	s2 =	sadd.s32 s3, s2  }
0x8d: {  	s2 =	sadd.s32 s2, s17  }
0x8e: {  	[smem:$0x3FC1] =	sst s2  }
0x8f: {  	_ = 	snop  }
0x90: {  	s2 =	sld [smem:$0x3FC3]  }
0x91: {  	s18 =	sld [smem:$0x3FD0];
	(tm) =	ssettm $0x1  }
0x92: {  	s4 =	sld [smem:$0x3FFB];
	_ =	sdelay $0x3  }
0x93: {  	_ =	strace s4  }
0x94: {  	s4 =	sld [smem:$0x3FFC];
	_ =	sdelay $0x3  }
0x95: {  	_ =	strace s4  }
0x96: {  	s4 =	sld [smem:$0x3FFD];
	_ =	sdelay $0x3  }
0x97: {  	_ =	strace s4  }
0x98: {  	_ =	strace $0x8FFFFFFF  }
0x99: {  	s19 =	sld [smem:$0x3FDB];
	_ =	sdelay $0x1  }
0x9a: {  	s5 =	simm.s32 $_scs_section_size  }
0x9b: {  	s6 =	simm.s32 $_size__tile_overlayer_lowered;
	s7 =	simm.s32 $_tile_overlayer_lowered  }
0x9c: {  	s22 =	simm.s32 $0x1BFF;
	s21 =	sshll.u32 s7, $0x1;
	s4 =	sadd.s32 s5, s19  }
0x9d: {  	s8 =	simm.s32 $0x0;
	s20 =	sshll.u32 s6, $0x1;
	s6 =	sadd.s32 s21, s4  }
0x9e: {  	[timem:s8], [sflag:s22] =	dma.local [hbm:s6], s20  }
0x9f: {  	_ =	swait.ge [sflag:s22], s20  }
0xa0: {  	s5 =	ssub.s32 $0x0, s20;
	[sflag:s22] =	ssyncset.done $0x0  }
0xa1: {  	[sflag:s22] =	ssyncadd.s32 s5;
	_ =	sdelay $0x1  }
0xa2: {  	s23 =	simm.s32 $0x1B8B  }
0xa3: {  	_ =	swait.ge [sflag:s23], $0x1  }
0xa4: {  	[sflag:s23] =	ssyncset.done $0x0  }
0xa5: {  	s25 =	simm.s32 $0x1B8E;
	s24 =	sld [smem:$0x3FFE];
	[sflag:s23] =	ssyncadd.s32 $0xFFFFFFFF  }
0xa6: {  	s26 =	simm.s32 $execute0_lowered;
	[smem:$0x3FD2] =	sst s25  }
0xa7: {  	s6 =	sshll.u32 s26, $0x1;
	_ =	strace $0x80000046;
	[dreg:$0x1] =	wrdreg $0xFFFFFFFF  }
0xa8: {  	s28 =	simm.s32 $_size_execute0_lowered;
	s4 =	sadd.s32 s4, s6;
	[dreg:$0x0] =	wrdreg $0x0  }
0xa9: {  	s6 =	sshll.u32 s28, $0x1;
	[dreg:$0x2] =	wrdreg s4  }
0xaa: {  	[dreg:$0x3] =	wrdreg s6  }
0xab: {  	[dreg:$0x4] =	wrdreg $0xC0  }
0xac: {  	_ =	task [dreg:s8], $0x5FFFF  }
0xad: {  	[dreg:$0x1] =	wrdreg $0xFFFFFFFF  }
0xae: {  	[dreg:$0x0] =	wrdreg $0x60  }
0xaf: {  	[dreg:$0x2] =	wrdreg s18  }
0xb0: {  	[dreg:$0x3] =	wrdreg s24  }
0xb1: {  	[dreg:$0x4] =	wrdreg s2  }
0xb2: {  	[dreg:$0x5] =	wrdreg $0x9  }
0xb3: {  	_ =	task.clear_ibuf [dreg:s8], $0x6FFFF;
	_ =	strace $0x90000046  }
0xb4: {  	s29 =	simm.s32 $0x9;
	_ =	strace $0x80000048  }
0xb5: {  	_ =	swait.ge [sflag:s29], $0x1  }
0xb6: {  	[sflag:s29] =	ssyncadd.s32 $0xFFFFFFFF  }
0xb7: {  	_ =	strace $0x90000048  }
0xb8: {  	_ =	sfence  }
0xb9: {  	s30 =	sld [smem:$0x0];
	_ =	sdelay $0x2  }
0xba: {  	s31 =	sshll.u32 s1, $0xD;
	s1 =	sshrl.u32 s1, $0x2  }
0xbb: {  	s3 =	sand.u32 $0x4000, s31;
	s1 =	sadd.s32 s1, s30  }
0xbc: {  	s0 =	sor.u32 s3, s0;
	s1 =	sshll.u32 s1, $0x11  }
0xbd: {  	s0 =	sor.u32 s1, s0  }
0xbe: {  	s0 =	sadd.s32 $0x8F2B, s0  }
0xbf: {  	[sflag:s0] =	ssyncadd.remote.s32 $0x1  }
0xc0: {  	_ =	sfence.sel $0xFFFF  }
0xc1: {  	[dreg:$0x0] =	wrdreg $0xFFFFFFFF;
	(pc) =	sbr.abs _section_cstart, $3  }
0xc2: {  	[dreg:$0x1] =	wrdreg $0xFFFFFFFF  }
0xc3: {  	_ =	task.clear_ibuf [dreg:s8], $0x2FFFF;
	_ =	strace $0x9FFFFFFF  }
0xc4: {  	(tm) =	ssettm $0x7FFFFFFF  }
0xc5: {  	_ =	shalt  }
tec
execute0_lowered:
.L_overlay_start_1:
0x0: {  	(tag) =	ssettag $0x1  }
0x1: {  	s1 =	rddreg [dreg:$0x0]  }
0x2: {  	s0 =	rddreg [dreg:$0x1];
	s4 =	simm.s32 $0x0;
	s2 =	srdreg.scid  }
0x3: {  	s3 =	stileid.u32;
	s16 =	simm.s32 $0x7;
	s17 =	simm.s32 $0x40  }
0x4: {  	s19 =	simm.s32 $0x300;
	s22 =	simm.s32 $0x2300;
	s23 =	simm.s32 $0x1  }
0x5: {  	s24 =	simm.s32 $0x60;
	s31 =	simm.s32 $0xA700;
	s15 =	simm.s32 $0x4580  }
0x6: {  	s12 =	simm.s32 $0x4600;
	s13 =	simm.s32 $0x13700;
	s18 =	simm.s32 $0x3  }
0x7: {  	s20 =	simm.s32 $0x16780;
	s21 =	simm.s32 $0x4;
	s26 =	simm.s32 $0x0  }
0x8: {  	[smem:$0x7FF] =	sst s4;
	s2 =	sand.u32 $0x1, s2;
	s3 =	sshll.u32 s3, $0x1  }
0x9: {  	s5 =	sadd.s32 $0x400, s0;
	s6 =	sadd.s32 $0xF2800, s0;
	s3 =	sor.u32 s2, s3  }
0xa: {  	s7 =	sadd.s32 $0x6800, s0;
	s28 =	ssub.s32 $0x2, s2;
	s8 =	smul.u32 $0x1900, s3  }
0xb: {  	s29 =	sshll.u32 s3, $0x8;
	s9 =	smul.u32 $0x32, s3;
	s10 =	sshrl.u32 s28, $0x1  }
0xc: {  	_ =	strace $0x80000047;
	s2 =	sand.u32 $0x300, s29;
	s0 =	ssub.s32 s28, s10  }
0xd: {  	s8 =	sand.u32 $0x3FC00, s8;
	s10 =	sor.u32 $0x1, s9;
	s11 =	sadd.s32 $0x2, s9  }
0xe: {  	s0 =	smax.u32 s0, $0x1;
	s2 =	sor.u32 s2, s8;
	s8 =	smul.u32 $0x32000, s3  }
0xf: {  	s9 =	simm.s32 $0x10700;
	s3 =	smul.u32 $0x6400, s3;
	s2 =	sshrl.u32 s2, $0x3  }
0x10: {  	v0 =	vlaneseq.u32;
	[dreg:$0x6] =	wrdreg s0;
	s2 =	sadd.s32 s5, s2;
	s30 =	sshrl.u32 s8, $0x3  }
0x11: {  	v0 =	vmul.u32 $0x80, v0;
	s3 =	sadd.s32 s7, s3;
	[dreg:$0x4] =	wrdreg s2;
	s2 =	sadd.s32 s7, s30  }
0x12: {  	s0 =	simm.s32 $0x2;
	s14 =	sadd.s32 $0xFFFFFE00, s3;
	s2 =	sadd.s32 $0x6200, s2  }
0x13: {  	v1 =	vor.u32 $0x800, v0;
	s3 =	simm.s32 $0xD700;
	[dreg:$0x5] =	wrdreg s2;
	s2 =	simm.s32 $0x4500  }
.LBB2_1:
0x14: {  	[dreg:$0x7] =	wrdreg s26  }
0x15: {  	s25 =	rddreg [dreg:$0x2];
	s28 =	simm.s32 $0x16700  }
0x16: {  	[tilespmem:s28], [sflag:$0x7] =	stream.linear.gather [hbm4b:s25+s4], $0x80, $0x38;
	[tilespmem:$0x18780] =	vst v63  }
0x17: {  	_ =	swait.ge [sflag:s16], $0x80  }
0x18: {  	[sflag:s16] =	ssyncset.done $0x0  }
0x19: {  	s29 =	rddreg [dreg:$0x4];
	[sflag:s16] =	ssyncadd.s32 $0xFFFFFF80  }
0x1a: {  	[tilespmem:s4], [sflag:$0x7] =	stream.linear.gather [hbm4b:s29+s4], $0x80, $0x38;
	[tilespmem:$0x18780] =	vst v63  }
0x1b: {  	_ =	swait.ge [sflag:s16], $0x80  }
0x1c: {  	[sflag:s16] =	ssyncset.done $0x0  }
0x1d: {  	[sflag:s16] =	ssyncadd.s32 $0xFFFFFF80  }
0x1e: {  	v2 =	vld [tilespmem:$0x40];
	_ =	sdelay $0x2  }
0x1f: {  	v3 =	vld [tilespmem:$0x50];
	_ =	sdelay $0x1  }
0x20: {  	v4 =	vld [tilespmem:$0x0];
	v2 =	vadd.s32 $0xFFFFFFFF, v2  }
0x21: {  	vm0 =	vgt.s32 v2, $0x0  }
0x22: {  	v2 =	vnsel vm0, $0x0, v2  }
0x23: {  	v5 =	vld [tilespmem:$0x10];
	v3 =	vadd.s32 $0xFFFFFFFF, v3;
	v2 =	vmin.u32 v2, $0x3F  }
0x24: {  	vm15 =	vgt.s32 v3, $0x0;
	v2 =	vshrl.u32 v2, $0x1  }
0x25: {  	v4 =	vshll.u32 v4, $0x5;
	v3 =	vnsel vm15, $0x0, v3;
	v2 =	vmin.u32 v2, $0x1E  }
0x26: {  	v3 =	vmin.u32 v3, $0x3F;
	[tilespmem:$0x100] =	vst v2;
	v2 =	vor.u32 v4, v2  }
0x27: {  	v3 =	vshrl.u32 v3, $0x1;
	[tilespmem:$0x200] =	vst v2;
	v2 =	vadd.s32 $0x1, v2  }
0x28: {  	[tilespmem:$0x220] =	vst v2;
	v2 =	vmin.u32 v3, $0x1E;
	v3 =	vshll.u32 v5, $0x5  }
0x29: {  	[tilespmem:$0x110] =	vst v2;
	v2 =	vor.u32 v3, v2  }
0x2a: {  	[tilespmem:$0x210] =	vst v2;
	v2 =	vadd.s32 $0x1, v2  }
0x2b: {  	s30 =	simm.s32 $0x200;
	s25 =	simm.s32 $0x0;
	[tilespmem:$0x230] =	vst v2  }
0x2c: {  	[tilespmem:s19], [sflag:$0x1] =	stream.indirect.gather [hbm4b:s1+s17], $0x80, s30, s17, $0xb8;
	[tilespmem:$0x18780] =	vst v63  }
.LBB2_2:
0x2d: {  	s26 =	sshll.u32 s25, $0x1  }
0x2e: {  	s28 =	sadd.s32 s26, s10  }
0x2f: {  	s28 =	sshll.u32 s28, $0x4  }
0x30: {  	s28 =	sand.u32 $0xFFFFFF0, s28  }
0x31: {  	s29 =	simm.s32 $0x80;
	s28 =	sadd.s32 s5, s28  }
0x32: {  	[tilespmem:s29], [sflag:$0x7] =	stream.linear.gather [hbm4b:s28+s4], $0x80, $0x38;
	[tilespmem:$0x18780] =	vst v63  }
0x33: {  	_ =	swait.ge [sflag:s16], $0x80  }
0x34: {  	[sflag:s16] =	ssyncset.done $0x0  }
0x35: {  	[sflag:s16] =	ssyncadd.s32 $0xFFFFFF80  }
0x36: {  	v2 =	vld [tilespmem:$0xC0];
	_ =	sdelay $0x2  }
0x37: {  	v3 =	vld [tilespmem:$0xD0];
	_ =	sdelay $0x1  }
0x38: {  	v4 =	vld [tilespmem:$0x80];
	v2 =	vadd.s32 $0xFFFFFFFF, v2  }
0x39: {  	vm0 =	vgt.s32 v2, $0x0  }
0x3a: {  	v2 =	vnsel vm0, $0x0, v2  }
0x3b: {  	v5 =	vld [tilespmem:$0x90];
	v3 =	vadd.s32 $0xFFFFFFFF, v3;
	v2 =	vmin.u32 v2, $0x3F  }
0x3c: {  	vm7 =	vgt.s32 v3, $0x0;
	v2 =	vshrl.u32 v2, $0x1  }
0x3d: {  	v4 =	vshll.u32 v4, $0x5;
	v3 =	vnsel vm7, $0x0, v3;
	v2 =	vmin.u32 v2, $0x1E  }
0x3e: {  	v3 =	vmin.u32 v3, $0x3F;
	[tilespmem:$0x180] =	vst v2;
	v2 =	vor.u32 v4, v2  }
0x3f: {  	v3 =	vshrl.u32 v3, $0x1;
	[tilespmem:$0x280] =	vst v2;
	v2 =	vadd.s32 $0x1, v2  }
0x40: {  	[tilespmem:$0x2A0] =	vst v2;
	v2 =	vmin.u32 v3, $0x1E;
	v3 =	vshll.u32 v5, $0x5  }
0x41: {  	[tilespmem:$0x190] =	vst v2;
	v2 =	vor.u32 v3, v2  }
0x42: {  	[tilespmem:$0x290] =	vst v2;
	v2 =	vadd.s32 $0x1, v2  }
0x43: {  	s29 =	simm.s32 $0x280;
	[tilespmem:$0x2B0] =	vst v2  }
0x44: {  	[tilespmem:s22], [sflag:$0x2] =	stream.indirect.gather [hbm4b:s1+s17], $0x80, s29, s17, $0xb8;
	[tilespmem:$0x18780] =	vst v63  }
0x45: {  	_ =	swait.ge [sflag:s23], $0x2000  }
0x46: {  	[sflag:s23] =	ssyncset.done $0x0  }
0x47: {  	[sflag:s23] =	ssyncadd.s32 $0xFFFFE000  }
0x48: {  	v2 =	vld [tilespmem:$0x40];
	_ =	sdelay $0x2  }
0x49: {  	v3 =	vld [tilespmem:$0x100];
	_ =	sdelay $0x1  }
0x4a: {  	v24 =	vld [tilespmem:$0x20];
	v25 =	vadd.s32 $0xFFFFFFFF, v2  }
0x4b: {  	vm8 =	vgt.s32 v25, $0x0  }
0x4c: {  	v5 =	vnsel vm8, $0x0, v25  }
0x4d: {  	v3 =	vshll.u32 v3, $0x1;
	v5 =	vmin.u32 v5, $0x3F  }
0x4e: {  	v6 =	vsub.s32 v5, v3  }
0x4f: {  	v7 =	vadd.s32 $0xFFFFFFFF, v24;
	v5 =	vshll.u32 v5, $0x6;
	v6 =	vshll.u32 v6, $0xB  }
0x50: {  	vm9 =	vgt.s32 v7, $0x0;
	v5 =	vand.u32 $0x40, v5;
	v6 =	vand.u32 $0xFFFFF000, v6  }
0x51: {  	v7 =	vnsel vm9, $0x0, v7;
	v5 =	vor.u32 v5, v6  }
0x52: {  	v26 =	vmin.u32 v7, $0x3F;
	v5 =	vor.u32 v0, v5  }
0x53: {  	v7 =	vor.u32 v26, v5;
	_ =	sdelay $0x3  }
0x54: {  	vm10 =	vgt.s32 v24, $0x0  }
0x55: {  	v8 =	vnsel vm10, $0x0, v24;
	v7 =	vld.idx.msk [tilespmem:v7+s19+$0x0], $0xffff  }
0x56: {  	v8 =	vmin.u32 v8, $0x3F  }
0x57: {  	v9 =	vadd.s32 $0xFFFFFFBF, v2;
	v10 =	vadd.s32 $0xFFFFFFBF, v24;
	v11 =	vor.u32 v8, v5  }
0x58: {  	v12 =	vand.u32 v10, v9  }
0x59: {  	vm11 =	vgt.u32 v12, $0xFFFFFFBF  }
0x5a: {  	v7 =	vnsel vm11, $0xEA60, v7  }
0x5b: {  	v27 =	vadd.s32 $0x1, v24;
	[tilespmem:$0x4300] =	vst v7  }
0x5c: {  	vm12 =	vgt.s32 v27, $0x0;
	v11 =	vld.idx.msk [tilespmem:v11+s19+$0x0], $0xffff  }
0x5d: {  	v7 =	vnsel vm12, $0x0, v27  }
0x5e: {  	v7 =	vmin.u32 v7, $0x3F  }
0x5f: {  	vm1 =	vgt.s32 v2, $0x0;
	v5 =	vor.u32 v7, v5  }
0x60: {  	vm13 =	vgt.u32 v24, $0x3F;
	vm2 =	vlt.u32 v9, $0xFFFFFFC0;
	v28 =	vnsel vm1, $0x0, v2  }
0x61: {  	vm14 =	vmor vm13, vm2;
	v12 =	vmin.u32 v28, $0x3F;
	v11 =	vadd.s32 $0xEC00, v11  }
0x62: {  	v13 =	vsub.s32 v12, v3;
	v11 =	vsel vm14, $0x1D660, v11  }
0x63: {  	v12 =	vshll.u32 v12, $0x6;
	v29 =	vshll.u32 v13, $0xB;
	[tilespmem:$0x4320] =	vst v11  }
0x64: {  	v12 =	vand.u32 $0x40, v12;
	v11 =	vand.u32 $0xFFFFF000, v29;
	v5 =	vld.idx.msk [tilespmem:v5+s19+$0x0], $0xffff  }
0x65: {  	v11 =	vor.u32 v12, v11  }
0x66: {  	v11 =	vor.u32 v0, v11  }
0x67: {  	v30 =	vadd.s32 $0xFFFFFFC1, v24;
	v31 =	vor.u32 v26, v11  }
0x68: {  	v9 =	vand.u32 v30, v9  }
0x69: {  	vm15 =	vgt.u32 v9, $0xFFFFFFBF;
	v5 =	vadd.s32 $0x1D800, v5  }
0x6a: {  	v5 =	vnsel vm15, $0x2C260, v5  }
0x6b: {  	[tilespmem:$0x4340] =	vst v5  }
0x6c: {  	v5 =	vld.idx.msk [tilespmem:v31+s19+$0x0], $0xffff;
	_ =	sdelay $0x2  }
0x6d: {  	v32 =	vor.u32 v8, v11  }
0x6e: {  	vm4 =	vgt.u32 v2, $0x3F;
	vm5 =	vlt.u32 v10, $0xFFFFFFC0  }
0x6f: {  	vm2 =	vmor vm4, vm5;
	v5 =	vadd.s32 $0x2C400, v5  }
0x70: {  	v5 =	vsel vm2, $0x3AE60, v5  }
0x71: {  	[tilespmem:$0x4380] =	vst v5  }
0x72: {  	v5 =	vld.idx.msk [tilespmem:v32+s19+$0x0], $0xffff;
	_ =	sdelay $0x1  }
0x73: {  	v33 =	vadd.s32 $0x1, v2  }
0x74: {  	vm6 =	vgt.s32 v33, $0x0;
	v11 =	vor.u32 v7, v11  }
0x75: {  	v4 =	vor.u32 v24, v2;
	v9 =	vnsel vm6, $0x0, v33  }
0x76: {  	vm7 =	vlt.u32 v4, $0x40;
	v35 =	vmin.u32 v9, $0x3F;
	v34 =	vadd.s32 $0x3B000, v5  }
0x77: {  	v3 =	vsub.s32 v35, v3;
	v4 =	vnsel vm7, $0x49A60, v34  }
0x78: {  	v36 =	vshll.u32 v35, $0x6;
	v3 =	vshll.u32 v3, $0xB;
	[tilespmem:$0x43A0] =	vst v4  }
0x79: {  	v3 =	vand.u32 $0xFFFFF000, v3;
	v4 =	vand.u32 $0x40, v36;
	v37 =	vld.idx.msk [tilespmem:v11+s19+$0x0], $0xffff  }
0x7a: {  	v3 =	vor.u32 v4, v3  }
0x7b: {  	v3 =	vor.u32 v0, v3  }
0x7c: {  	v38 =	vor.u32 v26, v3  }
0x7d: {  	vm8 =	vlt.u32 v30, $0xFFFFFFC0  }
0x7e: {  	vm1 =	vmor vm4, vm8;
	v5 =	vadd.s32 $0x49C00, v37  }
0x7f: {  	v5 =	vsel vm1, $0x58660, v5  }
0x80: {  	[tilespmem:$0x43C0] =	vst v5  }
0x81: {  	v4 =	vld.idx.msk [tilespmem:v38+s19+$0x0], $0xffff;
	_ =	sdelay $0x2  }
0x82: {  	v2 =	vadd.s32 $0xFFFFFFC1, v2;
	v39 =	vor.u32 v8, v3  }
0x83: {  	v40 =	vand.u32 v10, v2  }
0x84: {  	vm9 =	vgt.u32 v40, $0xFFFFFFBF;
	v4 =	vadd.s32 $0x58800, v4  }
0x85: {  	v41 =	vld [tilespmem:$0x50];
	v4 =	vnsel vm9, $0x67260, v4  }
0x86: {  	[tilespmem:$0x4400] =	vst v4  }
0x87: {  	v4 =	vld.idx.msk [tilespmem:v39+s19+$0x0], $0xffff  }
0x88: {  	v42 =	vld [tilespmem:$0x110]  }
0x89: {  	v43 =	vld [tilespmem:$0x30]  }
0x8a: {  	v44 =	vadd.s32 $0xFFFFFFFF, v41;
	v3 =	vor.u32 v7, v3  }
0x8b: {  	vm10 =	vlt.u32 v2, $0xFFFFFFC0;
	vm11 =	vgt.s32 v44, $0x0  }
0x8c: {  	vm0 =	vmor vm13, vm10;
	v7 =	vnsel vm11, $0x0, v44;
	v4 =	vadd.s32 $0x67400, v4  }
0x8d: {  	v7 =	vmin.u32 v7, $0x3F;
	v5 =	vshll.u32 v42, $0x1;
	v4 =	vsel vm0, $0x75E60, v4  }
0x8e: {  	v45 =	vadd.s32 $0xFFFFFFFF, v43;
	v46 =	vsub.s32 v7, v5;
	v7 =	vshll.u32 v7, $0x6;
	[tilespmem:$0x4420] =	vst v4  }
0x8f: {  	vm12 =	vgt.s32 v45, $0x0;
	v9 =	vshll.u32 v46, $0xB;
	v7 =	vand.u32 $0x40, v7;
	v3 =	vld.idx.msk [tilespmem:v3+s19+$0x0], $0xffff  }
0x90: {  	v7 =	vor.u32 v7, v9;
	v4 =	vnsel vm12, $0x0, v45  }
0x91: {  	v7 =	vor.u32 v1, v7;
	v4 =	vmin.u32 v4, $0x3F  }
0x92: {  	v47 =	vor.u32 v4, v7  }
0x93: {  	v2 =	vand.u32 v30, v2  }
0x94: {  	vm13 =	vgt.u32 v2, $0xFFFFFFBF;
	v2 =	vadd.s32 $0x76000, v3  }
0x95: {  	v2 =	vnsel vm13, $0x84A60, v2  }
0x96: {  	vm14 =	vgt.s32 v43, $0x0;
	[tilespmem:$0x4440] =	vst v2  }
0x97: {  	v3 =	vnsel vm14, $0x0, v43;
	v2 =	vld.idx.msk [tilespmem:v47+s19+$0x0], $0xffff  }
0x98: {  	v3 =	vmin.u32 v3, $0x3F  }
0x99: {  	v48 =	vadd.s32 $0xFFFFFFBF, v41;
	v49 =	vadd.s32 $0xFFFFFFBF, v43;
	v50 =	vor.u32 v3, v7  }
0x9a: {  	v51 =	vand.u32 v49, v48  }
0x9b: {  	vm15 =	vgt.u32 v51, $0xFFFFFFBF  }
0x9c: {  	v2 =	vnsel vm15, $0xEA60, v2  }
0x9d: {  	[tilespmem:$0x4310] =	vst v2;
	v2 =	vadd.s32 $0x1, v43  }
0x9e: {  	v11 =	vld.idx.msk [tilespmem:v50+s19+$0x0], $0xffff;
	vm4 =	vgt.s32 v2, $0x0  }
0x9f: {  	v2 =	vnsel vm4, $0x0, v2  }
0xa0: {  	v2 =	vmin.u32 v2, $0x3F  }
0xa1: {  	v7 =	vor.u32 v2, v7  }
0xa2: {  	vm5 =	vlt.u32 v48, $0xFFFFFFC0;
	vm6 =	vgt.u32 v43, $0x3F;
	vm7 =	vgt.s32 v41, $0x0  }
0xa3: {  	v52 =	vnsel vm7, $0x0, v41;
	vm1 =	vmor vm6, vm5;
	v11 =	vadd.s32 $0xEC00, v11  }
0xa4: {  	v12 =	vmin.u32 v52, $0x3F;
	v11 =	vsel vm1, $0x1D660, v11  }
0xa5: {  	v53 =	vsub.s32 v12, v5;
	v12 =	vshll.u32 v12, $0x6;
	[tilespmem:$0x4330] =	vst v11  }
0xa6: {  	v12 =	vand.u32 $0x40, v12;
	v11 =	vshll.u32 v53, $0xB;
	v7 =	vld.idx.msk [tilespmem:v7+s19+$0x0], $0xffff  }
0xa7: {  	v11 =	vor.u32 v12, v11  }
0xa8: {  	v11 =	vor.u32 v1, v11  }
0xa9: {  	v54 =	vadd.s32 $0xFFFFFFC1, v43;
	v55 =	vor.u32 v4, v11  }
0xaa: {  	v9 =	vand.u32 v54, v48  }
0xab: {  	vm8 =	vgt.u32 v9, $0xFFFFFFBF;
	v7 =	vadd.s32 $0x1D800, v7  }
0xac: {  	v7 =	vnsel vm8, $0x2C260, v7  }
0xad: {  	[tilespmem:$0x4350] =	vst v7  }
0xae: {  	v7 =	vld.idx.msk [tilespmem:v55+s19+$0x0], $0xffff;
	_ =	sdelay $0x2  }
0xaf: {  	v56 =	vor.u32 v3, v11  }
0xb0: {  	vm10 =	vlt.u32 v49, $0xFFFFFFC0;
	vm9 =	vgt.u32 v41, $0x3F  }
0xb1: {  	vm2 =	vmor vm9, vm10;
	v7 =	vadd.s32 $0x2C400, v7  }
0xb2: {  	v7 =	vsel vm2, $0x3AE60, v7  }
0xb3: {  	[tilespmem:$0x4390] =	vst v7  }
0xb4: {  	v7 =	vld.idx.msk [tilespmem:v56+s19+$0x0], $0xffff;
	_ =	sdelay $0x2  }
0xb5: {  	v58 =	vadd.s32 $0x1, v41;
	v57 =	vor.u32 v2, v11  }
0xb6: {  	v8 =	vor.u32 v43, v41;
	vm11 =	vgt.s32 v58, $0x0  }
0xb7: {  	vm3 =	vlt.u32 v8, $0x40;
	v59 =	vnsel vm11, $0x0, v58;
	v7 =	vadd.s32 $0x3B000, v7  }
0xb8: {  	v8 =	vmin.u32 v59, $0x3F;
	v7 =	vnsel vm3, $0x49A60, v7  }
0xb9: {  	v60 =	vshll.u32 v8, $0x6;
	v5 =	vsub.s32 v8, v5;
	[tilespmem:$0x43B0] =	vst v7  }
0xba: {  	v5 =	vshll.u32 v5, $0xB;
	v7 =	vand.u32 $0x40, v60;
	v61 =	vld.idx.msk [tilespmem:v57+s19+$0x0], $0xffff  }
0xbb: {  	v5 =	vor.u32 v7, v5  }
0xbc: {  	v5 =	vor.u32 v1, v5  }
0xbd: {  	v4 =	vor.u32 v4, v5  }
0xbe: {  	vm12 =	vlt.u32 v54, $0xFFFFFFC0  }
0xbf: {  	vm1 =	vmor vm9, vm12;
	v62 =	vadd.s32 $0x49C00, v61  }
0xc0: {  	v7 =	vsel vm1, $0x58660, v62  }
0xc1: {  	[tilespmem:$0x43D0] =	vst v7  }
0xc2: {  	v4 =	vld.idx.msk [tilespmem:v4+s19+$0x0], $0xffff;
	_ =	sdelay $0x2  }
0xc3: {  	v6 =	vadd.s32 $0xFFFFFFC1, v41;
	v3 =	vor.u32 v3, v5  }
0xc4: {  	v63 =	vand.u32 v49, v6  }
0xc5: {  	vm13 =	vgt.u32 v63, $0xFFFFFFBF;
	v4 =	vadd.s32 $0x58800, v4  }
0xc6: {  	v4 =	vnsel vm13, $0x67260, v4  }
0xc7: {  	[tilespmem:$0x4410] =	vst v4  }
0xc8: {  	v3 =	vld.idx.msk [tilespmem:v3+s19+$0x0], $0xffff;
	_ =	sdelay $0x2  }
0xc9: {  	v2 =	vor.u32 v2, v5  }
0xca: {  	vm14 =	vlt.u32 v6, $0xFFFFFFC0  }
0xcb: {  	vm0 =	vmor vm6, vm14;
	v3 =	vadd.s32 $0x67400, v3  }
0xcc: {  	v3 =	vsel vm0, $0x75E60, v3  }
0xcd: {  	[tilespmem:$0x4430] =	vst v3  }
0xce: {  	v2 =	vld.idx.msk [tilespmem:v2+s19+$0x0], $0xffff;
	_ =	sdelay $0x3  }
0xcf: {  	v3 =	vand.u32 v54, v6  }
0xd0: {  	vm15 =	vgt.u32 v3, $0xFFFFFFBF;
	v2 =	vadd.s32 $0x76000, v2  }
0xd1: {  	v2 =	vnsel vm15, $0x84A60, v2  }
0xd2: {  	s30 =	simm.s32 $0x4700;
	p0 =	seq.s32 s25, $0x0;
	s28 =	simm.s32 $0x4300;
	[tilespmem:$0x4450] =	vst v2  }
0xd3: {  	[tilespmem:s30], [sflag:$0x3] =	stream.indirect.gather [hbm4b:s6+s24], $0x80, s28, s24, $0xb8;
	[tilespmem:$0x18780] =	vst v63  }
.Ltmp0:
0xd4: {  	_ = 	snop;
	(pc) =	sbr.rel @p0 .LBB2_6-.Ltmp0, $4  }
0xd5: {  	s28 =	simm.s32 $0x4380;
	s30 =	simm.s32 $0x7700  }
0xd6: {  	[tilespmem:s30], [sflag:$0x3] =	stream.indirect.gather [hbm4b:s6+s24], $0x80, s28, s24, $0xb8;
	[tilespmem:$0x18780] =	vst v63  }
0xd7: {  	s30 =	simm.s32 $0x4400  }
0xd8: {  	[tilespmem:s31], [sflag:$0x3] =	stream.indirect.gather [hbm4b:s6+s24], $0x80, s30, s24, $0xb8;
	[tilespmem:$0x18780] =	vst v63  }
0xd9: {  	_ =	swait.ge [sflag:s21], $0x3000  }
0xda: {  	[sflag:s21] =	ssyncset.done $0x0  }
0xdb: {  	[sflag:s21] =	ssyncadd.s32 $0xFFFFD000  }
0xdc: {  	_ =	swait.ge [sflag:s21], $0x3000  }
0xdd: {  	[sflag:s21] =	ssyncset.done $0x0  }
0xde: {  	[sflag:s21] =	ssyncadd.s32 $0xFFFFD000  }
0xdf: {  	_ =	swait.ge [sflag:s21], $0x3000  }
0xe0: {  	p1 =	seq.s32 s25, $0x1;
	[sflag:s21] =	ssyncset.done $0x0  }
0xe1: {  	s28 =	simm.s32 @!p1 $0x6;
	[sflag:s21] =	ssyncadd.s32 $0xFFFFD000  }
0xe2: {  	_ =	swait.ge @!p1 [sflag:s28], $0x1000  }
0xe3: {  	[sflag:s28] =	ssyncset.done @!p1 $0x0  }
0xe4: {  	[sflag:s28] =	ssyncadd.s32 @!p1 $0xFFFFF000  }
0xe5: {  	v8 =	vld [tilespmem:$0x16700]  }
0xe6: {  	v6 =	vld [tilespmem:$0x16710]  }
0xe7: {  	v7 =	vld [tilespmem:$0x16720]  }
0xe8: {  	v4 =	vld [tilespmem:$0x16730]  }
0xe9: {  	v5 =	vld [tilespmem:$0x16740]  }
0xea: {  	v2 =	vld [tilespmem:$0x16750]  }
0xeb: {  	v3 =	vld [tilespmem:$0x16760]  }
0xec: {  	s28 =	simm.s32 $0x0;
	v9 =	vld [tilespmem:$0x16770]  }
0xed: {  	v10 =	vld [tilespmem:s28+$0xD770]  }
0xee: {  	v11 =	vld [tilespmem:s28+$0xD700]  }
0xef: {  	v12 =	vld [tilespmem:s28+$0xE770]  }
0xf0: {  	v13 =	vld [tilespmem:s28+$0xD710]  }
0xf1: {  	v14 =	vld [tilespmem:s28+$0xF770]  }
0xf2: {  	v15 =	vld [tilespmem:s28+$0xD720]  }
0xf3: {  	v16 =	vld [tilespmem:s28+$0x10770]  }
0xf4: {  	v17 =	vld [tilespmem:s28+$0xD730]  }
0xf5: {  	v18 =	vld [tilespmem:s28+$0xD740]  }
0xf6: {  	v19 =	vld [tilespmem:s28+$0xD750]  }
0xf7: {  	v20 =	vld [tilespmem:s28+$0xD760]  }
0xf8: {  	v21 =	vld [tilespmem:s28+$0xE700]  }
0xf9: {  	v22 =	vld [tilespmem:s28+$0xE710]  }
0xfa: {  	v23 =	vld [tilespmem:s28+$0xE730]  }
0xfb: {  	v24 =	vld [tilespmem:s28+$0xE750]  }
0xfc: {  	v25 =	vld [tilespmem:s28+$0xF700]  }
0xfd: {  	v26 =	vld [tilespmem:s28+$0xF720]  }
0xfe: {  	v27 =	vld [tilespmem:s28+$0xF730]  }
0xff: {  	v28 =	vld [tilespmem:s28+$0xF740]  }
0x100: {  	v29 =	vld [tilespmem:s28+$0xF750]  }
0x101: {  	v30 =	vld [tilespmem:s28+$0xF760]  }
0x102: {  	v31 =	vld [tilespmem:s28+$0x10700]  }
0x103: {  	v32 =	vld [tilespmem:s28+$0x10710]  }
0x104: {  	v33 =	vld [tilespmem:s28+$0x10720]  }
0x105: {  	v34 =	vld [tilespmem:s28+$0x10730]  }
0x106: {  	v35 =	vld [tilespmem:s28+$0x10740]  }
0x107: {  	v36 =	vld [tilespmem:s28+$0x10750]  }
0x108: {  	v37 =	vld [tilespmem:s28+$0x10760]  }
0x109: {  	v38 =	vld [tilespmem:s28+$0x11700]  }
0x10a: {  	v39 =	vld [tilespmem:s28+$0x11710]  }
0x10b: {  	v40 =	vld [tilespmem:s28+$0x11720]  }
0x10c: {  	v41 =	vld [tilespmem:s28+$0x11730]  }
0x10d: {  	v42 =	vld [tilespmem:s28+$0x11740]  }
0x10e: {  	v43 =	vld [tilespmem:s28+$0x11750]  }
0x10f: {  	v44 =	vld [tilespmem:s28+$0x11760]  }
0x110: {  	v45 =	vld [tilespmem:s28+$0x12700];
	v10 =	vadd.f32 v10, v9  }
0x111: {  	v51 =	vld [tilespmem:s28+$0x13710]  }
0x112: {  	v52 =	vld [tilespmem:s28+$0x13720];
	v10 =	vadd.f32 v12, v10  }
0x113: {  	v12 =	vld [tilespmem:s28+$0x11770]  }
0x114: {  	v53 =	vld [tilespmem:s28+$0x13730];
	v10 =	vadd.f32 v14, v10  }
0x115: {  	v11 =	vadd.f32 v11, v8;
	v13 =	vadd.f32 v13, v6;
	v14 =	vld [tilespmem:s28+$0x12770]  }
0x116: {  	v54 =	vld [tilespmem:s28+$0x13740];
	v15 =	vadd.f32 v15, v7;
	v10 =	vadd.f32 v16, v10  }
0x117: {  	v17 =	vadd.f32 v17, v4;
	v18 =	vadd.f32 v18, v5;
	v16 =	vld [tilespmem:s28+$0x13770]  }
0x118: {  	v55 =	vld [tilespmem:s28+$0x13750];
	v11 =	vadd.f32 v21, v11;
	v10 =	vadd.f32 v12, v10  }
0x119: {  	v19 =	vadd.f32 v19, v2;
	v20 =	vadd.f32 v20, v3;
	v12 =	vld [tilespmem:s28+$0x14770]  }
0x11a: {  	v56 =	vld [tilespmem:s28+$0x13760];
	v11 =	vadd.f32 v25, v11;
	v10 =	vadd.f32 v14, v10  }
0x11b: {  	v13 =	vadd.f32 v22, v13;
	v17 =	vadd.f32 v23, v17;
	v14 =	vld [tilespmem:s28+$0x15770]  }
0x11c: {  	v11 =	vadd.f32 v31, v11;
	v10 =	vadd.f32 v16, v10;
	v16 =	vld [tilespmem:s28+$0xE720]  }
0x11d: {  	v19 =	vadd.f32 v24, v19;
	v23 =	vld [tilespmem:s28+$0x13700];
	v17 =	vadd.f32 v27, v17  }
0x11e: {  	v11 =	vadd.f32 v38, v11;
	v10 =	vadd.f32 v12, v10;
	v12 =	vld [tilespmem:s28+$0xE740]  }
0x11f: {  	v57 =	vld [tilespmem:s28+$0x14700];
	v19 =	vadd.f32 v29, v19;
	v17 =	vadd.f32 v34, v17  }
0x120: {  	v11 =	vadd.f32 v45, v11;
	v10 =	vadd.f32 v14, v10;
	v14 =	vld [tilespmem:s28+$0xE760]  }
0x121: {  	v19 =	vadd.f32 v36, v19;
	v15 =	vadd.f32 v16, v15;
	v16 =	vld [tilespmem:s28+$0x12730]  }
0x122: {  	v17 =	vadd.f32 v41, v17;
	v11 =	vadd.f32 v23, v11;
	[tilespmem:s28+$0x177F0] =	vst v10;
	v10 =	vld [tilespmem:s28+$0xF710]  }
0x123: {  	v58 =	vld [tilespmem:s28+$0x14710];
	v19 =	vadd.f32 v43, v19;
	v12 =	vadd.f32 v12, v18  }
0x124: {  	v21 =	vld [tilespmem:s28+$0x12710];
	v62 =	vadd.f32 v57, v11;
	v15 =	vadd.f32 v26, v15  }
0x125: {  	v22 =	vld [tilespmem:s28+$0x12720];
	v14 =	vadd.f32 v14, v20;
	v12 =	vadd.f32 v28, v12  }
0x126: {  	v18 =	vld [tilespmem:s28+$0x12740];
	v15 =	vadd.f32 v33, v15;
	v16 =	vadd.f32 v16, v17  }
0x127: {  	v20 =	vld [tilespmem:s28+$0x12750];
	v10 =	vadd.f32 v10, v13;
	v14 =	vadd.f32 v30, v14  }
0x128: {  	v13 =	vld [tilespmem:s28+$0x12760];
	v12 =	vadd.f32 v35, v12;
	v15 =	vadd.f32 v40, v15  }
0x129: {  	v59 =	vld [tilespmem:s28+$0x14720];
	v10 =	vadd.f32 v32, v10;
	v14 =	vadd.f32 v37, v14  }
0x12a: {  	v60 =	vld [tilespmem:s28+$0x15710];
	v12 =	vadd.f32 v42, v12;
	v15 =	vadd.f32 v22, v15  }
0x12b: {  	v23 =	vld [tilespmem:s28+$0x15700];
	v10 =	vadd.f32 v39, v10;
	v14 =	vadd.f32 v44, v14  }
0x12c: {  	v17 =	vadd.f32 v20, v19;
	v19 =	vld [tilespmem:s28+$0x14750];
	v12 =	vadd.f32 v18, v12  }
0x12d: {  	v10 =	vadd.f32 v21, v10;
	v21 =	vld [tilespmem:s28+$0x14730];
	v13 =	vadd.f32 v13, v14  }
0x12e: {  	v20 =	vld [tilespmem:s28+$0x14760];
	v14 =	vadd.f32 v52, v15;
	v15 =	vadd.f32 v53, v16  }
0x12f: {  	v22 =	vld [tilespmem:s28+$0x14740];
	v12 =	vadd.f32 v54, v12;
	v16 =	vadd.f32 v55, v17  }
0x130: {  	v18 =	vld [tilespmem:s28+$0x15720];
	v10 =	vadd.f32 v51, v10;
	v61 =	vadd.f32 v56, v13  }
0x131: {  	v17 =	vld [tilespmem:s28+$0x15730];
	v14 =	vadd.f32 v59, v14;
	v11 =	vadd.f32 v19, v16  }
0x132: {  	v63 =	vadd.f32 v58, v10;
	v13 =	vadd.f32 v21, v15;
	v15 =	vld [tilespmem:s28+$0x15740]  }
0x133: {  	v16 =	vld [tilespmem:s28+$0x15750];
	v10 =	vadd.f32 v20, v61;
	v20 =	vadd.f32 v23, v62  }
0x134: {  	s30 =	simm.s32 $0x80;
	s29 =	simm.s32 $0x400;
	v12 =	vadd.f32 v22, v12;
	v19 =	vld [tilespmem:s28+$0x15760];
	v21 =	vadd.f32 v60, v63  }
.LBB2_4:
0x135: {  	p1 =	sne.s32 s29, $0x3E00;
	v22 =	vld [tilespmem:s30+$0xD770];
	[tilespmem:s28+$0x17780] =	vst v20;
	v14 =	vadd.f32 v18, v14  }
0x136: {  	v18 =	vld [tilespmem:s30+$0xD700];
	[tilespmem:s28+$0x17790] =	vst v21;
	v13 =	vadd.f32 v17, v13  }
0x137: {  	v17 =	vld [tilespmem:s30+$0xE770];
	[tilespmem:s28+$0x177A0] =	vst v14;
	v12 =	vadd.f32 v15, v12  }
0x138: {  	v14 =	vld [tilespmem:s30+$0xD710];
	[tilespmem:s28+$0x177B0] =	vst v13;
	v11 =	vadd.f32 v16, v11  }
0x139: {  	v13 =	vld [tilespmem:s30+$0xF770];
	[tilespmem:s28+$0x177C0] =	vst v12;
	v10 =	vadd.f32 v19, v10  }
0x13a: {  	v12 =	vld [tilespmem:s30+$0xD720];
	v15 =	vadd.f32 v22, v9;
	[tilespmem:s28+$0x177D0] =	vst v11  }
0x13b: {  	v11 =	vadd.f32 v18, v8;
	v16 =	vld [tilespmem:s30+$0x10770];
	[tilespmem:s28+$0x177E0] =	vst v10;
	s28 =	smov.u32 s30  }
0x13c: {  	v10 =	vld [tilespmem:s28+$0xD730];
	v15 =	vadd.f32 v17, v15  }
0x13d: {  	v14 =	vadd.f32 v14, v6;
	v17 =	vld [tilespmem:s28+$0x11770]  }
0x13e: {  	v18 =	vld [tilespmem:s28+$0xD740];
	v13 =	vadd.f32 v13, v15  }
0x13f: {  	v12 =	vadd.f32 v12, v7;
	v15 =	vld [tilespmem:s28+$0x12770]  }
0x140: {  	v19 =	vld [tilespmem:s28+$0xD750];
	v13 =	vadd.f32 v16, v13  }
0x141: {  	v10 =	vadd.f32 v10, v4;
	v16 =	vld [tilespmem:s28+$0x13770]  }
0x142: {  	v20 =	vld [tilespmem:s28+$0xD760];
	v13 =	vadd.f32 v17, v13  }
0x143: {  	v17 =	vadd.f32 v18, v5;
	v18 =	vld [tilespmem:s28+$0x14770]  }
0x144: {  	v21 =	vld [tilespmem:s28+$0xE700];
	v13 =	vadd.f32 v15, v13  }
0x145: {  	v15 =	vadd.f32 v19, v2;
	v19 =	vld [tilespmem:s28+$0x15770]  }
0x146: {  	v22 =	vld [tilespmem:s28+$0xE710];
	v13 =	vadd.f32 v16, v13  }
0x147: {  	v16 =	vld [tilespmem:s28+$0xE720];
	v20 =	vadd.f32 v20, v3  }
0x148: {  	v23 =	vld [tilespmem:s28+$0xE730];
	v13 =	vadd.f32 v18, v13  }
0x149: {  	v11 =	vadd.f32 v21, v11;
	v18 =	vld [tilespmem:s28+$0xE740]  }
0x14a: {  	v21 =	vld [tilespmem:s28+$0xE750];
	v13 =	vadd.f32 v19, v13  }
0x14b: {  	v14 =	vadd.f32 v22, v14;
	v19 =	vld [tilespmem:s28+$0xE760]  }
0x14c: {  	v22 =	vld [tilespmem:s28+$0xF700];
	v12 =	vadd.f32 v16, v12;
	[tilespmem:s28+$0x177F0] =	vst v13  }
0x14d: {  	v13 =	vld [tilespmem:s28+$0xF710];
	v10 =	vadd.f32 v23, v10  }
0x14e: {  	v16 =	vld [tilespmem:s28+$0xF720];
	v17 =	vadd.f32 v18, v17  }
0x14f: {  	v18 =	vld [tilespmem:s28+$0xF730];
	v15 =	vadd.f32 v21, v15  }
0x150: {  	v21 =	vld [tilespmem:s28+$0xF740];
	v19 =	vadd.f32 v19, v20  }
0x151: {  	v11 =	vadd.f32 v22, v11;
	v20 =	vld [tilespmem:s28+$0xF750]  }
0x152: {  	v13 =	vadd.f32 v13, v14;
	v14 =	vld [tilespmem:s28+$0xF760]  }
0x153: {  	v22 =	vld [tilespmem:s28+$0x10700];
	v12 =	vadd.f32 v16, v12  }
0x154: {  	v16 =	vld [tilespmem:s28+$0x10710];
	v10 =	vadd.f32 v18, v10  }
0x155: {  	v18 =	vld [tilespmem:s28+$0x10720];
	v17 =	vadd.f32 v21, v17  }
0x156: {  	v21 =	vld [tilespmem:s28+$0x10730];
	v15 =	vadd.f32 v20, v15  }
0x157: {  	v20 =	vld [tilespmem:s28+$0x10740];
	v14 =	vadd.f32 v14, v19  }
0x158: {  	v11 =	vadd.f32 v22, v11;
	v19 =	vld [tilespmem:s28+$0x10750]  }
0x159: {  	v13 =	vadd.f32 v16, v13;
	v16 =	vld [tilespmem:s28+$0x10760]  }
0x15a: {  	v22 =	vld [tilespmem:s28+$0x11700];
	v12 =	vadd.f32 v18, v12  }
0x15b: {  	v18 =	vld [tilespmem:s28+$0x11710];
	v10 =	vadd.f32 v21, v10  }
0x15c: {  	v21 =	vld [tilespmem:s28+$0x11720];
	v17 =	vadd.f32 v20, v17  }
0x15d: {  	v20 =	vld [tilespmem:s28+$0x11730];
	v15 =	vadd.f32 v19, v15  }
0x15e: {  	v19 =	vld [tilespmem:s28+$0x11740];
	v14 =	vadd.f32 v16, v14  }
0x15f: {  	v11 =	vadd.f32 v22, v11;
	v16 =	vld [tilespmem:s28+$0x11750]  }
0x160: {  	v13 =	vadd.f32 v18, v13;
	v18 =	vld [tilespmem:s28+$0x11760]  }
0x161: {  	v22 =	vld [tilespmem:s28+$0x12700];
	v12 =	vadd.f32 v21, v12  }
0x162: {  	v21 =	vld [tilespmem:s28+$0x12710];
	v10 =	vadd.f32 v20, v10  }
0x163: {  	v20 =	vld [tilespmem:s28+$0x12720];
	v17 =	vadd.f32 v19, v17  }
0x164: {  	v19 =	vld [tilespmem:s28+$0x12730];
	v15 =	vadd.f32 v16, v15  }
0x165: {  	v16 =	vld [tilespmem:s28+$0x12740];
	v14 =	vadd.f32 v18, v14  }
0x166: {  	v11 =	vadd.f32 v22, v11;
	v18 =	vld [tilespmem:s28+$0x12750]  }
0x167: {  	v13 =	vadd.f32 v21, v13;
	v21 =	vld [tilespmem:s28+$0x12760]  }
0x168: {  	v22 =	vld [tilespmem:s28+$0x13700];
	v12 =	vadd.f32 v20, v12  }
0x169: {  	v20 =	vld [tilespmem:s28+$0x13710];
	v10 =	vadd.f32 v19, v10  }
0x16a: {  	v19 =	vld [tilespmem:s28+$0x13720];
	v16 =	vadd.f32 v16, v17  }
0x16b: {  	v17 =	vld [tilespmem:s28+$0x13730];
	v15 =	vadd.f32 v18, v15  }
0x16c: {  	v18 =	vld [tilespmem:s28+$0x13740];
	v14 =	vadd.f32 v21, v14  }
0x16d: {  	v11 =	vadd.f32 v22, v11;
	v21 =	vld [tilespmem:s28+$0x13750]  }
0x16e: {  	v13 =	vadd.f32 v20, v13;
	v20 =	vld [tilespmem:s28+$0x13760]  }
0x16f: {  	v22 =	vld [tilespmem:s28+$0x14700];
	v12 =	vadd.f32 v19, v12  }
0x170: {  	v19 =	vld [tilespmem:s28+$0x14710];
	v10 =	vadd.f32 v17, v10  }
0x171: {  	v17 =	vld [tilespmem:s28+$0x14720];
	v16 =	vadd.f32 v18, v16  }
0x172: {  	v18 =	vld [tilespmem:s28+$0x14730];
	v15 =	vadd.f32 v21, v15  }
0x173: {  	v21 =	vld [tilespmem:s28+$0x14740];
	v20 =	vadd.f32 v20, v14  }
0x174: {  	v22 =	vadd.f32 v22, v11;
	v11 =	vld [tilespmem:s28+$0x14750]  }
0x175: {  	v19 =	vadd.f32 v19, v13;
	v23 =	vld [tilespmem:s28+$0x14760]  }
0x176: {  	v24 =	vld [tilespmem:s28+$0x15700];
	v14 =	vadd.f32 v17, v12  }
0x177: {  	v25 =	vld [tilespmem:s28+$0x15710];
	v13 =	vadd.f32 v18, v10  }
.Ltmp1:
0x178: {  	v18 =	vld [tilespmem:s28+$0x15720];
	v12 =	vadd.f32 v21, v16;
	(pc) =	sbr.rel @p1 .LBB2_4-.Ltmp1, $4  }
0x179: {  	v17 =	vld [tilespmem:s28+$0x15730];
	v11 =	vadd.f32 v11, v15  }
0x17a: {  	v15 =	vld [tilespmem:s28+$0x15740];
	v10 =	vadd.f32 v23, v20  }
0x17b: {  	v20 =	vadd.f32 v24, v22;
	v16 =	vld [tilespmem:s28+$0x15750]  }
0x17c: {  	s30 =	sshra.s32 s29, $0x2;
	s29 =	sadd.s32 $0x200, s29;
	v21 =	vadd.f32 v25, v19;
	v19 =	vld [tilespmem:s28+$0x15760]  }
0x17d: {  	v22 =	vld [tilespmem:s30+$0xD770];
	[tilespmem:s28+$0x17780] =	vst v20;
	v14 =	vadd.f32 v18, v14  }
0x17e: {  	v20 =	vld [tilespmem:s30+$0xD700];
	[tilespmem:s28+$0x17790] =	vst v21;
	v13 =	vadd.f32 v17, v13  }
0x17f: {  	v61 =	vld [tilespmem:s30+$0xE770];
	[tilespmem:s28+$0x177A0] =	vst v14;
	v12 =	vadd.f32 v15, v12  }
0x180: {  	v14 =	vld [tilespmem:s30+$0xD710];
	[tilespmem:s28+$0x177B0] =	vst v13;
	v11 =	vadd.f32 v16, v11  }
0x181: {  	v13 =	vld [tilespmem:s30+$0xF770];
	[tilespmem:s28+$0x177C0] =	vst v12;
	v10 =	vadd.f32 v19, v10  }
0x182: {  	v12 =	vld [tilespmem:s30+$0xD720];
	[tilespmem:s28+$0x177D0] =	vst v11  }
0x183: {  	v11 =	vld [tilespmem:s30+$0x10770];
	[tilespmem:s28+$0x177E0] =	vst v10  }
0x184: {  	v10 =	vld [tilespmem:s30+$0xD730]  }
0x185: {  	v62 =	vld [tilespmem:s30+$0x11770]  }
0x186: {  	v63 =	vld [tilespmem:s30+$0xD740]  }
0x187: {  	v44 =	vld [tilespmem:s30+$0x12770]  }
0x188: {  	v45 =	vld [tilespmem:s30+$0xD750]  }
0x189: {  	v46 =	vld [tilespmem:s30+$0x13770]  }
0x18a: {  	v47 =	vld [tilespmem:s30+$0xD760]  }
0x18b: {  	v48 =	vld [tilespmem:s30+$0x14770]  }
0x18c: {  	v49 =	vld [tilespmem:s30+$0xE700]  }
0x18d: {  	v50 =	vld [tilespmem:s30+$0x15770]  }
0x18e: {  	v21 =	vld [tilespmem:s30+$0xE710]  }
0x18f: {  	v51 =	vld [tilespmem:s30+$0xE720]  }
0x190: {  	v52 =	vld [tilespmem:s30+$0xE730]  }
0x191: {  	v53 =	vld [tilespmem:s30+$0xE740]  }
0x192: {  	v23 =	vld [tilespmem:s30+$0xE750]  }
0x193: {  	v54 =	vld [tilespmem:s30+$0xE760]  }
0x194: {  	v24 =	vld [tilespmem:s30+$0xF700]  }
0x195: {  	v55 =	vld [tilespmem:s30+$0xF710]  }
0x196: {  	v25 =	vld [tilespmem:s30+$0xF720]  }
0x197: {  	v26 =	vld [tilespmem:s30+$0xF730]  }
0x198: {  	v27 =	vld [tilespmem:s30+$0xF740]  }
0x199: {  	v28 =	vld [tilespmem:s30+$0xF750]  }
0x19a: {  	v29 =	vld [tilespmem:s30+$0xF760]  }
0x19b: {  	v30 =	vld [tilespmem:s30+$0x10700]  }
0x19c: {  	v31 =	vld [tilespmem:s30+$0x10710]  }
0x19d: {  	v32 =	vld [tilespmem:s30+$0x10720]  }
0x19e: {  	v33 =	vld [tilespmem:s30+$0x10730]  }
0x19f: {  	v34 =	vld [tilespmem:s30+$0x10740]  }
0x1a0: {  	v35 =	vld [tilespmem:s30+$0x10750]  }
0x1a1: {  	v36 =	vld [tilespmem:s30+$0x10760]  }
0x1a2: {  	v9 =	vadd.f32 v22, v9;
	v37 =	vld [tilespmem:s30+$0x11700]  }
0x1a3: {  	v38 =	vld [tilespmem:s30+$0x11710]  }
0x1a4: {  	v9 =	vadd.f32 v61, v9;
	v39 =	vld [tilespmem:s30+$0x11720]  }
0x1a5: {  	v40 =	vld [tilespmem:s30+$0x11730]  }
0x1a6: {  	v8 =	vadd.f32 v20, v8;
	v41 =	vld [tilespmem:s30+$0x11740];
	v9 =	vadd.f32 v13, v9  }
0x1a7: {  	v42 =	vld [tilespmem:s30+$0x11750];
	v6 =	vadd.f32 v14, v6;
	v7 =	vadd.f32 v12, v7  }
0x1a8: {  	v43 =	vld [tilespmem:s30+$0x11760];
	v9 =	vadd.f32 v11, v9;
	v4 =	vadd.f32 v10, v4  }
0x1a9: {  	v56 =	vld [tilespmem:s30+$0x12700];
	v5 =	vadd.f32 v63, v5;
	v2 =	vadd.f32 v45, v2  }
0x1aa: {  	v57 =	vld [tilespmem:s30+$0x12710];
	v3 =	vadd.f32 v47, v3;
	v8 =	vadd.f32 v49, v8  }
0x1ab: {  	v58 =	vld [tilespmem:s30+$0x12720];
	v6 =	vadd.f32 v21, v6;
	v7 =	vadd.f32 v51, v7  }
0x1ac: {  	v59 =	vld [tilespmem:s30+$0x12730];
	v9 =	vadd.f32 v62, v9;
	v4 =	vadd.f32 v52, v4  }
0x1ad: {  	v60 =	vld [tilespmem:s30+$0x12740];
	v5 =	vadd.f32 v53, v5;
	v2 =	vadd.f32 v23, v2  }
0x1ae: {  	v61 =	vld [tilespmem:s30+$0x12750];
	v3 =	vadd.f32 v54, v3;
	v8 =	vadd.f32 v24, v8  }
0x1af: {  	v63 =	vld [tilespmem:s30+$0x13700];
	v6 =	vadd.f32 v55, v6;
	v7 =	vadd.f32 v25, v7  }
0x1b0: {  	v45 =	vld [tilespmem:s30+$0x13720];
	v9 =	vadd.f32 v44, v9;
	v4 =	vadd.f32 v26, v4  }
0x1b1: {  	v47 =	vld [tilespmem:s30+$0x13740];
	v5 =	vadd.f32 v27, v5;
	v2 =	vadd.f32 v28, v2  }
0x1b2: {  	v49 =	vld [tilespmem:s30+$0x13760];
	v3 =	vadd.f32 v29, v3;
	v8 =	vadd.f32 v30, v8  }
0x1b3: {  	v51 =	vld [tilespmem:s30+$0x14710];
	v6 =	vadd.f32 v31, v6;
	v7 =	vadd.f32 v32, v7  }
0x1b4: {  	v62 =	vld [tilespmem:s30+$0x12760];
	v9 =	vadd.f32 v46, v9;
	v4 =	vadd.f32 v33, v4  }
0x1b5: {  	v52 =	vld [tilespmem:s30+$0x14720];
	v5 =	vadd.f32 v34, v5;
	v2 =	vadd.f32 v35, v2  }
0x1b6: {  	v53 =	vld [tilespmem:s30+$0x14730];
	v3 =	vadd.f32 v36, v3;
	v8 =	vadd.f32 v37, v8  }
0x1b7: {  	v54 =	vld [tilespmem:s30+$0x14740];
	v6 =	vadd.f32 v38, v6;
	v7 =	vadd.f32 v39, v7  }
0x1b8: {  	v55 =	vld [tilespmem:s30+$0x14750];
	v9 =	vadd.f32 v48, v9;
	v4 =	vadd.f32 v40, v4  }
0x1b9: {  	v44 =	vld [tilespmem:s30+$0x13710];
	v5 =	vadd.f32 v41, v5;
	v2 =	vadd.f32 v42, v2  }
0x1ba: {  	v46 =	vld [tilespmem:s30+$0x13730];
	v3 =	vadd.f32 v43, v3;
	v8 =	vadd.f32 v56, v8  }
0x1bb: {  	v48 =	vld [tilespmem:s30+$0x13750];
	v6 =	vadd.f32 v57, v6;
	v7 =	vadd.f32 v58, v7  }
0x1bc: {  	v56 =	vld [tilespmem:s30+$0x14760];
	v9 =	vadd.f32 v50, v9;
	v4 =	vadd.f32 v59, v4  }
0x1bd: {  	v58 =	vld [tilespmem:s30+$0x15710];
	v5 =	vadd.f32 v60, v5;
	v2 =	vadd.f32 v61, v2  }
0x1be: {  	v50 =	vld [tilespmem:s30+$0x14700];
	v3 =	vadd.f32 v62, v3;
	v8 =	vadd.f32 v63, v8  }
0x1bf: {  	v6 =	vadd.f32 v44, v6;
	v7 =	vadd.f32 v45, v7;
	v59 =	vld [tilespmem:s30+$0x15720]  }
0x1c0: {  	v57 =	vld [tilespmem:s30+$0x15700];
	v4 =	vadd.f32 v46, v4;
	v5 =	vadd.f32 v47, v5  }
0x1c1: {  	v60 =	vld [tilespmem:s30+$0x15730];
	v2 =	vadd.f32 v48, v2;
	v6 =	vadd.f32 v51, v6  }
0x1c2: {  	v61 =	vld [tilespmem:s30+$0x15740];
	v3 =	vadd.f32 v49, v3;
	v7 =	vadd.f32 v52, v7  }
0x1c3: {  	v62 =	vld [tilespmem:s30+$0x15750];
	v8 =	vadd.f32 v50, v8;
	v6 =	vadd.f32 v58, v6  }
0x1c4: {  	v63 =	vld [tilespmem:s30+$0x15760];
	[tilespmem:s30+$0x177F0] =	vst v9;
	v4 =	vadd.f32 v53, v4;
	v7 =	vadd.f32 v59, v7  }
0x1c5: {  	v5 =	vadd.f32 v54, v5;
	v8 =	vadd.f32 v57, v8;
	[tilespmem:s30+$0x17790] =	vst v6  }
0x1c6: {  	v2 =	vadd.f32 v55, v2;
	v4 =	vadd.f32 v60, v4;
	[tilespmem:s30+$0x177A0] =	vst v7  }
0x1c7: {  	p1 =	seq.s32 s25, $0x18;
	v3 =	vadd.f32 v56, v3;
	v5 =	vadd.f32 v61, v5;
	[tilespmem:s30+$0x17780] =	vst v8  }
.Ltmp2:
0x1c8: {  	v2 =	vadd.f32 v62, v2;
	[tilespmem:s30+$0x177B0] =	vst v4;
	(pc) =	sbr.rel @p1 .LBB2_7-.Ltmp2, $4  }
0x1c9: {  	v3 =	vadd.f32 v63, v3;
	[tilespmem:s30+$0x177C0] =	vst v5  }
0x1ca: {  	s29 =	sshll.u32 s25, $0xA;
	[tilespmem:s30+$0x177D0] =	vst v2  }
0x1cb: {  	s28 =	sadd.s32 s14, s29;
	s29 =	simm.s32 $0x17780;
	[tilespmem:s30+$0x177E0] =	vst v3  }
0x1cc: {  	[hbm4b:s28+s4] =	stream.linear.scatter [tilespmem:s29], [sflag:$0x6], $0x1000, $0x38;
	[tilespmem:$0x18780] =	vst v63  }
.LBB2_6:
0x1cd: {  	s26 =	sadd.s32 s26, s11  }
0x1ce: {  	s26 =	sshll.u32 s26, $0x4  }
0x1cf: {  	s26 =	sand.u32 $0xFFFFFE0, s26  }
0x1d0: {  	s26 =	sadd.s32 s5, s26  }
0x1d1: {  	[tilespmem:s4], [sflag:$0x7] =	stream.linear.gather [hbm4b:s26+s4], $0x80, $0x38;
	[tilespmem:$0x18780] =	vst v63  }
0x1d2: {  	_ =	swait.ge [sflag:s16], $0x80  }
0x1d3: {  	[sflag:s16] =	ssyncset.done $0x0  }
0x1d4: {  	[sflag:s16] =	ssyncadd.s32 $0xFFFFFF80  }
0x1d5: {  	v2 =	vld [tilespmem:$0x40];
	_ =	sdelay $0x2  }
0x1d6: {  	v3 =	vld [tilespmem:$0x50];
	_ =	sdelay $0x1  }
0x1d7: {  	v4 =	vld [tilespmem:$0x0];
	v2 =	vadd.s32 $0xFFFFFFFF, v2  }
0x1d8: {  	vm0 =	vgt.s32 v2, $0x0  }
0x1d9: {  	v2 =	vnsel vm0, $0x0, v2  }
0x1da: {  	v5 =	vld [tilespmem:$0x10];
	v3 =	vadd.s32 $0xFFFFFFFF, v3;
	v2 =	vmin.u32 v2, $0x3F  }
0x1db: {  	vm15 =	vgt.s32 v3, $0x0;
	v2 =	vshrl.u32 v2, $0x1  }
0x1dc: {  	v4 =	vshll.u32 v4, $0x5;
	v3 =	vnsel vm15, $0x0, v3;
	v2 =	vmin.u32 v2, $0x1E  }
0x1dd: {  	v3 =	vmin.u32 v3, $0x3F;
	[tilespmem:$0x100] =	vst v2;
	v2 =	vor.u32 v4, v2  }
0x1de: {  	v3 =	vshrl.u32 v3, $0x1;
	[tilespmem:$0x200] =	vst v2;
	v2 =	vadd.s32 $0x1, v2  }
0x1df: {  	[tilespmem:$0x220] =	vst v2;
	v2 =	vmin.u32 v3, $0x1E;
	v3 =	vshll.u32 v5, $0x5  }
0x1e0: {  	[tilespmem:$0x110] =	vst v2;
	v2 =	vor.u32 v3, v2  }
0x1e1: {  	[tilespmem:$0x210] =	vst v2;
	v2 =	vadd.s32 $0x1, v2  }
0x1e2: {  	s30 =	simm.s32 $0x200;
	[tilespmem:$0x230] =	vst v2  }
0x1e3: {  	[tilespmem:s19], [sflag:$0x1] =	stream.indirect.gather [hbm4b:s1+s17], $0x80, s30, s17, $0xb8;
	[tilespmem:$0x18780] =	vst v63  }
.LBB2_7:
0x1e4: {  	_ =	swait.ge [sflag:s0], $0x2000  }
0x1e5: {  	[sflag:s0] =	ssyncset.done $0x0  }
0x1e6: {  	[sflag:s0] =	ssyncadd.s32 $0xFFFFE000  }
0x1e7: {  	v2 =	vld [tilespmem:$0xC0];
	_ =	sdelay $0x2  }
0x1e8: {  	v3 =	vld [tilespmem:$0x180];
	_ =	sdelay $0x1  }
0x1e9: {  	v4 =	vld [tilespmem:$0xA0];
	v5 =	vadd.s32 $0xFFFFFFFF, v2  }
0x1ea: {  	vm0 =	vgt.s32 v5, $0x0  }
0x1eb: {  	v5 =	vnsel vm0, $0x0, v5  }
0x1ec: {  	v3 =	vshll.u32 v3, $0x1;
	v5 =	vmin.u32 v5, $0x3F  }
0x1ed: {  	v6 =	vsub.s32 v5, v3  }
0x1ee: {  	v7 =	vadd.s32 $0xFFFFFFFF, v4;
	v5 =	vshll.u32 v5, $0x6;
	v6 =	vshll.u32 v6, $0xB  }
0x1ef: {  	vm9 =	vgt.s32 v7, $0x0;
	v5 =	vand.u32 $0x40, v5;
	v6 =	vand.u32 $0xFFFFF000, v6  }
0x1f0: {  	v7 =	vnsel vm9, $0x0, v7;
	v5 =	vor.u32 v5, v6  }
0x1f1: {  	v6 =	vmin.u32 v7, $0x3F;
	v5 =	vor.u32 v0, v5  }
0x1f2: {  	v7 =	vor.u32 v6, v5;
	_ =	sdelay $0x3  }
0x1f3: {  	vm10 =	vgt.s32 v4, $0x0  }
0x1f4: {  	v8 =	vnsel vm10, $0x0, v4;
	v7 =	vld.idx.msk [tilespmem:v7+s22+$0x0], $0xffff  }
0x1f5: {  	v8 =	vmin.u32 v8, $0x3F  }
0x1f6: {  	v9 =	vadd.s32 $0xFFFFFFBF, v2;
	v10 =	vadd.s32 $0xFFFFFFBF, v4;
	v11 =	vor.u32 v8, v5  }
0x1f7: {  	v12 =	vand.u32 v10, v9  }
0x1f8: {  	vm11 =	vgt.u32 v12, $0xFFFFFFBF  }
0x1f9: {  	v7 =	vnsel vm11, $0xEA60, v7  }
0x1fa: {  	[tilespmem:$0x4500] =	vst v7;
	v7 =	vadd.s32 $0x1, v4  }
0x1fb: {  	v11 =	vld.idx.msk [tilespmem:v11+s22+$0x0], $0xffff;
	vm12 =	vgt.s32 v7, $0x0  }
0x1fc: {  	v7 =	vnsel vm12, $0x0, v7  }
0x1fd: {  	v7 =	vmin.u32 v7, $0x3F  }
0x1fe: {  	vm1 =	vgt.s32 v2, $0x0;
	v5 =	vor.u32 v7, v5  }
0x1ff: {  	vm13 =	vgt.u32 v4, $0x3F;
	vm2 =	vlt.u32 v9, $0xFFFFFFC0;
	v12 =	vnsel vm1, $0x0, v2  }
0x200: {  	vm14 =	vmor vm13, vm2;
	v12 =	vmin.u32 v12, $0x3F;
	v11 =	vadd.s32 $0xEC00, v11  }
0x201: {  	v13 =	vsub.s32 v12, v3;
	v11 =	vsel vm14, $0x1D660, v11  }
0x202: {  	v12 =	vshll.u32 v12, $0x6;
	[tilespmem:$0x4520] =	vst v11;
	v11 =	vshll.u32 v13, $0xB  }
0x203: {  	v12 =	vand.u32 $0x40, v12;
	v5 =	vld.idx.msk [tilespmem:v5+s22+$0x0], $0xffff;
	v11 =	vand.u32 $0xFFFFF000, v11  }
0x204: {  	v11 =	vor.u32 v12, v11  }
0x205: {  	v11 =	vor.u32 v0, v11  }
0x206: {  	v12 =	vadd.s32 $0xFFFFFFC1, v4;
	v13 =	vor.u32 v6, v11  }
0x207: {  	v9 =	vand.u32 v12, v9  }
0x208: {  	vm15 =	vgt.u32 v9, $0xFFFFFFBF;
	v5 =	vadd.s32 $0x1D800, v5  }
0x209: {  	v5 =	vnsel vm15, $0x2C260, v5  }
0x20a: {  	[tilespmem:$0x4540] =	vst v5  }
0x20b: {  	v5 =	vld.idx.msk [tilespmem:v13+s22+$0x0], $0xffff;
	_ =	sdelay $0x2  }
0x20c: {  	v9 =	vor.u32 v8, v11  }
0x20d: {  	vm4 =	vgt.u32 v2, $0x3F;
	vm5 =	vlt.u32 v10, $0xFFFFFFC0  }
0x20e: {  	vm2 =	vmor vm4, vm5;
	v5 =	vadd.s32 $0x2C400, v5  }
0x20f: {  	v5 =	vsel vm2, $0x3AE60, v5  }
0x210: {  	[tilespmem:$0x4580] =	vst v5  }
0x211: {  	v5 =	vld.idx.msk [tilespmem:v9+s22+$0x0], $0xffff;
	_ =	sdelay $0x1  }
0x212: {  	v9 =	vadd.s32 $0x1, v2  }
0x213: {  	v11 =	vor.u32 v7, v11;
	vm6 =	vgt.s32 v9, $0x0  }
0x214: {  	v4 =	vor.u32 v4, v2;
	v9 =	vnsel vm6, $0x0, v9  }
0x215: {  	vm7 =	vlt.u32 v4, $0x40;
	v4 =	vadd.s32 $0x3B000, v5;
	v5 =	vmin.u32 v9, $0x3F  }
0x216: {  	v4 =	vnsel vm7, $0x49A60, v4;
	v3 =	vsub.s32 v5, v3  }
0x217: {  	[tilespmem:$0x45A0] =	vst v4;
	v3 =	vshll.u32 v3, $0xB;
	v4 =	vshll.u32 v5, $0x6  }
0x218: {  	v5 =	vld.idx.msk [tilespmem:v11+s22+$0x0], $0xffff;
	v3 =	vand.u32 $0xFFFFF000, v3;
	v4 =	vand.u32 $0x40, v4  }
0x219: {  	v3 =	vor.u32 v4, v3  }
0x21a: {  	v3 =	vor.u32 v0, v3  }
0x21b: {  	v4 =	vor.u32 v6, v3  }
0x21c: {  	vm8 =	vlt.u32 v12, $0xFFFFFFC0  }
0x21d: {  	vm1 =	vmor vm4, vm8;
	v5 =	vadd.s32 $0x49C00, v5  }
0x21e: {  	v5 =	vsel vm1, $0x58660, v5  }
0x21f: {  	[tilespmem:$0x45C0] =	vst v5  }
0x220: {  	v4 =	vld.idx.msk [tilespmem:v4+s22+$0x0], $0xffff;
	_ =	sdelay $0x2  }
0x221: {  	v2 =	vadd.s32 $0xFFFFFFC1, v2;
	v5 =	vor.u32 v8, v3  }
0x222: {  	v6 =	vand.u32 v10, v2  }
0x223: {  	vm9 =	vgt.u32 v6, $0xFFFFFFBF;
	v4 =	vadd.s32 $0x58800, v4  }
0x224: {  	v6 =	vld [tilespmem:$0xD0];
	v4 =	vnsel vm9, $0x67260, v4  }
0x225: {  	[tilespmem:$0x4600] =	vst v4  }
0x226: {  	v4 =	vld.idx.msk [tilespmem:v5+s22+$0x0], $0xffff  }
0x227: {  	v5 =	vld [tilespmem:$0x190]  }
0x228: {  	v8 =	vld [tilespmem:$0xB0]  }
0x229: {  	v3 =	vor.u32 v7, v3;
	v7 =	vadd.s32 $0xFFFFFFFF, v6  }
0x22a: {  	vm10 =	vlt.u32 v2, $0xFFFFFFC0;
	vm11 =	vgt.s32 v7, $0x0  }
0x22b: {  	vm0 =	vmor vm13, vm10;
	v7 =	vnsel vm11, $0x0, v7;
	v4 =	vadd.s32 $0x67400, v4  }
0x22c: {  	v7 =	vmin.u32 v7, $0x3F;
	v5 =	vshll.u32 v5, $0x1;
	v4 =	vsel vm0, $0x75E60, v4  }
0x22d: {  	v9 =	vsub.s32 v7, v5;
	v7 =	vshll.u32 v7, $0x6;
	[tilespmem:$0x4620] =	vst v4;
	v4 =	vadd.s32 $0xFFFFFFFF, v8  }
0x22e: {  	v9 =	vshll.u32 v9, $0xB;
	v7 =	vand.u32 $0x40, v7;
	v3 =	vld.idx.msk [tilespmem:v3+s22+$0x0], $0xffff;
	vm12 =	vgt.s32 v4, $0x0  }
0x22f: {  	v7 =	vor.u32 v7, v9;
	v4 =	vnsel vm12, $0x0, v4  }
0x230: {  	v7 =	vor.u32 v1, v7;
	v4 =	vmin.u32 v4, $0x3F  }
0x231: {  	v9 =	vor.u32 v4, v7  }
0x232: {  	v2 =	vand.u32 v12, v2  }
0x233: {  	vm13 =	vgt.u32 v2, $0xFFFFFFBF;
	v2 =	vadd.s32 $0x76000, v3  }
0x234: {  	v2 =	vnsel vm13, $0x84A60, v2  }
0x235: {  	vm14 =	vgt.s32 v8, $0x0;
	[tilespmem:$0x4640] =	vst v2  }
0x236: {  	v3 =	vnsel vm14, $0x0, v8;
	v2 =	vld.idx.msk [tilespmem:v9+s22+$0x0], $0xffff  }
0x237: {  	v3 =	vmin.u32 v3, $0x3F  }
0x238: {  	v10 =	vadd.s32 $0xFFFFFFBF, v8;
	v11 =	vor.u32 v3, v7;
	v9 =	vadd.s32 $0xFFFFFFBF, v6  }
0x239: {  	v12 =	vand.u32 v10, v9  }
0x23a: {  	vm15 =	vgt.u32 v12, $0xFFFFFFBF  }
0x23b: {  	v2 =	vnsel vm15, $0xEA60, v2  }
0x23c: {  	[tilespmem:$0x4510] =	vst v2;
	v2 =	vadd.s32 $0x1, v8  }
0x23d: {  	v11 =	vld.idx.msk [tilespmem:v11+s22+$0x0], $0xffff;
	vm4 =	vgt.s32 v2, $0x0  }
0x23e: {  	v2 =	vnsel vm4, $0x0, v2  }
0x23f: {  	v2 =	vmin.u32 v2, $0x3F  }
0x240: {  	v7 =	vor.u32 v2, v7  }
0x241: {  	vm7 =	vgt.s32 v6, $0x0;
	vm6 =	vgt.u32 v8, $0x3F;
	vm5 =	vlt.u32 v9, $0xFFFFFFC0  }
0x242: {  	vm1 =	vmor vm6, vm5;
	v12 =	vnsel vm7, $0x0, v6;
	v11 =	vadd.s32 $0xEC00, v11  }
0x243: {  	v12 =	vmin.u32 v12, $0x3F;
	v11 =	vsel vm1, $0x1D660, v11  }
0x244: {  	[tilespmem:$0x4530] =	vst v11;
	v11 =	vsub.s32 v12, v5;
	v12 =	vshll.u32 v12, $0x6  }
0x245: {  	v7 =	vld.idx.msk [tilespmem:v7+s22+$0x0], $0xffff;
	v11 =	vshll.u32 v11, $0xB;
	v12 =	vand.u32 $0x40, v12  }
0x246: {  	v11 =	vor.u32 v12, v11  }
0x247: {  	v11 =	vor.u32 v1, v11  }
0x248: {  	v12 =	vadd.s32 $0xFFFFFFC1, v8;
	v13 =	vor.u32 v4, v11  }
0x249: {  	v9 =	vand.u32 v12, v9  }
0x24a: {  	vm8 =	vgt.u32 v9, $0xFFFFFFBF;
	v7 =	vadd.s32 $0x1D800, v7  }
0x24b: {  	v7 =	vnsel vm8, $0x2C260, v7  }
0x24c: {  	[tilespmem:$0x4550] =	vst v7  }
0x24d: {  	v7 =	vld.idx.msk [tilespmem:v13+s22+$0x0], $0xffff;
	_ =	sdelay $0x2  }
0x24e: {  	v9 =	vor.u32 v3, v11  }
0x24f: {  	vm10 =	vlt.u32 v10, $0xFFFFFFC0;
	vm9 =	vgt.u32 v6, $0x3F  }
0x250: {  	vm2 =	vmor vm9, vm10;
	v7 =	vadd.s32 $0x2C400, v7  }
0x251: {  	v7 =	vsel vm2, $0x3AE60, v7  }
0x252: {  	[tilespmem:$0x4590] =	vst v7  }
0x253: {  	v7 =	vld.idx.msk [tilespmem:v9+s22+$0x0], $0xffff;
	_ =	sdelay $0x2  }
0x254: {  	v9 =	vor.u32 v2, v11;
	v11 =	vadd.s32 $0x1, v6  }
0x255: {  	v8 =	vor.u32 v8, v6;
	vm11 =	vgt.s32 v11, $0x0  }
0x256: {  	vm3 =	vlt.u32 v8, $0x40;
	v8 =	vnsel vm11, $0x0, v11;
	v7 =	vadd.s32 $0x3B000, v7  }
0x257: {  	v8 =	vmin.u32 v8, $0x3F;
	v7 =	vnsel vm3, $0x49A60, v7  }
0x258: {  	v5 =	vsub.s32 v8, v5;
	[tilespmem:$0x45B0] =	vst v7;
	v7 =	vshll.u32 v8, $0x6  }
0x259: {  	v5 =	vshll.u32 v5, $0xB;
	v8 =	vld.idx.msk [tilespmem:v9+s22+$0x0], $0xffff;
	v7 =	vand.u32 $0x40, v7  }
0x25a: {  	v5 =	vor.u32 v7, v5  }
0x25b: {  	v5 =	vor.u32 v1, v5  }
0x25c: {  	v4 =	vor.u32 v4, v5  }
0x25d: {  	vm12 =	vlt.u32 v12, $0xFFFFFFC0  }
0x25e: {  	vm1 =	vmor vm9, vm12;
	v7 =	vadd.s32 $0x49C00, v8  }
0x25f: {  	v7 =	vsel vm1, $0x58660, v7  }
0x260: {  	[tilespmem:$0x45D0] =	vst v7  }
0x261: {  	v4 =	vld.idx.msk [tilespmem:v4+s22+$0x0], $0xffff;
	_ =	sdelay $0x2  }
0x262: {  	v6 =	vadd.s32 $0xFFFFFFC1, v6;
	v3 =	vor.u32 v3, v5  }
0x263: {  	v7 =	vand.u32 v10, v6  }
0x264: {  	vm13 =	vgt.u32 v7, $0xFFFFFFBF;
	v4 =	vadd.s32 $0x58800, v4  }
0x265: {  	v4 =	vnsel vm13, $0x67260, v4  }
0x266: {  	[tilespmem:$0x4610] =	vst v4  }
0x267: {  	v3 =	vld.idx.msk [tilespmem:v3+s22+$0x0], $0xffff;
	_ =	sdelay $0x2  }
0x268: {  	v2 =	vor.u32 v2, v5  }
0x269: {  	vm14 =	vlt.u32 v6, $0xFFFFFFC0  }
0x26a: {  	vm0 =	vmor vm6, vm14;
	v3 =	vadd.s32 $0x67400, v3  }
0x26b: {  	v3 =	vsel vm0, $0x75E60, v3  }
0x26c: {  	[tilespmem:$0x4630] =	vst v3  }
0x26d: {  	v2 =	vld.idx.msk [tilespmem:v2+s22+$0x0], $0xffff;
	_ =	sdelay $0x3  }
0x26e: {  	v3 =	vand.u32 v12, v6  }
0x26f: {  	vm15 =	vgt.u32 v3, $0xFFFFFFBF;
	v2 =	vadd.s32 $0x76000, v2  }
0x270: {  	v2 =	vnsel vm15, $0x84A60, v2  }
0x271: {  	[tilespmem:$0x4650] =	vst v2  }
0x272: {  	[tilespmem:s3], [sflag:$0x4] =	stream.indirect.gather [hbm4b:s6+s24], $0x80, s2, s24, $0xb8;
	[tilespmem:$0x18780] =	vst v63  }
0x273: {  	_ = 	snop  }
0x274: {  	[tilespmem:s9], [sflag:$0x4] =	stream.indirect.gather [hbm4b:s6+s24], $0x80, s15, s24, $0xb8;
	[tilespmem:$0x18780] =	vst v63  }
0x275: {  	_ = 	snop  }
0x276: {  	[tilespmem:s13], [sflag:$0x4] =	stream.indirect.gather [hbm4b:s6+s24], $0x80, s12, s24, $0xb8;
	[tilespmem:$0x18780] =	vst v63  }
0x277: {  	_ =	swait.ge [sflag:s18], $0x3000  }
0x278: {  	[sflag:s18] =	ssyncset.done $0x0  }
0x279: {  	[sflag:s18] =	ssyncadd.s32 $0xFFFFD000  }
0x27a: {  	_ =	swait.ge [sflag:s18], $0x3000  }
0x27b: {  	[sflag:s18] =	ssyncset.done $0x0  }
0x27c: {  	[sflag:s18] =	ssyncadd.s32 $0xFFFFD000  }
0x27d: {  	_ =	swait.ge [sflag:s18], $0x3000  }
0x27e: {  	[sflag:s18] =	ssyncset.done $0x0  }
0x27f: {  	s26 =	simm.s32 @!p0 $0x5;
	[sflag:s18] =	ssyncadd.s32 $0xFFFFD000  }
0x280: {  	_ =	swait.ge @!p0 [sflag:s26], $0x1000  }
0x281: {  	[sflag:s26] =	ssyncset.done @!p0 $0x0  }
0x282: {  	[sflag:s26] =	ssyncadd.s32 @!p0 $0xFFFFF000  }
0x283: {  	v8 =	vld [tilespmem:$0x16700]  }
0x284: {  	v6 =	vld [tilespmem:$0x16710]  }
0x285: {  	v7 =	vld [tilespmem:$0x16720]  }
0x286: {  	v4 =	vld [tilespmem:$0x16730]  }
0x287: {  	v5 =	vld [tilespmem:$0x16740]  }
0x288: {  	v2 =	vld [tilespmem:$0x16750]  }
0x289: {  	v3 =	vld [tilespmem:$0x16760]  }
0x28a: {  	s26 =	simm.s32 $0x0;
	v9 =	vld [tilespmem:$0x16770]  }
0x28b: {  	v10 =	vld [tilespmem:s26+$0x4770]  }
0x28c: {  	v11 =	vld [tilespmem:s26+$0x4700]  }
0x28d: {  	v12 =	vld [tilespmem:s26+$0x5770]  }
0x28e: {  	v13 =	vld [tilespmem:s26+$0x4710]  }
0x28f: {  	v14 =	vld [tilespmem:s26+$0x6770]  }
0x290: {  	v15 =	vld [tilespmem:s26+$0x4720]  }
0x291: {  	v16 =	vld [tilespmem:s26+$0x7770]  }
0x292: {  	v17 =	vld [tilespmem:s26+$0x4730]  }
0x293: {  	v18 =	vld [tilespmem:s26+$0x4740]  }
0x294: {  	v19 =	vld [tilespmem:s26+$0x4750]  }
0x295: {  	v20 =	vld [tilespmem:s26+$0x4760]  }
0x296: {  	v21 =	vld [tilespmem:s26+$0x5700]  }
0x297: {  	v22 =	vld [tilespmem:s26+$0x5710]  }
0x298: {  	v23 =	vld [tilespmem:s26+$0x5730]  }
0x299: {  	v24 =	vld [tilespmem:s26+$0x5750]  }
0x29a: {  	v25 =	vld [tilespmem:s26+$0x6700]  }
0x29b: {  	v26 =	vld [tilespmem:s26+$0x6720]  }
0x29c: {  	v27 =	vld [tilespmem:s26+$0x6730]  }
0x29d: {  	v28 =	vld [tilespmem:s26+$0x6740]  }
0x29e: {  	v29 =	vld [tilespmem:s26+$0x6750]  }
0x29f: {  	v30 =	vld [tilespmem:s26+$0x6760]  }
0x2a0: {  	v31 =	vld [tilespmem:s26+$0x7700]  }
0x2a1: {  	v32 =	vld [tilespmem:s26+$0x7710]  }
0x2a2: {  	v33 =	vld [tilespmem:s26+$0x7720]  }
0x2a3: {  	v34 =	vld [tilespmem:s26+$0x7730]  }
0x2a4: {  	v35 =	vld [tilespmem:s26+$0x7740]  }
0x2a5: {  	v36 =	vld [tilespmem:s26+$0x7750]  }
0x2a6: {  	v37 =	vld [tilespmem:s26+$0x7760]  }
0x2a7: {  	v38 =	vld [tilespmem:s26+$0x8700]  }
0x2a8: {  	v39 =	vld [tilespmem:s26+$0x8710]  }
0x2a9: {  	v40 =	vld [tilespmem:s26+$0x8720]  }
0x2aa: {  	v41 =	vld [tilespmem:s26+$0x8730]  }
0x2ab: {  	v42 =	vld [tilespmem:s26+$0x8740]  }
0x2ac: {  	v43 =	vld [tilespmem:s26+$0x8750]  }
0x2ad: {  	v44 =	vld [tilespmem:s26+$0x8760]  }
0x2ae: {  	v45 =	vld [tilespmem:s26+$0x9700];
	v10 =	vadd.f32 v10, v9  }
0x2af: {  	v51 =	vld [tilespmem:s26+$0xA710]  }
0x2b0: {  	v52 =	vld [tilespmem:s26+$0xA720];
	v10 =	vadd.f32 v12, v10  }
0x2b1: {  	v12 =	vld [tilespmem:s26+$0x8770]  }
0x2b2: {  	v53 =	vld [tilespmem:s26+$0xA730];
	v10 =	vadd.f32 v14, v10  }
0x2b3: {  	v11 =	vadd.f32 v11, v8;
	v13 =	vadd.f32 v13, v6;
	v14 =	vld [tilespmem:s26+$0x9770]  }
0x2b4: {  	v54 =	vld [tilespmem:s26+$0xA740];
	v15 =	vadd.f32 v15, v7;
	v10 =	vadd.f32 v16, v10  }
0x2b5: {  	v17 =	vadd.f32 v17, v4;
	v18 =	vadd.f32 v18, v5;
	v16 =	vld [tilespmem:s26+$0xA770]  }
0x2b6: {  	v55 =	vld [tilespmem:s26+$0xA750];
	v11 =	vadd.f32 v21, v11;
	v10 =	vadd.f32 v12, v10  }
0x2b7: {  	v19 =	vadd.f32 v19, v2;
	v20 =	vadd.f32 v20, v3;
	v12 =	vld [tilespmem:s26+$0xB770]  }
0x2b8: {  	v56 =	vld [tilespmem:s26+$0xA760];
	v11 =	vadd.f32 v25, v11;
	v10 =	vadd.f32 v14, v10  }
0x2b9: {  	v13 =	vadd.f32 v22, v13;
	v17 =	vadd.f32 v23, v17;
	v14 =	vld [tilespmem:s26+$0xC770]  }
0x2ba: {  	v11 =	vadd.f32 v31, v11;
	v10 =	vadd.f32 v16, v10;
	v16 =	vld [tilespmem:s26+$0x5720]  }
0x2bb: {  	v19 =	vadd.f32 v24, v19;
	v23 =	vld [tilespmem:s26+$0xA700];
	v17 =	vadd.f32 v27, v17  }
0x2bc: {  	v11 =	vadd.f32 v38, v11;
	v10 =	vadd.f32 v12, v10;
	v12 =	vld [tilespmem:s26+$0x5740]  }
0x2bd: {  	v57 =	vld [tilespmem:s26+$0xB700];
	v19 =	vadd.f32 v29, v19;
	v17 =	vadd.f32 v34, v17  }
0x2be: {  	v11 =	vadd.f32 v45, v11;
	v10 =	vadd.f32 v14, v10;
	v14 =	vld [tilespmem:s26+$0x5760]  }
0x2bf: {  	v19 =	vadd.f32 v36, v19;
	v15 =	vadd.f32 v16, v15;
	v16 =	vld [tilespmem:s26+$0x9730]  }
0x2c0: {  	v17 =	vadd.f32 v41, v17;
	v11 =	vadd.f32 v23, v11;
	[tilespmem:s26+$0x167F0] =	vst v10;
	v10 =	vld [tilespmem:s26+$0x6710]  }
0x2c1: {  	v58 =	vld [tilespmem:s26+$0xB710];
	v19 =	vadd.f32 v43, v19;
	v12 =	vadd.f32 v12, v18  }
0x2c2: {  	v21 =	vld [tilespmem:s26+$0x9710];
	v62 =	vadd.f32 v57, v11;
	v15 =	vadd.f32 v26, v15  }
0x2c3: {  	v22 =	vld [tilespmem:s26+$0x9720];
	v14 =	vadd.f32 v14, v20;
	v12 =	vadd.f32 v28, v12  }
0x2c4: {  	v18 =	vld [tilespmem:s26+$0x9740];
	v15 =	vadd.f32 v33, v15;
	v16 =	vadd.f32 v16, v17  }
0x2c5: {  	v20 =	vld [tilespmem:s26+$0x9750];
	v10 =	vadd.f32 v10, v13;
	v14 =	vadd.f32 v30, v14  }
0x2c6: {  	v13 =	vld [tilespmem:s26+$0x9760];
	v12 =	vadd.f32 v35, v12;
	v15 =	vadd.f32 v40, v15  }
0x2c7: {  	v59 =	vld [tilespmem:s26+$0xB720];
	v10 =	vadd.f32 v32, v10;
	v14 =	vadd.f32 v37, v14  }
0x2c8: {  	v60 =	vld [tilespmem:s26+$0xC710];
	v12 =	vadd.f32 v42, v12;
	v15 =	vadd.f32 v22, v15  }
0x2c9: {  	v23 =	vld [tilespmem:s26+$0xC700];
	v10 =	vadd.f32 v39, v10;
	v14 =	vadd.f32 v44, v14  }
0x2ca: {  	v17 =	vadd.f32 v20, v19;
	v19 =	vld [tilespmem:s26+$0xB750];
	v12 =	vadd.f32 v18, v12  }
0x2cb: {  	v10 =	vadd.f32 v21, v10;
	v21 =	vld [tilespmem:s26+$0xB730];
	v13 =	vadd.f32 v13, v14  }
0x2cc: {  	v20 =	vld [tilespmem:s26+$0xB760];
	v14 =	vadd.f32 v52, v15;
	v15 =	vadd.f32 v53, v16  }
0x2cd: {  	v22 =	vld [tilespmem:s26+$0xB740];
	v12 =	vadd.f32 v54, v12;
	v16 =	vadd.f32 v55, v17  }
0x2ce: {  	v18 =	vld [tilespmem:s26+$0xC720];
	v10 =	vadd.f32 v51, v10;
	v61 =	vadd.f32 v56, v13  }
0x2cf: {  	v17 =	vld [tilespmem:s26+$0xC730];
	v14 =	vadd.f32 v59, v14;
	v11 =	vadd.f32 v19, v16  }
0x2d0: {  	v63 =	vadd.f32 v58, v10;
	v13 =	vadd.f32 v21, v15;
	v15 =	vld [tilespmem:s26+$0xC740]  }
0x2d1: {  	v16 =	vld [tilespmem:s26+$0xC750];
	v10 =	vadd.f32 v20, v61;
	v20 =	vadd.f32 v23, v62  }
0x2d2: {  	s29 =	simm.s32 $0x80;
	s28 =	simm.s32 $0x400;
	v12 =	vadd.f32 v22, v12;
	v19 =	vld [tilespmem:s26+$0xC760];
	v21 =	vadd.f32 v60, v63  }
.LBB2_8:
0x2d3: {  	p0 =	sne.s32 s28, $0x3E00;
	v22 =	vld [tilespmem:s29+$0x4770];
	[tilespmem:s26+$0x16780] =	vst v20;
	v14 =	vadd.f32 v18, v14  }
0x2d4: {  	v18 =	vld [tilespmem:s29+$0x4700];
	[tilespmem:s26+$0x16790] =	vst v21;
	v13 =	vadd.f32 v17, v13  }
0x2d5: {  	v17 =	vld [tilespmem:s29+$0x5770];
	[tilespmem:s26+$0x167A0] =	vst v14;
	v12 =	vadd.f32 v15, v12  }
0x2d6: {  	v14 =	vld [tilespmem:s29+$0x4710];
	[tilespmem:s26+$0x167B0] =	vst v13;
	v11 =	vadd.f32 v16, v11  }
0x2d7: {  	v13 =	vld [tilespmem:s29+$0x6770];
	[tilespmem:s26+$0x167C0] =	vst v12;
	v10 =	vadd.f32 v19, v10  }
0x2d8: {  	v12 =	vld [tilespmem:s29+$0x4720];
	v15 =	vadd.f32 v22, v9;
	[tilespmem:s26+$0x167D0] =	vst v11  }
0x2d9: {  	v11 =	vadd.f32 v18, v8;
	v16 =	vld [tilespmem:s29+$0x7770];
	[tilespmem:s26+$0x167E0] =	vst v10;
	s26 =	smov.u32 s29  }
0x2da: {  	v10 =	vld [tilespmem:s26+$0x4730];
	v15 =	vadd.f32 v17, v15  }
0x2db: {  	v14 =	vadd.f32 v14, v6;
	v17 =	vld [tilespmem:s26+$0x8770]  }
0x2dc: {  	v18 =	vld [tilespmem:s26+$0x4740];
	v13 =	vadd.f32 v13, v15  }
0x2dd: {  	v12 =	vadd.f32 v12, v7;
	v15 =	vld [tilespmem:s26+$0x9770]  }
0x2de: {  	v19 =	vld [tilespmem:s26+$0x4750];
	v13 =	vadd.f32 v16, v13  }
0x2df: {  	v10 =	vadd.f32 v10, v4;
	v16 =	vld [tilespmem:s26+$0xA770]  }
0x2e0: {  	v20 =	vld [tilespmem:s26+$0x4760];
	v13 =	vadd.f32 v17, v13  }
0x2e1: {  	v17 =	vadd.f32 v18, v5;
	v18 =	vld [tilespmem:s26+$0xB770]  }
0x2e2: {  	v21 =	vld [tilespmem:s26+$0x5700];
	v13 =	vadd.f32 v15, v13  }
0x2e3: {  	v15 =	vadd.f32 v19, v2;
	v19 =	vld [tilespmem:s26+$0xC770]  }
0x2e4: {  	v22 =	vld [tilespmem:s26+$0x5710];
	v13 =	vadd.f32 v16, v13  }
0x2e5: {  	v16 =	vld [tilespmem:s26+$0x5720];
	v20 =	vadd.f32 v20, v3  }
0x2e6: {  	v23 =	vld [tilespmem:s26+$0x5730];
	v13 =	vadd.f32 v18, v13  }
0x2e7: {  	v11 =	vadd.f32 v21, v11;
	v18 =	vld [tilespmem:s26+$0x5740]  }
0x2e8: {  	v21 =	vld [tilespmem:s26+$0x5750];
	v13 =	vadd.f32 v19, v13  }
0x2e9: {  	v14 =	vadd.f32 v22, v14;
	v19 =	vld [tilespmem:s26+$0x5760]  }
0x2ea: {  	v22 =	vld [tilespmem:s26+$0x6700];
	v12 =	vadd.f32 v16, v12;
	[tilespmem:s26+$0x167F0] =	vst v13  }
0x2eb: {  	v13 =	vld [tilespmem:s26+$0x6710];
	v10 =	vadd.f32 v23, v10  }
0x2ec: {  	v16 =	vld [tilespmem:s26+$0x6720];
	v17 =	vadd.f32 v18, v17  }
0x2ed: {  	v18 =	vld [tilespmem:s26+$0x6730];
	v15 =	vadd.f32 v21, v15  }
0x2ee: {  	v21 =	vld [tilespmem:s26+$0x6740];
	v19 =	vadd.f32 v19, v20  }
0x2ef: {  	v11 =	vadd.f32 v22, v11;
	v20 =	vld [tilespmem:s26+$0x6750]  }
0x2f0: {  	v13 =	vadd.f32 v13, v14;
	v14 =	vld [tilespmem:s26+$0x6760]  }
0x2f1: {  	v22 =	vld [tilespmem:s26+$0x7700];
	v12 =	vadd.f32 v16, v12  }
0x2f2: {  	v16 =	vld [tilespmem:s26+$0x7710];
	v10 =	vadd.f32 v18, v10  }
0x2f3: {  	v18 =	vld [tilespmem:s26+$0x7720];
	v17 =	vadd.f32 v21, v17  }
0x2f4: {  	v21 =	vld [tilespmem:s26+$0x7730];
	v15 =	vadd.f32 v20, v15  }
0x2f5: {  	v20 =	vld [tilespmem:s26+$0x7740];
	v14 =	vadd.f32 v14, v19  }
0x2f6: {  	v11 =	vadd.f32 v22, v11;
	v19 =	vld [tilespmem:s26+$0x7750]  }
0x2f7: {  	v13 =	vadd.f32 v16, v13;
	v16 =	vld [tilespmem:s26+$0x7760]  }
0x2f8: {  	v22 =	vld [tilespmem:s26+$0x8700];
	v12 =	vadd.f32 v18, v12  }
0x2f9: {  	v18 =	vld [tilespmem:s26+$0x8710];
	v10 =	vadd.f32 v21, v10  }
0x2fa: {  	v21 =	vld [tilespmem:s26+$0x8720];
	v17 =	vadd.f32 v20, v17  }
0x2fb: {  	v20 =	vld [tilespmem:s26+$0x8730];
	v15 =	vadd.f32 v19, v15  }
0x2fc: {  	v19 =	vld [tilespmem:s26+$0x8740];
	v14 =	vadd.f32 v16, v14  }
0x2fd: {  	v11 =	vadd.f32 v22, v11;
	v16 =	vld [tilespmem:s26+$0x8750]  }
0x2fe: {  	v13 =	vadd.f32 v18, v13;
	v18 =	vld [tilespmem:s26+$0x8760]  }
0x2ff: {  	v22 =	vld [tilespmem:s26+$0x9700];
	v12 =	vadd.f32 v21, v12  }
0x300: {  	v21 =	vld [tilespmem:s26+$0x9710];
	v10 =	vadd.f32 v20, v10  }
0x301: {  	v20 =	vld [tilespmem:s26+$0x9720];
	v17 =	vadd.f32 v19, v17  }
0x302: {  	v19 =	vld [tilespmem:s26+$0x9730];
	v15 =	vadd.f32 v16, v15  }
0x303: {  	v16 =	vld [tilespmem:s26+$0x9740];
	v14 =	vadd.f32 v18, v14  }
0x304: {  	v11 =	vadd.f32 v22, v11;
	v18 =	vld [tilespmem:s26+$0x9750]  }
0x305: {  	v13 =	vadd.f32 v21, v13;
	v21 =	vld [tilespmem:s26+$0x9760]  }
0x306: {  	v22 =	vld [tilespmem:s26+$0xA700];
	v12 =	vadd.f32 v20, v12  }
0x307: {  	v20 =	vld [tilespmem:s26+$0xA710];
	v10 =	vadd.f32 v19, v10  }
0x308: {  	v19 =	vld [tilespmem:s26+$0xA720];
	v16 =	vadd.f32 v16, v17  }
0x309: {  	v17 =	vld [tilespmem:s26+$0xA730];
	v15 =	vadd.f32 v18, v15  }
0x30a: {  	v18 =	vld [tilespmem:s26+$0xA740];
	v14 =	vadd.f32 v21, v14  }
0x30b: {  	v11 =	vadd.f32 v22, v11;
	v21 =	vld [tilespmem:s26+$0xA750]  }
0x30c: {  	v13 =	vadd.f32 v20, v13;
	v20 =	vld [tilespmem:s26+$0xA760]  }
0x30d: {  	v22 =	vld [tilespmem:s26+$0xB700];
	v12 =	vadd.f32 v19, v12  }
0x30e: {  	v19 =	vld [tilespmem:s26+$0xB710];
	v10 =	vadd.f32 v17, v10  }
0x30f: {  	v17 =	vld [tilespmem:s26+$0xB720];
	v16 =	vadd.f32 v18, v16  }
0x310: {  	v18 =	vld [tilespmem:s26+$0xB730];
	v15 =	vadd.f32 v21, v15  }
0x311: {  	v21 =	vld [tilespmem:s26+$0xB740];
	v20 =	vadd.f32 v20, v14  }
0x312: {  	v22 =	vadd.f32 v22, v11;
	v11 =	vld [tilespmem:s26+$0xB750]  }
0x313: {  	v19 =	vadd.f32 v19, v13;
	v23 =	vld [tilespmem:s26+$0xB760]  }
0x314: {  	v24 =	vld [tilespmem:s26+$0xC700];
	v14 =	vadd.f32 v17, v12  }
0x315: {  	v25 =	vld [tilespmem:s26+$0xC710];
	v13 =	vadd.f32 v18, v10  }
.Ltmp3:
0x316: {  	v18 =	vld [tilespmem:s26+$0xC720];
	v12 =	vadd.f32 v21, v16;
	(pc) =	sbr.rel @p0 .LBB2_8-.Ltmp3, $4  }
0x317: {  	v17 =	vld [tilespmem:s26+$0xC730];
	v11 =	vadd.f32 v11, v15  }
0x318: {  	v15 =	vld [tilespmem:s26+$0xC740];
	v10 =	vadd.f32 v23, v20  }
0x319: {  	v20 =	vadd.f32 v24, v22;
	v16 =	vld [tilespmem:s26+$0xC750]  }
0x31a: {  	s29 =	sshra.s32 s28, $0x2;
	s28 =	sadd.s32 $0x200, s28;
	v21 =	vadd.f32 v25, v19;
	v19 =	vld [tilespmem:s26+$0xC760]  }
0x31b: {  	v22 =	vld [tilespmem:s29+$0x4770];
	[tilespmem:s26+$0x16780] =	vst v20;
	v14 =	vadd.f32 v18, v14  }
0x31c: {  	v20 =	vld [tilespmem:s29+$0x4700];
	[tilespmem:s26+$0x16790] =	vst v21;
	v13 =	vadd.f32 v17, v13  }
0x31d: {  	v61 =	vld [tilespmem:s29+$0x5770];
	[tilespmem:s26+$0x167A0] =	vst v14;
	v12 =	vadd.f32 v15, v12  }
0x31e: {  	v14 =	vld [tilespmem:s29+$0x4710];
	[tilespmem:s26+$0x167B0] =	vst v13;
	v11 =	vadd.f32 v16, v11  }
0x31f: {  	v13 =	vld [tilespmem:s29+$0x6770];
	[tilespmem:s26+$0x167C0] =	vst v12;
	v10 =	vadd.f32 v19, v10  }
0x320: {  	v12 =	vld [tilespmem:s29+$0x4720];
	[tilespmem:s26+$0x167D0] =	vst v11  }
0x321: {  	v11 =	vld [tilespmem:s29+$0x7770];
	[tilespmem:s26+$0x167E0] =	vst v10  }
0x322: {  	v10 =	vld [tilespmem:s29+$0x4730]  }
0x323: {  	v62 =	vld [tilespmem:s29+$0x8770]  }
0x324: {  	v63 =	vld [tilespmem:s29+$0x4740]  }
0x325: {  	v44 =	vld [tilespmem:s29+$0x9770]  }
0x326: {  	v45 =	vld [tilespmem:s29+$0x4750]  }
0x327: {  	v46 =	vld [tilespmem:s29+$0xA770]  }
0x328: {  	v47 =	vld [tilespmem:s29+$0x4760]  }
0x329: {  	v48 =	vld [tilespmem:s29+$0xB770]  }
0x32a: {  	v49 =	vld [tilespmem:s29+$0x5700]  }
0x32b: {  	v50 =	vld [tilespmem:s29+$0xC770]  }
0x32c: {  	v21 =	vld [tilespmem:s29+$0x5710]  }
0x32d: {  	v51 =	vld [tilespmem:s29+$0x5720]  }
0x32e: {  	v52 =	vld [tilespmem:s29+$0x5730]  }
0x32f: {  	v53 =	vld [tilespmem:s29+$0x5740]  }
0x330: {  	v23 =	vld [tilespmem:s29+$0x5750]  }
0x331: {  	v54 =	vld [tilespmem:s29+$0x5760]  }
0x332: {  	v24 =	vld [tilespmem:s29+$0x6700]  }
0x333: {  	v55 =	vld [tilespmem:s29+$0x6710]  }
0x334: {  	v25 =	vld [tilespmem:s29+$0x6720]  }
0x335: {  	v26 =	vld [tilespmem:s29+$0x6730]  }
0x336: {  	v27 =	vld [tilespmem:s29+$0x6740]  }
0x337: {  	v28 =	vld [tilespmem:s29+$0x6750]  }
0x338: {  	v29 =	vld [tilespmem:s29+$0x6760]  }
0x339: {  	v30 =	vld [tilespmem:s29+$0x7700]  }
0x33a: {  	v31 =	vld [tilespmem:s29+$0x7710]  }
0x33b: {  	v32 =	vld [tilespmem:s29+$0x7720]  }
0x33c: {  	v33 =	vld [tilespmem:s29+$0x7730]  }
0x33d: {  	v34 =	vld [tilespmem:s29+$0x7740]  }
0x33e: {  	v35 =	vld [tilespmem:s29+$0x7750]  }
0x33f: {  	v36 =	vld [tilespmem:s29+$0x7760]  }
0x340: {  	v9 =	vadd.f32 v22, v9;
	v37 =	vld [tilespmem:s29+$0x8700]  }
0x341: {  	v38 =	vld [tilespmem:s29+$0x8710]  }
0x342: {  	v9 =	vadd.f32 v61, v9;
	v39 =	vld [tilespmem:s29+$0x8720]  }
0x343: {  	v40 =	vld [tilespmem:s29+$0x8730]  }
0x344: {  	v8 =	vadd.f32 v20, v8;
	v41 =	vld [tilespmem:s29+$0x8740];
	v9 =	vadd.f32 v13, v9  }
0x345: {  	v42 =	vld [tilespmem:s29+$0x8750];
	v6 =	vadd.f32 v14, v6;
	v7 =	vadd.f32 v12, v7  }
0x346: {  	v43 =	vld [tilespmem:s29+$0x8760];
	v9 =	vadd.f32 v11, v9;
	v4 =	vadd.f32 v10, v4  }
0x347: {  	v56 =	vld [tilespmem:s29+$0x9700];
	v5 =	vadd.f32 v63, v5;
	v2 =	vadd.f32 v45, v2  }
0x348: {  	v57 =	vld [tilespmem:s29+$0x9710];
	v3 =	vadd.f32 v47, v3;
	v8 =	vadd.f32 v49, v8  }
0x349: {  	v58 =	vld [tilespmem:s29+$0x9720];
	v6 =	vadd.f32 v21, v6;
	v7 =	vadd.f32 v51, v7  }
0x34a: {  	v59 =	vld [tilespmem:s29+$0x9730];
	v9 =	vadd.f32 v62, v9;
	v4 =	vadd.f32 v52, v4  }
0x34b: {  	v60 =	vld [tilespmem:s29+$0x9740];
	v5 =	vadd.f32 v53, v5;
	v2 =	vadd.f32 v23, v2  }
0x34c: {  	v61 =	vld [tilespmem:s29+$0x9750];
	v3 =	vadd.f32 v54, v3;
	v8 =	vadd.f32 v24, v8  }
0x34d: {  	v63 =	vld [tilespmem:s29+$0xA700];
	v6 =	vadd.f32 v55, v6;
	v7 =	vadd.f32 v25, v7  }
0x34e: {  	v45 =	vld [tilespmem:s29+$0xA720];
	v9 =	vadd.f32 v44, v9;
	v4 =	vadd.f32 v26, v4  }
0x34f: {  	v47 =	vld [tilespmem:s29+$0xA740];
	v5 =	vadd.f32 v27, v5;
	v2 =	vadd.f32 v28, v2  }
0x350: {  	v49 =	vld [tilespmem:s29+$0xA760];
	v3 =	vadd.f32 v29, v3;
	v8 =	vadd.f32 v30, v8  }
0x351: {  	v51 =	vld [tilespmem:s29+$0xB710];
	v6 =	vadd.f32 v31, v6;
	v7 =	vadd.f32 v32, v7  }
0x352: {  	v62 =	vld [tilespmem:s29+$0x9760];
	v9 =	vadd.f32 v46, v9;
	v4 =	vadd.f32 v33, v4  }
0x353: {  	v52 =	vld [tilespmem:s29+$0xB720];
	v5 =	vadd.f32 v34, v5;
	v2 =	vadd.f32 v35, v2  }
0x354: {  	v53 =	vld [tilespmem:s29+$0xB730];
	v3 =	vadd.f32 v36, v3;
	v8 =	vadd.f32 v37, v8  }
0x355: {  	v54 =	vld [tilespmem:s29+$0xB740];
	v6 =	vadd.f32 v38, v6;
	v7 =	vadd.f32 v39, v7  }
0x356: {  	v55 =	vld [tilespmem:s29+$0xB750];
	v9 =	vadd.f32 v48, v9;
	v4 =	vadd.f32 v40, v4  }
0x357: {  	v44 =	vld [tilespmem:s29+$0xA710];
	v5 =	vadd.f32 v41, v5;
	v2 =	vadd.f32 v42, v2  }
0x358: {  	v46 =	vld [tilespmem:s29+$0xA730];
	v3 =	vadd.f32 v43, v3;
	v8 =	vadd.f32 v56, v8  }
0x359: {  	v48 =	vld [tilespmem:s29+$0xA750];
	v6 =	vadd.f32 v57, v6;
	v7 =	vadd.f32 v58, v7  }
0x35a: {  	v56 =	vld [tilespmem:s29+$0xB760];
	v9 =	vadd.f32 v50, v9;
	v4 =	vadd.f32 v59, v4  }
0x35b: {  	v58 =	vld [tilespmem:s29+$0xC710];
	v5 =	vadd.f32 v60, v5;
	v2 =	vadd.f32 v61, v2  }
0x35c: {  	v50 =	vld [tilespmem:s29+$0xB700];
	v3 =	vadd.f32 v62, v3;
	v8 =	vadd.f32 v63, v8  }
0x35d: {  	v6 =	vadd.f32 v44, v6;
	v7 =	vadd.f32 v45, v7;
	v59 =	vld [tilespmem:s29+$0xC720]  }
0x35e: {  	v57 =	vld [tilespmem:s29+$0xC700];
	v4 =	vadd.f32 v46, v4;
	v5 =	vadd.f32 v47, v5  }
0x35f: {  	v60 =	vld [tilespmem:s29+$0xC730];
	v2 =	vadd.f32 v48, v2;
	v6 =	vadd.f32 v51, v6  }
0x360: {  	v61 =	vld [tilespmem:s29+$0xC740];
	v3 =	vadd.f32 v49, v3;
	v7 =	vadd.f32 v52, v7  }
0x361: {  	v62 =	vld [tilespmem:s29+$0xC750];
	v8 =	vadd.f32 v50, v8;
	v6 =	vadd.f32 v58, v6  }
0x362: {  	v63 =	vld [tilespmem:s29+$0xC760];
	[tilespmem:s29+$0x167F0] =	vst v9;
	v4 =	vadd.f32 v53, v4;
	v7 =	vadd.f32 v59, v7  }
0x363: {  	v5 =	vadd.f32 v54, v5;
	v8 =	vadd.f32 v57, v8;
	[tilespmem:s29+$0x16790] =	vst v6  }
0x364: {  	s30 =	sshll.u32 s25, $0xD;
	s25 =	sadd.s32 $0x1, s25;
	v2 =	vadd.f32 v55, v2;
	v4 =	vadd.f32 v60, v4;
	[tilespmem:s29+$0x167A0] =	vst v7  }
0x365: {  	p0 =	sne.s32 s25, $0x19;
	v3 =	vadd.f32 v56, v3;
	v5 =	vadd.f32 v61, v5;
	[tilespmem:s29+$0x16780] =	vst v8  }
.Ltmp4:
0x366: {  	v2 =	vadd.f32 v62, v2;
	[tilespmem:s29+$0x167B0] =	vst v4;
	(pc) =	sbr.rel @p0 .LBB2_2-.Ltmp4, $4  }
0x367: {  	s26 =	sadd.s32 s8, s30;
	v3 =	vadd.f32 v63, v3;
	[tilespmem:s29+$0x167C0] =	vst v5  }
0x368: {  	s26 =	sshrl.u32 s26, $0x3;
	[tilespmem:s29+$0x167D0] =	vst v2  }
0x369: {  	s26 =	sadd.s32 s7, s26;
	[tilespmem:s29+$0x167E0] =	vst v3  }
0x36a: {  	[hbm4b:s26+s4] =	stream.linear.scatter [tilespmem:s20], [sflag:$0x5], $0x1000, $0x38;
	[tilespmem:$0x18780] =	vst v63  }
0x36b: {  	_ =	swait.ge [sflag:s21], $0x3000  }
0x36c: {  	[sflag:s21] =	ssyncset.done $0x0  }
0x36d: {  	[sflag:s21] =	ssyncadd.s32 $0xFFFFD000  }
0x36e: {  	_ =	swait.ge [sflag:s21], $0x3000  }
0x36f: {  	[sflag:s21] =	ssyncset.done $0x0  }
0x370: {  	[sflag:s21] =	ssyncadd.s32 $0xFFFFD000  }
0x371: {  	_ =	swait.ge [sflag:s21], $0x3000  }
0x372: {  	[sflag:s21] =	ssyncset.done $0x0  }
0x373: {  	s29 =	simm.s32 $0x6;
	[sflag:s21] =	ssyncadd.s32 $0xFFFFD000  }
0x374: {  	_ =	swait.ge [sflag:s29], $0x1000  }
0x375: {  	[sflag:s29] =	ssyncset.done $0x0  }
0x376: {  	[sflag:s29] =	ssyncadd.s32 $0xFFFFF000  }
0x377: {  	v8 =	vld [tilespmem:$0x16700]  }
0x378: {  	v6 =	vld [tilespmem:$0x16710]  }
0x379: {  	v7 =	vld [tilespmem:$0x16720]  }
0x37a: {  	v4 =	vld [tilespmem:$0x16730]  }
0x37b: {  	v5 =	vld [tilespmem:$0x16740]  }
0x37c: {  	v2 =	vld [tilespmem:$0x16750]  }
0x37d: {  	v3 =	vld [tilespmem:$0x16760]  }
0x37e: {  	s25 =	simm.s32 $0x0;
	v9 =	vld [tilespmem:$0x16770]  }
0x37f: {  	v10 =	vld [tilespmem:s25+$0xD770]  }
0x380: {  	v11 =	vld [tilespmem:s25+$0xD700]  }
0x381: {  	v12 =	vld [tilespmem:s25+$0xE770]  }
0x382: {  	v13 =	vld [tilespmem:s25+$0xD710]  }
0x383: {  	v14 =	vld [tilespmem:s25+$0xF770]  }
0x384: {  	v15 =	vld [tilespmem:s25+$0xD720]  }
0x385: {  	v16 =	vld [tilespmem:s25+$0x10770]  }
0x386: {  	v17 =	vld [tilespmem:s25+$0xD730]  }
0x387: {  	v18 =	vld [tilespmem:s25+$0xD740]  }
0x388: {  	v19 =	vld [tilespmem:s25+$0xD750]  }
0x389: {  	v20 =	vld [tilespmem:s25+$0xD760]  }
0x38a: {  	v21 =	vld [tilespmem:s25+$0xE700]  }
0x38b: {  	v22 =	vld [tilespmem:s25+$0xE710]  }
0x38c: {  	v23 =	vld [tilespmem:s25+$0xE730]  }
0x38d: {  	v24 =	vld [tilespmem:s25+$0xE750]  }
0x38e: {  	v25 =	vld [tilespmem:s25+$0xF700]  }
0x38f: {  	v26 =	vld [tilespmem:s25+$0xF720]  }
0x390: {  	v27 =	vld [tilespmem:s25+$0xF730]  }
0x391: {  	v28 =	vld [tilespmem:s25+$0xF740]  }
0x392: {  	v29 =	vld [tilespmem:s25+$0xF750]  }
0x393: {  	v30 =	vld [tilespmem:s25+$0xF760]  }
0x394: {  	v31 =	vld [tilespmem:s25+$0x10700]  }
0x395: {  	v32 =	vld [tilespmem:s25+$0x10710]  }
0x396: {  	v33 =	vld [tilespmem:s25+$0x10720]  }
0x397: {  	v34 =	vld [tilespmem:s25+$0x10730]  }
0x398: {  	v35 =	vld [tilespmem:s25+$0x10740]  }
0x399: {  	v36 =	vld [tilespmem:s25+$0x10750]  }
0x39a: {  	v37 =	vld [tilespmem:s25+$0x10760]  }
0x39b: {  	v38 =	vld [tilespmem:s25+$0x11700]  }
0x39c: {  	v39 =	vld [tilespmem:s25+$0x11710]  }
0x39d: {  	v40 =	vld [tilespmem:s25+$0x11720]  }
0x39e: {  	v41 =	vld [tilespmem:s25+$0x11730]  }
0x39f: {  	v42 =	vld [tilespmem:s25+$0x11740]  }
0x3a0: {  	v43 =	vld [tilespmem:s25+$0x11750]  }
0x3a1: {  	v44 =	vld [tilespmem:s25+$0x11760]  }
0x3a2: {  	v45 =	vld [tilespmem:s25+$0x12700];
	v10 =	vadd.f32 v10, v9  }
0x3a3: {  	v51 =	vld [tilespmem:s25+$0x13710]  }
0x3a4: {  	v52 =	vld [tilespmem:s25+$0x13720];
	v10 =	vadd.f32 v12, v10  }
0x3a5: {  	v12 =	vld [tilespmem:s25+$0x11770]  }
0x3a6: {  	v53 =	vld [tilespmem:s25+$0x13730];
	v10 =	vadd.f32 v14, v10  }
0x3a7: {  	v11 =	vadd.f32 v11, v8;
	v13 =	vadd.f32 v13, v6;
	v14 =	vld [tilespmem:s25+$0x12770]  }
0x3a8: {  	v54 =	vld [tilespmem:s25+$0x13740];
	v15 =	vadd.f32 v15, v7;
	v10 =	vadd.f32 v16, v10  }
0x3a9: {  	v17 =	vadd.f32 v17, v4;
	v18 =	vadd.f32 v18, v5;
	v16 =	vld [tilespmem:s25+$0x13770]  }
0x3aa: {  	v55 =	vld [tilespmem:s25+$0x13750];
	v11 =	vadd.f32 v21, v11;
	v10 =	vadd.f32 v12, v10  }
0x3ab: {  	v19 =	vadd.f32 v19, v2;
	v20 =	vadd.f32 v20, v3;
	v12 =	vld [tilespmem:s25+$0x14770]  }
0x3ac: {  	v56 =	vld [tilespmem:s25+$0x13760];
	v11 =	vadd.f32 v25, v11;
	v10 =	vadd.f32 v14, v10  }
0x3ad: {  	v13 =	vadd.f32 v22, v13;
	v17 =	vadd.f32 v23, v17;
	v14 =	vld [tilespmem:s25+$0x15770]  }
0x3ae: {  	v11 =	vadd.f32 v31, v11;
	v10 =	vadd.f32 v16, v10;
	v16 =	vld [tilespmem:s25+$0xE720]  }
0x3af: {  	v19 =	vadd.f32 v24, v19;
	v23 =	vld [tilespmem:s25+$0x13700];
	v17 =	vadd.f32 v27, v17  }
0x3b0: {  	v11 =	vadd.f32 v38, v11;
	v10 =	vadd.f32 v12, v10;
	v12 =	vld [tilespmem:s25+$0xE740]  }
0x3b1: {  	v57 =	vld [tilespmem:s25+$0x14700];
	v19 =	vadd.f32 v29, v19;
	v17 =	vadd.f32 v34, v17  }
0x3b2: {  	v11 =	vadd.f32 v45, v11;
	v10 =	vadd.f32 v14, v10;
	v14 =	vld [tilespmem:s25+$0xE760]  }
0x3b3: {  	v19 =	vadd.f32 v36, v19;
	v15 =	vadd.f32 v16, v15;
	v16 =	vld [tilespmem:s25+$0x12730]  }
0x3b4: {  	v17 =	vadd.f32 v41, v17;
	v11 =	vadd.f32 v23, v11;
	[tilespmem:s25+$0x177F0] =	vst v10;
	v10 =	vld [tilespmem:s25+$0xF710]  }
0x3b5: {  	v58 =	vld [tilespmem:s25+$0x14710];
	v19 =	vadd.f32 v43, v19;
	v12 =	vadd.f32 v12, v18  }
0x3b6: {  	v21 =	vld [tilespmem:s25+$0x12710];
	v62 =	vadd.f32 v57, v11;
	v15 =	vadd.f32 v26, v15  }
0x3b7: {  	v22 =	vld [tilespmem:s25+$0x12720];
	v14 =	vadd.f32 v14, v20;
	v12 =	vadd.f32 v28, v12  }
0x3b8: {  	v18 =	vld [tilespmem:s25+$0x12740];
	v15 =	vadd.f32 v33, v15;
	v16 =	vadd.f32 v16, v17  }
0x3b9: {  	v20 =	vld [tilespmem:s25+$0x12750];
	v10 =	vadd.f32 v10, v13;
	v14 =	vadd.f32 v30, v14  }
0x3ba: {  	v13 =	vld [tilespmem:s25+$0x12760];
	v12 =	vadd.f32 v35, v12;
	v15 =	vadd.f32 v40, v15  }
0x3bb: {  	v59 =	vld [tilespmem:s25+$0x14720];
	v10 =	vadd.f32 v32, v10;
	v14 =	vadd.f32 v37, v14  }
0x3bc: {  	v60 =	vld [tilespmem:s25+$0x15710];
	v12 =	vadd.f32 v42, v12;
	v15 =	vadd.f32 v22, v15  }
0x3bd: {  	v23 =	vld [tilespmem:s25+$0x15700];
	v10 =	vadd.f32 v39, v10;
	v14 =	vadd.f32 v44, v14  }
0x3be: {  	v17 =	vadd.f32 v20, v19;
	v19 =	vld [tilespmem:s25+$0x14750];
	v12 =	vadd.f32 v18, v12  }
0x3bf: {  	v10 =	vadd.f32 v21, v10;
	v21 =	vld [tilespmem:s25+$0x14730];
	v13 =	vadd.f32 v13, v14  }
0x3c0: {  	v20 =	vld [tilespmem:s25+$0x14760];
	v14 =	vadd.f32 v52, v15;
	v15 =	vadd.f32 v53, v16  }
0x3c1: {  	v22 =	vld [tilespmem:s25+$0x14740];
	v12 =	vadd.f32 v54, v12;
	v16 =	vadd.f32 v55, v17  }
0x3c2: {  	v18 =	vld [tilespmem:s25+$0x15720];
	v10 =	vadd.f32 v51, v10;
	v61 =	vadd.f32 v56, v13  }
0x3c3: {  	v17 =	vld [tilespmem:s25+$0x15730];
	v14 =	vadd.f32 v59, v14;
	v11 =	vadd.f32 v19, v16  }
0x3c4: {  	v63 =	vadd.f32 v58, v10;
	v13 =	vadd.f32 v21, v15;
	v15 =	vld [tilespmem:s25+$0x15740]  }
0x3c5: {  	v16 =	vld [tilespmem:s25+$0x15750];
	v10 =	vadd.f32 v20, v61;
	v20 =	vadd.f32 v23, v62  }
0x3c6: {  	s28 =	simm.s32 $0x80;
	s26 =	simm.s32 $0x400;
	v12 =	vadd.f32 v22, v12;
	v19 =	vld [tilespmem:s25+$0x15760];
	v21 =	vadd.f32 v60, v63  }
.LBB2_11:
0x3c7: {  	p0 =	sne.s32 s26, $0x3E00;
	v22 =	vld [tilespmem:s28+$0xD770];
	[tilespmem:s25+$0x17780] =	vst v20;
	v14 =	vadd.f32 v18, v14  }
0x3c8: {  	v18 =	vld [tilespmem:s28+$0xD700];
	[tilespmem:s25+$0x17790] =	vst v21;
	v13 =	vadd.f32 v17, v13  }
0x3c9: {  	v17 =	vld [tilespmem:s28+$0xE770];
	[tilespmem:s25+$0x177A0] =	vst v14;
	v12 =	vadd.f32 v15, v12  }
0x3ca: {  	v14 =	vld [tilespmem:s28+$0xD710];
	[tilespmem:s25+$0x177B0] =	vst v13;
	v11 =	vadd.f32 v16, v11  }
0x3cb: {  	v13 =	vld [tilespmem:s28+$0xF770];
	[tilespmem:s25+$0x177C0] =	vst v12;
	v10 =	vadd.f32 v19, v10  }
0x3cc: {  	v12 =	vld [tilespmem:s28+$0xD720];
	v15 =	vadd.f32 v22, v9;
	[tilespmem:s25+$0x177D0] =	vst v11  }
0x3cd: {  	v11 =	vadd.f32 v18, v8;
	v16 =	vld [tilespmem:s28+$0x10770];
	[tilespmem:s25+$0x177E0] =	vst v10;
	s25 =	smov.u32 s28  }
0x3ce: {  	v10 =	vld [tilespmem:s25+$0xD730];
	v15 =	vadd.f32 v17, v15  }
0x3cf: {  	v14 =	vadd.f32 v14, v6;
	v17 =	vld [tilespmem:s25+$0x11770]  }
0x3d0: {  	v18 =	vld [tilespmem:s25+$0xD740];
	v13 =	vadd.f32 v13, v15  }
0x3d1: {  	v12 =	vadd.f32 v12, v7;
	v15 =	vld [tilespmem:s25+$0x12770]  }
0x3d2: {  	v19 =	vld [tilespmem:s25+$0xD750];
	v13 =	vadd.f32 v16, v13  }
0x3d3: {  	v10 =	vadd.f32 v10, v4;
	v16 =	vld [tilespmem:s25+$0x13770]  }
0x3d4: {  	v20 =	vld [tilespmem:s25+$0xD760];
	v13 =	vadd.f32 v17, v13  }
0x3d5: {  	v17 =	vadd.f32 v18, v5;
	v18 =	vld [tilespmem:s25+$0x14770]  }
0x3d6: {  	v21 =	vld [tilespmem:s25+$0xE700];
	v13 =	vadd.f32 v15, v13  }
0x3d7: {  	v15 =	vadd.f32 v19, v2;
	v19 =	vld [tilespmem:s25+$0x15770]  }
0x3d8: {  	v22 =	vld [tilespmem:s25+$0xE710];
	v13 =	vadd.f32 v16, v13  }
0x3d9: {  	v16 =	vld [tilespmem:s25+$0xE720];
	v20 =	vadd.f32 v20, v3  }
0x3da: {  	v23 =	vld [tilespmem:s25+$0xE730];
	v13 =	vadd.f32 v18, v13  }
0x3db: {  	v11 =	vadd.f32 v21, v11;
	v18 =	vld [tilespmem:s25+$0xE740]  }
0x3dc: {  	v21 =	vld [tilespmem:s25+$0xE750];
	v13 =	vadd.f32 v19, v13  }
0x3dd: {  	v14 =	vadd.f32 v22, v14;
	v19 =	vld [tilespmem:s25+$0xE760]  }
0x3de: {  	v22 =	vld [tilespmem:s25+$0xF700];
	v12 =	vadd.f32 v16, v12;
	[tilespmem:s25+$0x177F0] =	vst v13  }
0x3df: {  	v13 =	vld [tilespmem:s25+$0xF710];
	v10 =	vadd.f32 v23, v10  }
0x3e0: {  	v16 =	vld [tilespmem:s25+$0xF720];
	v17 =	vadd.f32 v18, v17  }
0x3e1: {  	v18 =	vld [tilespmem:s25+$0xF730];
	v15 =	vadd.f32 v21, v15  }
0x3e2: {  	v21 =	vld [tilespmem:s25+$0xF740];
	v19 =	vadd.f32 v19, v20  }
0x3e3: {  	v11 =	vadd.f32 v22, v11;
	v20 =	vld [tilespmem:s25+$0xF750]  }
0x3e4: {  	v13 =	vadd.f32 v13, v14;
	v14 =	vld [tilespmem:s25+$0xF760]  }
0x3e5: {  	v22 =	vld [tilespmem:s25+$0x10700];
	v12 =	vadd.f32 v16, v12  }
0x3e6: {  	v16 =	vld [tilespmem:s25+$0x10710];
	v10 =	vadd.f32 v18, v10  }
0x3e7: {  	v18 =	vld [tilespmem:s25+$0x10720];
	v17 =	vadd.f32 v21, v17  }
0x3e8: {  	v21 =	vld [tilespmem:s25+$0x10730];
	v15 =	vadd.f32 v20, v15  }
0x3e9: {  	v20 =	vld [tilespmem:s25+$0x10740];
	v14 =	vadd.f32 v14, v19  }
0x3ea: {  	v11 =	vadd.f32 v22, v11;
	v19 =	vld [tilespmem:s25+$0x10750]  }
0x3eb: {  	v13 =	vadd.f32 v16, v13;
	v16 =	vld [tilespmem:s25+$0x10760]  }
0x3ec: {  	v22 =	vld [tilespmem:s25+$0x11700];
	v12 =	vadd.f32 v18, v12  }
0x3ed: {  	v18 =	vld [tilespmem:s25+$0x11710];
	v10 =	vadd.f32 v21, v10  }
0x3ee: {  	v21 =	vld [tilespmem:s25+$0x11720];
	v17 =	vadd.f32 v20, v17  }
0x3ef: {  	v20 =	vld [tilespmem:s25+$0x11730];
	v15 =	vadd.f32 v19, v15  }
0x3f0: {  	v19 =	vld [tilespmem:s25+$0x11740];
	v14 =	vadd.f32 v16, v14  }
0x3f1: {  	v11 =	vadd.f32 v22, v11;
	v16 =	vld [tilespmem:s25+$0x11750]  }
0x3f2: {  	v13 =	vadd.f32 v18, v13;
	v18 =	vld [tilespmem:s25+$0x11760]  }
0x3f3: {  	v22 =	vld [tilespmem:s25+$0x12700];
	v12 =	vadd.f32 v21, v12  }
0x3f4: {  	v21 =	vld [tilespmem:s25+$0x12710];
	v10 =	vadd.f32 v20, v10  }
0x3f5: {  	v20 =	vld [tilespmem:s25+$0x12720];
	v17 =	vadd.f32 v19, v17  }
0x3f6: {  	v19 =	vld [tilespmem:s25+$0x12730];
	v15 =	vadd.f32 v16, v15  }
0x3f7: {  	v16 =	vld [tilespmem:s25+$0x12740];
	v14 =	vadd.f32 v18, v14  }
0x3f8: {  	v11 =	vadd.f32 v22, v11;
	v18 =	vld [tilespmem:s25+$0x12750]  }
0x3f9: {  	v13 =	vadd.f32 v21, v13;
	v21 =	vld [tilespmem:s25+$0x12760]  }
0x3fa: {  	v22 =	vld [tilespmem:s25+$0x13700];
	v12 =	vadd.f32 v20, v12  }
0x3fb: {  	v20 =	vld [tilespmem:s25+$0x13710];
	v10 =	vadd.f32 v19, v10  }
0x3fc: {  	v19 =	vld [tilespmem:s25+$0x13720];
	v16 =	vadd.f32 v16, v17  }
0x3fd: {  	v17 =	vld [tilespmem:s25+$0x13730];
	v15 =	vadd.f32 v18, v15  }
0x3fe: {  	v18 =	vld [tilespmem:s25+$0x13740];
	v14 =	vadd.f32 v21, v14  }
0x3ff: {  	v11 =	vadd.f32 v22, v11;
	v21 =	vld [tilespmem:s25+$0x13750]  }
0x400: {  	v13 =	vadd.f32 v20, v13;
	v20 =	vld [tilespmem:s25+$0x13760]  }
0x401: {  	v22 =	vld [tilespmem:s25+$0x14700];
	v12 =	vadd.f32 v19, v12  }
0x402: {  	v19 =	vld [tilespmem:s25+$0x14710];
	v10 =	vadd.f32 v17, v10  }
0x403: {  	v17 =	vld [tilespmem:s25+$0x14720];
	v16 =	vadd.f32 v18, v16  }
0x404: {  	v18 =	vld [tilespmem:s25+$0x14730];
	v15 =	vadd.f32 v21, v15  }
0x405: {  	v21 =	vld [tilespmem:s25+$0x14740];
	v20 =	vadd.f32 v20, v14  }
0x406: {  	v22 =	vadd.f32 v22, v11;
	v11 =	vld [tilespmem:s25+$0x14750]  }
0x407: {  	v19 =	vadd.f32 v19, v13;
	v23 =	vld [tilespmem:s25+$0x14760]  }
0x408: {  	v24 =	vld [tilespmem:s25+$0x15700];
	v14 =	vadd.f32 v17, v12  }
0x409: {  	v25 =	vld [tilespmem:s25+$0x15710];
	v13 =	vadd.f32 v18, v10  }
.Ltmp5:
0x40a: {  	v18 =	vld [tilespmem:s25+$0x15720];
	v12 =	vadd.f32 v21, v16;
	(pc) =	sbr.rel @p0 .LBB2_11-.Ltmp5, $4  }
0x40b: {  	v17 =	vld [tilespmem:s25+$0x15730];
	v11 =	vadd.f32 v11, v15  }
0x40c: {  	v15 =	vld [tilespmem:s25+$0x15740];
	v10 =	vadd.f32 v23, v20  }
0x40d: {  	v20 =	vadd.f32 v24, v22;
	v16 =	vld [tilespmem:s25+$0x15750]  }
0x40e: {  	s28 =	sshra.s32 s26, $0x2;
	s26 =	sadd.s32 $0x200, s26;
	v21 =	vadd.f32 v25, v19;
	v19 =	vld [tilespmem:s25+$0x15760]  }
0x40f: {  	v22 =	vld [tilespmem:s28+$0xD770];
	[tilespmem:s25+$0x17780] =	vst v20;
	v14 =	vadd.f32 v18, v14  }
0x410: {  	v20 =	vld [tilespmem:s28+$0xD700];
	[tilespmem:s25+$0x17790] =	vst v21;
	v13 =	vadd.f32 v17, v13  }
0x411: {  	v61 =	vld [tilespmem:s28+$0xE770];
	[tilespmem:s25+$0x177A0] =	vst v14;
	v12 =	vadd.f32 v15, v12  }
0x412: {  	v14 =	vld [tilespmem:s28+$0xD710];
	[tilespmem:s25+$0x177B0] =	vst v13;
	v11 =	vadd.f32 v16, v11  }
0x413: {  	v13 =	vld [tilespmem:s28+$0xF770];
	[tilespmem:s25+$0x177C0] =	vst v12;
	v10 =	vadd.f32 v19, v10  }
0x414: {  	v12 =	vld [tilespmem:s28+$0xD720];
	[tilespmem:s25+$0x177D0] =	vst v11  }
0x415: {  	v11 =	vld [tilespmem:s28+$0x10770];
	[tilespmem:s25+$0x177E0] =	vst v10  }
0x416: {  	v10 =	vld [tilespmem:s28+$0xD730]  }
0x417: {  	v62 =	vld [tilespmem:s28+$0x11770]  }
0x418: {  	v63 =	vld [tilespmem:s28+$0xD740]  }
0x419: {  	v44 =	vld [tilespmem:s28+$0x12770]  }
0x41a: {  	v45 =	vld [tilespmem:s28+$0xD750]  }
0x41b: {  	v46 =	vld [tilespmem:s28+$0x13770]  }
0x41c: {  	v47 =	vld [tilespmem:s28+$0xD760]  }
0x41d: {  	v48 =	vld [tilespmem:s28+$0x14770]  }
0x41e: {  	v49 =	vld [tilespmem:s28+$0xE700]  }
0x41f: {  	v50 =	vld [tilespmem:s28+$0x15770]  }
0x420: {  	v21 =	vld [tilespmem:s28+$0xE710]  }
0x421: {  	v51 =	vld [tilespmem:s28+$0xE720]  }
0x422: {  	v52 =	vld [tilespmem:s28+$0xE730]  }
0x423: {  	v53 =	vld [tilespmem:s28+$0xE740]  }
0x424: {  	v23 =	vld [tilespmem:s28+$0xE750]  }
0x425: {  	v54 =	vld [tilespmem:s28+$0xE760]  }
0x426: {  	v24 =	vld [tilespmem:s28+$0xF700]  }
0x427: {  	v55 =	vld [tilespmem:s28+$0xF710]  }
0x428: {  	v25 =	vld [tilespmem:s28+$0xF720]  }
0x429: {  	v26 =	vld [tilespmem:s28+$0xF730]  }
0x42a: {  	v27 =	vld [tilespmem:s28+$0xF740]  }
0x42b: {  	v28 =	vld [tilespmem:s28+$0xF750]  }
0x42c: {  	v29 =	vld [tilespmem:s28+$0xF760]  }
0x42d: {  	v30 =	vld [tilespmem:s28+$0x10700]  }
0x42e: {  	v31 =	vld [tilespmem:s28+$0x10710]  }
0x42f: {  	v32 =	vld [tilespmem:s28+$0x10720]  }
0x430: {  	v33 =	vld [tilespmem:s28+$0x10730]  }
0x431: {  	v34 =	vld [tilespmem:s28+$0x10740]  }
0x432: {  	v35 =	vld [tilespmem:s28+$0x10750]  }
0x433: {  	v36 =	vld [tilespmem:s28+$0x10760]  }
0x434: {  	v9 =	vadd.f32 v22, v9;
	v37 =	vld [tilespmem:s28+$0x11700]  }
0x435: {  	v38 =	vld [tilespmem:s28+$0x11710]  }
0x436: {  	v9 =	vadd.f32 v61, v9;
	v39 =	vld [tilespmem:s28+$0x11720]  }
0x437: {  	v40 =	vld [tilespmem:s28+$0x11730]  }
0x438: {  	v8 =	vadd.f32 v20, v8;
	v41 =	vld [tilespmem:s28+$0x11740];
	v9 =	vadd.f32 v13, v9  }
0x439: {  	v42 =	vld [tilespmem:s28+$0x11750];
	v6 =	vadd.f32 v14, v6;
	v7 =	vadd.f32 v12, v7  }
0x43a: {  	v43 =	vld [tilespmem:s28+$0x11760];
	v9 =	vadd.f32 v11, v9;
	v4 =	vadd.f32 v10, v4  }
0x43b: {  	v56 =	vld [tilespmem:s28+$0x12700];
	v5 =	vadd.f32 v63, v5;
	v2 =	vadd.f32 v45, v2  }
0x43c: {  	v57 =	vld [tilespmem:s28+$0x12710];
	v3 =	vadd.f32 v47, v3;
	v8 =	vadd.f32 v49, v8  }
0x43d: {  	v58 =	vld [tilespmem:s28+$0x12720];
	v6 =	vadd.f32 v21, v6;
	v7 =	vadd.f32 v51, v7  }
0x43e: {  	v59 =	vld [tilespmem:s28+$0x12730];
	v9 =	vadd.f32 v62, v9;
	v4 =	vadd.f32 v52, v4  }
0x43f: {  	v60 =	vld [tilespmem:s28+$0x12740];
	v5 =	vadd.f32 v53, v5;
	v2 =	vadd.f32 v23, v2  }
0x440: {  	v61 =	vld [tilespmem:s28+$0x12750];
	v3 =	vadd.f32 v54, v3;
	v8 =	vadd.f32 v24, v8  }
0x441: {  	v63 =	vld [tilespmem:s28+$0x13700];
	v6 =	vadd.f32 v55, v6;
	v7 =	vadd.f32 v25, v7  }
0x442: {  	v45 =	vld [tilespmem:s28+$0x13720];
	v9 =	vadd.f32 v44, v9;
	v4 =	vadd.f32 v26, v4  }
0x443: {  	v47 =	vld [tilespmem:s28+$0x13740];
	v5 =	vadd.f32 v27, v5;
	v2 =	vadd.f32 v28, v2  }
0x444: {  	v49 =	vld [tilespmem:s28+$0x13760];
	v3 =	vadd.f32 v29, v3;
	v8 =	vadd.f32 v30, v8  }
0x445: {  	v51 =	vld [tilespmem:s28+$0x14710];
	v6 =	vadd.f32 v31, v6;
	v7 =	vadd.f32 v32, v7  }
0x446: {  	v62 =	vld [tilespmem:s28+$0x12760];
	v9 =	vadd.f32 v46, v9;
	v4 =	vadd.f32 v33, v4  }
0x447: {  	v52 =	vld [tilespmem:s28+$0x14720];
	v5 =	vadd.f32 v34, v5;
	v2 =	vadd.f32 v35, v2  }
0x448: {  	v53 =	vld [tilespmem:s28+$0x14730];
	v3 =	vadd.f32 v36, v3;
	v8 =	vadd.f32 v37, v8  }
0x449: {  	v54 =	vld [tilespmem:s28+$0x14740];
	v6 =	vadd.f32 v38, v6;
	v7 =	vadd.f32 v39, v7  }
0x44a: {  	v55 =	vld [tilespmem:s28+$0x14750];
	v9 =	vadd.f32 v48, v9;
	v4 =	vadd.f32 v40, v4  }
0x44b: {  	v44 =	vld [tilespmem:s28+$0x13710];
	v5 =	vadd.f32 v41, v5;
	v2 =	vadd.f32 v42, v2  }
0x44c: {  	v46 =	vld [tilespmem:s28+$0x13730];
	v3 =	vadd.f32 v43, v3;
	v8 =	vadd.f32 v56, v8  }
0x44d: {  	v48 =	vld [tilespmem:s28+$0x13750];
	v6 =	vadd.f32 v57, v6;
	v7 =	vadd.f32 v58, v7  }
0x44e: {  	v56 =	vld [tilespmem:s28+$0x14760];
	v9 =	vadd.f32 v50, v9;
	v4 =	vadd.f32 v59, v4  }
0x44f: {  	v58 =	vld [tilespmem:s28+$0x15710];
	v5 =	vadd.f32 v60, v5;
	v2 =	vadd.f32 v61, v2  }
0x450: {  	v50 =	vld [tilespmem:s28+$0x14700];
	v3 =	vadd.f32 v62, v3;
	v8 =	vadd.f32 v63, v8  }
0x451: {  	v6 =	vadd.f32 v44, v6;
	v7 =	vadd.f32 v45, v7;
	v59 =	vld [tilespmem:s28+$0x15720]  }
0x452: {  	v57 =	vld [tilespmem:s28+$0x15700];
	v4 =	vadd.f32 v46, v4;
	v5 =	vadd.f32 v47, v5  }
0x453: {  	v60 =	vld [tilespmem:s28+$0x15730];
	v2 =	vadd.f32 v48, v2;
	v6 =	vadd.f32 v51, v6  }
0x454: {  	v61 =	vld [tilespmem:s28+$0x15740];
	v3 =	vadd.f32 v49, v3;
	v7 =	vadd.f32 v52, v7  }
0x455: {  	v62 =	vld [tilespmem:s28+$0x15750];
	v8 =	vadd.f32 v50, v8;
	v6 =	vadd.f32 v58, v6  }
0x456: {  	v63 =	vld [tilespmem:s28+$0x15760];
	[tilespmem:s28+$0x177F0] =	vst v9;
	v4 =	vadd.f32 v53, v4;
	v7 =	vadd.f32 v59, v7  }
0x457: {  	v5 =	vadd.f32 v54, v5;
	v8 =	vadd.f32 v57, v8;
	[tilespmem:s28+$0x17790] =	vst v6  }
0x458: {  	v2 =	vadd.f32 v55, v2;
	v4 =	vadd.f32 v60, v4;
	[tilespmem:s28+$0x177A0] =	vst v7  }
0x459: {  	v3 =	vadd.f32 v56, v3;
	v5 =	vadd.f32 v61, v5;
	[tilespmem:s28+$0x17780] =	vst v8  }
0x45a: {  	v2 =	vadd.f32 v62, v2;
	[tilespmem:s28+$0x177B0] =	vst v4  }
0x45b: {  	v3 =	vadd.f32 v63, v3;
	[tilespmem:s28+$0x177C0] =	vst v5  }
0x45c: {  	[tilespmem:s28+$0x177D0] =	vst v2  }
0x45d: {  	s30 =	rddreg [dreg:$0x5];
	s26 =	simm.s32 $0x17780;
	[tilespmem:s28+$0x177E0] =	vst v3  }
0x45e: {  	[hbm4b:s30+s4] =	stream.linear.scatter [tilespmem:s26], [sflag:$0x6], $0x1000, $0x38;
	[tilespmem:$0x18780] =	vst v63  }
0x45f: {  	s26 =	simm.s32 $0x5  }
0x460: {  	_ =	swait.ge [sflag:s26], $0x1000  }
0x461: {  	[sflag:s26] =	ssyncset.done $0x0  }
0x462: {  	[sflag:s26] =	ssyncadd.s32 $0xFFFFF000  }
0x463: {  	_ =	swait.ge [sflag:s29], $0x1000  }
0x464: {  	s28 =	rddreg [dreg:$0x7]  }
0x465: {  	s30 =	rddreg [dreg:$0x6];
	s26 =	sadd.s32 $0x1, s28  }
0x466: {  	p0 =	sne.s32 s26, s30  }
.Ltmp6:
0x467: {  	_ = 	snop;
	(pc) =	sbr.rel @p0 .LBB2_1-.Ltmp6, $3  }
0x468: {  	_ =	sdelay $0x1  }
0x469: {  	[sflag:s29] =	ssyncset.done $0x0  }
0x46a: {  	[sflag:s29] =	ssyncadd.s32 $0xFFFFF000  }
0x46b: {  	_ =	sfence.sel $0x180000  }
0x46c: {  	[bflag:$0x0] =	sbarrier.arrive $0xFFFF  }
0x46d: {  	_ =	strace $0x90000047  }
0x46e: {  	s0 =	stileid.u32;
	[bflag:$0x2] =	sbarrier.arrive $0xFFFF  }
0x46f: {  	p0 =	sne.s32 s0, $0x0;
	s0 =	rddreg [dreg:$0x3]  }
0x470: {  	s0 =	sadd.s32 @!p0 $0x100000, s0  }
0x471: {  	[sflag:s0] =	ssyncadd.tile.s32 @!p0 $0x1;
	_ =	shalt  }
.Lfunc_end2:
_tile_overlayer_lowered:
.L_overlay_start_2:
0x472: {  	(tag) =	ssettag $0x2  }
0x473: {  	s0 =	rddreg [dreg:$0x0];
	s2 =	stileid.u32  }
0x474: {  	s1 =	rddreg [dreg:$0x1];
	p0 =	sne.s32 s2, $0x0  }
0x475: {  	s3 =	rddreg [dreg:$0x2];
	[bflag:$0x3] =	sbarrier.arrive $0xFFFF;
	s2 =	simm.s32 @!p0 $0x1C07  }
0x476: {  	[timem:s3], [sflag:s2] =	dma.local @!p0 [hbm:s0], s1  }
0x477: {  	s0 =	simm.s32 @!p0 $0x7  }
0x478: {  	_ =	swait.ge @!p0 [sflag:s0], s1  }
0x479: {  	s1 =	ssub.s32 @!p0 $0x0, s1;
	[sflag:s0] =	ssyncset.done @!p0 $0x0  }
0x47a: {  	[sflag:s0] =	ssyncadd.s32 @!p0 s1  }
0x47b: {  	[bflag:$0x3] =	sbarrier.arrive $0xFFFF  }
0x47c: {  	_ =	shalt  }

</sc_bundles>
